<compile_context>
chip_gen: v7x
topology: tpu7x:2x2x1
jax: 0.10.2.dev20260603
libtpu: 0.0.44.dev20260713+nightly
codegen_flags: <defaults>
</compile_context>

<pallas_src>
import jax
import jax.numpy as jnp
from jax import lax
from jax.experimental import pallas as pl
from jax.experimental.pallas import tpu as pltpu, tpu_sc as plsc

N_NODES = 10000
N_EDGES = 320000
D_IN = 128
HID = 128
N_CLASSES = 10
N_GRAPHS = 64
N_LAYERS = 3
BN_EPS = 1e-5

HALF = HID // 2
N_TILES = 16
EDGES_PER_TILE = N_EDGES // N_TILES
CHUNK = 80
K = 4
N_CHUNKS = 256
EDGES_PER_TILE_PAD = N_CHUNKS * CHUNK
ROWS_PER_TILE = N_NODES // N_TILES
NT = N_CHUNKS // (2 * K)
ACC_ROWS = N_NODES + CHUNK


def _sc_body(h2, src3, dst3, z_out, h_sp, acc, src_v, dst_v, bufs,
             gsA, gsB, ssA, ssB):
    c = lax.axis_index("c")
    s = lax.axis_index("s")
    h2c = h2.at[c]

    def drain(sem, n):
        for _ in range(n):
            pltpu.make_async_copy(h2c.at[pl.ds(0, CHUNK)], bufs.at[0],
                                  sem).wait()

    pltpu.sync_copy(src3.at[s], src_v)
    pltpu.sync_copy(dst3.at[s], dst_v)

    rows = pl.ds(s * ROWS_PER_TILE, ROWS_PER_TILE)
    pltpu.sync_copy(h2c.at[rows], h_sp.at[rows])
    pltpu.sync_copy(h2c.at[rows], acc.at[rows])
    plsc.subcore_barrier()

    for i in range(K):
        pltpu.async_copy(h_sp.at[src_v.at[i]], bufs.at[i], gsA)
    for i in range(K):
        pltpu.async_copy(bufs.at[K + i], acc.at[pl.ds(N_NODES, CHUNK)], ssB)

    def step(t, _):
        g0 = 2 * t
        g1 = g0 + 1
        gw = lax.rem(g0 + 2, N_CHUNKS)

        drain(ssB, K)
        for i in range(K):
            pltpu.async_copy(h_sp.at[src_v.at[g1 * K + i]], bufs.at[K + i],
                             gsB)
        drain(gsA, K)
        for i in range(K):
            pltpu.async_copy(bufs.at[i], acc.at[dst_v.at[g0 * K + i]], ssA,
                             add=True)
        drain(ssA, K)
        for i in range(K):
            pltpu.async_copy(h_sp.at[src_v.at[gw * K + i]], bufs.at[i], gsA)
        drain(gsB, K)
        for i in range(K):
            pltpu.async_copy(bufs.at[K + i], acc.at[dst_v.at[g1 * K + i]],
                             ssB, add=True)
        return _

    lax.fori_loop(0, NT, step, 0, unroll=False)
    drain(ssB, K)
    drain(gsA, K)
    plsc.subcore_barrier()

    pltpu.sync_copy(acc.at[rows], z_out.at[c].at[rows])


def _make_sc_segsum():
    mesh = plsc.VectorSubcoreMesh(core_axis_name="c", subcore_axis_name="s")
    return pl.kernel(
        _sc_body,
        out_type=jax.ShapeDtypeStruct((2, N_NODES, HALF), jnp.bfloat16),
        mesh=mesh,
        compiler_params=pltpu.CompilerParams(use_tc_tiling_on_sc=False),
        scratch_types=[
            pltpu.VMEM_SHARED((N_NODES, HALF), jnp.bfloat16),
            pltpu.VMEM_SHARED((ACC_ROWS, HALF), jnp.bfloat16),
            pltpu.VMEM((N_CHUNKS, CHUNK), jnp.int32),
            pltpu.VMEM((N_CHUNKS, CHUNK), jnp.int32),
            pltpu.VMEM((2 * K, CHUNK, HALF), jnp.bfloat16),
            pltpu.SemaphoreType.DMA,
            pltpu.SemaphoreType.DMA,
            pltpu.SemaphoreType.DMA,
            pltpu.SemaphoreType.DMA,
        ],
    )


def _dense_layer(z2, h2, w1, b1, w2, b2, gam, bet):
    hin = jnp.concatenate([h2[0], h2[1]], axis=-1)
    zb = jnp.concatenate([z2[0], z2[1]], axis=-1).astype(jnp.float32)
    hb = hin.astype(jnp.bfloat16).astype(jnp.float32)
    zin = hin + (zb - hb)
    t = jnp.dot(zin, w1[...], preferred_element_type=jnp.float32) + b1[...]
    t = jnp.maximum(t, 0.0)
    t = jnp.dot(t, w2[...], preferred_element_type=jnp.float32) + b2[...]
    mu = jnp.mean(t, axis=0, keepdims=True)
    var = jnp.mean((t - mu) ** 2, axis=0, keepdims=True)
    t = (t - mu) * lax.rsqrt(var + BN_EPS) * gam[...] + bet[...]
    t = jnp.maximum(t, 0.0)
    return hin + t


def _tc_layer_body(z2, h2, w1, b1, w2, b2, gam, bet, out, outb):
    hnew = _dense_layer(z2, h2, w1, b1, w2, b2, gam, bet)
    out[0] = hnew[:, :HALF]
    out[1] = hnew[:, HALF:]
    hb = hnew.astype(jnp.bfloat16)
    outb[0] = hb[:, :HALF]
    outb[1] = hb[:, HALF:]


def _tc_layer(z2, h2, p):
    return pl.pallas_call(
        _tc_layer_body,
        out_shape=(jax.ShapeDtypeStruct((2, N_NODES, HALF), jnp.float32),
                   jax.ShapeDtypeStruct((2, N_NODES, HALF), jnp.bfloat16)),
    )(z2, h2, p["W1"], p["b1"][None, :], p["W2"], p["b2"][None, :],
      p["gamma"][None, :], p["beta"][None, :])


def _tc_last_body(z2, h2, w1, b1, w2, b2, gam, bet, batch,
                  wm1, bm1, wm2, bm2, out):
    h = _dense_layer(z2, h2, w1, b1, w2, b2, gam, bet)
    seg = lax.broadcasted_iota(jnp.int32, (N_GRAPHS, N_NODES), 0)
    onehot = (seg == batch[...]).astype(jnp.float32)
    sums = jnp.dot(onehot, h, preferred_element_type=jnp.float32)
    counts = jnp.sum(onehot, axis=1, keepdims=True)
    g = sums / jnp.maximum(counts, 1.0)
    g = jnp.maximum(
        jnp.dot(g, wm1[...], preferred_element_type=jnp.float32) + bm1[...],
        0.0)
    out[...] = jnp.dot(g, wm2[...], preferred_element_type=jnp.float32) \
        + bm2[...]


def _tc_last(z2, h2, p, batch2d, params):
    return pl.pallas_call(
        _tc_last_body,
        out_shape=jax.ShapeDtypeStruct((N_GRAPHS, N_CLASSES), jnp.float32),
    )(z2, h2, p["W1"], p["b1"][None, :], p["W2"], p["b2"][None, :],
      p["gamma"][None, :], p["beta"][None, :], batch2d,
      params["Wm1"], params["bm1"][None, :],
      params["Wm2"], params["bm2"][None, :])


def kernel(x, edge_index, batch, params):
    n_pad = EDGES_PER_TILE_PAD - EDGES_PER_TILE
    src3 = jnp.concatenate(
        [edge_index[0].reshape(N_TILES, EDGES_PER_TILE),
         jnp.zeros((N_TILES, n_pad), jnp.int32)],
        axis=1).reshape(N_TILES, N_CHUNKS, CHUNK)
    dst3 = jnp.concatenate(
        [edge_index[1].reshape(N_TILES, EDGES_PER_TILE),
         jnp.full((N_TILES, n_pad), N_NODES, jnp.int32)],
        axis=1).reshape(N_TILES, N_CHUNKS, CHUNK)
    h2 = x.reshape(N_NODES, 2, HALF).transpose(1, 0, 2)
    h2b = h2.astype(jnp.bfloat16)
    sc_segsum = _make_sc_segsum()
    for l in range(N_LAYERS - 1):
        z2 = sc_segsum(h2b, src3, dst3)
        h2, h2b = _tc_layer(z2, h2, params[f"layer{l}"])
    z2 = sc_segsum(h2b, src3, dst3)
    return _tc_last(z2, h2, params[f"layer{N_LAYERS - 1}"],
                    batch[None, :], params)

# --- scband reference (transcript-rebuilt; emitter-appended) ---
"""Pipeline reference for scband-gin-normal-86887188398760 (READ-ONLY COPY).

The authoritative reference and input builder live on the scoring server;
editing this copy changes nothing except your own understanding.
"""

import jax, jax.numpy as jnp
import numpy as np

N_NODES = 10000
N_EDGES = 320000
D_IN = 128
HID = 128
N_CLASSES = 10
N_GRAPHS = 64
N_LAYERS = 3
BN_EPS = 1e-5


def setup_inputs(seed: int = 0) -> dict:
    key = jax.random.key(seed)
    ks = jax.random.split(key, 64)
    x = jax.random.normal(ks[0], (N_NODES, D_IN), dtype=jnp.float32)
    edge_index = jax.random.randint(ks[1], (2, N_EDGES), 0, N_NODES, dtype=jnp.int32)
    batch = jnp.sort(jax.random.randint(ks[2], (N_NODES,), 0, N_GRAPHS, dtype=jnp.int32))
    params = {}
    ki = 3
    for l in range(N_LAYERS):
        d_in = D_IN if l == 0 else HID
        params[f'layer{l}'] = {
            'W1': jax.random.normal(ks[ki + 0], (d_in, HID), dtype=jnp.float32) / np.sqrt(d_in),
            'b1': jnp.zeros((HID,), dtype=jnp.float32),
            'W2': jax.random.normal(ks[ki + 1], (HID, HID), dtype=jnp.float32) / np.sqrt(HID),
            'b2': jnp.zeros((HID,), dtype=jnp.float32),
            'gamma': jnp.ones((HID,), dtype=jnp.float32),
            'beta': jnp.zeros((HID,), dtype=jnp.float32),
        }
        ki += 2
    params['Wm1'] = jax.random.normal(ks[ki + 0], (HID, HID), dtype=jnp.float32) / np.sqrt(HID)
    params['bm1'] = jnp.zeros((HID,), dtype=jnp.float32)
    params['Wm2'] = jax.random.normal(ks[ki + 1], (HID, N_CLASSES), dtype=jnp.float32) / np.sqrt(HID)
    params['bm2'] = jnp.zeros((N_CLASSES,), dtype=jnp.float32)
    return {'x': x, 'edge_index': edge_index, 'batch': batch, 'params': params}


def _gin_forward(x, edge_index, batch, params):
    src = edge_index[0]
    dst = edge_index[1]
    h = x
    for l in range(N_LAYERS):
        p = params[f'layer{l}']
        # GINConv: (1 + eps) * x + sum_{j in N(i)} x_j, eps = 0
        agg = jax.ops.segment_sum(h[src], dst, num_segments=N_NODES)
        z = h + agg
        # internal MLP: Linear -> ReLU -> Linear
        z = z @ p['W1'] + p['b1']
        z = jax.nn.relu(z)
        z = z @ p['W2'] + p['b2']
        # BatchNorm1d (training-mode batch statistics over nodes)
        mu = jnp.mean(z, axis=0)
        var = jnp.var(z, axis=0)
        z = (z - mu) / jnp.sqrt(var + BN_EPS) * p['gamma'] + p['beta']
        z = jax.nn.relu(z)
        # residual (dims match: D_IN == HID)
        h = h + z
    # global mean pool over graph segments
    sums = jax.ops.segment_sum(h, batch, num_segments=N_GRAPHS)
    counts = jax.ops.segment_sum(jnp.ones((N_NODES, 1), dtype=h.dtype), batch, num_segments=N_GRAPHS)
    g = sums / jnp.clip(counts, 1.0)
    # intragraph MLP: [hidden, hidden, num_classes] with ReLU between
    g = g @ params['Wm1'] + params['bm1']
    g = jax.nn.relu(g)
    g = g @ params['Wm2'] + params['bm2']
    return g


def reference(x, edge_index, batch, params):
    return _gin_forward(x, edge_index, batch, params)

if __name__ == "__main__":
    import jax
    _d = setup_inputs()
    print(jax.jit(kernel)(*tuple(_d.values())))

</pallas_src>

<mosaic_0001>
#map = affine_map<(d0, d1) -> (0, 0, 0)>
module attributes {stable_mosaic.version = 14 : i64} {
  func.func @_sc_body(%arg0: i32, %arg1: i32, %arg2: memref<2x10000x64xbf16, #tpu.memory_space<hbm>>, %arg3: memref<16x256x80xi32, #tpu.memory_space<hbm>>, %arg4: memref<16x256x80xi32, #tpu.memory_space<hbm>>, %arg5: memref<2x10000x64xbf16, #tpu.memory_space<hbm>>, %arg6: memref<10000x64xbf16, #tpu.memory_space<vmem_shared>>, %arg7: memref<10080x64xbf16, #tpu.memory_space<vmem_shared>>, %arg8: memref<256x80xi32, #tpu.memory_space<vmem>>, %arg9: memref<256x80xi32, #tpu.memory_space<vmem>>, %arg10: memref<8x80x64xbf16, #tpu.memory_space<vmem>>, %arg11: memref<!tpu.dma_semaphore, #tpu.memory_space<semaphore_mem>>, %arg12: memref<!tpu.dma_semaphore, #tpu.memory_space<semaphore_mem>>, %arg13: memref<!tpu.dma_semaphore, #tpu.memory_space<semaphore_mem>>, %arg14: memref<!tpu.dma_semaphore, #tpu.memory_space<semaphore_mem>>) attributes {dimension_semantics = [#tpu.dimension_semantics<core_parallel>, #tpu.dimension_semantics<subcore_parallel>], iteration_bounds = array<i64: 2, 16>, scalar_prefetch = 0 : i64, scratch_operands = 9 : i64, tpu.core_type = #tpu.core_type<sc_vector_subcore>, window_params = [{transform_indices = #map}, {transform_indices = #map}, {transform_indices = #map}, {transform_indices = #map}]} {
    "tpu.region"() ({
      %run_scoped3A = tpu.sem_alloc : memref<!tpu.dma_semaphore, #tpu.memory_space<semaphore_mem>>
      %dma_start3A_297 = arith.constant 0 : i32
      %dma_start3A_298 = arith.constant 0 : i32
      %dma_start3A_299 = tpu.memref_slice %arg3[%arg1, %dma_start3A_297, %dma_start3A_298] : memref<16x256x80xi32, #tpu.memory_space<hbm>> -> memref<1x256x80xi32, #tpu.memory_space<hbm>>
      %dma_start3A_300 = tpu.memref_squeeze %dma_start3A_299 : memref<1x256x80xi32, #tpu.memory_space<hbm>> -> memref<256x80xi32, #tpu.memory_space<hbm>>
      %dma_start3A_301 = arith.constant 0 : i32
      %dma_start3A_302 = arith.constant 0 : i32
      %dma_start3A_303 = tpu.memref_slice %arg3[%arg1, %dma_start3A_301, %dma_start3A_302] : memref<16x256x80xi32, #tpu.memory_space<hbm>> -> memref<1x256x80xi32, #tpu.memory_space<hbm>>
      %dma_start3A_304 = tpu.memref_squeeze %dma_start3A_303 : memref<1x256x80xi32, #tpu.memory_space<hbm>> -> memref<256x80xi32, #tpu.memory_space<hbm>>
      tpu.enqueue_dma source(%dma_start3A_304 : memref<256x80xi32, #tpu.memory_space<hbm>>) target(%arg8 : memref<256x80xi32, #tpu.memory_space<vmem>>) target_semaphore(%run_scoped3A : memref<!tpu.dma_semaphore, #tpu.memory_space<semaphore_mem>>)
      %dma_wait3A_305 = arith.constant 0 : i32
      %dma_wait3A_306 = arith.constant 0 : i32
      %dma_wait3A_307 = tpu.memref_slice %arg3[%arg1, %dma_wait3A_305, %dma_wait3A_306] : memref<16x256x80xi32, #tpu.memory_space<hbm>> -> memref<1x256x80xi32, #tpu.memory_space<hbm>>
      %dma_wait3A_308 = tpu.memref_squeeze %dma_wait3A_307 : memref<1x256x80xi32, #tpu.memory_space<hbm>> -> memref<256x80xi32, #tpu.memory_space<hbm>>
      %dma_wait3A_309 = arith.constant 0 : i32
      %dma_wait3A_310 = arith.constant 0 : i32
      %dma_wait3A_311 = tpu.memref_slice %arg3[%arg1, %dma_wait3A_309, %dma_wait3A_310] : memref<16x256x80xi32, #tpu.memory_space<hbm>> -> memref<1x256x80xi32, #tpu.memory_space<hbm>>
      %dma_wait3A_312 = tpu.memref_squeeze %dma_wait3A_311 : memref<1x256x80xi32, #tpu.memory_space<hbm>> -> memref<256x80xi32, #tpu.memory_space<hbm>>
      tpu.wait_dma2 semaphore(%run_scoped3A : memref<!tpu.dma_semaphore, #tpu.memory_space<semaphore_mem>>) src(%dma_wait3A_312 : memref<256x80xi32, #tpu.memory_space<hbm>>) dst(%arg8 : memref<256x80xi32, #tpu.memory_space<vmem>>)
      tpu.yield
    }) : () -> ()
    "tpu.region"() ({
      %run_scoped3A = tpu.sem_alloc : memref<!tpu.dma_semaphore, #tpu.memory_space<semaphore_mem>>
      %dma_start3A_297 = arith.constant 0 : i32
      %dma_start3A_298 = arith.constant 0 : i32
      %dma_start3A_299 = tpu.memref_slice %arg4[%arg1, %dma_start3A_297, %dma_start3A_298] : memref<16x256x80xi32, #tpu.memory_space<hbm>> -> memref<1x256x80xi32, #tpu.memory_space<hbm>>
      %dma_start3A_300 = tpu.memref_squeeze %dma_start3A_299 : memref<1x256x80xi32, #tpu.memory_space<hbm>> -> memref<256x80xi32, #tpu.memory_space<hbm>>
      %dma_start3A_301 = arith.constant 0 : i32
      %dma_start3A_302 = arith.constant 0 : i32
      %dma_start3A_303 = tpu.memref_slice %arg4[%arg1, %dma_start3A_301, %dma_start3A_302] : memref<16x256x80xi32, #tpu.memory_space<hbm>> -> memref<1x256x80xi32, #tpu.memory_space<hbm>>
      %dma_start3A_304 = tpu.memref_squeeze %dma_start3A_303 : memref<1x256x80xi32, #tpu.memory_space<hbm>> -> memref<256x80xi32, #tpu.memory_space<hbm>>
      tpu.enqueue_dma source(%dma_start3A_304 : memref<256x80xi32, #tpu.memory_space<hbm>>) target(%arg9 : memref<256x80xi32, #tpu.memory_space<vmem>>) target_semaphore(%run_scoped3A : memref<!tpu.dma_semaphore, #tpu.memory_space<semaphore_mem>>)
      %dma_wait3A_305 = arith.constant 0 : i32
      %dma_wait3A_306 = arith.constant 0 : i32
      %dma_wait3A_307 = tpu.memref_slice %arg4[%arg1, %dma_wait3A_305, %dma_wait3A_306] : memref<16x256x80xi32, #tpu.memory_space<hbm>> -> memref<1x256x80xi32, #tpu.memory_space<hbm>>
      %dma_wait3A_308 = tpu.memref_squeeze %dma_wait3A_307 : memref<1x256x80xi32, #tpu.memory_space<hbm>> -> memref<256x80xi32, #tpu.memory_space<hbm>>
      %dma_wait3A_309 = arith.constant 0 : i32
      %dma_wait3A_310 = arith.constant 0 : i32
      %dma_wait3A_311 = tpu.memref_slice %arg4[%arg1, %dma_wait3A_309, %dma_wait3A_310] : memref<16x256x80xi32, #tpu.memory_space<hbm>> -> memref<1x256x80xi32, #tpu.memory_space<hbm>>
      %dma_wait3A_312 = tpu.memref_squeeze %dma_wait3A_311 : memref<1x256x80xi32, #tpu.memory_space<hbm>> -> memref<256x80xi32, #tpu.memory_space<hbm>>
      tpu.wait_dma2 semaphore(%run_scoped3A : memref<!tpu.dma_semaphore, #tpu.memory_space<semaphore_mem>>) src(%dma_wait3A_312 : memref<256x80xi32, #tpu.memory_space<hbm>>) dst(%arg9 : memref<256x80xi32, #tpu.memory_space<vmem>>)
      tpu.yield
    }) : () -> ()
    %mul3A = arith.constant 625 : i32
    %mul3A_0 = arith.muli %arg1, %mul3A : i32
    "tpu.region"() ({
      %run_scoped3A = tpu.sem_alloc : memref<!tpu.dma_semaphore, #tpu.memory_space<semaphore_mem>>
      %dma_start3A_297 = arith.constant 0 : i32
      %dma_start3A_298 = tpu.memref_slice %arg6[%mul3A_0, %dma_start3A_297] : memref<10000x64xbf16, #tpu.memory_space<vmem_shared>> -> memref<625x64xbf16, #tpu.memory_space<vmem_shared>>
      %dma_start3A_299 = arith.constant 0 : i32
      %dma_start3A_300 = arith.constant 0 : i32
      %dma_start3A_301 = tpu.memref_slice %arg2[%arg0, %dma_start3A_299, %dma_start3A_300] : memref<2x10000x64xbf16, #tpu.memory_space<hbm>> -> memref<1x10000x64xbf16, #tpu.memory_space<hbm>>
      %dma_start3A_302 = tpu.memref_squeeze %dma_start3A_301 : memref<1x10000x64xbf16, #tpu.memory_space<hbm>> -> memref<10000x64xbf16, #tpu.memory_space<hbm>>
      %dma_start3A_303 = arith.constant 0 : i32
      %dma_start3A_304 = tpu.memref_slice %dma_start3A_302[%mul3A_0, %dma_start3A_303] : memref<10000x64xbf16, #tpu.memory_space<hbm>> -> memref<625x64xbf16, #tpu.memory_space<hbm>>
      tpu.enqueue_dma source(%dma_start3A_304 : memref<625x64xbf16, #tpu.memory_space<hbm>>) target(%dma_start3A_298 : memref<625x64xbf16, #tpu.memory_space<vmem_shared>>) target_semaphore(%run_scoped3A : memref<!tpu.dma_semaphore, #tpu.memory_space<semaphore_mem>>)
      %dma_wait3A_305 = arith.constant 0 : i32
      %dma_wait3A_306 = tpu.memref_slice %arg6[%mul3A_0, %dma_wait3A_305] : memref<10000x64xbf16, #tpu.memory_space<vmem_shared>> -> memref<625x64xbf16, #tpu.memory_space<vmem_shared>>
      %dma_wait3A_307 = arith.constant 0 : i32
      %dma_wait3A_308 = arith.constant 0 : i32
      %dma_wait3A_309 = tpu.memref_slice %arg2[%arg0, %dma_wait3A_307, %dma_wait3A_308] : memref<2x10000x64xbf16, #tpu.memory_space<hbm>> -> memref<1x10000x64xbf16, #tpu.memory_space<hbm>>
      %dma_wait3A_310 = tpu.memref_squeeze %dma_wait3A_309 : memref<1x10000x64xbf16, #tpu.memory_space<hbm>> -> memref<10000x64xbf16, #tpu.memory_space<hbm>>
      %dma_wait3A_311 = arith.constant 0 : i32
      %dma_wait3A_312 = tpu.memref_slice %dma_wait3A_310[%mul3A_0, %dma_wait3A_311] : memref<10000x64xbf16, #tpu.memory_space<hbm>> -> memref<625x64xbf16, #tpu.memory_space<hbm>>
      tpu.wait_dma2 semaphore(%run_scoped3A : memref<!tpu.dma_semaphore, #tpu.memory_space<semaphore_mem>>) src(%dma_wait3A_312 : memref<625x64xbf16, #tpu.memory_space<hbm>>) dst(%dma_wait3A_306 : memref<625x64xbf16, #tpu.memory_space<vmem_shared>>)
      tpu.yield
    }) : () -> ()
    "tpu.region"() ({
      %run_scoped3A = tpu.sem_alloc : memref<!tpu.dma_semaphore, #tpu.memory_space<semaphore_mem>>
      %dma_start3A_297 = arith.constant 0 : i32
      %dma_start3A_298 = tpu.memref_slice %arg7[%mul3A_0, %dma_start3A_297] : memref<10080x64xbf16, #tpu.memory_space<vmem_shared>> -> memref<625x64xbf16, #tpu.memory_space<vmem_shared>>
      %dma_start3A_299 = arith.constant 0 : i32
      %dma_start3A_300 = arith.constant 0 : i32
      %dma_start3A_301 = tpu.memref_slice %arg2[%arg0, %dma_start3A_299, %dma_start3A_300] : memref<2x10000x64xbf16, #tpu.memory_space<hbm>> -> memref<1x10000x64xbf16, #tpu.memory_space<hbm>>
      %dma_start3A_302 = tpu.memref_squeeze %dma_start3A_301 : memref<1x10000x64xbf16, #tpu.memory_space<hbm>> -> memref<10000x64xbf16, #tpu.memory_space<hbm>>
      %dma_start3A_303 = arith.constant 0 : i32
      %dma_start3A_304 = tpu.memref_slice %dma_start3A_302[%mul3A_0, %dma_start3A_303] : memref<10000x64xbf16, #tpu.memory_space<hbm>> -> memref<625x64xbf16, #tpu.memory_space<hbm>>
      tpu.enqueue_dma source(%dma_start3A_304 : memref<625x64xbf16, #tpu.memory_space<hbm>>) target(%dma_start3A_298 : memref<625x64xbf16, #tpu.memory_space<vmem_shared>>) target_semaphore(%run_scoped3A : memref<!tpu.dma_semaphore, #tpu.memory_space<semaphore_mem>>)
      %dma_wait3A_305 = arith.constant 0 : i32
      %dma_wait3A_306 = tpu.memref_slice %arg7[%mul3A_0, %dma_wait3A_305] : memref<10080x64xbf16, #tpu.memory_space<vmem_shared>> -> memref<625x64xbf16, #tpu.memory_space<vmem_shared>>
      %dma_wait3A_307 = arith.constant 0 : i32
      %dma_wait3A_308 = arith.constant 0 : i32
      %dma_wait3A_309 = tpu.memref_slice %arg2[%arg0, %dma_wait3A_307, %dma_wait3A_308] : memref<2x10000x64xbf16, #tpu.memory_space<hbm>> -> memref<1x10000x64xbf16, #tpu.memory_space<hbm>>
      %dma_wait3A_310 = tpu.memref_squeeze %dma_wait3A_309 : memref<1x10000x64xbf16, #tpu.memory_space<hbm>> -> memref<10000x64xbf16, #tpu.memory_space<hbm>>
      %dma_wait3A_311 = arith.constant 0 : i32
      %dma_wait3A_312 = tpu.memref_slice %dma_wait3A_310[%mul3A_0, %dma_wait3A_311] : memref<10000x64xbf16, #tpu.memory_space<hbm>> -> memref<625x64xbf16, #tpu.memory_space<hbm>>
      tpu.wait_dma2 semaphore(%run_scoped3A : memref<!tpu.dma_semaphore, #tpu.memory_space<semaphore_mem>>) src(%dma_wait3A_312 : memref<625x64xbf16, #tpu.memory_space<hbm>>) dst(%dma_wait3A_306 : memref<625x64xbf16, #tpu.memory_space<vmem_shared>>)
      tpu.yield
    }) : () -> ()
    %barrier3A = arith.constant 0 : index
    tpu.barrier barrier_id(%barrier3A)
    %dma_start3A = arith.constant 0 : i32
    %dma_start3A_1 = arith.constant 0 : i32
    %dma_start3A_2 = arith.constant 0 : i32
    %dma_start3A_3 = arith.constant 0 : i32
    %dma_start3A_4 = tpu.memref_slice %arg10[%dma_start3A_1, %dma_start3A_2, %dma_start3A_3] : memref<8x80x64xbf16, #tpu.memory_space<vmem>> -> memref<1x80x64xbf16, #tpu.memory_space<vmem>>
    %dma_start3A_5 = tpu.memref_squeeze %dma_start3A_4 : memref<1x80x64xbf16, #tpu.memory_space<vmem>> -> memref<80x64xbf16, #tpu.memory_space<vmem>>
    %dma_start3A_6 = arith.constant 0 : i32
    %dma_start3A_7 = tpu.memref_slice %arg8[%dma_start3A, %dma_start3A_6] : memref<256x80xi32, #tpu.memory_space<vmem>> -> memref<1x80xi32, #tpu.memory_space<vmem>>
    %dma_start3A_8 = tpu.memref_squeeze %dma_start3A_7 : memref<1x80xi32, #tpu.memory_space<vmem>> -> memref<80xi32, #tpu.memory_space<vmem>>
    %dma_start3A_9 = arith.constant 0 : i32
    %dma_start3A_10 = arith.constant 0 : i32
    %dma_start3A_11 = tpu.memref_slice %arg6[%dma_start3A_9, %dma_start3A_10] : memref<10000x64xbf16, #tpu.memory_space<vmem_shared>> -> memref<10000x64xbf16, #tpu.memory_space<vmem_shared>>
    tpu.enqueue_indirect_dma source(%dma_start3A_11 : memref<10000x64xbf16, #tpu.memory_space<vmem_shared>>) target(%dma_start3A_5 : memref<80x64xbf16, #tpu.memory_space<vmem>>) offsets(%dma_start3A_8 : memref<80xi32, #tpu.memory_space<vmem>>) semaphore(%arg11 : memref<!tpu.dma_semaphore, #tpu.memory_space<semaphore_mem>>)
    %dma_start3A_12 = arith.constant 1 : i32
    %dma_start3A_13 = arith.constant 1 : i32
    %dma_start3A_14 = arith.constant 0 : i32
    %dma_start3A_15 = arith.constant 0 : i32
    %dma_start3A_16 = tpu.memref_slice %arg10[%dma_start3A_13, %dma_start3A_14, %dma_start3A_15] : memref<8x80x64xbf16, #tpu.memory_space<vmem>> -> memref<1x80x64xbf16, #tpu.memory_space<vmem>>
    %dma_start3A_17 = tpu.memref_squeeze %dma_start3A_16 : memref<1x80x64xbf16, #tpu.memory_space<vmem>> -> memref<80x64xbf16, #tpu.memory_space<vmem>>
    %dma_start3A_18 = arith.constant 0 : i32
    %dma_start3A_19 = tpu.memref_slice %arg8[%dma_start3A_12, %dma_start3A_18] : memref<256x80xi32, #tpu.memory_space<vmem>> -> memref<1x80xi32, #tpu.memory_space<vmem>>
    %dma_start3A_20 = tpu.memref_squeeze %dma_start3A_19 : memref<1x80xi32, #tpu.memory_space<vmem>> -> memref<80xi32, #tpu.memory_space<vmem>>
    %dma_start3A_21 = arith.constant 0 : i32
    %dma_start3A_22 = arith.constant 0 : i32
    %dma_start3A_23 = tpu.memref_slice %arg6[%dma_start3A_21, %dma_start3A_22] : memref<10000x64xbf16, #tpu.memory_space<vmem_shared>> -> memref<10000x64xbf16, #tpu.memory_space<vmem_shared>>
    tpu.enqueue_indirect_dma source(%dma_start3A_23 : memref<10000x64xbf16, #tpu.memory_space<vmem_shared>>) target(%dma_start3A_17 : memref<80x64xbf16, #tpu.memory_space<vmem>>) offsets(%dma_start3A_20 : memref<80xi32, #tpu.memory_space<vmem>>) semaphore(%arg11 : memref<!tpu.dma_semaphore, #tpu.memory_space<semaphore_mem>>)
    %dma_start3A_24 = arith.constant 2 : i32
    %dma_start3A_25 = arith.constant 2 : i32
    %dma_start3A_26 = arith.constant 0 : i32
    %dma_start3A_27 = arith.constant 0 : i32
    %dma_start3A_28 = tpu.memref_slice %arg10[%dma_start3A_25, %dma_start3A_26, %dma_start3A_27] : memref<8x80x64xbf16, #tpu.memory_space<vmem>> -> memref<1x80x64xbf16, #tpu.memory_space<vmem>>
    %dma_start3A_29 = tpu.memref_squeeze %dma_start3A_28 : memref<1x80x64xbf16, #tpu.memory_space<vmem>> -> memref<80x64xbf16, #tpu.memory_space<vmem>>
    %dma_start3A_30 = arith.constant 0 : i32
    %dma_start3A_31 = tpu.memref_slice %arg8[%dma_start3A_24, %dma_start3A_30] : memref<256x80xi32, #tpu.memory_space<vmem>> -> memref<1x80xi32, #tpu.memory_space<vmem>>
    %dma_start3A_32 = tpu.memref_squeeze %dma_start3A_31 : memref<1x80xi32, #tpu.memory_space<vmem>> -> memref<80xi32, #tpu.memory_space<vmem>>
    %dma_start3A_33 = arith.constant 0 : i32
    %dma_start3A_34 = arith.constant 0 : i32
    %dma_start3A_35 = tpu.memref_slice %arg6[%dma_start3A_33, %dma_start3A_34] : memref<10000x64xbf16, #tpu.memory_space<vmem_shared>> -> memref<10000x64xbf16, #tpu.memory_space<vmem_shared>>
    tpu.enqueue_indirect_dma source(%dma_start3A_35 : memref<10000x64xbf16, #tpu.memory_space<vmem_shared>>) target(%dma_start3A_29 : memref<80x64xbf16, #tpu.memory_space<vmem>>) offsets(%dma_start3A_32 : memref<80xi32, #tpu.memory_space<vmem>>) semaphore(%arg11 : memref<!tpu.dma_semaphore, #tpu.memory_space<semaphore_mem>>)
    %dma_start3A_36 = arith.constant 3 : i32
    %dma_start3A_37 = arith.constant 3 : i32
    %dma_start3A_38 = arith.constant 0 : i32
    %dma_start3A_39 = arith.constant 0 : i32
    %dma_start3A_40 = tpu.memref_slice %arg10[%dma_start3A_37, %dma_start3A_38, %dma_start3A_39] : memref<8x80x64xbf16, #tpu.memory_space<vmem>> -> memref<1x80x64xbf16, #tpu.memory_space<vmem>>
    %dma_start3A_41 = tpu.memref_squeeze %dma_start3A_40 : memref<1x80x64xbf16, #tpu.memory_space<vmem>> -> memref<80x64xbf16, #tpu.memory_space<vmem>>
    %dma_start3A_42 = arith.constant 0 : i32
    %dma_start3A_43 = tpu.memref_slice %arg8[%dma_start3A_36, %dma_start3A_42] : memref<256x80xi32, #tpu.memory_space<vmem>> -> memref<1x80xi32, #tpu.memory_space<vmem>>
    %dma_start3A_44 = tpu.memref_squeeze %dma_start3A_43 : memref<1x80xi32, #tpu.memory_space<vmem>> -> memref<80xi32, #tpu.memory_space<vmem>>
    %dma_start3A_45 = arith.constant 0 : i32
    %dma_start3A_46 = arith.constant 0 : i32
    %dma_start3A_47 = tpu.memref_slice %arg6[%dma_start3A_45, %dma_start3A_46] : memref<10000x64xbf16, #tpu.memory_space<vmem_shared>> -> memref<10000x64xbf16, #tpu.memory_space<vmem_shared>>
    tpu.enqueue_indirect_dma source(%dma_start3A_47 : memref<10000x64xbf16, #tpu.memory_space<vmem_shared>>) target(%dma_start3A_41 : memref<80x64xbf16, #tpu.memory_space<vmem>>) offsets(%dma_start3A_44 : memref<80xi32, #tpu.memory_space<vmem>>) semaphore(%arg11 : memref<!tpu.dma_semaphore, #tpu.memory_space<semaphore_mem>>)
    %dma_start3A_48 = arith.constant 4 : i32
    %dma_start3A_49 = arith.constant 0 : i32
    %dma_start3A_50 = arith.constant 0 : i32
    %dma_start3A_51 = tpu.memref_slice %arg10[%dma_start3A_48, %dma_start3A_49, %dma_start3A_50] : memref<8x80x64xbf16, #tpu.memory_space<vmem>> -> memref<1x80x64xbf16, #tpu.memory_space<vmem>>
    %dma_start3A_52 = tpu.memref_squeeze %dma_start3A_51 : memref<1x80x64xbf16, #tpu.memory_space<vmem>> -> memref<80x64xbf16, #tpu.memory_space<vmem>>
    %dma_start3A_53 = arith.constant 10000 : i32
    %dma_start3A_54 = arith.constant 0 : i32
    %dma_start3A_55 = tpu.memref_slice %arg7[%dma_start3A_53, %dma_start3A_54] : memref<10080x64xbf16, #tpu.memory_space<vmem_shared>> -> memref<80x64xbf16, #tpu.memory_space<vmem_shared>>
    %dma_start3A_56 = arith.constant 10000 : i32
    %dma_start3A_57 = arith.constant 0 : i32
    %dma_start3A_58 = tpu.memref_slice %arg7[%dma_start3A_56, %dma_start3A_57] : memref<10080x64xbf16, #tpu.memory_space<vmem_shared>> -> memref<80x64xbf16, #tpu.memory_space<vmem_shared>>
    %dma_start3A_59 = arith.constant 0 : i32
    %dma_start3A_60 = arith.constant 0 : i32
    %dma_start3A_61 = tpu.memref_slice %arg10[%dma_start3A_48, %dma_start3A_59, %dma_start3A_60] : memref<8x80x64xbf16, #tpu.memory_space<vmem>> -> memref<1x80x64xbf16, #tpu.memory_space<vmem>>
    %dma_start3A_62 = tpu.memref_squeeze %dma_start3A_61 : memref<1x80x64xbf16, #tpu.memory_space<vmem>> -> memref<80x64xbf16, #tpu.memory_space<vmem>>
    tpu.enqueue_dma source(%dma_start3A_62 : memref<80x64xbf16, #tpu.memory_space<vmem>>) target(%dma_start3A_58 : memref<80x64xbf16, #tpu.memory_space<vmem_shared>>) target_semaphore(%arg14 : memref<!tpu.dma_semaphore, #tpu.memory_space<semaphore_mem>>)
    %dma_start3A_63 = arith.constant 5 : i32
    %dma_start3A_64 = arith.constant 0 : i32
    %dma_start3A_65 = arith.constant 0 : i32
    %dma_start3A_66 = tpu.memref_slice %arg10[%dma_start3A_63, %dma_start3A_64, %dma_start3A_65] : memref<8x80x64xbf16, #tpu.memory_space<vmem>> -> memref<1x80x64xbf16, #tpu.memory_space<vmem>>
    %dma_start3A_67 = tpu.memref_squeeze %dma_start3A_66 : memref<1x80x64xbf16, #tpu.memory_space<vmem>> -> memref<80x64xbf16, #tpu.memory_space<vmem>>
    %dma_start3A_68 = arith.constant 10000 : i32
    %dma_start3A_69 = arith.constant 0 : i32
    %dma_start3A_70 = tpu.memref_slice %arg7[%dma_start3A_68, %dma_start3A_69] : memref<10080x64xbf16, #tpu.memory_space<vmem_shared>> -> memref<80x64xbf16, #tpu.memory_space<vmem_shared>>
    %dma_start3A_71 = arith.constant 10000 : i32
    %dma_start3A_72 = arith.constant 0 : i32
    %dma_start3A_73 = tpu.memref_slice %arg7[%dma_start3A_71, %dma_start3A_72] : memref<10080x64xbf16, #tpu.memory_space<vmem_shared>> -> memref<80x64xbf16, #tpu.memory_space<vmem_shared>>
    %dma_start3A_74 = arith.constant 0 : i32
    %dma_start3A_75 = arith.constant 0 : i32
    %dma_start3A_76 = tpu.memref_slice %arg10[%dma_start3A_63, %dma_start3A_74, %dma_start3A_75] : memref<8x80x64xbf16, #tpu.memory_space<vmem>> -> memref<1x80x64xbf16, #tpu.memory_space<vmem>>
    %dma_start3A_77 = tpu.memref_squeeze %dma_start3A_76 : memref<1x80x64xbf16, #tpu.memory_space<vmem>> -> memref<80x64xbf16, #tpu.memory_space<vmem>>
    tpu.enqueue_dma source(%dma_start3A_77 : memref<80x64xbf16, #tpu.memory_space<vmem>>) target(%dma_start3A_73 : memref<80x64xbf16, #tpu.memory_space<vmem_shared>>) target_semaphore(%arg14 : memref<!tpu.dma_semaphore, #tpu.memory_space<semaphore_mem>>)
    %dma_start3A_78 = arith.constant 6 : i32
    %dma_start3A_79 = arith.constant 0 : i32
    %dma_start3A_80 = arith.constant 0 : i32
    %dma_start3A_81 = tpu.memref_slice %arg10[%dma_start3A_78, %dma_start3A_79, %dma_start3A_80] : memref<8x80x64xbf16, #tpu.memory_space<vmem>> -> memref<1x80x64xbf16, #tpu.memory_space<vmem>>
    %dma_start3A_82 = tpu.memref_squeeze %dma_start3A_81 : memref<1x80x64xbf16, #tpu.memory_space<vmem>> -> memref<80x64xbf16, #tpu.memory_space<vmem>>
    %dma_start3A_83 = arith.constant 10000 : i32
    %dma_start3A_84 = arith.constant 0 : i32
    %dma_start3A_85 = tpu.memref_slice %arg7[%dma_start3A_83, %dma_start3A_84] : memref<10080x64xbf16, #tpu.memory_space<vmem_shared>> -> memref<80x64xbf16, #tpu.memory_space<vmem_shared>>
    %dma_start3A_86 = arith.constant 10000 : i32
    %dma_start3A_87 = arith.constant 0 : i32
    %dma_start3A_88 = tpu.memref_slice %arg7[%dma_start3A_86, %dma_start3A_87] : memref<10080x64xbf16, #tpu.memory_space<vmem_shared>> -> memref<80x64xbf16, #tpu.memory_space<vmem_shared>>
    %dma_start3A_89 = arith.constant 0 : i32
    %dma_start3A_90 = arith.constant 0 : i32
    %dma_start3A_91 = tpu.memref_slice %arg10[%dma_start3A_78, %dma_start3A_89, %dma_start3A_90] : memref<8x80x64xbf16, #tpu.memory_space<vmem>> -> memref<1x80x64xbf16, #tpu.memory_space<vmem>>
    %dma_start3A_92 = tpu.memref_squeeze %dma_start3A_91 : memref<1x80x64xbf16, #tpu.memory_space<vmem>> -> memref<80x64xbf16, #tpu.memory_space<vmem>>
    tpu.enqueue_dma source(%dma_start3A_92 : memref<80x64xbf16, #tpu.memory_space<vmem>>) target(%dma_start3A_88 : memref<80x64xbf16, #tpu.memory_space<vmem_shared>>) target_semaphore(%arg14 : memref<!tpu.dma_semaphore, #tpu.memory_space<semaphore_mem>>)
    %dma_start3A_93 = arith.constant 7 : i32
    %dma_start3A_94 = arith.constant 0 : i32
    %dma_start3A_95 = arith.constant 0 : i32
    %dma_start3A_96 = tpu.memref_slice %arg10[%dma_start3A_93, %dma_start3A_94, %dma_start3A_95] : memref<8x80x64xbf16, #tpu.memory_space<vmem>> -> memref<1x80x64xbf16, #tpu.memory_space<vmem>>
    %dma_start3A_97 = tpu.memref_squeeze %dma_start3A_96 : memref<1x80x64xbf16, #tpu.memory_space<vmem>> -> memref<80x64xbf16, #tpu.memory_space<vmem>>
    %dma_start3A_98 = arith.constant 10000 : i32
    %dma_start3A_99 = arith.constant 0 : i32
    %dma_start3A_100 = tpu.memref_slice %arg7[%dma_start3A_98, %dma_start3A_99] : memref<10080x64xbf16, #tpu.memory_space<vmem_shared>> -> memref<80x64xbf16, #tpu.memory_space<vmem_shared>>
    %dma_start3A_101 = arith.constant 10000 : i32
    %dma_start3A_102 = arith.constant 0 : i32
    %dma_start3A_103 = tpu.memref_slice %arg7[%dma_start3A_101, %dma_start3A_102] : memref<10080x64xbf16, #tpu.memory_space<vmem_shared>> -> memref<80x64xbf16, #tpu.memory_space<vmem_shared>>
    %dma_start3A_104 = arith.constant 0 : i32
    %dma_start3A_105 = arith.constant 0 : i32
    %dma_start3A_106 = tpu.memref_slice %arg10[%dma_start3A_93, %dma_start3A_104, %dma_start3A_105] : memref<8x80x64xbf16, #tpu.memory_space<vmem>> -> memref<1x80x64xbf16, #tpu.memory_space<vmem>>
    %dma_start3A_107 = tpu.memref_squeeze %dma_start3A_106 : memref<1x80x64xbf16, #tpu.memory_space<vmem>> -> memref<80x64xbf16, #tpu.memory_space<vmem>>
    tpu.enqueue_dma source(%dma_start3A_107 : memref<80x64xbf16, #tpu.memory_space<vmem>>) target(%dma_start3A_103 : memref<80x64xbf16, #tpu.memory_space<vmem_shared>>) target_semaphore(%arg14 : memref<!tpu.dma_semaphore, #tpu.memory_space<semaphore_mem>>)
    %scan3A = arith.constant 0 : i32
    %scan3A_108 = arith.constant 0 : i32
    %scan3A_109 = arith.constant 32 : i32
    %scan3A_110 = arith.addi %scan3A_108, %scan3A_109 : i32
    %scan3A_111 = arith.constant 1 : i32
    scf.for %scan3A_297 = %scan3A_108 to %scan3A_110 step %scan3A_111  : i32 {
      %mul3A_298 = arith.constant 2 : i32
      %mul3A_299 = arith.muli %mul3A_298, %scan3A_297 : i32
      %add3A = arith.constant 1 : i32
      %add3A_300 = arith.addi %mul3A_299, %add3A : i32
      %add3A_301 = arith.constant 2 : i32
      %add3A_302 = arith.addi %mul3A_299, %add3A_301 : i32
      %rem3A = arith.constant 256 : i32
      %rem3A_303 = arith.remsi %add3A_302, %rem3A : i32
      %dma_wait3A_304 = arith.constant 0 : i32
      %dma_wait3A_305 = arith.constant 0 : i32
      %dma_wait3A_306 = arith.constant 0 : i32
      %dma_wait3A_307 = tpu.memref_slice %arg10[%dma_wait3A_304, %dma_wait3A_305, %dma_wait3A_306] : memref<8x80x64xbf16, #tpu.memory_space<vmem>> -> memref<1x80x64xbf16, #tpu.memory_space<vmem>>
      %dma_wait3A_308 = tpu.memref_squeeze %dma_wait3A_307 : memref<1x80x64xbf16, #tpu.memory_space<vmem>> -> memref<80x64xbf16, #tpu.memory_space<vmem>>
      %dma_wait3A_309 = arith.constant 0 : i32
      %dma_wait3A_310 = arith.constant 0 : i32
      %dma_wait3A_311 = tpu.memref_slice %arg2[%arg0, %dma_wait3A_309, %dma_wait3A_310] : memref<2x10000x64xbf16, #tpu.memory_space<hbm>> -> memref<1x10000x64xbf16, #tpu.memory_space<hbm>>
      %dma_wait3A_312 = tpu.memref_squeeze %dma_wait3A_311 : memref<1x10000x64xbf16, #tpu.memory_space<hbm>> -> memref<10000x64xbf16, #tpu.memory_space<hbm>>
      %dma_wait3A_313 = arith.constant 0 : i32
      %dma_wait3A_314 = arith.constant 0 : i32
      %dma_wait3A_315 = tpu.memref_slice %dma_wait3A_312[%dma_wait3A_313, %dma_wait3A_314] : memref<10000x64xbf16, #tpu.memory_space<hbm>> -> memref<80x64xbf16, #tpu.memory_space<hbm>>
      %dma_wait3A_316 = arith.constant 0 : i32
      %dma_wait3A_317 = arith.constant 0 : i32
      %dma_wait3A_318 = tpu.memref_slice %arg10[%dma_wait3A_304, %dma_wait3A_316, %dma_wait3A_317] : memref<8x80x64xbf16, #tpu.memory_space<vmem>> -> memref<1x80x64xbf16, #tpu.memory_space<vmem>>
      %dma_wait3A_319 = tpu.memref_squeeze %dma_wait3A_318 : memref<1x80x64xbf16, #tpu.memory_space<vmem>> -> memref<80x64xbf16, #tpu.memory_space<vmem>>
      %dma_wait3A_320 = arith.constant 0 : i32
      %dma_wait3A_321 = arith.constant 0 : i32
      %dma_wait3A_322 = tpu.memref_slice %arg2[%arg0, %dma_wait3A_320, %dma_wait3A_321] : memref<2x10000x64xbf16, #tpu.memory_space<hbm>> -> memref<1x10000x64xbf16, #tpu.memory_space<hbm>>
      %dma_wait3A_323 = tpu.memref_squeeze %dma_wait3A_322 : memref<1x10000x64xbf16, #tpu.memory_space<hbm>> -> memref<10000x64xbf16, #tpu.memory_space<hbm>>
      %dma_wait3A_324 = arith.constant 0 : i32
      %dma_wait3A_325 = arith.constant 0 : i32
      %dma_wait3A_326 = tpu.memref_slice %dma_wait3A_323[%dma_wait3A_324, %dma_wait3A_325] : memref<10000x64xbf16, #tpu.memory_space<hbm>> -> memref<80x64xbf16, #tpu.memory_space<hbm>>
      tpu.wait_dma2 semaphore(%arg14 : memref<!tpu.dma_semaphore, #tpu.memory_space<semaphore_mem>>) src(%dma_wait3A_326 : memref<80x64xbf16, #tpu.memory_space<hbm>>) dst(%dma_wait3A_319 : memref<80x64xbf16, #tpu.memory_space<vmem>>)
      %dma_wait3A_327 = arith.constant 0 : i32
      %dma_wait3A_328 = arith.constant 0 : i32
      %dma_wait3A_329 = arith.constant 0 : i32
      %dma_wait3A_330 = tpu.memref_slice %arg10[%dma_wait3A_327, %dma_wait3A_328, %dma_wait3A_329] : memref<8x80x64xbf16, #tpu.memory_space<vmem>> -> memref<1x80x64xbf16, #tpu.memory_space<vmem>>
      %dma_wait3A_331 = tpu.memref_squeeze %dma_wait3A_330 : memref<1x80x64xbf16, #tpu.memory_space<vmem>> -> memref<80x64xbf16, #tpu.memory_space<vmem>>
      %dma_wait3A_332 = arith.constant 0 : i32
      %dma_wait3A_333 = arith.constant 0 : i32
      %dma_wait3A_334 = tpu.memref_slice %arg2[%arg0, %dma_wait3A_332, %dma_wait3A_333] : memref<2x10000x64xbf16, #tpu.memory_space<hbm>> -> memref<1x10000x64xbf16, #tpu.memory_space<hbm>>
      %dma_wait3A_335 = tpu.memref_squeeze %dma_wait3A_334 : memref<1x10000x64xbf16, #tpu.memory_space<hbm>> -> memref<10000x64xbf16, #tpu.memory_space<hbm>>
      %dma_wait3A_336 = arith.constant 0 : i32
      %dma_wait3A_337 = arith.constant 0 : i32
      %dma_wait3A_338 = tpu.memref_slice %dma_wait3A_335[%dma_wait3A_336, %dma_wait3A_337] : memref<10000x64xbf16, #tpu.memory_space<hbm>> -> memref<80x64xbf16, #tpu.memory_space<hbm>>
      %dma_wait3A_339 = arith.constant 0 : i32
      %dma_wait3A_340 = arith.constant 0 : i32
      %dma_wait3A_341 = tpu.memref_slice %arg10[%dma_wait3A_327, %dma_wait3A_339, %dma_wait3A_340] : memref<8x80x64xbf16, #tpu.memory_space<vmem>> -> memref<1x80x64xbf16, #tpu.memory_space<vmem>>
      %dma_wait3A_342 = tpu.memref_squeeze %dma_wait3A_341 : memref<1x80x64xbf16, #tpu.memory_space<vmem>> -> memref<80x64xbf16, #tpu.memory_space<vmem>>
      %dma_wait3A_343 = arith.constant 0 : i32
      %dma_wait3A_344 = arith.constant 0 : i32
      %dma_wait3A_345 = tpu.memref_slice %arg2[%arg0, %dma_wait3A_343, %dma_wait3A_344] : memref<2x10000x64xbf16, #tpu.memory_space<hbm>> -> memref<1x10000x64xbf16, #tpu.memory_space<hbm>>
      %dma_wait3A_346 = tpu.memref_squeeze %dma_wait3A_345 : memref<1x10000x64xbf16, #tpu.memory_space<hbm>> -> memref<10000x64xbf16, #tpu.memory_space<hbm>>
      %dma_wait3A_347 = arith.constant 0 : i32
      %dma_wait3A_348 = arith.constant 0 : i32
      %dma_wait3A_349 = tpu.memref_slice %dma_wait3A_346[%dma_wait3A_347, %dma_wait3A_348] : memref<10000x64xbf16, #tpu.memory_space<hbm>> -> memref<80x64xbf16, #tpu.memory_space<hbm>>
      tpu.wait_dma2 semaphore(%arg14 : memref<!tpu.dma_semaphore, #tpu.memory_space<semaphore_mem>>) src(%dma_wait3A_349 : memref<80x64xbf16, #tpu.memory_space<hbm>>) dst(%dma_wait3A_342 : memref<80x64xbf16, #tpu.memory_space<vmem>>)
      %dma_wait3A_350 = arith.constant 0 : i32
      %dma_wait3A_351 = arith.constant 0 : i32
      %dma_wait3A_352 = arith.constant 0 : i32
      %dma_wait3A_353 = tpu.memref_slice %arg10[%dma_wait3A_350, %dma_wait3A_351, %dma_wait3A_352] : memref<8x80x64xbf16, #tpu.memory_space<vmem>> -> memref<1x80x64xbf16, #tpu.memory_space<vmem>>
      %dma_wait3A_354 = tpu.memref_squeeze %dma_wait3A_353 : memref<1x80x64xbf16, #tpu.memory_space<vmem>> -> memref<80x64xbf16, #tpu.memory_space<vmem>>
      %dma_wait3A_355 = arith.constant 0 : i32
      %dma_wait3A_356 = arith.constant 0 : i32
      %dma_wait3A_357 = tpu.memref_slice %arg2[%arg0, %dma_wait3A_355, %dma_wait3A_356] : memref<2x10000x64xbf16, #tpu.memory_space<hbm>> -> memref<1x10000x64xbf16, #tpu.memory_space<hbm>>
      %dma_wait3A_358 = tpu.memref_squeeze %dma_wait3A_357 : memref<1x10000x64xbf16, #tpu.memory_space<hbm>> -> memref<10000x64xbf16, #tpu.memory_space<hbm>>
      %dma_wait3A_359 = arith.constant 0 : i32
      %dma_wait3A_360 = arith.constant 0 : i32
      %dma_wait3A_361 = tpu.memref_slice %dma_wait3A_358[%dma_wait3A_359, %dma_wait3A_360] : memref<10000x64xbf16, #tpu.memory_space<hbm>> -> memref<80x64xbf16, #tpu.memory_space<hbm>>
      %dma_wait3A_362 = arith.constant 0 : i32
      %dma_wait3A_363 = arith.constant 0 : i32
      %dma_wait3A_364 = tpu.memref_slice %arg10[%dma_wait3A_350, %dma_wait3A_362, %dma_wait3A_363] : memref<8x80x64xbf16, #tpu.memory_space<vmem>> -> memref<1x80x64xbf16, #tpu.memory_space<vmem>>
      %dma_wait3A_365 = tpu.memref_squeeze %dma_wait3A_364 : memref<1x80x64xbf16, #tpu.memory_space<vmem>> -> memref<80x64xbf16, #tpu.memory_space<vmem>>
      %dma_wait3A_366 = arith.constant 0 : i32
      %dma_wait3A_367 = arith.constant 0 : i32
      %dma_wait3A_368 = tpu.memref_slice %arg2[%arg0, %dma_wait3A_366, %dma_wait3A_367] : memref<2x10000x64xbf16, #tpu.memory_space<hbm>> -> memref<1x10000x64xbf16, #tpu.memory_space<hbm>>
      %dma_wait3A_369 = tpu.memref_squeeze %dma_wait3A_368 : memref<1x10000x64xbf16, #tpu.memory_space<hbm>> -> memref<10000x64xbf16, #tpu.memory_space<hbm>>
      %dma_wait3A_370 = arith.constant 0 : i32
      %dma_wait3A_371 = arith.constant 0 : i32
      %dma_wait3A_372 = tpu.memref_slice %dma_wait3A_369[%dma_wait3A_370, %dma_wait3A_371] : memref<10000x64xbf16, #tpu.memory_space<hbm>> -> memref<80x64xbf16, #tpu.memory_space<hbm>>
      tpu.wait_dma2 semaphore(%arg14 : memref<!tpu.dma_semaphore, #tpu.memory_space<semaphore_mem>>) src(%dma_wait3A_372 : memref<80x64xbf16, #tpu.memory_space<hbm>>) dst(%dma_wait3A_365 : memref<80x64xbf16, #tpu.memory_space<vmem>>)
      %dma_wait3A_373 = arith.constant 0 : i32
      %dma_wait3A_374 = arith.constant 0 : i32
      %dma_wait3A_375 = arith.constant 0 : i32
      %dma_wait3A_376 = tpu.memref_slice %arg10[%dma_wait3A_373, %dma_wait3A_374, %dma_wait3A_375] : memref<8x80x64xbf16, #tpu.memory_space<vmem>> -> memref<1x80x64xbf16, #tpu.memory_space<vmem>>
      %dma_wait3A_377 = tpu.memref_squeeze %dma_wait3A_376 : memref<1x80x64xbf16, #tpu.memory_space<vmem>> -> memref<80x64xbf16, #tpu.memory_space<vmem>>
      %dma_wait3A_378 = arith.constant 0 : i32
      %dma_wait3A_379 = arith.constant 0 : i32
      %dma_wait3A_380 = tpu.memref_slice %arg2[%arg0, %dma_wait3A_378, %dma_wait3A_379] : memref<2x10000x64xbf16, #tpu.memory_space<hbm>> -> memref<1x10000x64xbf16, #tpu.memory_space<hbm>>
      %dma_wait3A_381 = tpu.memref_squeeze %dma_wait3A_380 : memref<1x10000x64xbf16, #tpu.memory_space<hbm>> -> memref<10000x64xbf16, #tpu.memory_space<hbm>>
      %dma_wait3A_382 = arith.constant 0 : i32
      %dma_wait3A_383 = arith.constant 0 : i32
      %dma_wait3A_384 = tpu.memref_slice %dma_wait3A_381[%dma_wait3A_382, %dma_wait3A_383] : memref<10000x64xbf16, #tpu.memory_space<hbm>> -> memref<80x64xbf16, #tpu.memory_space<hbm>>
      %dma_wait3A_385 = arith.constant 0 : i32
      %dma_wait3A_386 = arith.constant 0 : i32
      %dma_wait3A_387 = tpu.memref_slice %arg10[%dma_wait3A_373, %dma_wait3A_385, %dma_wait3A_386] : memref<8x80x64xbf16, #tpu.memory_space<vmem>> -> memref<1x80x64xbf16, #tpu.memory_space<vmem>>
      %dma_wait3A_388 = tpu.memref_squeeze %dma_wait3A_387 : memref<1x80x64xbf16, #tpu.memory_space<vmem>> -> memref<80x64xbf16, #tpu.memory_space<vmem>>
      %dma_wait3A_389 = arith.constant 0 : i32
      %dma_wait3A_390 = arith.constant 0 : i32
      %dma_wait3A_391 = tpu.memref_slice %arg2[%arg0, %dma_wait3A_389, %dma_wait3A_390] : memref<2x10000x64xbf16, #tpu.memory_space<hbm>> -> memref<1x10000x64xbf16, #tpu.memory_space<hbm>>
      %dma_wait3A_392 = tpu.memref_squeeze %dma_wait3A_391 : memref<1x10000x64xbf16, #tpu.memory_space<hbm>> -> memref<10000x64xbf16, #tpu.memory_space<hbm>>
      %dma_wait3A_393 = arith.constant 0 : i32
      %dma_wait3A_394 = arith.constant 0 : i32
      %dma_wait3A_395 = tpu.memref_slice %dma_wait3A_392[%dma_wait3A_393, %dma_wait3A_394] : memref<10000x64xbf16, #tpu.memory_space<hbm>> -> memref<80x64xbf16, #tpu.memory_space<hbm>>
      tpu.wait_dma2 semaphore(%arg14 : memref<!tpu.dma_semaphore, #tpu.memory_space<semaphore_mem>>) src(%dma_wait3A_395 : memref<80x64xbf16, #tpu.memory_space<hbm>>) dst(%dma_wait3A_388 : memref<80x64xbf16, #tpu.memory_space<vmem>>)
      %mul3A_396 = arith.constant 4 : i32
      %mul3A_397 = arith.muli %add3A_300, %mul3A_396 : i32
      %add3A_398 = arith.constant 0 : i32
      %add3A_399 = arith.addi %mul3A_397, %add3A_398 : i32
      %dma_start3A_400 = arith.constant 4 : i32
      %dma_start3A_401 = arith.constant 0 : i32
      %dma_start3A_402 = arith.constant 0 : i32
      %dma_start3A_403 = tpu.memref_slice %arg10[%dma_start3A_400, %dma_start3A_401, %dma_start3A_402] : memref<8x80x64xbf16, #tpu.memory_space<vmem>> -> memref<1x80x64xbf16, #tpu.memory_space<vmem>>
      %dma_start3A_404 = tpu.memref_squeeze %dma_start3A_403 : memref<1x80x64xbf16, #tpu.memory_space<vmem>> -> memref<80x64xbf16, #tpu.memory_space<vmem>>
      %dma_start3A_405 = arith.constant 0 : i32
      %dma_start3A_406 = tpu.memref_slice %arg8[%add3A_399, %dma_start3A_405] : memref<256x80xi32, #tpu.memory_space<vmem>> -> memref<1x80xi32, #tpu.memory_space<vmem>>
      %dma_start3A_407 = tpu.memref_squeeze %dma_start3A_406 : memref<1x80xi32, #tpu.memory_space<vmem>> -> memref<80xi32, #tpu.memory_space<vmem>>
      %dma_start3A_408 = arith.constant 0 : i32
      %dma_start3A_409 = arith.constant 0 : i32
      %dma_start3A_410 = tpu.memref_slice %arg6[%dma_start3A_408, %dma_start3A_409] : memref<10000x64xbf16, #tpu.memory_space<vmem_shared>> -> memref<10000x64xbf16, #tpu.memory_space<vmem_shared>>
      tpu.enqueue_indirect_dma source(%dma_start3A_410 : memref<10000x64xbf16, #tpu.memory_space<vmem_shared>>) target(%dma_start3A_404 : memref<80x64xbf16, #tpu.memory_space<vmem>>) offsets(%dma_start3A_407 : memref<80xi32, #tpu.memory_space<vmem>>) semaphore(%arg12 : memref<!tpu.dma_semaphore, #tpu.memory_space<semaphore_mem>>)
      %mul3A_411 = arith.constant 4 : i32
      %mul3A_412 = arith.muli %add3A_300, %mul3A_411 : i32
      %add3A_413 = arith.constant 1 : i32
      %add3A_414 = arith.addi %mul3A_412, %add3A_413 : i32
      %dma_start3A_415 = arith.constant 5 : i32
      %dma_start3A_416 = arith.constant 0 : i32
      %dma_start3A_417 = arith.constant 0 : i32
      %dma_start3A_418 = tpu.memref_slice %arg10[%dma_start3A_415, %dma_start3A_416, %dma_start3A_417] : memref<8x80x64xbf16, #tpu.memory_space<vmem>> -> memref<1x80x64xbf16, #tpu.memory_space<vmem>>
      %dma_start3A_419 = tpu.memref_squeeze %dma_start3A_418 : memref<1x80x64xbf16, #tpu.memory_space<vmem>> -> memref<80x64xbf16, #tpu.memory_space<vmem>>
      %dma_start3A_420 = arith.constant 0 : i32
      %dma_start3A_421 = tpu.memref_slice %arg8[%add3A_414, %dma_start3A_420] : memref<256x80xi32, #tpu.memory_space<vmem>> -> memref<1x80xi32, #tpu.memory_space<vmem>>
      %dma_start3A_422 = tpu.memref_squeeze %dma_start3A_421 : memref<1x80xi32, #tpu.memory_space<vmem>> -> memref<80xi32, #tpu.memory_space<vmem>>
      %dma_start3A_423 = arith.constant 0 : i32
      %dma_start3A_424 = arith.constant 0 : i32
      %dma_start3A_425 = tpu.memref_slice %arg6[%dma_start3A_423, %dma_start3A_424] : memref<10000x64xbf16, #tpu.memory_space<vmem_shared>> -> memref<10000x64xbf16, #tpu.memory_space<vmem_shared>>
      tpu.enqueue_indirect_dma source(%dma_start3A_425 : memref<10000x64xbf16, #tpu.memory_space<vmem_shared>>) target(%dma_start3A_419 : memref<80x64xbf16, #tpu.memory_space<vmem>>) offsets(%dma_start3A_422 : memref<80xi32, #tpu.memory_space<vmem>>) semaphore(%arg12 : memref<!tpu.dma_semaphore, #tpu.memory_space<semaphore_mem>>)
      %mul3A_426 = arith.constant 4 : i32
      %mul3A_427 = arith.muli %add3A_300, %mul3A_426 : i32
      %add3A_428 = arith.constant 2 : i32
      %add3A_429 = arith.addi %mul3A_427, %add3A_428 : i32
      %dma_start3A_430 = arith.constant 6 : i32
      %dma_start3A_431 = arith.constant 0 : i32
      %dma_start3A_432 = arith.constant 0 : i32
      %dma_start3A_433 = tpu.memref_slice %arg10[%dma_start3A_430, %dma_start3A_431, %dma_start3A_432] : memref<8x80x64xbf16, #tpu.memory_space<vmem>> -> memref<1x80x64xbf16, #tpu.memory_space<vmem>>
      %dma_start3A_434 = tpu.memref_squeeze %dma_start3A_433 : memref<1x80x64xbf16, #tpu.memory_space<vmem>> -> memref<80x64xbf16, #tpu.memory_space<vmem>>
      %dma_start3A_435 = arith.constant 0 : i32
      %dma_start3A_436 = tpu.memref_slice %arg8[%add3A_429, %dma_start3A_435] : memref<256x80xi32, #tpu.memory_space<vmem>> -> memref<1x80xi32, #tpu.memory_space<vmem>>
      %dma_start3A_437 = tpu.memref_squeeze %dma_start3A_436 : memref<1x80xi32, #tpu.memory_space<vmem>> -> memref<80xi32, #tpu.memory_space<vmem>>
      %dma_start3A_438 = arith.constant 0 : i32
      %dma_start3A_439 = arith.constant 0 : i32
      %dma_start3A_440 = tpu.memref_slice %arg6[%dma_start3A_438, %dma_start3A_439] : memref<10000x64xbf16, #tpu.memory_space<vmem_shared>> -> memref<10000x64xbf16, #tpu.memory_space<vmem_shared>>
      tpu.enqueue_indirect_dma source(%dma_start3A_440 : memref<10000x64xbf16, #tpu.memory_space<vmem_shared>>) target(%dma_start3A_434 : memref<80x64xbf16, #tpu.memory_space<vmem>>) offsets(%dma_start3A_437 : memref<80xi32, #tpu.memory_space<vmem>>) semaphore(%arg12 : memref<!tpu.dma_semaphore, #tpu.memory_space<semaphore_mem>>)
      %mul3A_441 = arith.constant 4 : i32
      %mul3A_442 = arith.muli %add3A_300, %mul3A_441 : i32
      %add3A_443 = arith.constant 3 : i32
      %add3A_444 = arith.addi %mul3A_442, %add3A_443 : i32
      %dma_start3A_445 = arith.constant 7 : i32
      %dma_start3A_446 = arith.constant 0 : i32
      %dma_start3A_447 = arith.constant 0 : i32
      %dma_start3A_448 = tpu.memref_slice %arg10[%dma_start3A_445, %dma_start3A_446, %dma_start3A_447] : memref<8x80x64xbf16, #tpu.memory_space<vmem>> -> memref<1x80x64xbf16, #tpu.memory_space<vmem>>
      %dma_start3A_449 = tpu.memref_squeeze %dma_start3A_448 : memref<1x80x64xbf16, #tpu.memory_space<vmem>> -> memref<80x64xbf16, #tpu.memory_space<vmem>>
      %dma_start3A_450 = arith.constant 0 : i32
      %dma_start3A_451 = tpu.memref_slice %arg8[%add3A_444, %dma_start3A_450] : memref<256x80xi32, #tpu.memory_space<vmem>> -> memref<1x80xi32, #tpu.memory_space<vmem>>
      %dma_start3A_452 = tpu.memref_squeeze %dma_start3A_451 : memref<1x80xi32, #tpu.memory_space<vmem>> -> memref<80xi32, #tpu.memory_space<vmem>>
      %dma_start3A_453 = arith.constant 0 : i32
      %dma_start3A_454 = arith.constant 0 : i32
      %dma_start3A_455 = tpu.memref_slice %arg6[%dma_start3A_453, %dma_start3A_454] : memref<10000x64xbf16, #tpu.memory_space<vmem_shared>> -> memref<10000x64xbf16, #tpu.memory_space<vmem_shared>>
      tpu.enqueue_indirect_dma source(%dma_start3A_455 : memref<10000x64xbf16, #tpu.memory_space<vmem_shared>>) target(%dma_start3A_449 : memref<80x64xbf16, #tpu.memory_space<vmem>>) offsets(%dma_start3A_452 : memref<80xi32, #tpu.memory_space<vmem>>) semaphore(%arg12 : memref<!tpu.dma_semaphore, #tpu.memory_space<semaphore_mem>>)
      %dma_wait3A_456 = arith.constant 0 : i32
      %dma_wait3A_457 = arith.constant 0 : i32
      %dma_wait3A_458 = arith.constant 0 : i32
      %dma_wait3A_459 = tpu.memref_slice %arg10[%dma_wait3A_456, %dma_wait3A_457, %dma_wait3A_458] : memref<8x80x64xbf16, #tpu.memory_space<vmem>> -> memref<1x80x64xbf16, #tpu.memory_space<vmem>>
      %dma_wait3A_460 = tpu.memref_squeeze %dma_wait3A_459 : memref<1x80x64xbf16, #tpu.memory_space<vmem>> -> memref<80x64xbf16, #tpu.memory_space<vmem>>
      %dma_wait3A_461 = arith.constant 0 : i32
      %dma_wait3A_462 = arith.constant 0 : i32
      %dma_wait3A_463 = tpu.memref_slice %arg2[%arg0, %dma_wait3A_461, %dma_wait3A_462] : memref<2x10000x64xbf16, #tpu.memory_space<hbm>> -> memref<1x10000x64xbf16, #tpu.memory_space<hbm>>
      %dma_wait3A_464 = tpu.memref_squeeze %dma_wait3A_463 : memref<1x10000x64xbf16, #tpu.memory_space<hbm>> -> memref<10000x64xbf16, #tpu.memory_space<hbm>>
      %dma_wait3A_465 = arith.constant 0 : i32
      %dma_wait3A_466 = arith.constant 0 : i32
      %dma_wait3A_467 = tpu.memref_slice %dma_wait3A_464[%dma_wait3A_465, %dma_wait3A_466] : memref<10000x64xbf16, #tpu.memory_space<hbm>> -> memref<80x64xbf16, #tpu.memory_space<hbm>>
      %dma_wait3A_468 = arith.constant 0 : i32
      %dma_wait3A_469 = arith.constant 0 : i32
      %dma_wait3A_470 = tpu.memref_slice %arg10[%dma_wait3A_456, %dma_wait3A_468, %dma_wait3A_469] : memref<8x80x64xbf16, #tpu.memory_space<vmem>> -> memref<1x80x64xbf16, #tpu.memory_space<vmem>>
      %dma_wait3A_471 = tpu.memref_squeeze %dma_wait3A_470 : memref<1x80x64xbf16, #tpu.memory_space<vmem>> -> memref<80x64xbf16, #tpu.memory_space<vmem>>
      %dma_wait3A_472 = arith.constant 0 : i32
      %dma_wait3A_473 = arith.constant 0 : i32
      %dma_wait3A_474 = tpu.memref_slice %arg2[%arg0, %dma_wait3A_472, %dma_wait3A_473] : memref<2x10000x64xbf16, #tpu.memory_space<hbm>> -> memref<1x10000x64xbf16, #tpu.memory_space<hbm>>
      %dma_wait3A_475 = tpu.memref_squeeze %dma_wait3A_474 : memref<1x10000x64xbf16, #tpu.memory_space<hbm>> -> memref<10000x64xbf16, #tpu.memory_space<hbm>>
      %dma_wait3A_476 = arith.constant 0 : i32
      %dma_wait3A_477 = arith.constant 0 : i32
      %dma_wait3A_478 = tpu.memref_slice %dma_wait3A_475[%dma_wait3A_476, %dma_wait3A_477] : memref<10000x64xbf16, #tpu.memory_space<hbm>> -> memref<80x64xbf16, #tpu.memory_space<hbm>>
      tpu.wait_dma2 semaphore(%arg11 : memref<!tpu.dma_semaphore, #tpu.memory_space<semaphore_mem>>) src(%dma_wait3A_478 : memref<80x64xbf16, #tpu.memory_space<hbm>>) dst(%dma_wait3A_471 : memref<80x64xbf16, #tpu.memory_space<vmem>>)
      %dma_wait3A_479 = arith.constant 0 : i32
      %dma_wait3A_480 = arith.constant 0 : i32
      %dma_wait3A_481 = arith.constant 0 : i32
      %dma_wait3A_482 = tpu.memref_slice %arg10[%dma_wait3A_479, %dma_wait3A_480, %dma_wait3A_481] : memref<8x80x64xbf16, #tpu.memory_space<vmem>> -> memref<1x80x64xbf16, #tpu.memory_space<vmem>>
      %dma_wait3A_483 = tpu.memref_squeeze %dma_wait3A_482 : memref<1x80x64xbf16, #tpu.memory_space<vmem>> -> memref<80x64xbf16, #tpu.memory_space<vmem>>
      %dma_wait3A_484 = arith.constant 0 : i32
      %dma_wait3A_485 = arith.constant 0 : i32
      %dma_wait3A_486 = tpu.memref_slice %arg2[%arg0, %dma_wait3A_484, %dma_wait3A_485] : memref<2x10000x64xbf16, #tpu.memory_space<hbm>> -> memref<1x10000x64xbf16, #tpu.memory_space<hbm>>
      %dma_wait3A_487 = tpu.memref_squeeze %dma_wait3A_486 : memref<1x10000x64xbf16, #tpu.memory_space<hbm>> -> memref<10000x64xbf16, #tpu.memory_space<hbm>>
      %dma_wait3A_488 = arith.constant 0 : i32
      %dma_wait3A_489 = arith.constant 0 : i32
      %dma_wait3A_490 = tpu.memref_slice %dma_wait3A_487[%dma_wait3A_488, %dma_wait3A_489] : memref<10000x64xbf16, #tpu.memory_space<hbm>> -> memref<80x64xbf16, #tpu.memory_space<hbm>>
      %dma_wait3A_491 = arith.constant 0 : i32
      %dma_wait3A_492 = arith.constant 0 : i32
      %dma_wait3A_493 = tpu.memref_slice %arg10[%dma_wait3A_479, %dma_wait3A_491, %dma_wait3A_492] : memref<8x80x64xbf16, #tpu.memory_space<vmem>> -> memref<1x80x64xbf16, #tpu.memory_space<vmem>>
      %dma_wait3A_494 = tpu.memref_squeeze %dma_wait3A_493 : memref<1x80x64xbf16, #tpu.memory_space<vmem>> -> memref<80x64xbf16, #tpu.memory_space<vmem>>
      %dma_wait3A_495 = arith.constant 0 : i32
      %dma_wait3A_496 = arith.constant 0 : i32
      %dma_wait3A_497 = tpu.memref_slice %arg2[%arg0, %dma_wait3A_495, %dma_wait3A_496] : memref<2x10000x64xbf16, #tpu.memory_space<hbm>> -> memref<1x10000x64xbf16, #tpu.memory_space<hbm>>
      %dma_wait3A_498 = tpu.memref_squeeze %dma_wait3A_497 : memref<1x10000x64xbf16, #tpu.memory_space<hbm>> -> memref<10000x64xbf16, #tpu.memory_space<hbm>>
      %dma_wait3A_499 = arith.constant 0 : i32
      %dma_wait3A_500 = arith.constant 0 : i32
      %dma_wait3A_501 = tpu.memref_slice %dma_wait3A_498[%dma_wait3A_499, %dma_wait3A_500] : memref<10000x64xbf16, #tpu.memory_space<hbm>> -> memref<80x64xbf16, #tpu.memory_space<hbm>>
      tpu.wait_dma2 semaphore(%arg11 : memref<!tpu.dma_semaphore, #tpu.memory_space<semaphore_mem>>) src(%dma_wait3A_501 : memref<80x64xbf16, #tpu.memory_space<hbm>>) dst(%dma_wait3A_494 : memref<80x64xbf16, #tpu.memory_space<vmem>>)
      %dma_wait3A_502 = arith.constant 0 : i32
      %dma_wait3A_503 = arith.constant 0 : i32
      %dma_wait3A_504 = arith.constant 0 : i32
      %dma_wait3A_505 = tpu.memref_slice %arg10[%dma_wait3A_502, %dma_wait3A_503, %dma_wait3A_504] : memref<8x80x64xbf16, #tpu.memory_space<vmem>> -> memref<1x80x64xbf16, #tpu.memory_space<vmem>>
      %dma_wait3A_506 = tpu.memref_squeeze %dma_wait3A_505 : memref<1x80x64xbf16, #tpu.memory_space<vmem>> -> memref<80x64xbf16, #tpu.memory_space<vmem>>
      %dma_wait3A_507 = arith.constant 0 : i32
      %dma_wait3A_508 = arith.constant 0 : i32
      %dma_wait3A_509 = tpu.memref_slice %arg2[%arg0, %dma_wait3A_507, %dma_wait3A_508] : memref<2x10000x64xbf16, #tpu.memory_space<hbm>> -> memref<1x10000x64xbf16, #tpu.memory_space<hbm>>
      %dma_wait3A_510 = tpu.memref_squeeze %dma_wait3A_509 : memref<1x10000x64xbf16, #tpu.memory_space<hbm>> -> memref<10000x64xbf16, #tpu.memory_space<hbm>>
      %dma_wait3A_511 = arith.constant 0 : i32
      %dma_wait3A_512 = arith.constant 0 : i32
      %dma_wait3A_513 = tpu.memref_slice %dma_wait3A_510[%dma_wait3A_511, %dma_wait3A_512] : memref<10000x64xbf16, #tpu.memory_space<hbm>> -> memref<80x64xbf16, #tpu.memory_space<hbm>>
      %dma_wait3A_514 = arith.constant 0 : i32
      %dma_wait3A_515 = arith.constant 0 : i32
      %dma_wait3A_516 = tpu.memref_slice %arg10[%dma_wait3A_502, %dma_wait3A_514, %dma_wait3A_515] : memref<8x80x64xbf16, #tpu.memory_space<vmem>> -> memref<1x80x64xbf16, #tpu.memory_space<vmem>>
      %dma_wait3A_517 = tpu.memref_squeeze %dma_wait3A_516 : memref<1x80x64xbf16, #tpu.memory_space<vmem>> -> memref<80x64xbf16, #tpu.memory_space<vmem>>
      %dma_wait3A_518 = arith.constant 0 : i32
      %dma_wait3A_519 = arith.constant 0 : i32
      %dma_wait3A_520 = tpu.memref_slice %arg2[%arg0, %dma_wait3A_518, %dma_wait3A_519] : memref<2x10000x64xbf16, #tpu.memory_space<hbm>> -> memref<1x10000x64xbf16, #tpu.memory_space<hbm>>
      %dma_wait3A_521 = tpu.memref_squeeze %dma_wait3A_520 : memref<1x10000x64xbf16, #tpu.memory_space<hbm>> -> memref<10000x64xbf16, #tpu.memory_space<hbm>>
      %dma_wait3A_522 = arith.constant 0 : i32
      %dma_wait3A_523 = arith.constant 0 : i32
      %dma_wait3A_524 = tpu.memref_slice %dma_wait3A_521[%dma_wait3A_522, %dma_wait3A_523] : memref<10000x64xbf16, #tpu.memory_space<hbm>> -> memref<80x64xbf16, #tpu.memory_space<hbm>>
      tpu.wait_dma2 semaphore(%arg11 : memref<!tpu.dma_semaphore, #tpu.memory_space<semaphore_mem>>) src(%dma_wait3A_524 : memref<80x64xbf16, #tpu.memory_space<hbm>>) dst(%dma_wait3A_517 : memref<80x64xbf16, #tpu.memory_space<vmem>>)
      %dma_wait3A_525 = arith.constant 0 : i32
      %dma_wait3A_526 = arith.constant 0 : i32
      %dma_wait3A_527 = arith.constant 0 : i32
      %dma_wait3A_528 = tpu.memref_slice %arg10[%dma_wait3A_525, %dma_wait3A_526, %dma_wait3A_527] : memref<8x80x64xbf16, #tpu.memory_space<vmem>> -> memref<1x80x64xbf16, #tpu.memory_space<vmem>>
      %dma_wait3A_529 = tpu.memref_squeeze %dma_wait3A_528 : memref<1x80x64xbf16, #tpu.memory_space<vmem>> -> memref<80x64xbf16, #tpu.memory_space<vmem>>
      %dma_wait3A_530 = arith.constant 0 : i32
      %dma_wait3A_531 = arith.constant 0 : i32
      %dma_wait3A_532 = tpu.memref_slice %arg2[%arg0, %dma_wait3A_530, %dma_wait3A_531] : memref<2x10000x64xbf16, #tpu.memory_space<hbm>> -> memref<1x10000x64xbf16, #tpu.memory_space<hbm>>
      %dma_wait3A_533 = tpu.memref_squeeze %dma_wait3A_532 : memref<1x10000x64xbf16, #tpu.memory_space<hbm>> -> memref<10000x64xbf16, #tpu.memory_space<hbm>>
      %dma_wait3A_534 = arith.constant 0 : i32
      %dma_wait3A_535 = arith.constant 0 : i32
      %dma_wait3A_536 = tpu.memref_slice %dma_wait3A_533[%dma_wait3A_534, %dma_wait3A_535] : memref<10000x64xbf16, #tpu.memory_space<hbm>> -> memref<80x64xbf16, #tpu.memory_space<hbm>>
      %dma_wait3A_537 = arith.constant 0 : i32
      %dma_wait3A_538 = arith.constant 0 : i32
      %dma_wait3A_539 = tpu.memref_slice %arg10[%dma_wait3A_525, %dma_wait3A_537, %dma_wait3A_538] : memref<8x80x64xbf16, #tpu.memory_space<vmem>> -> memref<1x80x64xbf16, #tpu.memory_space<vmem>>
      %dma_wait3A_540 = tpu.memref_squeeze %dma_wait3A_539 : memref<1x80x64xbf16, #tpu.memory_space<vmem>> -> memref<80x64xbf16, #tpu.memory_space<vmem>>
      %dma_wait3A_541 = arith.constant 0 : i32
      %dma_wait3A_542 = arith.constant 0 : i32
      %dma_wait3A_543 = tpu.memref_slice %arg2[%arg0, %dma_wait3A_541, %dma_wait3A_542] : memref<2x10000x64xbf16, #tpu.memory_space<hbm>> -> memref<1x10000x64xbf16, #tpu.memory_space<hbm>>
      %dma_wait3A_544 = tpu.memref_squeeze %dma_wait3A_543 : memref<1x10000x64xbf16, #tpu.memory_space<hbm>> -> memref<10000x64xbf16, #tpu.memory_space<hbm>>
      %dma_wait3A_545 = arith.constant 0 : i32
      %dma_wait3A_546 = arith.constant 0 : i32
      %dma_wait3A_547 = tpu.memref_slice %dma_wait3A_544[%dma_wait3A_545, %dma_wait3A_546] : memref<10000x64xbf16, #tpu.memory_space<hbm>> -> memref<80x64xbf16, #tpu.memory_space<hbm>>
      tpu.wait_dma2 semaphore(%arg11 : memref<!tpu.dma_semaphore, #tpu.memory_space<semaphore_mem>>) src(%dma_wait3A_547 : memref<80x64xbf16, #tpu.memory_space<hbm>>) dst(%dma_wait3A_540 : memref<80x64xbf16, #tpu.memory_space<vmem>>)
      %mul3A_548 = arith.constant 4 : i32
      %mul3A_549 = arith.muli %mul3A_299, %mul3A_548 : i32
      %add3A_550 = arith.constant 0 : i32
      %add3A_551 = arith.addi %mul3A_549, %add3A_550 : i32
      %dma_start3A_552 = arith.constant 0 : i32
      %dma_start3A_553 = arith.constant 0 : i32
      %dma_start3A_554 = arith.constant 0 : i32
      %dma_start3A_555 = tpu.memref_slice %arg10[%dma_start3A_552, %dma_start3A_553, %dma_start3A_554] : memref<8x80x64xbf16, #tpu.memory_space<vmem>> -> memref<1x80x64xbf16, #tpu.memory_space<vmem>>
      %dma_start3A_556 = tpu.memref_squeeze %dma_start3A_555 : memref<1x80x64xbf16, #tpu.memory_space<vmem>> -> memref<80x64xbf16, #tpu.memory_space<vmem>>
      %dma_start3A_557 = arith.constant 0 : i32
      %dma_start3A_558 = tpu.memref_slice %arg9[%add3A_551, %dma_start3A_557] : memref<256x80xi32, #tpu.memory_space<vmem>> -> memref<1x80xi32, #tpu.memory_space<vmem>>
      %dma_start3A_559 = tpu.memref_squeeze %dma_start3A_558 : memref<1x80xi32, #tpu.memory_space<vmem>> -> memref<80xi32, #tpu.memory_space<vmem>>
      %dma_start3A_560 = arith.constant 0 : i32
      %dma_start3A_561 = arith.constant 0 : i32
      %dma_start3A_562 = tpu.memref_slice %arg7[%dma_start3A_560, %dma_start3A_561] : memref<10080x64xbf16, #tpu.memory_space<vmem_shared>> -> memref<10080x64xbf16, #tpu.memory_space<vmem_shared>>
      tpu.enqueue_indirect_dma source(%dma_start3A_556 : memref<80x64xbf16, #tpu.memory_space<vmem>>) target(%dma_start3A_562 : memref<10080x64xbf16, #tpu.memory_space<vmem_shared>>) offsets(%dma_start3A_559 : memref<80xi32, #tpu.memory_space<vmem>>) semaphore(%arg13 : memref<!tpu.dma_semaphore, #tpu.memory_space<semaphore_mem>>) {add = true}
      %mul3A_563 = arith.constant 4 : i32
      %mul3A_564 = arith.muli %mul3A_299, %mul3A_563 : i32
      %add3A_565 = arith.constant 1 : i32
      %add3A_566 = arith.addi %mul3A_564, %add3A_565 : i32
      %dma_start3A_567 = arith.constant 1 : i32
      %dma_start3A_568 = arith.constant 0 : i32
      %dma_start3A_569 = arith.constant 0 : i32
      %dma_start3A_570 = tpu.memref_slice %arg10[%dma_start3A_567, %dma_start3A_568, %dma_start3A_569] : memref<8x80x64xbf16, #tpu.memory_space<vmem>> -> memref<1x80x64xbf16, #tpu.memory_space<vmem>>
      %dma_start3A_571 = tpu.memref_squeeze %dma_start3A_570 : memref<1x80x64xbf16, #tpu.memory_space<vmem>> -> memref<80x64xbf16, #tpu.memory_space<vmem>>
      %dma_start3A_572 = arith.constant 0 : i32
      %dma_start3A_573 = tpu.memref_slice %arg9[%add3A_566, %dma_start3A_572] : memref<256x80xi32, #tpu.memory_space<vmem>> -> memref<1x80xi32, #tpu.memory_space<vmem>>
      %dma_start3A_574 = tpu.memref_squeeze %dma_start3A_573 : memref<1x80xi32, #tpu.memory_space<vmem>> -> memref<80xi32, #tpu.memory_space<vmem>>
      %dma_start3A_575 = arith.constant 0 : i32
      %dma_start3A_576 = arith.constant 0 : i32
      %dma_start3A_577 = tpu.memref_slice %arg7[%dma_start3A_575, %dma_start3A_576] : memref<10080x64xbf16, #tpu.memory_space<vmem_shared>> -> memref<10080x64xbf16, #tpu.memory_space<vmem_shared>>
      tpu.enqueue_indirect_dma source(%dma_start3A_571 : memref<80x64xbf16, #tpu.memory_space<vmem>>) target(%dma_start3A_577 : memref<10080x64xbf16, #tpu.memory_space<vmem_shared>>) offsets(%dma_start3A_574 : memref<80xi32, #tpu.memory_space<vmem>>) semaphore(%arg13 : memref<!tpu.dma_semaphore, #tpu.memory_space<semaphore_mem>>) {add = true}
      %mul3A_578 = arith.constant 4 : i32
      %mul3A_579 = arith.muli %mul3A_299, %mul3A_578 : i32
      %add3A_580 = arith.constant 2 : i32
      %add3A_581 = arith.addi %mul3A_579, %add3A_580 : i32
      %dma_start3A_582 = arith.constant 2 : i32
      %dma_start3A_583 = arith.constant 0 : i32
      %dma_start3A_584 = arith.constant 0 : i32
      %dma_start3A_585 = tpu.memref_slice %arg10[%dma_start3A_582, %dma_start3A_583, %dma_start3A_584] : memref<8x80x64xbf16, #tpu.memory_space<vmem>> -> memref<1x80x64xbf16, #tpu.memory_space<vmem>>
      %dma_start3A_586 = tpu.memref_squeeze %dma_start3A_585 : memref<1x80x64xbf16, #tpu.memory_space<vmem>> -> memref<80x64xbf16, #tpu.memory_space<vmem>>
      %dma_start3A_587 = arith.constant 0 : i32
      %dma_start3A_588 = tpu.memref_slice %arg9[%add3A_581, %dma_start3A_587] : memref<256x80xi32, #tpu.memory_space<vmem>> -> memref<1x80xi32, #tpu.memory_space<vmem>>
      %dma_start3A_589 = tpu.memref_squeeze %dma_start3A_588 : memref<1x80xi32, #tpu.memory_space<vmem>> -> memref<80xi32, #tpu.memory_space<vmem>>
      %dma_start3A_590 = arith.constant 0 : i32
      %dma_start3A_591 = arith.constant 0 : i32
      %dma_start3A_592 = tpu.memref_slice %arg7[%dma_start3A_590, %dma_start3A_591] : memref<10080x64xbf16, #tpu.memory_space<vmem_shared>> -> memref<10080x64xbf16, #tpu.memory_space<vmem_shared>>
      tpu.enqueue_indirect_dma source(%dma_start3A_586 : memref<80x64xbf16, #tpu.memory_space<vmem>>) target(%dma_start3A_592 : memref<10080x64xbf16, #tpu.memory_space<vmem_shared>>) offsets(%dma_start3A_589 : memref<80xi32, #tpu.memory_space<vmem>>) semaphore(%arg13 : memref<!tpu.dma_semaphore, #tpu.memory_space<semaphore_mem>>) {add = true}
      %mul3A_593 = arith.constant 4 : i32
      %mul3A_594 = arith.muli %mul3A_299, %mul3A_593 : i32
      %add3A_595 = arith.constant 3 : i32
      %add3A_596 = arith.addi %mul3A_594, %add3A_595 : i32
      %dma_start3A_597 = arith.constant 3 : i32
      %dma_start3A_598 = arith.constant 0 : i32
      %dma_start3A_599 = arith.constant 0 : i32
      %dma_start3A_600 = tpu.memref_slice %arg10[%dma_start3A_597, %dma_start3A_598, %dma_start3A_599] : memref<8x80x64xbf16, #tpu.memory_space<vmem>> -> memref<1x80x64xbf16, #tpu.memory_space<vmem>>
      %dma_start3A_601 = tpu.memref_squeeze %dma_start3A_600 : memref<1x80x64xbf16, #tpu.memory_space<vmem>> -> memref<80x64xbf16, #tpu.memory_space<vmem>>
      %dma_start3A_602 = arith.constant 0 : i32
      %dma_start3A_603 = tpu.memref_slice %arg9[%add3A_596, %dma_start3A_602] : memref<256x80xi32, #tpu.memory_space<vmem>> -> memref<1x80xi32, #tpu.memory_space<vmem>>
      %dma_start3A_604 = tpu.memref_squeeze %dma_start3A_603 : memref<1x80xi32, #tpu.memory_space<vmem>> -> memref<80xi32, #tpu.memory_space<vmem>>
      %dma_start3A_605 = arith.constant 0 : i32
      %dma_start3A_606 = arith.constant 0 : i32
      %dma_start3A_607 = tpu.memref_slice %arg7[%dma_start3A_605, %dma_start3A_606] : memref<10080x64xbf16, #tpu.memory_space<vmem_shared>> -> memref<10080x64xbf16, #tpu.memory_space<vmem_shared>>
      tpu.enqueue_indirect_dma source(%dma_start3A_601 : memref<80x64xbf16, #tpu.memory_space<vmem>>) target(%dma_start3A_607 : memref<10080x64xbf16, #tpu.memory_space<vmem_shared>>) offsets(%dma_start3A_604 : memref<80xi32, #tpu.memory_space<vmem>>) semaphore(%arg13 : memref<!tpu.dma_semaphore, #tpu.memory_space<semaphore_mem>>) {add = true}
      %dma_wait3A_608 = arith.constant 0 : i32
      %dma_wait3A_609 = arith.constant 0 : i32
      %dma_wait3A_610 = arith.constant 0 : i32
      %dma_wait3A_611 = tpu.memref_slice %arg10[%dma_wait3A_608, %dma_wait3A_609, %dma_wait3A_610] : memref<8x80x64xbf16, #tpu.memory_space<vmem>> -> memref<1x80x64xbf16, #tpu.memory_space<vmem>>
      %dma_wait3A_612 = tpu.memref_squeeze %dma_wait3A_611 : memref<1x80x64xbf16, #tpu.memory_space<vmem>> -> memref<80x64xbf16, #tpu.memory_space<vmem>>
      %dma_wait3A_613 = arith.constant 0 : i32
      %dma_wait3A_614 = arith.constant 0 : i32
      %dma_wait3A_615 = tpu.memref_slice %arg2[%arg0, %dma_wait3A_613, %dma_wait3A_614] : memref<2x10000x64xbf16, #tpu.memory_space<hbm>> -> memref<1x10000x64xbf16, #tpu.memory_space<hbm>>
      %dma_wait3A_616 = tpu.memref_squeeze %dma_wait3A_615 : memref<1x10000x64xbf16, #tpu.memory_space<hbm>> -> memref<10000x64xbf16, #tpu.memory_space<hbm>>
      %dma_wait3A_617 = arith.constant 0 : i32
      %dma_wait3A_618 = arith.constant 0 : i32
      %dma_wait3A_619 = tpu.memref_slice %dma_wait3A_616[%dma_wait3A_617, %dma_wait3A_618] : memref<10000x64xbf16, #tpu.memory_space<hbm>> -> memref<80x64xbf16, #tpu.memory_space<hbm>>
      %dma_wait3A_620 = arith.constant 0 : i32
      %dma_wait3A_621 = arith.constant 0 : i32
      %dma_wait3A_622 = tpu.memref_slice %arg10[%dma_wait3A_608, %dma_wait3A_620, %dma_wait3A_621] : memref<8x80x64xbf16, #tpu.memory_space<vmem>> -> memref<1x80x64xbf16, #tpu.memory_space<vmem>>
      %dma_wait3A_623 = tpu.memref_squeeze %dma_wait3A_622 : memref<1x80x64xbf16, #tpu.memory_space<vmem>> -> memref<80x64xbf16, #tpu.memory_space<vmem>>
      %dma_wait3A_624 = arith.constant 0 : i32
      %dma_wait3A_625 = arith.constant 0 : i32
      %dma_wait3A_626 = tpu.memref_slice %arg2[%arg0, %dma_wait3A_624, %dma_wait3A_625] : memref<2x10000x64xbf16, #tpu.memory_space<hbm>> -> memref<1x10000x64xbf16, #tpu.memory_space<hbm>>
      %dma_wait3A_627 = tpu.memref_squeeze %dma_wait3A_626 : memref<1x10000x64xbf16, #tpu.memory_space<hbm>> -> memref<10000x64xbf16, #tpu.memory_space<hbm>>
      %dma_wait3A_628 = arith.constant 0 : i32
      %dma_wait3A_629 = arith.constant 0 : i32
      %dma_wait3A_630 = tpu.memref_slice %dma_wait3A_627[%dma_wait3A_628, %dma_wait3A_629] : memref<10000x64xbf16, #tpu.memory_space<hbm>> -> memref<80x64xbf16, #tpu.memory_space<hbm>>
      tpu.wait_dma2 semaphore(%arg13 : memref<!tpu.dma_semaphore, #tpu.memory_space<semaphore_mem>>) src(%dma_wait3A_630 : memref<80x64xbf16, #tpu.memory_space<hbm>>) dst(%dma_wait3A_623 : memref<80x64xbf16, #tpu.memory_space<vmem>>)
      %dma_wait3A_631 = arith.constant 0 : i32
      %dma_wait3A_632 = arith.constant 0 : i32
      %dma_wait3A_633 = arith.constant 0 : i32
      %dma_wait3A_634 = tpu.memref_slice %arg10[%dma_wait3A_631, %dma_wait3A_632, %dma_wait3A_633] : memref<8x80x64xbf16, #tpu.memory_space<vmem>> -> memref<1x80x64xbf16, #tpu.memory_space<vmem>>
      %dma_wait3A_635 = tpu.memref_squeeze %dma_wait3A_634 : memref<1x80x64xbf16, #tpu.memory_space<vmem>> -> memref<80x64xbf16, #tpu.memory_space<vmem>>
      %dma_wait3A_636 = arith.constant 0 : i32
      %dma_wait3A_637 = arith.constant 0 : i32
      %dma_wait3A_638 = tpu.memref_slice %arg2[%arg0, %dma_wait3A_636, %dma_wait3A_637] : memref<2x10000x64xbf16, #tpu.memory_space<hbm>> -> memref<1x10000x64xbf16, #tpu.memory_space<hbm>>
      %dma_wait3A_639 = tpu.memref_squeeze %dma_wait3A_638 : memref<1x10000x64xbf16, #tpu.memory_space<hbm>> -> memref<10000x64xbf16, #tpu.memory_space<hbm>>
      %dma_wait3A_640 = arith.constant 0 : i32
      %dma_wait3A_641 = arith.constant 0 : i32
      %dma_wait3A_642 = tpu.memref_slice %dma_wait3A_639[%dma_wait3A_640, %dma_wait3A_641] : memref<10000x64xbf16, #tpu.memory_space<hbm>> -> memref<80x64xbf16, #tpu.memory_space<hbm>>
      %dma_wait3A_643 = arith.constant 0 : i32
      %dma_wait3A_644 = arith.constant 0 : i32
      %dma_wait3A_645 = tpu.memref_slice %arg10[%dma_wait3A_631, %dma_wait3A_643, %dma_wait3A_644] : memref<8x80x64xbf16, #tpu.memory_space<vmem>> -> memref<1x80x64xbf16, #tpu.memory_space<vmem>>
      %dma_wait3A_646 = tpu.memref_squeeze %dma_wait3A_645 : memref<1x80x64xbf16, #tpu.memory_space<vmem>> -> memref<80x64xbf16, #tpu.memory_space<vmem>>
      %dma_wait3A_647 = arith.constant 0 : i32
      %dma_wait3A_648 = arith.constant 0 : i32
      %dma_wait3A_649 = tpu.memref_slice %arg2[%arg0, %dma_wait3A_647, %dma_wait3A_648] : memref<2x10000x64xbf16, #tpu.memory_space<hbm>> -> memref<1x10000x64xbf16, #tpu.memory_space<hbm>>
      %dma_wait3A_650 = tpu.memref_squeeze %dma_wait3A_649 : memref<1x10000x64xbf16, #tpu.memory_space<hbm>> -> memref<10000x64xbf16, #tpu.memory_space<hbm>>
      %dma_wait3A_651 = arith.constant 0 : i32
      %dma_wait3A_652 = arith.constant 0 : i32
      %dma_wait3A_653 = tpu.memref_slice %dma_wait3A_650[%dma_wait3A_651, %dma_wait3A_652] : memref<10000x64xbf16, #tpu.memory_space<hbm>> -> memref<80x64xbf16, #tpu.memory_space<hbm>>
      tpu.wait_dma2 semaphore(%arg13 : memref<!tpu.dma_semaphore, #tpu.memory_space<semaphore_mem>>) src(%dma_wait3A_653 : memref<80x64xbf16, #tpu.memory_space<hbm>>) dst(%dma_wait3A_646 : memref<80x64xbf16, #tpu.memory_space<vmem>>)
      %dma_wait3A_654 = arith.constant 0 : i32
      %dma_wait3A_655 = arith.constant 0 : i32
      %dma_wait3A_656 = arith.constant 0 : i32
      %dma_wait3A_657 = tpu.memref_slice %arg10[%dma_wait3A_654, %dma_wait3A_655, %dma_wait3A_656] : memref<8x80x64xbf16, #tpu.memory_space<vmem>> -> memref<1x80x64xbf16, #tpu.memory_space<vmem>>
      %dma_wait3A_658 = tpu.memref_squeeze %dma_wait3A_657 : memref<1x80x64xbf16, #tpu.memory_space<vmem>> -> memref<80x64xbf16, #tpu.memory_space<vmem>>
      %dma_wait3A_659 = arith.constant 0 : i32
      %dma_wait3A_660 = arith.constant 0 : i32
      %dma_wait3A_661 = tpu.memref_slice %arg2[%arg0, %dma_wait3A_659, %dma_wait3A_660] : memref<2x10000x64xbf16, #tpu.memory_space<hbm>> -> memref<1x10000x64xbf16, #tpu.memory_space<hbm>>
      %dma_wait3A_662 = tpu.memref_squeeze %dma_wait3A_661 : memref<1x10000x64xbf16, #tpu.memory_space<hbm>> -> memref<10000x64xbf16, #tpu.memory_space<hbm>>
      %dma_wait3A_663 = arith.constant 0 : i32
      %dma_wait3A_664 = arith.constant 0 : i32
      %dma_wait3A_665 = tpu.memref_slice %dma_wait3A_662[%dma_wait3A_663, %dma_wait3A_664] : memref<10000x64xbf16, #tpu.memory_space<hbm>> -> memref<80x64xbf16, #tpu.memory_space<hbm>>
      %dma_wait3A_666 = arith.constant 0 : i32
      %dma_wait3A_667 = arith.constant 0 : i32
      %dma_wait3A_668 = tpu.memref_slice %arg10[%dma_wait3A_654, %dma_wait3A_666, %dma_wait3A_667] : memref<8x80x64xbf16, #tpu.memory_space<vmem>> -> memref<1x80x64xbf16, #tpu.memory_space<vmem>>
      %dma_wait3A_669 = tpu.memref_squeeze %dma_wait3A_668 : memref<1x80x64xbf16, #tpu.memory_space<vmem>> -> memref<80x64xbf16, #tpu.memory_space<vmem>>
      %dma_wait3A_670 = arith.constant 0 : i32
      %dma_wait3A_671 = arith.constant 0 : i32
      %dma_wait3A_672 = tpu.memref_slice %arg2[%arg0, %dma_wait3A_670, %dma_wait3A_671] : memref<2x10000x64xbf16, #tpu.memory_space<hbm>> -> memref<1x10000x64xbf16, #tpu.memory_space<hbm>>
      %dma_wait3A_673 = tpu.memref_squeeze %dma_wait3A_672 : memref<1x10000x64xbf16, #tpu.memory_space<hbm>> -> memref<10000x64xbf16, #tpu.memory_space<hbm>>
      %dma_wait3A_674 = arith.constant 0 : i32
      %dma_wait3A_675 = arith.constant 0 : i32
      %dma_wait3A_676 = tpu.memref_slice %dma_wait3A_673[%dma_wait3A_674, %dma_wait3A_675] : memref<10000x64xbf16, #tpu.memory_space<hbm>> -> memref<80x64xbf16, #tpu.memory_space<hbm>>
      tpu.wait_dma2 semaphore(%arg13 : memref<!tpu.dma_semaphore, #tpu.memory_space<semaphore_mem>>) src(%dma_wait3A_676 : memref<80x64xbf16, #tpu.memory_space<hbm>>) dst(%dma_wait3A_669 : memref<80x64xbf16, #tpu.memory_space<vmem>>)
      %dma_wait3A_677 = arith.constant 0 : i32
      %dma_wait3A_678 = arith.constant 0 : i32
      %dma_wait3A_679 = arith.constant 0 : i32
      %dma_wait3A_680 = tpu.memref_slice %arg10[%dma_wait3A_677, %dma_wait3A_678, %dma_wait3A_679] : memref<8x80x64xbf16, #tpu.memory_space<vmem>> -> memref<1x80x64xbf16, #tpu.memory_space<vmem>>
      %dma_wait3A_681 = tpu.memref_squeeze %dma_wait3A_680 : memref<1x80x64xbf16, #tpu.memory_space<vmem>> -> memref<80x64xbf16, #tpu.memory_space<vmem>>
      %dma_wait3A_682 = arith.constant 0 : i32
      %dma_wait3A_683 = arith.constant 0 : i32
      %dma_wait3A_684 = tpu.memref_slice %arg2[%arg0, %dma_wait3A_682, %dma_wait3A_683] : memref<2x10000x64xbf16, #tpu.memory_space<hbm>> -> memref<1x10000x64xbf16, #tpu.memory_space<hbm>>
      %dma_wait3A_685 = tpu.memref_squeeze %dma_wait3A_684 : memref<1x10000x64xbf16, #tpu.memory_space<hbm>> -> memref<10000x64xbf16, #tpu.memory_space<hbm>>
      %dma_wait3A_686 = arith.constant 0 : i32
      %dma_wait3A_687 = arith.constant 0 : i32
      %dma_wait3A_688 = tpu.memref_slice %dma_wait3A_685[%dma_wait3A_686, %dma_wait3A_687] : memref<10000x64xbf16, #tpu.memory_space<hbm>> -> memref<80x64xbf16, #tpu.memory_space<hbm>>
      %dma_wait3A_689 = arith.constant 0 : i32
      %dma_wait3A_690 = arith.constant 0 : i32
      %dma_wait3A_691 = tpu.memref_slice %arg10[%dma_wait3A_677, %dma_wait3A_689, %dma_wait3A_690] : memref<8x80x64xbf16, #tpu.memory_space<vmem>> -> memref<1x80x64xbf16, #tpu.memory_space<vmem>>
      %dma_wait3A_692 = tpu.memref_squeeze %dma_wait3A_691 : memref<1x80x64xbf16, #tpu.memory_space<vmem>> -> memref<80x64xbf16, #tpu.memory_space<vmem>>
      %dma_wait3A_693 = arith.constant 0 : i32
      %dma_wait3A_694 = arith.constant 0 : i32
      %dma_wait3A_695 = tpu.memref_slice %arg2[%arg0, %dma_wait3A_693, %dma_wait3A_694] : memref<2x10000x64xbf16, #tpu.memory_space<hbm>> -> memref<1x10000x64xbf16, #tpu.memory_space<hbm>>
      %dma_wait3A_696 = tpu.memref_squeeze %dma_wait3A_695 : memref<1x10000x64xbf16, #tpu.memory_space<hbm>> -> memref<10000x64xbf16, #tpu.memory_space<hbm>>
      %dma_wait3A_697 = arith.constant 0 : i32
      %dma_wait3A_698 = arith.constant 0 : i32
      %dma_wait3A_699 = tpu.memref_slice %dma_wait3A_696[%dma_wait3A_697, %dma_wait3A_698] : memref<10000x64xbf16, #tpu.memory_space<hbm>> -> memref<80x64xbf16, #tpu.memory_space<hbm>>
      tpu.wait_dma2 semaphore(%arg13 : memref<!tpu.dma_semaphore, #tpu.memory_space<semaphore_mem>>) src(%dma_wait3A_699 : memref<80x64xbf16, #tpu.memory_space<hbm>>) dst(%dma_wait3A_692 : memref<80x64xbf16, #tpu.memory_space<vmem>>)
      %mul3A_700 = arith.constant 4 : i32
      %mul3A_701 = arith.muli %rem3A_303, %mul3A_700 : i32
      %add3A_702 = arith.constant 0 : i32
      %add3A_703 = arith.addi %mul3A_701, %add3A_702 : i32
      %dma_start3A_704 = arith.constant 0 : i32
      %dma_start3A_705 = arith.constant 0 : i32
      %dma_start3A_706 = arith.constant 0 : i32
      %dma_start3A_707 = tpu.memref_slice %arg10[%dma_start3A_704, %dma_start3A_705, %dma_start3A_706] : memref<8x80x64xbf16, #tpu.memory_space<vmem>> -> memref<1x80x64xbf16, #tpu.memory_space<vmem>>
      %dma_start3A_708 = tpu.memref_squeeze %dma_start3A_707 : memref<1x80x64xbf16, #tpu.memory_space<vmem>> -> memref<80x64xbf16, #tpu.memory_space<vmem>>
      %dma_start3A_709 = arith.constant 0 : i32
      %dma_start3A_710 = tpu.memref_slice %arg8[%add3A_703, %dma_start3A_709] : memref<256x80xi32, #tpu.memory_space<vmem>> -> memref<1x80xi32, #tpu.memory_space<vmem>>
      %dma_start3A_711 = tpu.memref_squeeze %dma_start3A_710 : memref<1x80xi32, #tpu.memory_space<vmem>> -> memref<80xi32, #tpu.memory_space<vmem>>
      %dma_start3A_712 = arith.constant 0 : i32
      %dma_start3A_713 = arith.constant 0 : i32
      %dma_start3A_714 = tpu.memref_slice %arg6[%dma_start3A_712, %dma_start3A_713] : memref<10000x64xbf16, #tpu.memory_space<vmem_shared>> -> memref<10000x64xbf16, #tpu.memory_space<vmem_shared>>
      tpu.enqueue_indirect_dma source(%dma_start3A_714 : memref<10000x64xbf16, #tpu.memory_space<vmem_shared>>) target(%dma_start3A_708 : memref<80x64xbf16, #tpu.memory_space<vmem>>) offsets(%dma_start3A_711 : memref<80xi32, #tpu.memory_space<vmem>>) semaphore(%arg11 : memref<!tpu.dma_semaphore, #tpu.memory_space<semaphore_mem>>)
      %mul3A_715 = arith.constant 4 : i32
      %mul3A_716 = arith.muli %rem3A_303, %mul3A_715 : i32
      %add3A_717 = arith.constant 1 : i32
      %add3A_718 = arith.addi %mul3A_716, %add3A_717 : i32
      %dma_start3A_719 = arith.constant 1 : i32
      %dma_start3A_720 = arith.constant 0 : i32
      %dma_start3A_721 = arith.constant 0 : i32
      %dma_start3A_722 = tpu.memref_slice %arg10[%dma_start3A_719, %dma_start3A_720, %dma_start3A_721] : memref<8x80x64xbf16, #tpu.memory_space<vmem>> -> memref<1x80x64xbf16, #tpu.memory_space<vmem>>
      %dma_start3A_723 = tpu.memref_squeeze %dma_start3A_722 : memref<1x80x64xbf16, #tpu.memory_space<vmem>> -> memref<80x64xbf16, #tpu.memory_space<vmem>>
      %dma_start3A_724 = arith.constant 0 : i32
      %dma_start3A_725 = tpu.memref_slice %arg8[%add3A_718, %dma_start3A_724] : memref<256x80xi32, #tpu.memory_space<vmem>> -> memref<1x80xi32, #tpu.memory_space<vmem>>
      %dma_start3A_726 = tpu.memref_squeeze %dma_start3A_725 : memref<1x80xi32, #tpu.memory_space<vmem>> -> memref<80xi32, #tpu.memory_space<vmem>>
      %dma_start3A_727 = arith.constant 0 : i32
      %dma_start3A_728 = arith.constant 0 : i32
      %dma_start3A_729 = tpu.memref_slice %arg6[%dma_start3A_727, %dma_start3A_728] : memref<10000x64xbf16, #tpu.memory_space<vmem_shared>> -> memref<10000x64xbf16, #tpu.memory_space<vmem_shared>>
      tpu.enqueue_indirect_dma source(%dma_start3A_729 : memref<10000x64xbf16, #tpu.memory_space<vmem_shared>>) target(%dma_start3A_723 : memref<80x64xbf16, #tpu.memory_space<vmem>>) offsets(%dma_start3A_726 : memref<80xi32, #tpu.memory_space<vmem>>) semaphore(%arg11 : memref<!tpu.dma_semaphore, #tpu.memory_space<semaphore_mem>>)
      %mul3A_730 = arith.constant 4 : i32
      %mul3A_731 = arith.muli %rem3A_303, %mul3A_730 : i32
      %add3A_732 = arith.constant 2 : i32
      %add3A_733 = arith.addi %mul3A_731, %add3A_732 : i32
      %dma_start3A_734 = arith.constant 2 : i32
      %dma_start3A_735 = arith.constant 0 : i32
      %dma_start3A_736 = arith.constant 0 : i32
      %dma_start3A_737 = tpu.memref_slice %arg10[%dma_start3A_734, %dma_start3A_735, %dma_start3A_736] : memref<8x80x64xbf16, #tpu.memory_space<vmem>> -> memref<1x80x64xbf16, #tpu.memory_space<vmem>>
      %dma_start3A_738 = tpu.memref_squeeze %dma_start3A_737 : memref<1x80x64xbf16, #tpu.memory_space<vmem>> -> memref<80x64xbf16, #tpu.memory_space<vmem>>
      %dma_start3A_739 = arith.constant 0 : i32
      %dma_start3A_740 = tpu.memref_slice %arg8[%add3A_733, %dma_start3A_739] : memref<256x80xi32, #tpu.memory_space<vmem>> -> memref<1x80xi32, #tpu.memory_space<vmem>>
      %dma_start3A_741 = tpu.memref_squeeze %dma_start3A_740 : memref<1x80xi32, #tpu.memory_space<vmem>> -> memref<80xi32, #tpu.memory_space<vmem>>
      %dma_start3A_742 = arith.constant 0 : i32
      %dma_start3A_743 = arith.constant 0 : i32
      %dma_start3A_744 = tpu.memref_slice %arg6[%dma_start3A_742, %dma_start3A_743] : memref<10000x64xbf16, #tpu.memory_space<vmem_shared>> -> memref<10000x64xbf16, #tpu.memory_space<vmem_shared>>
      tpu.enqueue_indirect_dma source(%dma_start3A_744 : memref<10000x64xbf16, #tpu.memory_space<vmem_shared>>) target(%dma_start3A_738 : memref<80x64xbf16, #tpu.memory_space<vmem>>) offsets(%dma_start3A_741 : memref<80xi32, #tpu.memory_space<vmem>>) semaphore(%arg11 : memref<!tpu.dma_semaphore, #tpu.memory_space<semaphore_mem>>)
      %mul3A_745 = arith.constant 4 : i32
      %mul3A_746 = arith.muli %rem3A_303, %mul3A_745 : i32
      %add3A_747 = arith.constant 3 : i32
      %add3A_748 = arith.addi %mul3A_746, %add3A_747 : i32
      %dma_start3A_749 = arith.constant 3 : i32
      %dma_start3A_750 = arith.constant 0 : i32
      %dma_start3A_751 = arith.constant 0 : i32
      %dma_start3A_752 = tpu.memref_slice %arg10[%dma_start3A_749, %dma_start3A_750, %dma_start3A_751] : memref<8x80x64xbf16, #tpu.memory_space<vmem>> -> memref<1x80x64xbf16, #tpu.memory_space<vmem>>
      %dma_start3A_753 = tpu.memref_squeeze %dma_start3A_752 : memref<1x80x64xbf16, #tpu.memory_space<vmem>> -> memref<80x64xbf16, #tpu.memory_space<vmem>>
      %dma_start3A_754 = arith.constant 0 : i32
      %dma_start3A_755 = tpu.memref_slice %arg8[%add3A_748, %dma_start3A_754] : memref<256x80xi32, #tpu.memory_space<vmem>> -> memref<1x80xi32, #tpu.memory_space<vmem>>
      %dma_start3A_756 = tpu.memref_squeeze %dma_start3A_755 : memref<1x80xi32, #tpu.memory_space<vmem>> -> memref<80xi32, #tpu.memory_space<vmem>>
      %dma_start3A_757 = arith.constant 0 : i32
      %dma_start3A_758 = arith.constant 0 : i32
      %dma_start3A_759 = tpu.memref_slice %arg6[%dma_start3A_757, %dma_start3A_758] : memref<10000x64xbf16, #tpu.memory_space<vmem_shared>> -> memref<10000x64xbf16, #tpu.memory_space<vmem_shared>>
      tpu.enqueue_indirect_dma source(%dma_start3A_759 : memref<10000x64xbf16, #tpu.memory_space<vmem_shared>>) target(%dma_start3A_753 : memref<80x64xbf16, #tpu.memory_space<vmem>>) offsets(%dma_start3A_756 : memref<80xi32, #tpu.memory_space<vmem>>) semaphore(%arg11 : memref<!tpu.dma_semaphore, #tpu.memory_space<semaphore_mem>>)
      %dma_wait3A_760 = arith.constant 0 : i32
      %dma_wait3A_761 = arith.constant 0 : i32
      %dma_wait3A_762 = arith.constant 0 : i32
      %dma_wait3A_763 = tpu.memref_slice %arg10[%dma_wait3A_760, %dma_wait3A_761, %dma_wait3A_762] : memref<8x80x64xbf16, #tpu.memory_space<vmem>> -> memref<1x80x64xbf16, #tpu.memory_space<vmem>>
      %dma_wait3A_764 = tpu.memref_squeeze %dma_wait3A_763 : memref<1x80x64xbf16, #tpu.memory_space<vmem>> -> memref<80x64xbf16, #tpu.memory_space<vmem>>
      %dma_wait3A_765 = arith.constant 0 : i32
      %dma_wait3A_766 = arith.constant 0 : i32
      %dma_wait3A_767 = tpu.memref_slice %arg2[%arg0, %dma_wait3A_765, %dma_wait3A_766] : memref<2x10000x64xbf16, #tpu.memory_space<hbm>> -> memref<1x10000x64xbf16, #tpu.memory_space<hbm>>
      %dma_wait3A_768 = tpu.memref_squeeze %dma_wait3A_767 : memref<1x10000x64xbf16, #tpu.memory_space<hbm>> -> memref<10000x64xbf16, #tpu.memory_space<hbm>>
      %dma_wait3A_769 = arith.constant 0 : i32
      %dma_wait3A_770 = arith.constant 0 : i32
      %dma_wait3A_771 = tpu.memref_slice %dma_wait3A_768[%dma_wait3A_769, %dma_wait3A_770] : memref<10000x64xbf16, #tpu.memory_space<hbm>> -> memref<80x64xbf16, #tpu.memory_space<hbm>>
      %dma_wait3A_772 = arith.constant 0 : i32
      %dma_wait3A_773 = arith.constant 0 : i32
      %dma_wait3A_774 = tpu.memref_slice %arg10[%dma_wait3A_760, %dma_wait3A_772, %dma_wait3A_773] : memref<8x80x64xbf16, #tpu.memory_space<vmem>> -> memref<1x80x64xbf16, #tpu.memory_space<vmem>>
      %dma_wait3A_775 = tpu.memref_squeeze %dma_wait3A_774 : memref<1x80x64xbf16, #tpu.memory_space<vmem>> -> memref<80x64xbf16, #tpu.memory_space<vmem>>
      %dma_wait3A_776 = arith.constant 0 : i32
      %dma_wait3A_777 = arith.constant 0 : i32
      %dma_wait3A_778 = tpu.memref_slice %arg2[%arg0, %dma_wait3A_776, %dma_wait3A_777] : memref<2x10000x64xbf16, #tpu.memory_space<hbm>> -> memref<1x10000x64xbf16, #tpu.memory_space<hbm>>
      %dma_wait3A_779 = tpu.memref_squeeze %dma_wait3A_778 : memref<1x10000x64xbf16, #tpu.memory_space<hbm>> -> memref<10000x64xbf16, #tpu.memory_space<hbm>>
      %dma_wait3A_780 = arith.constant 0 : i32
      %dma_wait3A_781 = arith.constant 0 : i32
      %dma_wait3A_782 = tpu.memref_slice %dma_wait3A_779[%dma_wait3A_780, %dma_wait3A_781] : memref<10000x64xbf16, #tpu.memory_space<hbm>> -> memref<80x64xbf16, #tpu.memory_space<hbm>>
      tpu.wait_dma2 semaphore(%arg12 : memref<!tpu.dma_semaphore, #tpu.memory_space<semaphore_mem>>) src(%dma_wait3A_782 : memref<80x64xbf16, #tpu.memory_space<hbm>>) dst(%dma_wait3A_775 : memref<80x64xbf16, #tpu.memory_space<vmem>>)
      %dma_wait3A_783 = arith.constant 0 : i32
      %dma_wait3A_784 = arith.constant 0 : i32
      %dma_wait3A_785 = arith.constant 0 : i32
      %dma_wait3A_786 = tpu.memref_slice %arg10[%dma_wait3A_783, %dma_wait3A_784, %dma_wait3A_785] : memref<8x80x64xbf16, #tpu.memory_space<vmem>> -> memref<1x80x64xbf16, #tpu.memory_space<vmem>>
      %dma_wait3A_787 = tpu.memref_squeeze %dma_wait3A_786 : memref<1x80x64xbf16, #tpu.memory_space<vmem>> -> memref<80x64xbf16, #tpu.memory_space<vmem>>
      %dma_wait3A_788 = arith.constant 0 : i32
      %dma_wait3A_789 = arith.constant 0 : i32
      %dma_wait3A_790 = tpu.memref_slice %arg2[%arg0, %dma_wait3A_788, %dma_wait3A_789] : memref<2x10000x64xbf16, #tpu.memory_space<hbm>> -> memref<1x10000x64xbf16, #tpu.memory_space<hbm>>
      %dma_wait3A_791 = tpu.memref_squeeze %dma_wait3A_790 : memref<1x10000x64xbf16, #tpu.memory_space<hbm>> -> memref<10000x64xbf16, #tpu.memory_space<hbm>>
      %dma_wait3A_792 = arith.constant 0 : i32
      %dma_wait3A_793 = arith.constant 0 : i32
      %dma_wait3A_794 = tpu.memref_slice %dma_wait3A_791[%dma_wait3A_792, %dma_wait3A_793] : memref<10000x64xbf16, #tpu.memory_space<hbm>> -> memref<80x64xbf16, #tpu.memory_space<hbm>>
      %dma_wait3A_795 = arith.constant 0 : i32
      %dma_wait3A_796 = arith.constant 0 : i32
      %dma_wait3A_797 = tpu.memref_slice %arg10[%dma_wait3A_783, %dma_wait3A_795, %dma_wait3A_796] : memref<8x80x64xbf16, #tpu.memory_space<vmem>> -> memref<1x80x64xbf16, #tpu.memory_space<vmem>>
      %dma_wait3A_798 = tpu.memref_squeeze %dma_wait3A_797 : memref<1x80x64xbf16, #tpu.memory_space<vmem>> -> memref<80x64xbf16, #tpu.memory_space<vmem>>
      %dma_wait3A_799 = arith.constant 0 : i32
      %dma_wait3A_800 = arith.constant 0 : i32
      %dma_wait3A_801 = tpu.memref_slice %arg2[%arg0, %dma_wait3A_799, %dma_wait3A_800] : memref<2x10000x64xbf16, #tpu.memory_space<hbm>> -> memref<1x10000x64xbf16, #tpu.memory_space<hbm>>
      %dma_wait3A_802 = tpu.memref_squeeze %dma_wait3A_801 : memref<1x10000x64xbf16, #tpu.memory_space<hbm>> -> memref<10000x64xbf16, #tpu.memory_space<hbm>>
      %dma_wait3A_803 = arith.constant 0 : i32
      %dma_wait3A_804 = arith.constant 0 : i32
      %dma_wait3A_805 = tpu.memref_slice %dma_wait3A_802[%dma_wait3A_803, %dma_wait3A_804] : memref<10000x64xbf16, #tpu.memory_space<hbm>> -> memref<80x64xbf16, #tpu.memory_space<hbm>>
      tpu.wait_dma2 semaphore(%arg12 : memref<!tpu.dma_semaphore, #tpu.memory_space<semaphore_mem>>) src(%dma_wait3A_805 : memref<80x64xbf16, #tpu.memory_space<hbm>>) dst(%dma_wait3A_798 : memref<80x64xbf16, #tpu.memory_space<vmem>>)
      %dma_wait3A_806 = arith.constant 0 : i32
      %dma_wait3A_807 = arith.constant 0 : i32
      %dma_wait3A_808 = arith.constant 0 : i32
      %dma_wait3A_809 = tpu.memref_slice %arg10[%dma_wait3A_806, %dma_wait3A_807, %dma_wait3A_808] : memref<8x80x64xbf16, #tpu.memory_space<vmem>> -> memref<1x80x64xbf16, #tpu.memory_space<vmem>>
      %dma_wait3A_810 = tpu.memref_squeeze %dma_wait3A_809 : memref<1x80x64xbf16, #tpu.memory_space<vmem>> -> memref<80x64xbf16, #tpu.memory_space<vmem>>
      %dma_wait3A_811 = arith.constant 0 : i32
      %dma_wait3A_812 = arith.constant 0 : i32
      %dma_wait3A_813 = tpu.memref_slice %arg2[%arg0, %dma_wait3A_811, %dma_wait3A_812] : memref<2x10000x64xbf16, #tpu.memory_space<hbm>> -> memref<1x10000x64xbf16, #tpu.memory_space<hbm>>
      %dma_wait3A_814 = tpu.memref_squeeze %dma_wait3A_813 : memref<1x10000x64xbf16, #tpu.memory_space<hbm>> -> memref<10000x64xbf16, #tpu.memory_space<hbm>>
      %dma_wait3A_815 = arith.constant 0 : i32
      %dma_wait3A_816 = arith.constant 0 : i32
      %dma_wait3A_817 = tpu.memref_slice %dma_wait3A_814[%dma_wait3A_815, %dma_wait3A_816] : memref<10000x64xbf16, #tpu.memory_space<hbm>> -> memref<80x64xbf16, #tpu.memory_space<hbm>>
      %dma_wait3A_818 = arith.constant 0 : i32
      %dma_wait3A_819 = arith.constant 0 : i32
      %dma_wait3A_820 = tpu.memref_slice %arg10[%dma_wait3A_806, %dma_wait3A_818, %dma_wait3A_819] : memref<8x80x64xbf16, #tpu.memory_space<vmem>> -> memref<1x80x64xbf16, #tpu.memory_space<vmem>>
      %dma_wait3A_821 = tpu.memref_squeeze %dma_wait3A_820 : memref<1x80x64xbf16, #tpu.memory_space<vmem>> -> memref<80x64xbf16, #tpu.memory_space<vmem>>
      %dma_wait3A_822 = arith.constant 0 : i32
      %dma_wait3A_823 = arith.constant 0 : i32
      %dma_wait3A_824 = tpu.memref_slice %arg2[%arg0, %dma_wait3A_822, %dma_wait3A_823] : memref<2x10000x64xbf16, #tpu.memory_space<hbm>> -> memref<1x10000x64xbf16, #tpu.memory_space<hbm>>
      %dma_wait3A_825 = tpu.memref_squeeze %dma_wait3A_824 : memref<1x10000x64xbf16, #tpu.memory_space<hbm>> -> memref<10000x64xbf16, #tpu.memory_space<hbm>>
      %dma_wait3A_826 = arith.constant 0 : i32
      %dma_wait3A_827 = arith.constant 0 : i32
      %dma_wait3A_828 = tpu.memref_slice %dma_wait3A_825[%dma_wait3A_826, %dma_wait3A_827] : memref<10000x64xbf16, #tpu.memory_space<hbm>> -> memref<80x64xbf16, #tpu.memory_space<hbm>>
      tpu.wait_dma2 semaphore(%arg12 : memref<!tpu.dma_semaphore, #tpu.memory_space<semaphore_mem>>) src(%dma_wait3A_828 : memref<80x64xbf16, #tpu.memory_space<hbm>>) dst(%dma_wait3A_821 : memref<80x64xbf16, #tpu.memory_space<vmem>>)
      %dma_wait3A_829 = arith.constant 0 : i32
      %dma_wait3A_830 = arith.constant 0 : i32
      %dma_wait3A_831 = arith.constant 0 : i32
      %dma_wait3A_832 = tpu.memref_slice %arg10[%dma_wait3A_829, %dma_wait3A_830, %dma_wait3A_831] : memref<8x80x64xbf16, #tpu.memory_space<vmem>> -> memref<1x80x64xbf16, #tpu.memory_space<vmem>>
      %dma_wait3A_833 = tpu.memref_squeeze %dma_wait3A_832 : memref<1x80x64xbf16, #tpu.memory_space<vmem>> -> memref<80x64xbf16, #tpu.memory_space<vmem>>
      %dma_wait3A_834 = arith.constant 0 : i32
      %dma_wait3A_835 = arith.constant 0 : i32
      %dma_wait3A_836 = tpu.memref_slice %arg2[%arg0, %dma_wait3A_834, %dma_wait3A_835] : memref<2x10000x64xbf16, #tpu.memory_space<hbm>> -> memref<1x10000x64xbf16, #tpu.memory_space<hbm>>
      %dma_wait3A_837 = tpu.memref_squeeze %dma_wait3A_836 : memref<1x10000x64xbf16, #tpu.memory_space<hbm>> -> memref<10000x64xbf16, #tpu.memory_space<hbm>>
      %dma_wait3A_838 = arith.constant 0 : i32
      %dma_wait3A_839 = arith.constant 0 : i32
      %dma_wait3A_840 = tpu.memref_slice %dma_wait3A_837[%dma_wait3A_838, %dma_wait3A_839] : memref<10000x64xbf16, #tpu.memory_space<hbm>> -> memref<80x64xbf16, #tpu.memory_space<hbm>>
      %dma_wait3A_841 = arith.constant 0 : i32
      %dma_wait3A_842 = arith.constant 0 : i32
      %dma_wait3A_843 = tpu.memref_slice %arg10[%dma_wait3A_829, %dma_wait3A_841, %dma_wait3A_842] : memref<8x80x64xbf16, #tpu.memory_space<vmem>> -> memref<1x80x64xbf16, #tpu.memory_space<vmem>>
      %dma_wait3A_844 = tpu.memref_squeeze %dma_wait3A_843 : memref<1x80x64xbf16, #tpu.memory_space<vmem>> -> memref<80x64xbf16, #tpu.memory_space<vmem>>
      %dma_wait3A_845 = arith.constant 0 : i32
      %dma_wait3A_846 = arith.constant 0 : i32
      %dma_wait3A_847 = tpu.memref_slice %arg2[%arg0, %dma_wait3A_845, %dma_wait3A_846] : memref<2x10000x64xbf16, #tpu.memory_space<hbm>> -> memref<1x10000x64xbf16, #tpu.memory_space<hbm>>
      %dma_wait3A_848 = tpu.memref_squeeze %dma_wait3A_847 : memref<1x10000x64xbf16, #tpu.memory_space<hbm>> -> memref<10000x64xbf16, #tpu.memory_space<hbm>>
      %dma_wait3A_849 = arith.constant 0 : i32
      %dma_wait3A_850 = arith.constant 0 : i32
      %dma_wait3A_851 = tpu.memref_slice %dma_wait3A_848[%dma_wait3A_849, %dma_wait3A_850] : memref<10000x64xbf16, #tpu.memory_space<hbm>> -> memref<80x64xbf16, #tpu.memory_space<hbm>>
      tpu.wait_dma2 semaphore(%arg12 : memref<!tpu.dma_semaphore, #tpu.memory_space<semaphore_mem>>) src(%dma_wait3A_851 : memref<80x64xbf16, #tpu.memory_space<hbm>>) dst(%dma_wait3A_844 : memref<80x64xbf16, #tpu.memory_space<vmem>>)
      %mul3A_852 = arith.constant 4 : i32
      %mul3A_853 = arith.muli %add3A_300, %mul3A_852 : i32
      %add3A_854 = arith.constant 0 : i32
      %add3A_855 = arith.addi %mul3A_853, %add3A_854 : i32
      %dma_start3A_856 = arith.constant 4 : i32
      %dma_start3A_857 = arith.constant 0 : i32
      %dma_start3A_858 = arith.constant 0 : i32
      %dma_start3A_859 = tpu.memref_slice %arg10[%dma_start3A_856, %dma_start3A_857, %dma_start3A_858] : memref<8x80x64xbf16, #tpu.memory_space<vmem>> -> memref<1x80x64xbf16, #tpu.memory_space<vmem>>
      %dma_start3A_860 = tpu.memref_squeeze %dma_start3A_859 : memref<1x80x64xbf16, #tpu.memory_space<vmem>> -> memref<80x64xbf16, #tpu.memory_space<vmem>>
      %dma_start3A_861 = arith.constant 0 : i32
      %dma_start3A_862 = tpu.memref_slice %arg9[%add3A_855, %dma_start3A_861] : memref<256x80xi32, #tpu.memory_space<vmem>> -> memref<1x80xi32, #tpu.memory_space<vmem>>
      %dma_start3A_863 = tpu.memref_squeeze %dma_start3A_862 : memref<1x80xi32, #tpu.memory_space<vmem>> -> memref<80xi32, #tpu.memory_space<vmem>>
      %dma_start3A_864 = arith.constant 0 : i32
      %dma_start3A_865 = arith.constant 0 : i32
      %dma_start3A_866 = tpu.memref_slice %arg7[%dma_start3A_864, %dma_start3A_865] : memref<10080x64xbf16, #tpu.memory_space<vmem_shared>> -> memref<10080x64xbf16, #tpu.memory_space<vmem_shared>>
      tpu.enqueue_indirect_dma source(%dma_start3A_860 : memref<80x64xbf16, #tpu.memory_space<vmem>>) target(%dma_start3A_866 : memref<10080x64xbf16, #tpu.memory_space<vmem_shared>>) offsets(%dma_start3A_863 : memref<80xi32, #tpu.memory_space<vmem>>) semaphore(%arg14 : memref<!tpu.dma_semaphore, #tpu.memory_space<semaphore_mem>>) {add = true}
      %mul3A_867 = arith.constant 4 : i32
      %mul3A_868 = arith.muli %add3A_300, %mul3A_867 : i32
      %add3A_869 = arith.constant 1 : i32
      %add3A_870 = arith.addi %mul3A_868, %add3A_869 : i32
      %dma_start3A_871 = arith.constant 5 : i32
      %dma_start3A_872 = arith.constant 0 : i32
      %dma_start3A_873 = arith.constant 0 : i32
      %dma_start3A_874 = tpu.memref_slice %arg10[%dma_start3A_871, %dma_start3A_872, %dma_start3A_873] : memref<8x80x64xbf16, #tpu.memory_space<vmem>> -> memref<1x80x64xbf16, #tpu.memory_space<vmem>>
      %dma_start3A_875 = tpu.memref_squeeze %dma_start3A_874 : memref<1x80x64xbf16, #tpu.memory_space<vmem>> -> memref<80x64xbf16, #tpu.memory_space<vmem>>
      %dma_start3A_876 = arith.constant 0 : i32
      %dma_start3A_877 = tpu.memref_slice %arg9[%add3A_870, %dma_start3A_876] : memref<256x80xi32, #tpu.memory_space<vmem>> -> memref<1x80xi32, #tpu.memory_space<vmem>>
      %dma_start3A_878 = tpu.memref_squeeze %dma_start3A_877 : memref<1x80xi32, #tpu.memory_space<vmem>> -> memref<80xi32, #tpu.memory_space<vmem>>
      %dma_start3A_879 = arith.constant 0 : i32
      %dma_start3A_880 = arith.constant 0 : i32
      %dma_start3A_881 = tpu.memref_slice %arg7[%dma_start3A_879, %dma_start3A_880] : memref<10080x64xbf16, #tpu.memory_space<vmem_shared>> -> memref<10080x64xbf16, #tpu.memory_space<vmem_shared>>
      tpu.enqueue_indirect_dma source(%dma_start3A_875 : memref<80x64xbf16, #tpu.memory_space<vmem>>) target(%dma_start3A_881 : memref<10080x64xbf16, #tpu.memory_space<vmem_shared>>) offsets(%dma_start3A_878 : memref<80xi32, #tpu.memory_space<vmem>>) semaphore(%arg14 : memref<!tpu.dma_semaphore, #tpu.memory_space<semaphore_mem>>) {add = true}
      %mul3A_882 = arith.constant 4 : i32
      %mul3A_883 = arith.muli %add3A_300, %mul3A_882 : i32
      %add3A_884 = arith.constant 2 : i32
      %add3A_885 = arith.addi %mul3A_883, %add3A_884 : i32
      %dma_start3A_886 = arith.constant 6 : i32
      %dma_start3A_887 = arith.constant 0 : i32
      %dma_start3A_888 = arith.constant 0 : i32
      %dma_start3A_889 = tpu.memref_slice %arg10[%dma_start3A_886, %dma_start3A_887, %dma_start3A_888] : memref<8x80x64xbf16, #tpu.memory_space<vmem>> -> memref<1x80x64xbf16, #tpu.memory_space<vmem>>
      %dma_start3A_890 = tpu.memref_squeeze %dma_start3A_889 : memref<1x80x64xbf16, #tpu.memory_space<vmem>> -> memref<80x64xbf16, #tpu.memory_space<vmem>>
      %dma_start3A_891 = arith.constant 0 : i32
      %dma_start3A_892 = tpu.memref_slice %arg9[%add3A_885, %dma_start3A_891] : memref<256x80xi32, #tpu.memory_space<vmem>> -> memref<1x80xi32, #tpu.memory_space<vmem>>
      %dma_start3A_893 = tpu.memref_squeeze %dma_start3A_892 : memref<1x80xi32, #tpu.memory_space<vmem>> -> memref<80xi32, #tpu.memory_space<vmem>>
      %dma_start3A_894 = arith.constant 0 : i32
      %dma_start3A_895 = arith.constant 0 : i32
      %dma_start3A_896 = tpu.memref_slice %arg7[%dma_start3A_894, %dma_start3A_895] : memref<10080x64xbf16, #tpu.memory_space<vmem_shared>> -> memref<10080x64xbf16, #tpu.memory_space<vmem_shared>>
      tpu.enqueue_indirect_dma source(%dma_start3A_890 : memref<80x64xbf16, #tpu.memory_space<vmem>>) target(%dma_start3A_896 : memref<10080x64xbf16, #tpu.memory_space<vmem_shared>>) offsets(%dma_start3A_893 : memref<80xi32, #tpu.memory_space<vmem>>) semaphore(%arg14 : memref<!tpu.dma_semaphore, #tpu.memory_space<semaphore_mem>>) {add = true}
      %mul3A_897 = arith.constant 4 : i32
      %mul3A_898 = arith.muli %add3A_300, %mul3A_897 : i32
      %add3A_899 = arith.constant 3 : i32
      %add3A_900 = arith.addi %mul3A_898, %add3A_899 : i32
      %dma_start3A_901 = arith.constant 7 : i32
      %dma_start3A_902 = arith.constant 0 : i32
      %dma_start3A_903 = arith.constant 0 : i32
      %dma_start3A_904 = tpu.memref_slice %arg10[%dma_start3A_901, %dma_start3A_902, %dma_start3A_903] : memref<8x80x64xbf16, #tpu.memory_space<vmem>> -> memref<1x80x64xbf16, #tpu.memory_space<vmem>>
      %dma_start3A_905 = tpu.memref_squeeze %dma_start3A_904 : memref<1x80x64xbf16, #tpu.memory_space<vmem>> -> memref<80x64xbf16, #tpu.memory_space<vmem>>
      %dma_start3A_906 = arith.constant 0 : i32
      %dma_start3A_907 = tpu.memref_slice %arg9[%add3A_900, %dma_start3A_906] : memref<256x80xi32, #tpu.memory_space<vmem>> -> memref<1x80xi32, #tpu.memory_space<vmem>>
      %dma_start3A_908 = tpu.memref_squeeze %dma_start3A_907 : memref<1x80xi32, #tpu.memory_space<vmem>> -> memref<80xi32, #tpu.memory_space<vmem>>
      %dma_start3A_909 = arith.constant 0 : i32
      %dma_start3A_910 = arith.constant 0 : i32
      %dma_start3A_911 = tpu.memref_slice %arg7[%dma_start3A_909, %dma_start3A_910] : memref<10080x64xbf16, #tpu.memory_space<vmem_shared>> -> memref<10080x64xbf16, #tpu.memory_space<vmem_shared>>
      tpu.enqueue_indirect_dma source(%dma_start3A_905 : memref<80x64xbf16, #tpu.memory_space<vmem>>) target(%dma_start3A_911 : memref<10080x64xbf16, #tpu.memory_space<vmem_shared>>) offsets(%dma_start3A_908 : memref<80xi32, #tpu.memory_space<vmem>>) semaphore(%arg14 : memref<!tpu.dma_semaphore, #tpu.memory_space<semaphore_mem>>) {add = true}
    }
    %scan3A_112 = arith.constant 32 : i32
    %dma_wait3A = arith.constant 0 : i32
    %dma_wait3A_113 = arith.constant 0 : i32
    %dma_wait3A_114 = arith.constant 0 : i32
    %dma_wait3A_115 = tpu.memref_slice %arg10[%dma_wait3A, %dma_wait3A_113, %dma_wait3A_114] : memref<8x80x64xbf16, #tpu.memory_space<vmem>> -> memref<1x80x64xbf16, #tpu.memory_space<vmem>>
    %dma_wait3A_116 = tpu.memref_squeeze %dma_wait3A_115 : memref<1x80x64xbf16, #tpu.memory_space<vmem>> -> memref<80x64xbf16, #tpu.memory_space<vmem>>
    %dma_wait3A_117 = arith.constant 0 : i32
    %dma_wait3A_118 = arith.constant 0 : i32
    %dma_wait3A_119 = tpu.memref_slice %arg2[%arg0, %dma_wait3A_117, %dma_wait3A_118] : memref<2x10000x64xbf16, #tpu.memory_space<hbm>> -> memref<1x10000x64xbf16, #tpu.memory_space<hbm>>
    %dma_wait3A_120 = tpu.memref_squeeze %dma_wait3A_119 : memref<1x10000x64xbf16, #tpu.memory_space<hbm>> -> memref<10000x64xbf16, #tpu.memory_space<hbm>>
    %dma_wait3A_121 = arith.constant 0 : i32
    %dma_wait3A_122 = arith.constant 0 : i32
    %dma_wait3A_123 = tpu.memref_slice %dma_wait3A_120[%dma_wait3A_121, %dma_wait3A_122] : memref<10000x64xbf16, #tpu.memory_space<hbm>> -> memref<80x64xbf16, #tpu.memory_space<hbm>>
    %dma_wait3A_124 = arith.constant 0 : i32
    %dma_wait3A_125 = arith.constant 0 : i32
    %dma_wait3A_126 = tpu.memref_slice %arg10[%dma_wait3A, %dma_wait3A_124, %dma_wait3A_125] : memref<8x80x64xbf16, #tpu.memory_space<vmem>> -> memref<1x80x64xbf16, #tpu.memory_space<vmem>>
    %dma_wait3A_127 = tpu.memref_squeeze %dma_wait3A_126 : memref<1x80x64xbf16, #tpu.memory_space<vmem>> -> memref<80x64xbf16, #tpu.memory_space<vmem>>
    %dma_wait3A_128 = arith.constant 0 : i32
    %dma_wait3A_129 = arith.constant 0 : i32
    %dma_wait3A_130 = tpu.memref_slice %arg2[%arg0, %dma_wait3A_128, %dma_wait3A_129] : memref<2x10000x64xbf16, #tpu.memory_space<hbm>> -> memref<1x10000x64xbf16, #tpu.memory_space<hbm>>
    %dma_wait3A_131 = tpu.memref_squeeze %dma_wait3A_130 : memref<1x10000x64xbf16, #tpu.memory_space<hbm>> -> memref<10000x64xbf16, #tpu.memory_space<hbm>>
    %dma_wait3A_132 = arith.constant 0 : i32
    %dma_wait3A_133 = arith.constant 0 : i32
    %dma_wait3A_134 = tpu.memref_slice %dma_wait3A_131[%dma_wait3A_132, %dma_wait3A_133] : memref<10000x64xbf16, #tpu.memory_space<hbm>> -> memref<80x64xbf16, #tpu.memory_space<hbm>>
    tpu.wait_dma2 semaphore(%arg14 : memref<!tpu.dma_semaphore, #tpu.memory_space<semaphore_mem>>) src(%dma_wait3A_134 : memref<80x64xbf16, #tpu.memory_space<hbm>>) dst(%dma_wait3A_127 : memref<80x64xbf16, #tpu.memory_space<vmem>>)
    %dma_wait3A_135 = arith.constant 0 : i32
    %dma_wait3A_136 = arith.constant 0 : i32
    %dma_wait3A_137 = arith.constant 0 : i32
    %dma_wait3A_138 = tpu.memref_slice %arg10[%dma_wait3A_135, %dma_wait3A_136, %dma_wait3A_137] : memref<8x80x64xbf16, #tpu.memory_space<vmem>> -> memref<1x80x64xbf16, #tpu.memory_space<vmem>>
    %dma_wait3A_139 = tpu.memref_squeeze %dma_wait3A_138 : memref<1x80x64xbf16, #tpu.memory_space<vmem>> -> memref<80x64xbf16, #tpu.memory_space<vmem>>
    %dma_wait3A_140 = arith.constant 0 : i32
    %dma_wait3A_141 = arith.constant 0 : i32
    %dma_wait3A_142 = tpu.memref_slice %arg2[%arg0, %dma_wait3A_140, %dma_wait3A_141] : memref<2x10000x64xbf16, #tpu.memory_space<hbm>> -> memref<1x10000x64xbf16, #tpu.memory_space<hbm>>
    %dma_wait3A_143 = tpu.memref_squeeze %dma_wait3A_142 : memref<1x10000x64xbf16, #tpu.memory_space<hbm>> -> memref<10000x64xbf16, #tpu.memory_space<hbm>>
    %dma_wait3A_144 = arith.constant 0 : i32
    %dma_wait3A_145 = arith.constant 0 : i32
    %dma_wait3A_146 = tpu.memref_slice %dma_wait3A_143[%dma_wait3A_144, %dma_wait3A_145] : memref<10000x64xbf16, #tpu.memory_space<hbm>> -> memref<80x64xbf16, #tpu.memory_space<hbm>>
    %dma_wait3A_147 = arith.constant 0 : i32
    %dma_wait3A_148 = arith.constant 0 : i32
    %dma_wait3A_149 = tpu.memref_slice %arg10[%dma_wait3A_135, %dma_wait3A_147, %dma_wait3A_148] : memref<8x80x64xbf16, #tpu.memory_space<vmem>> -> memref<1x80x64xbf16, #tpu.memory_space<vmem>>
    %dma_wait3A_150 = tpu.memref_squeeze %dma_wait3A_149 : memref<1x80x64xbf16, #tpu.memory_space<vmem>> -> memref<80x64xbf16, #tpu.memory_space<vmem>>
    %dma_wait3A_151 = arith.constant 0 : i32
    %dma_wait3A_152 = arith.constant 0 : i32
    %dma_wait3A_153 = tpu.memref_slice %arg2[%arg0, %dma_wait3A_151, %dma_wait3A_152] : memref<2x10000x64xbf16, #tpu.memory_space<hbm>> -> memref<1x10000x64xbf16, #tpu.memory_space<hbm>>
    %dma_wait3A_154 = tpu.memref_squeeze %dma_wait3A_153 : memref<1x10000x64xbf16, #tpu.memory_space<hbm>> -> memref<10000x64xbf16, #tpu.memory_space<hbm>>
    %dma_wait3A_155 = arith.constant 0 : i32
    %dma_wait3A_156 = arith.constant 0 : i32
    %dma_wait3A_157 = tpu.memref_slice %dma_wait3A_154[%dma_wait3A_155, %dma_wait3A_156] : memref<10000x64xbf16, #tpu.memory_space<hbm>> -> memref<80x64xbf16, #tpu.memory_space<hbm>>
    tpu.wait_dma2 semaphore(%arg14 : memref<!tpu.dma_semaphore, #tpu.memory_space<semaphore_mem>>) src(%dma_wait3A_157 : memref<80x64xbf16, #tpu.memory_space<hbm>>) dst(%dma_wait3A_150 : memref<80x64xbf16, #tpu.memory_space<vmem>>)
    %dma_wait3A_158 = arith.constant 0 : i32
    %dma_wait3A_159 = arith.constant 0 : i32
    %dma_wait3A_160 = arith.constant 0 : i32
    %dma_wait3A_161 = tpu.memref_slice %arg10[%dma_wait3A_158, %dma_wait3A_159, %dma_wait3A_160] : memref<8x80x64xbf16, #tpu.memory_space<vmem>> -> memref<1x80x64xbf16, #tpu.memory_space<vmem>>
    %dma_wait3A_162 = tpu.memref_squeeze %dma_wait3A_161 : memref<1x80x64xbf16, #tpu.memory_space<vmem>> -> memref<80x64xbf16, #tpu.memory_space<vmem>>
    %dma_wait3A_163 = arith.constant 0 : i32
    %dma_wait3A_164 = arith.constant 0 : i32
    %dma_wait3A_165 = tpu.memref_slice %arg2[%arg0, %dma_wait3A_163, %dma_wait3A_164] : memref<2x10000x64xbf16, #tpu.memory_space<hbm>> -> memref<1x10000x64xbf16, #tpu.memory_space<hbm>>
    %dma_wait3A_166 = tpu.memref_squeeze %dma_wait3A_165 : memref<1x10000x64xbf16, #tpu.memory_space<hbm>> -> memref<10000x64xbf16, #tpu.memory_space<hbm>>
    %dma_wait3A_167 = arith.constant 0 : i32
    %dma_wait3A_168 = arith.constant 0 : i32
    %dma_wait3A_169 = tpu.memref_slice %dma_wait3A_166[%dma_wait3A_167, %dma_wait3A_168] : memref<10000x64xbf16, #tpu.memory_space<hbm>> -> memref<80x64xbf16, #tpu.memory_space<hbm>>
    %dma_wait3A_170 = arith.constant 0 : i32
    %dma_wait3A_171 = arith.constant 0 : i32
    %dma_wait3A_172 = tpu.memref_slice %arg10[%dma_wait3A_158, %dma_wait3A_170, %dma_wait3A_171] : memref<8x80x64xbf16, #tpu.memory_space<vmem>> -> memref<1x80x64xbf16, #tpu.memory_space<vmem>>
    %dma_wait3A_173 = tpu.memref_squeeze %dma_wait3A_172 : memref<1x80x64xbf16, #tpu.memory_space<vmem>> -> memref<80x64xbf16, #tpu.memory_space<vmem>>
    %dma_wait3A_174 = arith.constant 0 : i32
    %dma_wait3A_175 = arith.constant 0 : i32
    %dma_wait3A_176 = tpu.memref_slice %arg2[%arg0, %dma_wait3A_174, %dma_wait3A_175] : memref<2x10000x64xbf16, #tpu.memory_space<hbm>> -> memref<1x10000x64xbf16, #tpu.memory_space<hbm>>
    %dma_wait3A_177 = tpu.memref_squeeze %dma_wait3A_176 : memref<1x10000x64xbf16, #tpu.memory_space<hbm>> -> memref<10000x64xbf16, #tpu.memory_space<hbm>>
    %dma_wait3A_178 = arith.constant 0 : i32
    %dma_wait3A_179 = arith.constant 0 : i32
    %dma_wait3A_180 = tpu.memref_slice %dma_wait3A_177[%dma_wait3A_178, %dma_wait3A_179] : memref<10000x64xbf16, #tpu.memory_space<hbm>> -> memref<80x64xbf16, #tpu.memory_space<hbm>>
    tpu.wait_dma2 semaphore(%arg14 : memref<!tpu.dma_semaphore, #tpu.memory_space<semaphore_mem>>) src(%dma_wait3A_180 : memref<80x64xbf16, #tpu.memory_space<hbm>>) dst(%dma_wait3A_173 : memref<80x64xbf16, #tpu.memory_space<vmem>>)
    %dma_wait3A_181 = arith.constant 0 : i32
    %dma_wait3A_182 = arith.constant 0 : i32
    %dma_wait3A_183 = arith.constant 0 : i32
    %dma_wait3A_184 = tpu.memref_slice %arg10[%dma_wait3A_181, %dma_wait3A_182, %dma_wait3A_183] : memref<8x80x64xbf16, #tpu.memory_space<vmem>> -> memref<1x80x64xbf16, #tpu.memory_space<vmem>>
    %dma_wait3A_185 = tpu.memref_squeeze %dma_wait3A_184 : memref<1x80x64xbf16, #tpu.memory_space<vmem>> -> memref<80x64xbf16, #tpu.memory_space<vmem>>
    %dma_wait3A_186 = arith.constant 0 : i32
    %dma_wait3A_187 = arith.constant 0 : i32
    %dma_wait3A_188 = tpu.memref_slice %arg2[%arg0, %dma_wait3A_186, %dma_wait3A_187] : memref<2x10000x64xbf16, #tpu.memory_space<hbm>> -> memref<1x10000x64xbf16, #tpu.memory_space<hbm>>
    %dma_wait3A_189 = tpu.memref_squeeze %dma_wait3A_188 : memref<1x10000x64xbf16, #tpu.memory_space<hbm>> -> memref<10000x64xbf16, #tpu.memory_space<hbm>>
    %dma_wait3A_190 = arith.constant 0 : i32
    %dma_wait3A_191 = arith.constant 0 : i32
    %dma_wait3A_192 = tpu.memref_slice %dma_wait3A_189[%dma_wait3A_190, %dma_wait3A_191] : memref<10000x64xbf16, #tpu.memory_space<hbm>> -> memref<80x64xbf16, #tpu.memory_space<hbm>>
    %dma_wait3A_193 = arith.constant 0 : i32
    %dma_wait3A_194 = arith.constant 0 : i32
    %dma_wait3A_195 = tpu.memref_slice %arg10[%dma_wait3A_181, %dma_wait3A_193, %dma_wait3A_194] : memref<8x80x64xbf16, #tpu.memory_space<vmem>> -> memref<1x80x64xbf16, #tpu.memory_space<vmem>>
    %dma_wait3A_196 = tpu.memref_squeeze %dma_wait3A_195 : memref<1x80x64xbf16, #tpu.memory_space<vmem>> -> memref<80x64xbf16, #tpu.memory_space<vmem>>
    %dma_wait3A_197 = arith.constant 0 : i32
    %dma_wait3A_198 = arith.constant 0 : i32
    %dma_wait3A_199 = tpu.memref_slice %arg2[%arg0, %dma_wait3A_197, %dma_wait3A_198] : memref<2x10000x64xbf16, #tpu.memory_space<hbm>> -> memref<1x10000x64xbf16, #tpu.memory_space<hbm>>
    %dma_wait3A_200 = tpu.memref_squeeze %dma_wait3A_199 : memref<1x10000x64xbf16, #tpu.memory_space<hbm>> -> memref<10000x64xbf16, #tpu.memory_space<hbm>>
    %dma_wait3A_201 = arith.constant 0 : i32
    %dma_wait3A_202 = arith.constant 0 : i32
    %dma_wait3A_203 = tpu.memref_slice %dma_wait3A_200[%dma_wait3A_201, %dma_wait3A_202] : memref<10000x64xbf16, #tpu.memory_space<hbm>> -> memref<80x64xbf16, #tpu.memory_space<hbm>>
    tpu.wait_dma2 semaphore(%arg14 : memref<!tpu.dma_semaphore, #tpu.memory_space<semaphore_mem>>) src(%dma_wait3A_203 : memref<80x64xbf16, #tpu.memory_space<hbm>>) dst(%dma_wait3A_196 : memref<80x64xbf16, #tpu.memory_space<vmem>>)
    %dma_wait3A_204 = arith.constant 0 : i32
    %dma_wait3A_205 = arith.constant 0 : i32
    %dma_wait3A_206 = arith.constant 0 : i32
    %dma_wait3A_207 = tpu.memref_slice %arg10[%dma_wait3A_204, %dma_wait3A_205, %dma_wait3A_206] : memref<8x80x64xbf16, #tpu.memory_space<vmem>> -> memref<1x80x64xbf16, #tpu.memory_space<vmem>>
    %dma_wait3A_208 = tpu.memref_squeeze %dma_wait3A_207 : memref<1x80x64xbf16, #tpu.memory_space<vmem>> -> memref<80x64xbf16, #tpu.memory_space<vmem>>
    %dma_wait3A_209 = arith.constant 0 : i32
    %dma_wait3A_210 = arith.constant 0 : i32
    %dma_wait3A_211 = tpu.memref_slice %arg2[%arg0, %dma_wait3A_209, %dma_wait3A_210] : memref<2x10000x64xbf16, #tpu.memory_space<hbm>> -> memref<1x10000x64xbf16, #tpu.memory_space<hbm>>
    %dma_wait3A_212 = tpu.memref_squeeze %dma_wait3A_211 : memref<1x10000x64xbf16, #tpu.memory_space<hbm>> -> memref<10000x64xbf16, #tpu.memory_space<hbm>>
    %dma_wait3A_213 = arith.constant 0 : i32
    %dma_wait3A_214 = arith.constant 0 : i32
    %dma_wait3A_215 = tpu.memref_slice %dma_wait3A_212[%dma_wait3A_213, %dma_wait3A_214] : memref<10000x64xbf16, #tpu.memory_space<hbm>> -> memref<80x64xbf16, #tpu.memory_space<hbm>>
    %dma_wait3A_216 = arith.constant 0 : i32
    %dma_wait3A_217 = arith.constant 0 : i32
    %dma_wait3A_218 = tpu.memref_slice %arg10[%dma_wait3A_204, %dma_wait3A_216, %dma_wait3A_217] : memref<8x80x64xbf16, #tpu.memory_space<vmem>> -> memref<1x80x64xbf16, #tpu.memory_space<vmem>>
    %dma_wait3A_219 = tpu.memref_squeeze %dma_wait3A_218 : memref<1x80x64xbf16, #tpu.memory_space<vmem>> -> memref<80x64xbf16, #tpu.memory_space<vmem>>
    %dma_wait3A_220 = arith.constant 0 : i32
    %dma_wait3A_221 = arith.constant 0 : i32
    %dma_wait3A_222 = tpu.memref_slice %arg2[%arg0, %dma_wait3A_220, %dma_wait3A_221] : memref<2x10000x64xbf16, #tpu.memory_space<hbm>> -> memref<1x10000x64xbf16, #tpu.memory_space<hbm>>
    %dma_wait3A_223 = tpu.memref_squeeze %dma_wait3A_222 : memref<1x10000x64xbf16, #tpu.memory_space<hbm>> -> memref<10000x64xbf16, #tpu.memory_space<hbm>>
    %dma_wait3A_224 = arith.constant 0 : i32
    %dma_wait3A_225 = arith.constant 0 : i32
    %dma_wait3A_226 = tpu.memref_slice %dma_wait3A_223[%dma_wait3A_224, %dma_wait3A_225] : memref<10000x64xbf16, #tpu.memory_space<hbm>> -> memref<80x64xbf16, #tpu.memory_space<hbm>>
    tpu.wait_dma2 semaphore(%arg11 : memref<!tpu.dma_semaphore, #tpu.memory_space<semaphore_mem>>) src(%dma_wait3A_226 : memref<80x64xbf16, #tpu.memory_space<hbm>>) dst(%dma_wait3A_219 : memref<80x64xbf16, #tpu.memory_space<vmem>>)
    %dma_wait3A_227 = arith.constant 0 : i32
    %dma_wait3A_228 = arith.constant 0 : i32
    %dma_wait3A_229 = arith.constant 0 : i32
    %dma_wait3A_230 = tpu.memref_slice %arg10[%dma_wait3A_227, %dma_wait3A_228, %dma_wait3A_229] : memref<8x80x64xbf16, #tpu.memory_space<vmem>> -> memref<1x80x64xbf16, #tpu.memory_space<vmem>>
    %dma_wait3A_231 = tpu.memref_squeeze %dma_wait3A_230 : memref<1x80x64xbf16, #tpu.memory_space<vmem>> -> memref<80x64xbf16, #tpu.memory_space<vmem>>
    %dma_wait3A_232 = arith.constant 0 : i32
    %dma_wait3A_233 = arith.constant 0 : i32
    %dma_wait3A_234 = tpu.memref_slice %arg2[%arg0, %dma_wait3A_232, %dma_wait3A_233] : memref<2x10000x64xbf16, #tpu.memory_space<hbm>> -> memref<1x10000x64xbf16, #tpu.memory_space<hbm>>
    %dma_wait3A_235 = tpu.memref_squeeze %dma_wait3A_234 : memref<1x10000x64xbf16, #tpu.memory_space<hbm>> -> memref<10000x64xbf16, #tpu.memory_space<hbm>>
    %dma_wait3A_236 = arith.constant 0 : i32
    %dma_wait3A_237 = arith.constant 0 : i32
    %dma_wait3A_238 = tpu.memref_slice %dma_wait3A_235[%dma_wait3A_236, %dma_wait3A_237] : memref<10000x64xbf16, #tpu.memory_space<hbm>> -> memref<80x64xbf16, #tpu.memory_space<hbm>>
    %dma_wait3A_239 = arith.constant 0 : i32
    %dma_wait3A_240 = arith.constant 0 : i32
    %dma_wait3A_241 = tpu.memref_slice %arg10[%dma_wait3A_227, %dma_wait3A_239, %dma_wait3A_240] : memref<8x80x64xbf16, #tpu.memory_space<vmem>> -> memref<1x80x64xbf16, #tpu.memory_space<vmem>>
    %dma_wait3A_242 = tpu.memref_squeeze %dma_wait3A_241 : memref<1x80x64xbf16, #tpu.memory_space<vmem>> -> memref<80x64xbf16, #tpu.memory_space<vmem>>
    %dma_wait3A_243 = arith.constant 0 : i32
    %dma_wait3A_244 = arith.constant 0 : i32
    %dma_wait3A_245 = tpu.memref_slice %arg2[%arg0, %dma_wait3A_243, %dma_wait3A_244] : memref<2x10000x64xbf16, #tpu.memory_space<hbm>> -> memref<1x10000x64xbf16, #tpu.memory_space<hbm>>
    %dma_wait3A_246 = tpu.memref_squeeze %dma_wait3A_245 : memref<1x10000x64xbf16, #tpu.memory_space<hbm>> -> memref<10000x64xbf16, #tpu.memory_space<hbm>>
    %dma_wait3A_247 = arith.constant 0 : i32
    %dma_wait3A_248 = arith.constant 0 : i32
    %dma_wait3A_249 = tpu.memref_slice %dma_wait3A_246[%dma_wait3A_247, %dma_wait3A_248] : memref<10000x64xbf16, #tpu.memory_space<hbm>> -> memref<80x64xbf16, #tpu.memory_space<hbm>>
    tpu.wait_dma2 semaphore(%arg11 : memref<!tpu.dma_semaphore, #tpu.memory_space<semaphore_mem>>) src(%dma_wait3A_249 : memref<80x64xbf16, #tpu.memory_space<hbm>>) dst(%dma_wait3A_242 : memref<80x64xbf16, #tpu.memory_space<vmem>>)
    %dma_wait3A_250 = arith.constant 0 : i32
    %dma_wait3A_251 = arith.constant 0 : i32
    %dma_wait3A_252 = arith.constant 0 : i32
    %dma_wait3A_253 = tpu.memref_slice %arg10[%dma_wait3A_250, %dma_wait3A_251, %dma_wait3A_252] : memref<8x80x64xbf16, #tpu.memory_space<vmem>> -> memref<1x80x64xbf16, #tpu.memory_space<vmem>>
    %dma_wait3A_254 = tpu.memref_squeeze %dma_wait3A_253 : memref<1x80x64xbf16, #tpu.memory_space<vmem>> -> memref<80x64xbf16, #tpu.memory_space<vmem>>
    %dma_wait3A_255 = arith.constant 0 : i32
    %dma_wait3A_256 = arith.constant 0 : i32
    %dma_wait3A_257 = tpu.memref_slice %arg2[%arg0, %dma_wait3A_255, %dma_wait3A_256] : memref<2x10000x64xbf16, #tpu.memory_space<hbm>> -> memref<1x10000x64xbf16, #tpu.memory_space<hbm>>
    %dma_wait3A_258 = tpu.memref_squeeze %dma_wait3A_257 : memref<1x10000x64xbf16, #tpu.memory_space<hbm>> -> memref<10000x64xbf16, #tpu.memory_space<hbm>>
    %dma_wait3A_259 = arith.constant 0 : i32
    %dma_wait3A_260 = arith.constant 0 : i32
    %dma_wait3A_261 = tpu.memref_slice %dma_wait3A_258[%dma_wait3A_259, %dma_wait3A_260] : memref<10000x64xbf16, #tpu.memory_space<hbm>> -> memref<80x64xbf16, #tpu.memory_space<hbm>>
    %dma_wait3A_262 = arith.constant 0 : i32
    %dma_wait3A_263 = arith.constant 0 : i32
    %dma_wait3A_264 = tpu.memref_slice %arg10[%dma_wait3A_250, %dma_wait3A_262, %dma_wait3A_263] : memref<8x80x64xbf16, #tpu.memory_space<vmem>> -> memref<1x80x64xbf16, #tpu.memory_space<vmem>>
    %dma_wait3A_265 = tpu.memref_squeeze %dma_wait3A_264 : memref<1x80x64xbf16, #tpu.memory_space<vmem>> -> memref<80x64xbf16, #tpu.memory_space<vmem>>
    %dma_wait3A_266 = arith.constant 0 : i32
    %dma_wait3A_267 = arith.constant 0 : i32
    %dma_wait3A_268 = tpu.memref_slice %arg2[%arg0, %dma_wait3A_266, %dma_wait3A_267] : memref<2x10000x64xbf16, #tpu.memory_space<hbm>> -> memref<1x10000x64xbf16, #tpu.memory_space<hbm>>
    %dma_wait3A_269 = tpu.memref_squeeze %dma_wait3A_268 : memref<1x10000x64xbf16, #tpu.memory_space<hbm>> -> memref<10000x64xbf16, #tpu.memory_space<hbm>>
    %dma_wait3A_270 = arith.constant 0 : i32
    %dma_wait3A_271 = arith.constant 0 : i32
    %dma_wait3A_272 = tpu.memref_slice %dma_wait3A_269[%dma_wait3A_270, %dma_wait3A_271] : memref<10000x64xbf16, #tpu.memory_space<hbm>> -> memref<80x64xbf16, #tpu.memory_space<hbm>>
    tpu.wait_dma2 semaphore(%arg11 : memref<!tpu.dma_semaphore, #tpu.memory_space<semaphore_mem>>) src(%dma_wait3A_272 : memref<80x64xbf16, #tpu.memory_space<hbm>>) dst(%dma_wait3A_265 : memref<80x64xbf16, #tpu.memory_space<vmem>>)
    %dma_wait3A_273 = arith.constant 0 : i32
    %dma_wait3A_274 = arith.constant 0 : i32
    %dma_wait3A_275 = arith.constant 0 : i32
    %dma_wait3A_276 = tpu.memref_slice %arg10[%dma_wait3A_273, %dma_wait3A_274, %dma_wait3A_275] : memref<8x80x64xbf16, #tpu.memory_space<vmem>> -> memref<1x80x64xbf16, #tpu.memory_space<vmem>>
    %dma_wait3A_277 = tpu.memref_squeeze %dma_wait3A_276 : memref<1x80x64xbf16, #tpu.memory_space<vmem>> -> memref<80x64xbf16, #tpu.memory_space<vmem>>
    %dma_wait3A_278 = arith.constant 0 : i32
    %dma_wait3A_279 = arith.constant 0 : i32
    %dma_wait3A_280 = tpu.memref_slice %arg2[%arg0, %dma_wait3A_278, %dma_wait3A_279] : memref<2x10000x64xbf16, #tpu.memory_space<hbm>> -> memref<1x10000x64xbf16, #tpu.memory_space<hbm>>
    %dma_wait3A_281 = tpu.memref_squeeze %dma_wait3A_280 : memref<1x10000x64xbf16, #tpu.memory_space<hbm>> -> memref<10000x64xbf16, #tpu.memory_space<hbm>>
    %dma_wait3A_282 = arith.constant 0 : i32
    %dma_wait3A_283 = arith.constant 0 : i32
    %dma_wait3A_284 = tpu.memref_slice %dma_wait3A_281[%dma_wait3A_282, %dma_wait3A_283] : memref<10000x64xbf16, #tpu.memory_space<hbm>> -> memref<80x64xbf16, #tpu.memory_space<hbm>>
    %dma_wait3A_285 = arith.constant 0 : i32
    %dma_wait3A_286 = arith.constant 0 : i32
    %dma_wait3A_287 = tpu.memref_slice %arg10[%dma_wait3A_273, %dma_wait3A_285, %dma_wait3A_286] : memref<8x80x64xbf16, #tpu.memory_space<vmem>> -> memref<1x80x64xbf16, #tpu.memory_space<vmem>>
    %dma_wait3A_288 = tpu.memref_squeeze %dma_wait3A_287 : memref<1x80x64xbf16, #tpu.memory_space<vmem>> -> memref<80x64xbf16, #tpu.memory_space<vmem>>
    %dma_wait3A_289 = arith.constant 0 : i32
    %dma_wait3A_290 = arith.constant 0 : i32
    %dma_wait3A_291 = tpu.memref_slice %arg2[%arg0, %dma_wait3A_289, %dma_wait3A_290] : memref<2x10000x64xbf16, #tpu.memory_space<hbm>> -> memref<1x10000x64xbf16, #tpu.memory_space<hbm>>
    %dma_wait3A_292 = tpu.memref_squeeze %dma_wait3A_291 : memref<1x10000x64xbf16, #tpu.memory_space<hbm>> -> memref<10000x64xbf16, #tpu.memory_space<hbm>>
    %dma_wait3A_293 = arith.constant 0 : i32
    %dma_wait3A_294 = arith.constant 0 : i32
    %dma_wait3A_295 = tpu.memref_slice %dma_wait3A_292[%dma_wait3A_293, %dma_wait3A_294] : memref<10000x64xbf16, #tpu.memory_space<hbm>> -> memref<80x64xbf16, #tpu.memory_space<hbm>>
    tpu.wait_dma2 semaphore(%arg11 : memref<!tpu.dma_semaphore, #tpu.memory_space<semaphore_mem>>) src(%dma_wait3A_295 : memref<80x64xbf16, #tpu.memory_space<hbm>>) dst(%dma_wait3A_288 : memref<80x64xbf16, #tpu.memory_space<vmem>>)
    %barrier3A_296 = arith.constant 0 : index
    tpu.barrier barrier_id(%barrier3A_296)
    "tpu.region"() ({
      %run_scoped3A = tpu.sem_alloc : memref<!tpu.dma_semaphore, #tpu.memory_space<semaphore_mem>>
      %dma_start3A_297 = arith.constant 0 : i32
      %dma_start3A_298 = arith.constant 0 : i32
      %dma_start3A_299 = tpu.memref_slice %arg5[%arg0, %dma_start3A_297, %dma_start3A_298] : memref<2x10000x64xbf16, #tpu.memory_space<hbm>> -> memref<1x10000x64xbf16, #tpu.memory_space<hbm>>
      %dma_start3A_300 = tpu.memref_squeeze %dma_start3A_299 : memref<1x10000x64xbf16, #tpu.memory_space<hbm>> -> memref<10000x64xbf16, #tpu.memory_space<hbm>>
      %dma_start3A_301 = arith.constant 0 : i32
      %dma_start3A_302 = tpu.memref_slice %dma_start3A_300[%mul3A_0, %dma_start3A_301] : memref<10000x64xbf16, #tpu.memory_space<hbm>> -> memref<625x64xbf16, #tpu.memory_space<hbm>>
      %dma_start3A_303 = arith.constant 0 : i32
      %dma_start3A_304 = tpu.memref_slice %arg7[%mul3A_0, %dma_start3A_303] : memref<10080x64xbf16, #tpu.memory_space<vmem_shared>> -> memref<625x64xbf16, #tpu.memory_space<vmem_shared>>
      tpu.enqueue_dma source(%dma_start3A_304 : memref<625x64xbf16, #tpu.memory_space<vmem_shared>>) target(%dma_start3A_302 : memref<625x64xbf16, #tpu.memory_space<hbm>>) target_semaphore(%run_scoped3A : memref<!tpu.dma_semaphore, #tpu.memory_space<semaphore_mem>>)
      %dma_wait3A_305 = arith.constant 0 : i32
      %dma_wait3A_306 = arith.constant 0 : i32
      %dma_wait3A_307 = tpu.memref_slice %arg5[%arg0, %dma_wait3A_305, %dma_wait3A_306] : memref<2x10000x64xbf16, #tpu.memory_space<hbm>> -> memref<1x10000x64xbf16, #tpu.memory_space<hbm>>
      %dma_wait3A_308 = tpu.memref_squeeze %dma_wait3A_307 : memref<1x10000x64xbf16, #tpu.memory_space<hbm>> -> memref<10000x64xbf16, #tpu.memory_space<hbm>>
      %dma_wait3A_309 = arith.constant 0 : i32
      %dma_wait3A_310 = tpu.memref_slice %dma_wait3A_308[%mul3A_0, %dma_wait3A_309] : memref<10000x64xbf16, #tpu.memory_space<hbm>> -> memref<625x64xbf16, #tpu.memory_space<hbm>>
      %dma_wait3A_311 = arith.constant 0 : i32
      %dma_wait3A_312 = tpu.memref_slice %arg7[%mul3A_0, %dma_wait3A_311] : memref<10080x64xbf16, #tpu.memory_space<vmem_shared>> -> memref<625x64xbf16, #tpu.memory_space<vmem_shared>>
      tpu.wait_dma2 semaphore(%run_scoped3A : memref<!tpu.dma_semaphore, #tpu.memory_space<semaphore_mem>>) src(%dma_wait3A_312 : memref<625x64xbf16, #tpu.memory_space<vmem_shared>>) dst(%dma_wait3A_310 : memref<625x64xbf16, #tpu.memory_space<hbm>>)
      tpu.yield
    }) : () -> ()
    return
  }
}

#map = affine_map<(d0, d1) -> (0, 0, 0)>
module attributes {stable_mosaic.version = 14 : i64} {
  func.func @_sc_body(%arg0: i32, %arg1: i32, %arg2: memref<2x10000x64xbf16, #tpu.memory_space<hbm>>, %arg3: memref<16x256x80xi32, #tpu.memory_space<hbm>>, %arg4: memref<16x256x80xi32, #tpu.memory_space<hbm>>, %arg5: memref<2x10000x64xbf16, #tpu.memory_space<hbm>>, %arg6: memref<10000x64xbf16, #tpu.memory_space<vmem_shared>>, %arg7: memref<10080x64xbf16, #tpu.memory_space<vmem_shared>>, %arg8: memref<256x80xi32, #tpu.memory_space<vmem>>, %arg9: memref<256x80xi32, #tpu.memory_space<vmem>>, %arg10: memref<8x80x64xbf16, #tpu.memory_space<vmem>>, %arg11: memref<!tpu.dma_semaphore, #tpu.memory_space<semaphore_mem>>, %arg12: memref<!tpu.dma_semaphore, #tpu.memory_space<semaphore_mem>>, %arg13: memref<!tpu.dma_semaphore, #tpu.memory_space<semaphore_mem>>, %arg14: memref<!tpu.dma_semaphore, #tpu.memory_space<semaphore_mem>>) attributes {dimension_semantics = [#tpu.dimension_semantics<core_parallel>, #tpu.dimension_semantics<subcore_parallel>], iteration_bounds = array<i64: 2, 16>, scalar_prefetch = 0 : i64, scratch_operands = 9 : i64, tpu.core_type = #tpu.core_type<sc_vector_subcore>, window_params = [{transform_indices = #map}, {transform_indices = #map}, {transform_indices = #map}, {transform_indices = #map}]} {
    "tpu.region"() ({
      %run_scoped3A = tpu.sem_alloc : memref<!tpu.dma_semaphore, #tpu.memory_space<semaphore_mem>>
      %dma_start3A_297 = arith.constant 0 : i32
      %dma_start3A_298 = arith.constant 0 : i32
      %dma_start3A_299 = tpu.memref_slice %arg3[%arg1, %dma_start3A_297, %dma_start3A_298] : memref<16x256x80xi32, #tpu.memory_space<hbm>> -> memref<1x256x80xi32, #tpu.memory_space<hbm>>
      %dma_start3A_300 = tpu.memref_squeeze %dma_start3A_299 : memref<1x256x80xi32, #tpu.memory_space<hbm>> -> memref<256x80xi32, #tpu.memory_space<hbm>>
      %dma_start3A_301 = arith.constant 0 : i32
      %dma_start3A_302 = arith.constant 0 : i32
      %dma_start3A_303 = tpu.memref_slice %arg3[%arg1, %dma_start3A_301, %dma_start3A_302] : memref<16x256x80xi32, #tpu.memory_space<hbm>> -> memref<1x256x80xi32, #tpu.memory_space<hbm>>
      %dma_start3A_304 = tpu.memref_squeeze %dma_start3A_303 : memref<1x256x80xi32, #tpu.memory_space<hbm>> -> memref<256x80xi32, #tpu.memory_space<hbm>>
      tpu.enqueue_dma source(%dma_start3A_304 : memref<256x80xi32, #tpu.memory_space<hbm>>) target(%arg8 : memref<256x80xi32, #tpu.memory_space<vmem>>) target_semaphore(%run_scoped3A : memref<!tpu.dma_semaphore, #tpu.memory_space<semaphore_mem>>)
      %dma_wait3A_305 = arith.constant 0 : i32
      %dma_wait3A_306 = arith.constant 0 : i32
      %dma_wait3A_307 = tpu.memref_slice %arg3[%arg1, %dma_wait3A_305, %dma_wait3A_306] : memref<16x256x80xi32, #tpu.memory_space<hbm>> -> memref<1x256x80xi32, #tpu.memory_space<hbm>>
      %dma_wait3A_308 = tpu.memref_squeeze %dma_wait3A_307 : memref<1x256x80xi32, #tpu.memory_space<hbm>> -> memref<256x80xi32, #tpu.memory_space<hbm>>
      %dma_wait3A_309 = arith.constant 0 : i32
      %dma_wait3A_310 = arith.constant 0 : i32
      %dma_wait3A_311 = tpu.memref_slice %arg3[%arg1, %dma_wait3A_309, %dma_wait3A_310] : memref<16x256x80xi32, #tpu.memory_space<hbm>> -> memref<1x256x80xi32, #tpu.memory_space<hbm>>
      %dma_wait3A_312 = tpu.memref_squeeze %dma_wait3A_311 : memref<1x256x80xi32, #tpu.memory_space<hbm>> -> memref<256x80xi32, #tpu.memory_space<hbm>>
      tpu.wait_dma2 semaphore(%run_scoped3A : memref<!tpu.dma_semaphore, #tpu.memory_space<semaphore_mem>>) src(%dma_wait3A_312 : memref<256x80xi32, #tpu.memory_space<hbm>>) dst(%arg8 : memref<256x80xi32, #tpu.memory_space<vmem>>)
      tpu.yield
    }) : () -> ()
    "tpu.region"() ({
      %run_scoped3A = tpu.sem_alloc : memref<!tpu.dma_semaphore, #tpu.memory_space<semaphore_mem>>
      %dma_start3A_297 = arith.constant 0 : i32
      %dma_start3A_298 = arith.constant 0 : i32
      %dma_start3A_299 = tpu.memref_slice %arg4[%arg1, %dma_start3A_297, %dma_start3A_298] : memref<16x256x80xi32, #tpu.memory_space<hbm>> -> memref<1x256x80xi32, #tpu.memory_space<hbm>>
      %dma_start3A_300 = tpu.memref_squeeze %dma_start3A_299 : memref<1x256x80xi32, #tpu.memory_space<hbm>> -> memref<256x80xi32, #tpu.memory_space<hbm>>
      %dma_start3A_301 = arith.constant 0 : i32
      %dma_start3A_302 = arith.constant 0 : i32
      %dma_start3A_303 = tpu.memref_slice %arg4[%arg1, %dma_start3A_301, %dma_start3A_302] : memref<16x256x80xi32, #tpu.memory_space<hbm>> -> memref<1x256x80xi32, #tpu.memory_space<hbm>>
      %dma_start3A_304 = tpu.memref_squeeze %dma_start3A_303 : memref<1x256x80xi32, #tpu.memory_space<hbm>> -> memref<256x80xi32, #tpu.memory_space<hbm>>
      tpu.enqueue_dma source(%dma_start3A_304 : memref<256x80xi32, #tpu.memory_space<hbm>>) target(%arg9 : memref<256x80xi32, #tpu.memory_space<vmem>>) target_semaphore(%run_scoped3A : memref<!tpu.dma_semaphore, #tpu.memory_space<semaphore_mem>>)
      %dma_wait3A_305 = arith.constant 0 : i32
      %dma_wait3A_306 = arith.constant 0 : i32
      %dma_wait3A_307 = tpu.memref_slice %arg4[%arg1, %dma_wait3A_305, %dma_wait3A_306] : memref<16x256x80xi32, #tpu.memory_space<hbm>> -> memref<1x256x80xi32, #tpu.memory_space<hbm>>
      %dma_wait3A_308 = tpu.memref_squeeze %dma_wait3A_307 : memref<1x256x80xi32, #tpu.memory_space<hbm>> -> memref<256x80xi32, #tpu.memory_space<hbm>>
      %dma_wait3A_309 = arith.constant 0 : i32
      %dma_wait3A_310 = arith.constant 0 : i32
      %dma_wait3A_311 = tpu.memref_slice %arg4[%arg1, %dma_wait3A_309, %dma_wait3A_310] : memref<16x256x80xi32, #tpu.memory_space<hbm>> -> memref<1x256x80xi32, #tpu.memory_space<hbm>>
      %dma_wait3A_312 = tpu.memref_squeeze %dma_wait3A_311 : memref<1x256x80xi32, #tpu.memory_space<hbm>> -> memref<256x80xi32, #tpu.memory_space<hbm>>
      tpu.wait_dma2 semaphore(%run_scoped3A : memref<!tpu.dma_semaphore, #tpu.memory_space<semaphore_mem>>) src(%dma_wait3A_312 : memref<256x80xi32, #tpu.memory_space<hbm>>) dst(%arg9 : memref<256x80xi32, #tpu.memory_space<vmem>>)
      tpu.yield
    }) : () -> ()
    %mul3A = arith.constant 625 : i32
    %mul3A_0 = arith.muli %arg1, %mul3A : i32
    "tpu.region"() ({
      %run_scoped3A = tpu.sem_alloc : memref<!tpu.dma_semaphore, #tpu.memory_space<semaphore_mem>>
      %dma_start3A_297 = arith.constant 0 : i32
      %dma_start3A_298 = tpu.memref_slice %arg6[%mul3A_0, %dma_start3A_297] : memref<10000x64xbf16, #tpu.memory_space<vmem_shared>> -> memref<625x64xbf16, #tpu.memory_space<vmem_shared>>
      %dma_start3A_299 = arith.constant 0 : i32
      %dma_start3A_300 = arith.constant 0 : i32
      %dma_start3A_301 = tpu.memref_slice %arg2[%arg0, %dma_start3A_299, %dma_start3A_300] : memref<2x10000x64xbf16, #tpu.memory_space<hbm>> -> memref<1x10000x64xbf16, #tpu.memory_space<hbm>>
      %dma_start3A_302 = tpu.memref_squeeze %dma_start3A_301 : memref<1x10000x64xbf16, #tpu.memory_space<hbm>> -> memref<10000x64xbf16, #tpu.memory_space<hbm>>
      %dma_start3A_303 = arith.constant 0 : i32
      %dma_start3A_304 = tpu.memref_slice %dma_start3A_302[%mul3A_0, %dma_start3A_303] : memref<10000x64xbf16, #tpu.memory_space<hbm>> -> memref<625x64xbf16, #tpu.memory_space<hbm>>
      tpu.enqueue_dma source(%dma_start3A_304 : memref<625x64xbf16, #tpu.memory_space<hbm>>) target(%dma_start3A_298 : memref<625x64xbf16, #tpu.memory_space<vmem_shared>>) target_semaphore(%run_scoped3A : memref<!tpu.dma_semaphore, #tpu.memory_space<semaphore_mem>>)
      %dma_wait3A_305 = arith.constant 0 : i32
      %dma_wait3A_306 = tpu.memref_slice %arg6[%mul3A_0, %dma_wait3A_305] : memref<10000x64xbf16, #tpu.memory_space<vmem_shared>> -> memref<625x64xbf16, #tpu.memory_space<vmem_shared>>
      %dma_wait3A_307 = arith.constant 0 : i32
      %dma_wait3A_308 = arith.constant 0 : i32
      %dma_wait3A_309 = tpu.memref_slice %arg2[%arg0, %dma_wait3A_307, %dma_wait3A_308] : memref<2x10000x64xbf16, #tpu.memory_space<hbm>> -> memref<1x10000x64xbf16, #tpu.memory_space<hbm>>
      %dma_wait3A_310 = tpu.memref_squeeze %dma_wait3A_309 : memref<1x10000x64xbf16, #tpu.memory_space<hbm>> -> memref<10000x64xbf16, #tpu.memory_space<hbm>>
      %dma_wait3A_311 = arith.constant 0 : i32
      %dma_wait3A_312 = tpu.memref_slice %dma_wait3A_310[%mul3A_0, %dma_wait3A_311] : memref<10000x64xbf16, #tpu.memory_space<hbm>> -> memref<625x64xbf16, #tpu.memory_space<hbm>>
      tpu.wait_dma2 semaphore(%run_scoped3A : memref<!tpu.dma_semaphore, #tpu.memory_space<semaphore_mem>>) src(%dma_wait3A_312 : memref<625x64xbf16, #tpu.memory_space<hbm>>) dst(%dma_wait3A_306 : memref<625x64xbf16, #tpu.memory_space<vmem_shared>>)
      tpu.yield
    }) : () -> ()
    "tpu.region"() ({
      %run_scoped3A = tpu.sem_alloc : memref<!tpu.dma_semaphore, #tpu.memory_space<semaphore_mem>>
      %dma_start3A_297 = arith.constant 0 : i32
      %dma_start3A_298 = tpu.memref_slice %arg7[%mul3A_0, %dma_start3A_297] : memref<10080x64xbf16, #tpu.memory_space<vmem_shared>> -> memref<625x64xbf16, #tpu.memory_space<vmem_shared>>
      %dma_start3A_299 = arith.constant 0 : i32
      %dma_start3A_300 = arith.constant 0 : i32
      %dma_start3A_301 = tpu.memref_slice %arg2[%arg0, %dma_start3A_299, %dma_start3A_300] : memref<2x10000x64xbf16, #tpu.memory_space<hbm>> -> memref<1x10000x64xbf16, #tpu.memory_space<hbm>>
      %dma_start3A_302 = tpu.memref_squeeze %dma_start3A_301 : memref<1x10000x64xbf16, #tpu.memory_space<hbm>> -> memref<10000x64xbf16, #tpu.memory_space<hbm>>
      %dma_start3A_303 = arith.constant 0 : i32
      %dma_start3A_304 = tpu.memref_slice %dma_start3A_302[%mul3A_0, %dma_start3A_303] : memref<10000x64xbf16, #tpu.memory_space<hbm>> -> memref<625x64xbf16, #tpu.memory_space<hbm>>
      tpu.enqueue_dma source(%dma_start3A_304 : memref<625x64xbf16, #tpu.memory_space<hbm>>) target(%dma_start3A_298 : memref<625x64xbf16, #tpu.memory_space<vmem_shared>>) target_semaphore(%run_scoped3A : memref<!tpu.dma_semaphore, #tpu.memory_space<semaphore_mem>>)
      %dma_wait3A_305 = arith.constant 0 : i32
      %dma_wait3A_306 = tpu.memref_slice %arg7[%mul3A_0, %dma_wait3A_305] : memref<10080x64xbf16, #tpu.memory_space<vmem_shared>> -> memref<625x64xbf16, #tpu.memory_space<vmem_shared>>
      %dma_wait3A_307 = arith.constant 0 : i32
      %dma_wait3A_308 = arith.constant 0 : i32
      %dma_wait3A_309 = tpu.memref_slice %arg2[%arg0, %dma_wait3A_307, %dma_wait3A_308] : memref<2x10000x64xbf16, #tpu.memory_space<hbm>> -> memref<1x10000x64xbf16, #tpu.memory_space<hbm>>
      %dma_wait3A_310 = tpu.memref_squeeze %dma_wait3A_309 : memref<1x10000x64xbf16, #tpu.memory_space<hbm>> -> memref<10000x64xbf16, #tpu.memory_space<hbm>>
      %dma_wait3A_311 = arith.constant 0 : i32
      %dma_wait3A_312 = tpu.memref_slice %dma_wait3A_310[%mul3A_0, %dma_wait3A_311] : memref<10000x64xbf16, #tpu.memory_space<hbm>> -> memref<625x64xbf16, #tpu.memory_space<hbm>>
      tpu.wait_dma2 semaphore(%run_scoped3A : memref<!tpu.dma_semaphore, #tpu.memory_space<semaphore_mem>>) src(%dma_wait3A_312 : memref<625x64xbf16, #tpu.memory_space<hbm>>) dst(%dma_wait3A_306 : memref<625x64xbf16, #tpu.memory_space<vmem_shared>>)
      tpu.yield
    }) : () -> ()
    %barrier3A = arith.constant 0 : index
    tpu.barrier barrier_id(%barrier3A)
    %dma_start3A = arith.constant 0 : i32
    %dma_start3A_1 = arith.constant 0 : i32
    %dma_start3A_2 = arith.constant 0 : i32
    %dma_start3A_3 = arith.constant 0 : i32
    %dma_start3A_4 = tpu.memref_slice %arg10[%dma_start3A_1, %dma_start3A_2, %dma_start3A_3] : memref<8x80x64xbf16, #tpu.memory_space<vmem>> -> memref<1x80x64xbf16, #tpu.memory_space<vmem>>
    %dma_start3A_5 = tpu.memref_squeeze %dma_start3A_4 : memref<1x80x64xbf16, #tpu.memory_space<vmem>> -> memref<80x64xbf16, #tpu.memory_space<vmem>>
    %dma_start3A_6 = arith.constant 0 : i32
    %dma_start3A_7 = tpu.memref_slice %arg8[%dma_start3A, %dma_start3A_6] : memref<256x80xi32, #tpu.memory_space<vmem>> -> memref<1x80xi32, #tpu.memory_space<vmem>>
    %dma_start3A_8 = tpu.memref_squeeze %dma_start3A_7 : memref<1x80xi32, #tpu.memory_space<vmem>> -> memref<80xi32, #tpu.memory_space<vmem>>
    %dma_start3A_9 = arith.constant 0 : i32
    %dma_start3A_10 = arith.constant 0 : i32
    %dma_start3A_11 = tpu.memref_slice %arg6[%dma_start3A_9, %dma_start3A_10] : memref<10000x64xbf16, #tpu.memory_space<vmem_shared>> -> memref<10000x64xbf16, #tpu.memory_space<vmem_shared>>
    tpu.enqueue_indirect_dma source(%dma_start3A_11 : memref<10000x64xbf16, #tpu.memory_space<vmem_shared>>) target(%dma_start3A_5 : memref<80x64xbf16, #tpu.memory_space<vmem>>) offsets(%dma_start3A_8 : memref<80xi32, #tpu.memory_space<vmem>>) semaphore(%arg11 : memref<!tpu.dma_semaphore, #tpu.memory_space<semaphore_mem>>)
    %dma_start3A_12 = arith.constant 1 : i32
    %dma_start3A_13 = arith.constant 1 : i32
    %dma_start3A_14 = arith.constant 0 : i32
    %dma_start3A_15 = arith.constant 0 : i32
    %dma_start3A_16 = tpu.memref_slice %arg10[%dma_start3A_13, %dma_start3A_14, %dma_start3A_15] : memref<8x80x64xbf16, #tpu.memory_space<vmem>> -> memref<1x80x64xbf16, #tpu.memory_space<vmem>>
    %dma_start3A_17 = tpu.memref_squeeze %dma_start3A_16 : memref<1x80x64xbf16, #tpu.memory_space<vmem>> -> memref<80x64xbf16, #tpu.memory_space<vmem>>
    %dma_start3A_18 = arith.constant 0 : i32
    %dma_start3A_19 = tpu.memref_slice %arg8[%dma_start3A_12, %dma_start3A_18] : memref<256x80xi32, #tpu.memory_space<vmem>> -> memref<1x80xi32, #tpu.memory_space<vmem>>
    %dma_start3A_20 = tpu.memref_squeeze %dma_start3A_19 : memref<1x80xi32, #tpu.memory_space<vmem>> -> memref<80xi32, #tpu.memory_space<vmem>>
    %dma_start3A_21 = arith.constant 0 : i32
    %dma_start3A_22 = arith.constant 0 : i32
    %dma_start3A_23 = tpu.memref_slice %arg6[%dma_start3A_21, %dma_start3A_22] : memref<10000x64xbf16, #tpu.memory_space<vmem_shared>> -> memref<10000x64xbf16, #tpu.memory_space<vmem_shared>>
    tpu.enqueue_indirect_dma source(%dma_start3A_23 : memref<10000x64xbf16, #tpu.memory_space<vmem_shared>>) target(%dma_start3A_17 : memref<80x64xbf16, #tpu.memory_space<vmem>>) offsets(%dma_start3A_20 : memref<80xi32, #tpu.memory_space<vmem>>) semaphore(%arg11 : memref<!tpu.dma_semaphore, #tpu.memory_space<semaphore_mem>>)
    %dma_start3A_24 = arith.constant 2 : i32
    %dma_start3A_25 = arith.constant 2 : i32
    %dma_start3A_26 = arith.constant 0 : i32
    %dma_start3A_27 = arith.constant 0 : i32
    %dma_start3A_28 = tpu.memref_slice %arg10[%dma_start3A_25, %dma_start3A_26, %dma_start3A_27] : memref<8x80x64xbf16, #tpu.memory_space<vmem>> -> memref<1x80x64xbf16, #tpu.memory_space<vmem>>
    %dma_start3A_29 = tpu.memref_squeeze %dma_start3A_28 : memref<1x80x64xbf16, #tpu.memory_space<vmem>> -> memref<80x64xbf16, #tpu.memory_space<vmem>>
    %dma_start3A_30 = arith.constant 0 : i32
    %dma_start3A_31 = tpu.memref_slice %arg8[%dma_start3A_24, %dma_start3A_30] : memref<256x80xi32, #tpu.memory_space<vmem>> -> memref<1x80xi32, #tpu.memory_space<vmem>>
    %dma_start3A_32 = tpu.memref_squeeze %dma_start3A_31 : memref<1x80xi32, #tpu.memory_space<vmem>> -> memref<80xi32, #tpu.memory_space<vmem>>
    %dma_start3A_33 = arith.constant 0 : i32
    %dma_start3A_34 = arith.constant 0 : i32
    %dma_start3A_35 = tpu.memref_slice %arg6[%dma_start3A_33, %dma_start3A_34] : memref<10000x64xbf16, #tpu.memory_space<vmem_shared>> -> memref<10000x64xbf16, #tpu.memory_space<vmem_shared>>
    tpu.enqueue_indirect_dma source(%dma_start3A_35 : memref<10000x64xbf16, #tpu.memory_space<vmem_shared>>) target(%dma_start3A_29 : memref<80x64xbf16, #tpu.memory_space<vmem>>) offsets(%dma_start3A_32 : memref<80xi32, #tpu.memory_space<vmem>>) semaphore(%arg11 : memref<!tpu.dma_semaphore, #tpu.memory_space<semaphore_mem>>)
    %dma_start3A_36 = arith.constant 3 : i32
    %dma_start3A_37 = arith.constant 3 : i32
    %dma_start3A_38 = arith.constant 0 : i32
    %dma_start3A_39 = arith.constant 0 : i32
    %dma_start3A_40 = tpu.memref_slice %arg10[%dma_start3A_37, %dma_start3A_38, %dma_start3A_39] : memref<8x80x64xbf16, #tpu.memory_space<vmem>> -> memref<1x80x64xbf16, #tpu.memory_space<vmem>>
    %dma_start3A_41 = tpu.memref_squeeze %dma_start3A_40 : memref<1x80x64xbf16, #tpu.memory_space<vmem>> -> memref<80x64xbf16, #tpu.memory_space<vmem>>
    %dma_start3A_42 = arith.constant 0 : i32
    %dma_start3A_43 = tpu.memref_slice %arg8[%dma_start3A_36, %dma_start3A_42] : memref<256x80xi32, #tpu.memory_space<vmem>> -> memref<1x80xi32, #tpu.memory_space<vmem>>
    %dma_start3A_44 = tpu.memref_squeeze %dma_start3A_43 : memref<1x80xi32, #tpu.memory_space<vmem>> -> memref<80xi32, #tpu.memory_space<vmem>>
    %dma_start3A_45 = arith.constant 0 : i32
    %dma_start3A_46 = arith.constant 0 : i32
    %dma_start3A_47 = tpu.memref_slice %arg6[%dma_start3A_45, %dma_start3A_46] : memref<10000x64xbf16, #tpu.memory_space<vmem_shared>> -> memref<10000x64xbf16, #tpu.memory_space<vmem_shared>>
    tpu.enqueue_indirect_dma source(%dma_start3A_47 : memref<10000x64xbf16, #tpu.memory_space<vmem_shared>>) target(%dma_start3A_41 : memref<80x64xbf16, #tpu.memory_space<vmem>>) offsets(%dma_start3A_44 : memref<80xi32, #tpu.memory_space<vmem>>) semaphore(%arg11 : memref<!tpu.dma_semaphore, #tpu.memory_space<semaphore_mem>>)
    %dma_start3A_48 = arith.constant 4 : i32
    %dma_start3A_49 = arith.constant 0 : i32
    %dma_start3A_50 = arith.constant 0 : i32
    %dma_start3A_51 = tpu.memref_slice %arg10[%dma_start3A_48, %dma_start3A_49, %dma_start3A_50] : memref<8x80x64xbf16, #tpu.memory_space<vmem>> -> memref<1x80x64xbf16, #tpu.memory_space<vmem>>
    %dma_start3A_52 = tpu.memref_squeeze %dma_start3A_51 : memref<1x80x64xbf16, #tpu.memory_space<vmem>> -> memref<80x64xbf16, #tpu.memory_space<vmem>>
    %dma_start3A_53 = arith.constant 10000 : i32
    %dma_start3A_54 = arith.constant 0 : i32
    %dma_start3A_55 = tpu.memref_slice %arg7[%dma_start3A_53, %dma_start3A_54] : memref<10080x64xbf16, #tpu.memory_space<vmem_shared>> -> memref<80x64xbf16, #tpu.memory_space<vmem_shared>>
    %dma_start3A_56 = arith.constant 10000 : i32
    %dma_start3A_57 = arith.constant 0 : i32
    %dma_start3A_58 = tpu.memref_slice %arg7[%dma_start3A_56, %dma_start3A_57] : memref<10080x64xbf16, #tpu.memory_space<vmem_shared>> -> memref<80x64xbf16, #tpu.memory_space<vmem_shared>>
    %dma_start3A_59 = arith.constant 0 : i32
    %dma_start3A_60 = arith.constant 0 : i32
    %dma_start3A_61 = tpu.memref_slice %arg10[%dma_start3A_48, %dma_start3A_59, %dma_start3A_60] : memref<8x80x64xbf16, #tpu.memory_space<vmem>> -> memref<1x80x64xbf16, #tpu.memory_space<vmem>>
    %dma_start3A_62 = tpu.memref_squeeze %dma_start3A_61 : memref<1x80x64xbf16, #tpu.memory_space<vmem>> -> memref<80x64xbf16, #tpu.memory_space<vmem>>
    tpu.enqueue_dma source(%dma_start3A_62 : memref<80x64xbf16, #tpu.memory_space<vmem>>) target(%dma_start3A_58 : memref<80x64xbf16, #tpu.memory_space<vmem_shared>>) target_semaphore(%arg14 : memref<!tpu.dma_semaphore, #tpu.memory_space<semaphore_mem>>)
    %dma_start3A_63 = arith.constant 5 : i32
    %dma_start3A_64 = arith.constant 0 : i32
    %dma_start3A_65 = arith.constant 0 : i32
    %dma_start3A_66 = tpu.memref_slice %arg10[%dma_start3A_63, %dma_start3A_64, %dma_start3A_65] : memref<8x80x64xbf16, #tpu.memory_space<vmem>> -> memref<1x80x64xbf16, #tpu.memory_space<vmem>>
    %dma_start3A_67 = tpu.memref_squeeze %dma_start3A_66 : memref<1x80x64xbf16, #tpu.memory_space<vmem>> -> memref<80x64xbf16, #tpu.memory_space<vmem>>
    %dma_start3A_68 = arith.constant 10000 : i32
    %dma_start3A_69 = arith.constant 0 : i32
    %dma_start3A_70 = tpu.memref_slice %arg7[%dma_start3A_68, %dma_start3A_69] : memref<10080x64xbf16, #tpu.memory_space<vmem_shared>> -> memref<80x64xbf16, #tpu.memory_space<vmem_shared>>
    %dma_start3A_71 = arith.constant 10000 : i32
    %dma_start3A_72 = arith.constant 0 : i32
    %dma_start3A_73 = tpu.memref_slice %arg7[%dma_start3A_71, %dma_start3A_72] : memref<10080x64xbf16, #tpu.memory_space<vmem_shared>> -> memref<80x64xbf16, #tpu.memory_space<vmem_shared>>
    %dma_start3A_74 = arith.constant 0 : i32
    %dma_start3A_75 = arith.constant 0 : i32
    %dma_start3A_76 = tpu.memref_slice %arg10[%dma_start3A_63, %dma_start3A_74, %dma_start3A_75] : memref<8x80x64xbf16, #tpu.memory_space<vmem>> -> memref<1x80x64xbf16, #tpu.memory_space<vmem>>
    %dma_start3A_77 = tpu.memref_squeeze %dma_start3A_76 : memref<1x80x64xbf16, #tpu.memory_space<vmem>> -> memref<80x64xbf16, #tpu.memory_space<vmem>>
    tpu.enqueue_dma source(%dma_start3A_77 : memref<80x64xbf16, #tpu.memory_space<vmem>>) target(%dma_start3A_73 : memref<80x64xbf16, #tpu.memory_space<vmem_shared>>) target_semaphore(%arg14 : memref<!tpu.dma_semaphore, #tpu.memory_space<semaphore_mem>>)
    %dma_start3A_78 = arith.constant 6 : i32
    %dma_start3A_79 = arith.constant 0 : i32
    %dma_start3A_80 = arith.constant 0 : i32
    %dma_start3A_81 = tpu.memref_slice %arg10[%dma_start3A_78, %dma_start3A_79, %dma_start3A_80] : memref<8x80x64xbf16, #tpu.memory_space<vmem>> -> memref<1x80x64xbf16, #tpu.memory_space<vmem>>
    %dma_start3A_82 = tpu.memref_squeeze %dma_start3A_81 : memref<1x80x64xbf16, #tpu.memory_space<vmem>> -> memref<80x64xbf16, #tpu.memory_space<vmem>>
    %dma_start3A_83 = arith.constant 10000 : i32
    %dma_start3A_84 = arith.constant 0 : i32
    %dma_start3A_85 = tpu.memref_slice %arg7[%dma_start3A_83, %dma_start3A_84] : memref<10080x64xbf16, #tpu.memory_space<vmem_shared>> -> memref<80x64xbf16, #tpu.memory_space<vmem_shared>>
    %dma_start3A_86 = arith.constant 10000 : i32
    %dma_start3A_87 = arith.constant 0 : i32
    %dma_start3A_88 = tpu.memref_slice %arg7[%dma_start3A_86, %dma_start3A_87] : memref<10080x64xbf16, #tpu.memory_space<vmem_shared>> -> memref<80x64xbf16, #tpu.memory_space<vmem_shared>>
    %dma_start3A_89 = arith.constant 0 : i32
    %dma_start3A_90 = arith.constant 0 : i32
    %dma_start3A_91 = tpu.memref_slice %arg10[%dma_start3A_78, %dma_start3A_89, %dma_start3A_90] : memref<8x80x64xbf16, #tpu.memory_space<vmem>> -> memref<1x80x64xbf16, #tpu.memory_space<vmem>>
    %dma_start3A_92 = tpu.memref_squeeze %dma_start3A_91 : memref<1x80x64xbf16, #tpu.memory_space<vmem>> -> memref<80x64xbf16, #tpu.memory_space<vmem>>
    tpu.enqueue_dma source(%dma_start3A_92 : memref<80x64xbf16, #tpu.memory_space<vmem>>) target(%dma_start3A_88 : memref<80x64xbf16, #tpu.memory_space<vmem_shared>>) target_semaphore(%arg14 : memref<!tpu.dma_semaphore, #tpu.memory_space<semaphore_mem>>)
    %dma_start3A_93 = arith.constant 7 : i32
    %dma_start3A_94 = arith.constant 0 : i32
    %dma_start3A_95 = arith.constant 0 : i32
    %dma_start3A_96 = tpu.memref_slice %arg10[%dma_start3A_93, %dma_start3A_94, %dma_start3A_95] : memref<8x80x64xbf16, #tpu.memory_space<vmem>> -> memref<1x80x64xbf16, #tpu.memory_space<vmem>>
    %dma_start3A_97 = tpu.memref_squeeze %dma_start3A_96 : memref<1x80x64xbf16, #tpu.memory_space<vmem>> -> memref<80x64xbf16, #tpu.memory_space<vmem>>
    %dma_start3A_98 = arith.constant 10000 : i32
    %dma_start3A_99 = arith.constant 0 : i32
    %dma_start3A_100 = tpu.memref_slice %arg7[%dma_start3A_98, %dma_start3A_99] : memref<10080x64xbf16, #tpu.memory_space<vmem_shared>> -> memref<80x64xbf16, #tpu.memory_space<vmem_shared>>
    %dma_start3A_101 = arith.constant 10000 : i32
    %dma_start3A_102 = arith.constant 0 : i32
    %dma_start3A_103 = tpu.memref_slice %arg7[%dma_start3A_101, %dma_start3A_102] : memref<10080x64xbf16, #tpu.memory_space<vmem_shared>> -> memref<80x64xbf16, #tpu.memory_space<vmem_shared>>
    %dma_start3A_104 = arith.constant 0 : i32
    %dma_start3A_105 = arith.constant 0 : i32
    %dma_start3A_106 = tpu.memref_slice %arg10[%dma_start3A_93, %dma_start3A_104, %dma_start3A_105] : memref<8x80x64xbf16, #tpu.memory_space<vmem>> -> memref<1x80x64xbf16, #tpu.memory_space<vmem>>
    %dma_start3A_107 = tpu.memref_squeeze %dma_start3A_106 : memref<1x80x64xbf16, #tpu.memory_space<vmem>> -> memref<80x64xbf16, #tpu.memory_space<vmem>>
    tpu.enqueue_dma source(%dma_start3A_107 : memref<80x64xbf16, #tpu.memory_space<vmem>>) target(%dma_start3A_103 : memref<80x64xbf16, #tpu.memory_space<vmem_shared>>) target_semaphore(%arg14 : memref<!tpu.dma_semaphore, #tpu.memory_space<semaphore_mem>>)
    %scan3A = arith.constant 0 : i32
    %scan3A_108 = arith.constant 0 : i32
    %scan3A_109 = arith.constant 32 : i32
    %scan3A_110 = arith.addi %scan3A_108, %scan3A_109 : i32
    %scan3A_111 = arith.constant 1 : i32
    scf.for %scan3A_297 = %scan3A_108 to %scan3A_110 step %scan3A_111  : i32 {
      %mul3A_298 = arith.constant 2 : i32
      %mul3A_299 = arith.muli %mul3A_298, %scan3A_297 : i32
      %add3A = arith.constant 1 : i32
      %add3A_300 = arith.addi %mul3A_299, %add3A : i32
      %add3A_301 = arith.constant 2 : i32
      %add3A_302 = arith.addi %mul3A_299, %add3A_301 : i32
      %rem3A = arith.constant 256 : i32
      %rem3A_303 = arith.remsi %add3A_302, %rem3A : i32
      %dma_wait3A_304 = arith.constant 0 : i32
      %dma_wait3A_305 = arith.constant 0 : i32
      %dma_wait3A_306 = arith.constant 0 : i32
      %dma_wait3A_307 = tpu.memref_slice %arg10[%dma_wait3A_304, %dma_wait3A_305, %dma_wait3A_306] : memref<8x80x64xbf16, #tpu.memory_space<vmem>> -> memref<1x80x64xbf16, #tpu.memory_space<vmem>>
      %dma_wait3A_308 = tpu.memref_squeeze %dma_wait3A_307 : memref<1x80x64xbf16, #tpu.memory_space<vmem>> -> memref<80x64xbf16, #tpu.memory_space<vmem>>
      %dma_wait3A_309 = arith.constant 0 : i32
      %dma_wait3A_310 = arith.constant 0 : i32
      %dma_wait3A_311 = tpu.memref_slice %arg2[%arg0, %dma_wait3A_309, %dma_wait3A_310] : memref<2x10000x64xbf16, #tpu.memory_space<hbm>> -> memref<1x10000x64xbf16, #tpu.memory_space<hbm>>
      %dma_wait3A_312 = tpu.memref_squeeze %dma_wait3A_311 : memref<1x10000x64xbf16, #tpu.memory_space<hbm>> -> memref<10000x64xbf16, #tpu.memory_space<hbm>>
      %dma_wait3A_313 = arith.constant 0 : i32
      %dma_wait3A_314 = arith.constant 0 : i32
      %dma_wait3A_315 = tpu.memref_slice %dma_wait3A_312[%dma_wait3A_313, %dma_wait3A_314] : memref<10000x64xbf16, #tpu.memory_space<hbm>> -> memref<80x64xbf16, #tpu.memory_space<hbm>>
      %dma_wait3A_316 = arith.constant 0 : i32
      %dma_wait3A_317 = arith.constant 0 : i32
      %dma_wait3A_318 = tpu.memref_slice %arg10[%dma_wait3A_304, %dma_wait3A_316, %dma_wait3A_317] : memref<8x80x64xbf16, #tpu.memory_space<vmem>> -> memref<1x80x64xbf16, #tpu.memory_space<vmem>>
      %dma_wait3A_319 = tpu.memref_squeeze %dma_wait3A_318 : memref<1x80x64xbf16, #tpu.memory_space<vmem>> -> memref<80x64xbf16, #tpu.memory_space<vmem>>
      %dma_wait3A_320 = arith.constant 0 : i32
      %dma_wait3A_321 = arith.constant 0 : i32
      %dma_wait3A_322 = tpu.memref_slice %arg2[%arg0, %dma_wait3A_320, %dma_wait3A_321] : memref<2x10000x64xbf16, #tpu.memory_space<hbm>> -> memref<1x10000x64xbf16, #tpu.memory_space<hbm>>
      %dma_wait3A_323 = tpu.memref_squeeze %dma_wait3A_322 : memref<1x10000x64xbf16, #tpu.memory_space<hbm>> -> memref<10000x64xbf16, #tpu.memory_space<hbm>>
      %dma_wait3A_324 = arith.constant 0 : i32
      %dma_wait3A_325 = arith.constant 0 : i32
      %dma_wait3A_326 = tpu.memref_slice %dma_wait3A_323[%dma_wait3A_324, %dma_wait3A_325] : memref<10000x64xbf16, #tpu.memory_space<hbm>> -> memref<80x64xbf16, #tpu.memory_space<hbm>>
      tpu.wait_dma2 semaphore(%arg14 : memref<!tpu.dma_semaphore, #tpu.memory_space<semaphore_mem>>) src(%dma_wait3A_326 : memref<80x64xbf16, #tpu.memory_space<hbm>>) dst(%dma_wait3A_319 : memref<80x64xbf16, #tpu.memory_space<vmem>>)
      %dma_wait3A_327 = arith.constant 0 : i32
      %dma_wait3A_328 = arith.constant 0 : i32
      %dma_wait3A_329 = arith.constant 0 : i32
      %dma_wait3A_330 = tpu.memref_slice %arg10[%dma_wait3A_327, %dma_wait3A_328, %dma_wait3A_329] : memref<8x80x64xbf16, #tpu.memory_space<vmem>> -> memref<1x80x64xbf16, #tpu.memory_space<vmem>>
      %dma_wait3A_331 = tpu.memref_squeeze %dma_wait3A_330 : memref<1x80x64xbf16, #tpu.memory_space<vmem>> -> memref<80x64xbf16, #tpu.memory_space<vmem>>
      %dma_wait3A_332 = arith.constant 0 : i32
      %dma_wait3A_333 = arith.constant 0 : i32
      %dma_wait3A_334 = tpu.memref_slice %arg2[%arg0, %dma_wait3A_332, %dma_wait3A_333] : memref<2x10000x64xbf16, #tpu.memory_space<hbm>> -> memref<1x10000x64xbf16, #tpu.memory_space<hbm>>
      %dma_wait3A_335 = tpu.memref_squeeze %dma_wait3A_334 : memref<1x10000x64xbf16, #tpu.memory_space<hbm>> -> memref<10000x64xbf16, #tpu.memory_space<hbm>>
      %dma_wait3A_336 = arith.constant 0 : i32
      %dma_wait3A_337 = arith.constant 0 : i32
      %dma_wait3A_338 = tpu.memref_slice %dma_wait3A_335[%dma_wait3A_336, %dma_wait3A_337] : memref<10000x64xbf16, #tpu.memory_space<hbm>> -> memref<80x64xbf16, #tpu.memory_space<hbm>>
      %dma_wait3A_339 = arith.constant 0 : i32
      %dma_wait3A_340 = arith.constant 0 : i32
      %dma_wait3A_341 = tpu.memref_slice %arg10[%dma_wait3A_327, %dma_wait3A_339, %dma_wait3A_340] : memref<8x80x64xbf16, #tpu.memory_space<vmem>> -> memref<1x80x64xbf16, #tpu.memory_space<vmem>>
      %dma_wait3A_342 = tpu.memref_squeeze %dma_wait3A_341 : memref<1x80x64xbf16, #tpu.memory_space<vmem>> -> memref<80x64xbf16, #tpu.memory_space<vmem>>
      %dma_wait3A_343 = arith.constant 0 : i32
      %dma_wait3A_344 = arith.constant 0 : i32
      %dma_wait3A_345 = tpu.memref_slice %arg2[%arg0, %dma_wait3A_343, %dma_wait3A_344] : memref<2x10000x64xbf16, #tpu.memory_space<hbm>> -> memref<1x10000x64xbf16, #tpu.memory_space<hbm>>
      %dma_wait3A_346 = tpu.memref_squeeze %dma_wait3A_345 : memref<1x10000x64xbf16, #tpu.memory_space<hbm>> -> memref<10000x64xbf16, #tpu.memory_space<hbm>>
      %dma_wait3A_347 = arith.constant 0 : i32
      %dma_wait3A_348 = arith.constant 0 : i32
      %dma_wait3A_349 = tpu.memref_slice %dma_wait3A_346[%dma_wait3A_347, %dma_wait3A_348] : memref<10000x64xbf16, #tpu.memory_space<hbm>> -> memref<80x64xbf16, #tpu.memory_space<hbm>>
      tpu.wait_dma2 semaphore(%arg14 : memref<!tpu.dma_semaphore, #tpu.memory_space<semaphore_mem>>) src(%dma_wait3A_349 : memref<80x64xbf16, #tpu.memory_space<hbm>>) dst(%dma_wait3A_342 : memref<80x64xbf16, #tpu.memory_space<vmem>>)
      %dma_wait3A_350 = arith.constant 0 : i32
      %dma_wait3A_351 = arith.constant 0 : i32
      %dma_wait3A_352 = arith.constant 0 : i32
      %dma_wait3A_353 = tpu.memref_slice %arg10[%dma_wait3A_350, %dma_wait3A_351, %dma_wait3A_352] : memref<8x80x64xbf16, #tpu.memory_space<vmem>> -> memref<1x80x64xbf16, #tpu.memory_space<vmem>>
      %dma_wait3A_354 = tpu.memref_squeeze %dma_wait3A_353 : memref<1x80x64xbf16, #tpu.memory_space<vmem>> -> memref<80x64xbf16, #tpu.memory_space<vmem>>
      %dma_wait3A_355 = arith.constant 0 : i32
      %dma_wait3A_356 = arith.constant 0 : i32
      %dma_wait3A_357 = tpu.memref_slice %arg2[%arg0, %dma_wait3A_355, %dma_wait3A_356] : memref<2x10000x64xbf16, #tpu.memory_space<hbm>> -> memref<1x10000x64xbf16, #tpu.memory_space<hbm>>
      %dma_wait3A_358 = tpu.memref_squeeze %dma_wait3A_357 : memref<1x10000x64xbf16, #tpu.memory_space<hbm>> -> memref<10000x64xbf16, #tpu.memory_space<hbm>>
      %dma_wait3A_359 = arith.constant 0 : i32
      %dma_wait3A_360 = arith.constant 0 : i32
      %dma_wait3A_361 = tpu.memref_slice %dma_wait3A_358[%dma_wait3A_359, %dma_wait3A_360] : memref<10000x64xbf16, #tpu.memory_space<hbm>> -> memref<80x64xbf16, #tpu.memory_space<hbm>>
      %dma_wait3A_362 = arith.constant 0 : i32
      %dma_wait3A_363 = arith.constant 0 : i32
      %dma_wait3A_364 = tpu.memref_slice %arg10[%dma_wait3A_350, %dma_wait3A_362, %dma_wait3A_363] : memref<8x80x64xbf16, #tpu.memory_space<vmem>> -> memref<1x80x64xbf16, #tpu.memory_space<vmem>>
      %dma_wait3A_365 = tpu.memref_squeeze %dma_wait3A_364 : memref<1x80x64xbf16, #tpu.memory_space<vmem>> -> memref<80x64xbf16, #tpu.memory_space<vmem>>
      %dma_wait3A_366 = arith.constant 0 : i32
      %dma_wait3A_367 = arith.constant 0 : i32
      %dma_wait3A_368 = tpu.memref_slice %arg2[%arg0, %dma_wait3A_366, %dma_wait3A_367] : memref<2x10000x64xbf16, #tpu.memory_space<hbm>> -> memref<1x10000x64xbf16, #tpu.memory_space<hbm>>
      %dma_wait3A_369 = tpu.memref_squeeze %dma_wait3A_368 : memref<1x10000x64xbf16, #tpu.memory_space<hbm>> -> memref<10000x64xbf16, #tpu.memory_space<hbm>>
      %dma_wait3A_370 = arith.constant 0 : i32
      %dma_wait3A_371 = arith.constant 0 : i32
      %dma_wait3A_372 = tpu.memref_slice %dma_wait3A_369[%dma_wait3A_370, %dma_wait3A_371] : memref<10000x64xbf16, #tpu.memory_space<hbm>> -> memref<80x64xbf16, #tpu.memory_space<hbm>>
      tpu.wait_dma2 semaphore(%arg14 : memref<!tpu.dma_semaphore, #tpu.memory_space<semaphore_mem>>) src(%dma_wait3A_372 : memref<80x64xbf16, #tpu.memory_space<hbm>>) dst(%dma_wait3A_365 : memref<80x64xbf16, #tpu.memory_space<vmem>>)
      %dma_wait3A_373 = arith.constant 0 : i32
      %dma_wait3A_374 = arith.constant 0 : i32
      %dma_wait3A_375 = arith.constant 0 : i32
      %dma_wait3A_376 = tpu.memref_slice %arg10[%dma_wait3A_373, %dma_wait3A_374, %dma_wait3A_375] : memref<8x80x64xbf16, #tpu.memory_space<vmem>> -> memref<1x80x64xbf16, #tpu.memory_space<vmem>>
      %dma_wait3A_377 = tpu.memref_squeeze %dma_wait3A_376 : memref<1x80x64xbf16, #tpu.memory_space<vmem>> -> memref<80x64xbf16, #tpu.memory_space<vmem>>
      %dma_wait3A_378 = arith.constant 0 : i32
      %dma_wait3A_379 = arith.constant 0 : i32
      %dma_wait3A_380 = tpu.memref_slice %arg2[%arg0, %dma_wait3A_378, %dma_wait3A_379] : memref<2x10000x64xbf16, #tpu.memory_space<hbm>> -> memref<1x10000x64xbf16, #tpu.memory_space<hbm>>
      %dma_wait3A_381 = tpu.memref_squeeze %dma_wait3A_380 : memref<1x10000x64xbf16, #tpu.memory_space<hbm>> -> memref<10000x64xbf16, #tpu.memory_space<hbm>>
      %dma_wait3A_382 = arith.constant 0 : i32
      %dma_wait3A_383 = arith.constant 0 : i32
      %dma_wait3A_384 = tpu.memref_slice %dma_wait3A_381[%dma_wait3A_382, %dma_wait3A_383] : memref<10000x64xbf16, #tpu.memory_space<hbm>> -> memref<80x64xbf16, #tpu.memory_space<hbm>>
      %dma_wait3A_385 = arith.constant 0 : i32
      %dma_wait3A_386 = arith.constant 0 : i32
      %dma_wait3A_387 = tpu.memref_slice %arg10[%dma_wait3A_373, %dma_wait3A_385, %dma_wait3A_386] : memref<8x80x64xbf16, #tpu.memory_space<vmem>> -> memref<1x80x64xbf16, #tpu.memory_space<vmem>>
      %dma_wait3A_388 = tpu.memref_squeeze %dma_wait3A_387 : memref<1x80x64xbf16, #tpu.memory_space<vmem>> -> memref<80x64xbf16, #tpu.memory_space<vmem>>
      %dma_wait3A_389 = arith.constant 0 : i32
      %dma_wait3A_390 = arith.constant 0 : i32
      %dma_wait3A_391 = tpu.memref_slice %arg2[%arg0, %dma_wait3A_389, %dma_wait3A_390] : memref<2x10000x64xbf16, #tpu.memory_space<hbm>> -> memref<1x10000x64xbf16, #tpu.memory_space<hbm>>
      %dma_wait3A_392 = tpu.memref_squeeze %dma_wait3A_391 : memref<1x10000x64xbf16, #tpu.memory_space<hbm>> -> memref<10000x64xbf16, #tpu.memory_space<hbm>>
      %dma_wait3A_393 = arith.constant 0 : i32
      %dma_wait3A_394 = arith.constant 0 : i32
      %dma_wait3A_395 = tpu.memref_slice %dma_wait3A_392[%dma_wait3A_393, %dma_wait3A_394] : memref<10000x64xbf16, #tpu.memory_space<hbm>> -> memref<80x64xbf16, #tpu.memory_space<hbm>>
      tpu.wait_dma2 semaphore(%arg14 : memref<!tpu.dma_semaphore, #tpu.memory_space<semaphore_mem>>) src(%dma_wait3A_395 : memref<80x64xbf16, #tpu.memory_space<hbm>>) dst(%dma_wait3A_388 : memref<80x64xbf16, #tpu.memory_space<vmem>>)
      %mul3A_396 = arith.constant 4 : i32
      %mul3A_397 = arith.muli %add3A_300, %mul3A_396 : i32
      %add3A_398 = arith.constant 0 : i32
      %add3A_399 = arith.addi %mul3A_397, %add3A_398 : i32
      %dma_start3A_400 = arith.constant 4 : i32
      %dma_start3A_401 = arith.constant 0 : i32
      %dma_start3A_402 = arith.constant 0 : i32
      %dma_start3A_403 = tpu.memref_slice %arg10[%dma_start3A_400, %dma_start3A_401, %dma_start3A_402] : memref<8x80x64xbf16, #tpu.memory_space<vmem>> -> memref<1x80x64xbf16, #tpu.memory_space<vmem>>
      %dma_start3A_404 = tpu.memref_squeeze %dma_start3A_403 : memref<1x80x64xbf16, #tpu.memory_space<vmem>> -> memref<80x64xbf16, #tpu.memory_space<vmem>>
      %dma_start3A_405 = arith.constant 0 : i32
      %dma_start3A_406 = tpu.memref_slice %arg8[%add3A_399, %dma_start3A_405] : memref<256x80xi32, #tpu.memory_space<vmem>> -> memref<1x80xi32, #tpu.memory_space<vmem>>
      %dma_start3A_407 = tpu.memref_squeeze %dma_start3A_406 : memref<1x80xi32, #tpu.memory_space<vmem>> -> memref<80xi32, #tpu.memory_space<vmem>>
      %dma_start3A_408 = arith.constant 0 : i32
      %dma_start3A_409 = arith.constant 0 : i32
      %dma_start3A_410 = tpu.memref_slice %arg6[%dma_start3A_408, %dma_start3A_409] : memref<10000x64xbf16, #tpu.memory_space<vmem_shared>> -> memref<10000x64xbf16, #tpu.memory_space<vmem_shared>>
      tpu.enqueue_indirect_dma source(%dma_start3A_410 : memref<10000x64xbf16, #tpu.memory_space<vmem_shared>>) target(%dma_start3A_404 : memref<80x64xbf16, #tpu.memory_space<vmem>>) offsets(%dma_start3A_407 : memref<80xi32, #tpu.memory_space<vmem>>) semaphore(%arg12 : memref<!tpu.dma_semaphore, #tpu.memory_space<semaphore_mem>>)
      %mul3A_411 = arith.constant 4 : i32
      %mul3A_412 = arith.muli %add3A_300, %mul3A_411 : i32
      %add3A_413 = arith.constant 1 : i32
      %add3A_414 = arith.addi %mul3A_412, %add3A_413 : i32
      %dma_start3A_415 = arith.constant 5 : i32
      %dma_start3A_416 = arith.constant 0 : i32
      %dma_start3A_417 = arith.constant 0 : i32
      %dma_start3A_418 = tpu.memref_slice %arg10[%dma_start3A_415, %dma_start3A_416, %dma_start3A_417] : memref<8x80x64xbf16, #tpu.memory_space<vmem>> -> memref<1x80x64xbf16, #tpu.memory_space<vmem>>
      %dma_start3A_419 = tpu.memref_squeeze %dma_start3A_418 : memref<1x80x64xbf16, #tpu.memory_space<vmem>> -> memref<80x64xbf16, #tpu.memory_space<vmem>>
      %dma_start3A_420 = arith.constant 0 : i32
      %dma_start3A_421 = tpu.memref_slice %arg8[%add3A_414, %dma_start3A_420] : memref<256x80xi32, #tpu.memory_space<vmem>> -> memref<1x80xi32, #tpu.memory_space<vmem>>
      %dma_start3A_422 = tpu.memref_squeeze %dma_start3A_421 : memref<1x80xi32, #tpu.memory_space<vmem>> -> memref<80xi32, #tpu.memory_space<vmem>>
      %dma_start3A_423 = arith.constant 0 : i32
      %dma_start3A_424 = arith.constant 0 : i32
      %dma_start3A_425 = tpu.memref_slice %arg6[%dma_start3A_423, %dma_start3A_424] : memref<10000x64xbf16, #tpu.memory_space<vmem_shared>> -> memref<10000x64xbf16, #tpu.memory_space<vmem_shared>>
      tpu.enqueue_indirect_dma source(%dma_start3A_425 : memref<10000x64xbf16, #tpu.memory_space<vmem_shared>>) target(%dma_start3A_419 : memref<80x64xbf16, #tpu.memory_space<vmem>>) offsets(%dma_start3A_422 : memref<80xi32, #tpu.memory_space<vmem>>) semaphore(%arg12 : memref<!tpu.dma_semaphore, #tpu.memory_space<semaphore_mem>>)
      %mul3A_426 = arith.constant 4 : i32
      %mul3A_427 = arith.muli %add3A_300, %mul3A_426 : i32
      %add3A_428 = arith.constant 2 : i32
      %add3A_429 = arith.addi %mul3A_427, %add3A_428 : i32
      %dma_start3A_430 = arith.constant 6 : i32
      %dma_start3A_431 = arith.constant 0 : i32
      %dma_start3A_432 = arith.constant 0 : i32
      %dma_start3A_433 = tpu.memref_slice %arg10[%dma_start3A_430, %dma_start3A_431, %dma_start3A_432] : memref<8x80x64xbf16, #tpu.memory_space<vmem>> -> memref<1x80x64xbf16, #tpu.memory_space<vmem>>
      %dma_start3A_434 = tpu.memref_squeeze %dma_start3A_433 : memref<1x80x64xbf16, #tpu.memory_space<vmem>> -> memref<80x64xbf16, #tpu.memory_space<vmem>>
      %dma_start3A_435 = arith.constant 0 : i32
      %dma_start3A_436 = tpu.memref_slice %arg8[%add3A_429, %dma_start3A_435] : memref<256x80xi32, #tpu.memory_space<vmem>> -> memref<1x80xi32, #tpu.memory_space<vmem>>
      %dma_start3A_437 = tpu.memref_squeeze %dma_start3A_436 : memref<1x80xi32, #tpu.memory_space<vmem>> -> memref<80xi32, #tpu.memory_space<vmem>>
      %dma_start3A_438 = arith.constant 0 : i32
      %dma_start3A_439 = arith.constant 0 : i32
      %dma_start3A_440 = tpu.memref_slice %arg6[%dma_start3A_438, %dma_start3A_439] : memref<10000x64xbf16, #tpu.memory_space<vmem_shared>> -> memref<10000x64xbf16, #tpu.memory_space<vmem_shared>>
      tpu.enqueue_indirect_dma source(%dma_start3A_440 : memref<10000x64xbf16, #tpu.memory_space<vmem_shared>>) target(%dma_start3A_434 : memref<80x64xbf16, #tpu.memory_space<vmem>>) offsets(%dma_start3A_437 : memref<80xi32, #tpu.memory_space<vmem>>) semaphore(%arg12 : memref<!tpu.dma_semaphore, #tpu.memory_space<semaphore_mem>>)
      %mul3A_441 = arith.constant 4 : i32
      %mul3A_442 = arith.muli %add3A_300, %mul3A_441 : i32
      %add3A_443 = arith.constant 3 : i32
      %add3A_444 = arith.addi %mul3A_442, %add3A_443 : i32
      %dma_start3A_445 = arith.constant 7 : i32
      %dma_start3A_446 = arith.constant 0 : i32
      %dma_start3A_447 = arith.constant 0 : i32
      %dma_start3A_448 = tpu.memref_slice %arg10[%dma_start3A_445, %dma_start3A_446, %dma_start3A_447] : memref<8x80x64xbf16, #tpu.memory_space<vmem>> -> memref<1x80x64xbf16, #tpu.memory_space<vmem>>
      %dma_start3A_449 = tpu.memref_squeeze %dma_start3A_448 : memref<1x80x64xbf16, #tpu.memory_space<vmem>> -> memref<80x64xbf16, #tpu.memory_space<vmem>>
      %dma_start3A_450 = arith.constant 0 : i32
      %dma_start3A_451 = tpu.memref_slice %arg8[%add3A_444, %dma_start3A_450] : memref<256x80xi32, #tpu.memory_space<vmem>> -> memref<1x80xi32, #tpu.memory_space<vmem>>
      %dma_start3A_452 = tpu.memref_squeeze %dma_start3A_451 : memref<1x80xi32, #tpu.memory_space<vmem>> -> memref<80xi32, #tpu.memory_space<vmem>>
      %dma_start3A_453 = arith.constant 0 : i32
      %dma_start3A_454 = arith.constant 0 : i32
      %dma_start3A_455 = tpu.memref_slice %arg6[%dma_start3A_453, %dma_start3A_454] : memref<10000x64xbf16, #tpu.memory_space<vmem_shared>> -> memref<10000x64xbf16, #tpu.memory_space<vmem_shared>>
      tpu.enqueue_indirect_dma source(%dma_start3A_455 : memref<10000x64xbf16, #tpu.memory_space<vmem_shared>>) target(%dma_start3A_449 : memref<80x64xbf16, #tpu.memory_space<vmem>>) offsets(%dma_start3A_452 : memref<80xi32, #tpu.memory_space<vmem>>) semaphore(%arg12 : memref<!tpu.dma_semaphore, #tpu.memory_space<semaphore_mem>>)
      %dma_wait3A_456 = arith.constant 0 : i32
      %dma_wait3A_457 = arith.constant 0 : i32
      %dma_wait3A_458 = arith.constant 0 : i32
      %dma_wait3A_459 = tpu.memref_slice %arg10[%dma_wait3A_456, %dma_wait3A_457, %dma_wait3A_458] : memref<8x80x64xbf16, #tpu.memory_space<vmem>> -> memref<1x80x64xbf16, #tpu.memory_space<vmem>>
      %dma_wait3A_460 = tpu.memref_squeeze %dma_wait3A_459 : memref<1x80x64xbf16, #tpu.memory_space<vmem>> -> memref<80x64xbf16, #tpu.memory_space<vmem>>
      %dma_wait3A_461 = arith.constant 0 : i32
      %dma_wait3A_462 = arith.constant 0 : i32
      %dma_wait3A_463 = tpu.memref_slice %arg2[%arg0, %dma_wait3A_461, %dma_wait3A_462] : memref<2x10000x64xbf16, #tpu.memory_space<hbm>> -> memref<1x10000x64xbf16, #tpu.memory_space<hbm>>
      %dma_wait3A_464 = tpu.memref_squeeze %dma_wait3A_463 : memref<1x10000x64xbf16, #tpu.memory_space<hbm>> -> memref<10000x64xbf16, #tpu.memory_space<hbm>>
      %dma_wait3A_465 = arith.constant 0 : i32
      %dma_wait3A_466 = arith.constant 0 : i32
      %dma_wait3A_467 = tpu.memref_slice %dma_wait3A_464[%dma_wait3A_465, %dma_wait3A_466] : memref<10000x64xbf16, #tpu.memory_space<hbm>> -> memref<80x64xbf16, #tpu.memory_space<hbm>>
      %dma_wait3A_468 = arith.constant 0 : i32
      %dma_wait3A_469 = arith.constant 0 : i32
      %dma_wait3A_470 = tpu.memref_slice %arg10[%dma_wait3A_456, %dma_wait3A_468, %dma_wait3A_469] : memref<8x80x64xbf16, #tpu.memory_space<vmem>> -> memref<1x80x64xbf16, #tpu.memory_space<vmem>>
      %dma_wait3A_471 = tpu.memref_squeeze %dma_wait3A_470 : memref<1x80x64xbf16, #tpu.memory_space<vmem>> -> memref<80x64xbf16, #tpu.memory_space<vmem>>
      %dma_wait3A_472 = arith.constant 0 : i32
      %dma_wait3A_473 = arith.constant 0 : i32
      %dma_wait3A_474 = tpu.memref_slice %arg2[%arg0, %dma_wait3A_472, %dma_wait3A_473] : memref<2x10000x64xbf16, #tpu.memory_space<hbm>> -> memref<1x10000x64xbf16, #tpu.memory_space<hbm>>
      %dma_wait3A_475 = tpu.memref_squeeze %dma_wait3A_474 : memref<1x10000x64xbf16, #tpu.memory_space<hbm>> -> memref<10000x64xbf16, #tpu.memory_space<hbm>>
      %dma_wait3A_476 = arith.constant 0 : i32
      %dma_wait3A_477 = arith.constant 0 : i32
      %dma_wait3A_478 = tpu.memref_slice %dma_wait3A_475[%dma_wait3A_476, %dma_wait3A_477] : memref<10000x64xbf16, #tpu.memory_space<hbm>> -> memref<80x64xbf16, #tpu.memory_space<hbm>>
      tpu.wait_dma2 semaphore(%arg11 : memref<!tpu.dma_semaphore, #tpu.memory_space<semaphore_mem>>) src(%dma_wait3A_478 : memref<80x64xbf16, #tpu.memory_space<hbm>>) dst(%dma_wait3A_471 : memref<80x64xbf16, #tpu.memory_space<vmem>>)
      %dma_wait3A_479 = arith.constant 0 : i32
      %dma_wait3A_480 = arith.constant 0 : i32
      %dma_wait3A_481 = arith.constant 0 : i32
      %dma_wait3A_482 = tpu.memref_slice %arg10[%dma_wait3A_479, %dma_wait3A_480, %dma_wait3A_481] : memref<8x80x64xbf16, #tpu.memory_space<vmem>> -> memref<1x80x64xbf16, #tpu.memory_space<vmem>>
      %dma_wait3A_483 = tpu.memref_squeeze %dma_wait3A_482 : memref<1x80x64xbf16, #tpu.memory_space<vmem>> -> memref<80x64xbf16, #tpu.memory_space<vmem>>
      %dma_wait3A_484 = arith.constant 0 : i32
      %dma_wait3A_485 = arith.constant 0 : i32
      %dma_wait3A_486 = tpu.memref_slice %arg2[%arg0, %dma_wait3A_484, %dma_wait3A_485] : memref<2x10000x64xbf16, #tpu.memory_space<hbm>> -> memref<1x10000x64xbf16, #tpu.memory_space<hbm>>
      %dma_wait3A_487 = tpu.memref_squeeze %dma_wait3A_486 : memref<1x10000x64xbf16, #tpu.memory_space<hbm>> -> memref<10000x64xbf16, #tpu.memory_space<hbm>>
      %dma_wait3A_488 = arith.constant 0 : i32
      %dma_wait3A_489 = arith.constant 0 : i32
      %dma_wait3A_490 = tpu.memref_slice %dma_wait3A_487[%dma_wait3A_488, %dma_wait3A_489] : memref<10000x64xbf16, #tpu.memory_space<hbm>> -> memref<80x64xbf16, #tpu.memory_space<hbm>>
      %dma_wait3A_491 = arith.constant 0 : i32
      %dma_wait3A_492 = arith.constant 0 : i32
      %dma_wait3A_493 = tpu.memref_slice %arg10[%dma_wait3A_479, %dma_wait3A_491, %dma_wait3A_492] : memref<8x80x64xbf16, #tpu.memory_space<vmem>> -> memref<1x80x64xbf16, #tpu.memory_space<vmem>>
      %dma_wait3A_494 = tpu.memref_squeeze %dma_wait3A_493 : memref<1x80x64xbf16, #tpu.memory_space<vmem>> -> memref<80x64xbf16, #tpu.memory_space<vmem>>
      %dma_wait3A_495 = arith.constant 0 : i32
      %dma_wait3A_496 = arith.constant 0 : i32
      %dma_wait3A_497 = tpu.memref_slice %arg2[%arg0, %dma_wait3A_495, %dma_wait3A_496] : memref<2x10000x64xbf16, #tpu.memory_space<hbm>> -> memref<1x10000x64xbf16, #tpu.memory_space<hbm>>
      %dma_wait3A_498 = tpu.memref_squeeze %dma_wait3A_497 : memref<1x10000x64xbf16, #tpu.memory_space<hbm>> -> memref<10000x64xbf16, #tpu.memory_space<hbm>>
      %dma_wait3A_499 = arith.constant 0 : i32
      %dma_wait3A_500 = arith.constant 0 : i32
      %dma_wait3A_501 = tpu.memref_slice %dma_wait3A_498[%dma_wait3A_499, %dma_wait3A_500] : memref<10000x64xbf16, #tpu.memory_space<hbm>> -> memref<80x64xbf16, #tpu.memory_space<hbm>>
      tpu.wait_dma2 semaphore(%arg11 : memref<!tpu.dma_semaphore, #tpu.memory_space<semaphore_mem>>) src(%dma_wait3A_501 : memref<80x64xbf16, #tpu.memory_space<hbm>>) dst(%dma_wait3A_494 : memref<80x64xbf16, #tpu.memory_space<vmem>>)
      %dma_wait3A_502 = arith.constant 0 : i32
      %dma_wait3A_503 = arith.constant 0 : i32
      %dma_wait3A_504 = arith.constant 0 : i32
      %dma_wait3A_505 = tpu.memref_slice %arg10[%dma_wait3A_502, %dma_wait3A_503, %dma_wait3A_504] : memref<8x80x64xbf16, #tpu.memory_space<vmem>> -> memref<1x80x64xbf16, #tpu.memory_space<vmem>>
      %dma_wait3A_506 = tpu.memref_squeeze %dma_wait3A_505 : memref<1x80x64xbf16, #tpu.memory_space<vmem>> -> memref<80x64xbf16, #tpu.memory_space<vmem>>
      %dma_wait3A_507 = arith.constant 0 : i32
      %dma_wait3A_508 = arith.constant 0 : i32
      %dma_wait3A_509 = tpu.memref_slice %arg2[%arg0, %dma_wait3A_507, %dma_wait3A_508] : memref<2x10000x64xbf16, #tpu.memory_space<hbm>> -> memref<1x10000x64xbf16, #tpu.memory_space<hbm>>
      %dma_wait3A_510 = tpu.memref_squeeze %dma_wait3A_509 : memref<1x10000x64xbf16, #tpu.memory_space<hbm>> -> memref<10000x64xbf16, #tpu.memory_space<hbm>>
      %dma_wait3A_511 = arith.constant 0 : i32
      %dma_wait3A_512 = arith.constant 0 : i32
      %dma_wait3A_513 = tpu.memref_slice %dma_wait3A_510[%dma_wait3A_511, %dma_wait3A_512] : memref<10000x64xbf16, #tpu.memory_space<hbm>> -> memref<80x64xbf16, #tpu.memory_space<hbm>>
      %dma_wait3A_514 = arith.constant 0 : i32
      %dma_wait3A_515 = arith.constant 0 : i32
      %dma_wait3A_516 = tpu.memref_slice %arg10[%dma_wait3A_502, %dma_wait3A_514, %dma_wait3A_515] : memref<8x80x64xbf16, #tpu.memory_space<vmem>> -> memref<1x80x64xbf16, #tpu.memory_space<vmem>>
      %dma_wait3A_517 = tpu.memref_squeeze %dma_wait3A_516 : memref<1x80x64xbf16, #tpu.memory_space<vmem>> -> memref<80x64xbf16, #tpu.memory_space<vmem>>
      %dma_wait3A_518 = arith.constant 0 : i32
      %dma_wait3A_519 = arith.constant 0 : i32
      %dma_wait3A_520 = tpu.memref_slice %arg2[%arg0, %dma_wait3A_518, %dma_wait3A_519] : memref<2x10000x64xbf16, #tpu.memory_space<hbm>> -> memref<1x10000x64xbf16, #tpu.memory_space<hbm>>
      %dma_wait3A_521 = tpu.memref_squeeze %dma_wait3A_520 : memref<1x10000x64xbf16, #tpu.memory_space<hbm>> -> memref<10000x64xbf16, #tpu.memory_space<hbm>>
      %dma_wait3A_522 = arith.constant 0 : i32
      %dma_wait3A_523 = arith.constant 0 : i32
      %dma_wait3A_524 = tpu.memref_slice %dma_wait3A_521[%dma_wait3A_522, %dma_wait3A_523] : memref<10000x64xbf16, #tpu.memory_space<hbm>> -> memref<80x64xbf16, #tpu.memory_space<hbm>>
      tpu.wait_dma2 semaphore(%arg11 : memref<!tpu.dma_semaphore, #tpu.memory_space<semaphore_mem>>) src(%dma_wait3A_524 : memref<80x64xbf16, #tpu.memory_space<hbm>>) dst(%dma_wait3A_517 : memref<80x64xbf16, #tpu.memory_space<vmem>>)
      %dma_wait3A_525 = arith.constant 0 : i32
      %dma_wait3A_526 = arith.constant 0 : i32
      %dma_wait3A_527 = arith.constant 0 : i32
      %dma_wait3A_528 = tpu.memref_slice %arg10[%dma_wait3A_525, %dma_wait3A_526, %dma_wait3A_527] : memref<8x80x64xbf16, #tpu.memory_space<vmem>> -> memref<1x80x64xbf16, #tpu.memory_space<vmem>>
      %dma_wait3A_529 = tpu.memref_squeeze %dma_wait3A_528 : memref<1x80x64xbf16, #tpu.memory_space<vmem>> -> memref<80x64xbf16, #tpu.memory_space<vmem>>
      %dma_wait3A_530 = arith.constant 0 : i32
      %dma_wait3A_531 = arith.constant 0 : i32
      %dma_wait3A_532 = tpu.memref_slice %arg2[%arg0, %dma_wait3A_530, %dma_wait3A_531] : memref<2x10000x64xbf16, #tpu.memory_space<hbm>> -> memref<1x10000x64xbf16, #tpu.memory_space<hbm>>
      %dma_wait3A_533 = tpu.memref_squeeze %dma_wait3A_532 : memref<1x10000x64xbf16, #tpu.memory_space<hbm>> -> memref<10000x64xbf16, #tpu.memory_space<hbm>>
      %dma_wait3A_534 = arith.constant 0 : i32
      %dma_wait3A_535 = arith.constant 0 : i32
      %dma_wait3A_536 = tpu.memref_slice %dma_wait3A_533[%dma_wait3A_534, %dma_wait3A_535] : memref<10000x64xbf16, #tpu.memory_space<hbm>> -> memref<80x64xbf16, #tpu.memory_space<hbm>>
      %dma_wait3A_537 = arith.constant 0 : i32
      %dma_wait3A_538 = arith.constant 0 : i32
      %dma_wait3A_539 = tpu.memref_slice %arg10[%dma_wait3A_525, %dma_wait3A_537, %dma_wait3A_538] : memref<8x80x64xbf16, #tpu.memory_space<vmem>> -> memref<1x80x64xbf16, #tpu.memory_space<vmem>>
      %dma_wait3A_540 = tpu.memref_squeeze %dma_wait3A_539 : memref<1x80x64xbf16, #tpu.memory_space<vmem>> -> memref<80x64xbf16, #tpu.memory_space<vmem>>
      %dma_wait3A_541 = arith.constant 0 : i32
      %dma_wait3A_542 = arith.constant 0 : i32
      %dma_wait3A_543 = tpu.memref_slice %arg2[%arg0, %dma_wait3A_541, %dma_wait3A_542] : memref<2x10000x64xbf16, #tpu.memory_space<hbm>> -> memref<1x10000x64xbf16, #tpu.memory_space<hbm>>
      %dma_wait3A_544 = tpu.memref_squeeze %dma_wait3A_543 : memref<1x10000x64xbf16, #tpu.memory_space<hbm>> -> memref<10000x64xbf16, #tpu.memory_space<hbm>>
      %dma_wait3A_545 = arith.constant 0 : i32
      %dma_wait3A_546 = arith.constant 0 : i32
      %dma_wait3A_547 = tpu.memref_slice %dma_wait3A_544[%dma_wait3A_545, %dma_wait3A_546] : memref<10000x64xbf16, #tpu.memory_space<hbm>> -> memref<80x64xbf16, #tpu.memory_space<hbm>>
      tpu.wait_dma2 semaphore(%arg11 : memref<!tpu.dma_semaphore, #tpu.memory_space<semaphore_mem>>) src(%dma_wait3A_547 : memref<80x64xbf16, #tpu.memory_space<hbm>>) dst(%dma_wait3A_540 : memref<80x64xbf16, #tpu.memory_space<vmem>>)
      %mul3A_548 = arith.constant 4 : i32
      %mul3A_549 = arith.muli %mul3A_299, %mul3A_548 : i32
      %add3A_550 = arith.constant 0 : i32
      %add3A_551 = arith.addi %mul3A_549, %add3A_550 : i32
      %dma_start3A_552 = arith.constant 0 : i32
      %dma_start3A_553 = arith.constant 0 : i32
      %dma_start3A_554 = arith.constant 0 : i32
      %dma_start3A_555 = tpu.memref_slice %arg10[%dma_start3A_552, %dma_start3A_553, %dma_start3A_554] : memref<8x80x64xbf16, #tpu.memory_space<vmem>> -> memref<1x80x64xbf16, #tpu.memory_space<vmem>>
      %dma_start3A_556 = tpu.memref_squeeze %dma_start3A_555 : memref<1x80x64xbf16, #tpu.memory_space<vmem>> -> memref<80x64xbf16, #tpu.memory_space<vmem>>
      %dma_start3A_557 = arith.constant 0 : i32
      %dma_start3A_558 = tpu.memref_slice %arg9[%add3A_551, %dma_start3A_557] : memref<256x80xi32, #tpu.memory_space<vmem>> -> memref<1x80xi32, #tpu.memory_space<vmem>>
      %dma_start3A_559 = tpu.memref_squeeze %dma_start3A_558 : memref<1x80xi32, #tpu.memory_space<vmem>> -> memref<80xi32, #tpu.memory_space<vmem>>
      %dma_start3A_560 = arith.constant 0 : i32
      %dma_start3A_561 = arith.constant 0 : i32
      %dma_start3A_562 = tpu.memref_slice %arg7[%dma_start3A_560, %dma_start3A_561] : memref<10080x64xbf16, #tpu.memory_space<vmem_shared>> -> memref<10080x64xbf16, #tpu.memory_space<vmem_shared>>
      tpu.enqueue_indirect_dma source(%dma_start3A_556 : memref<80x64xbf16, #tpu.memory_space<vmem>>) target(%dma_start3A_562 : memref<10080x64xbf16, #tpu.memory_space<vmem_shared>>) offsets(%dma_start3A_559 : memref<80xi32, #tpu.memory_space<vmem>>) semaphore(%arg13 : memref<!tpu.dma_semaphore, #tpu.memory_space<semaphore_mem>>) {add = true}
      %mul3A_563 = arith.constant 4 : i32
      %mul3A_564 = arith.muli %mul3A_299, %mul3A_563 : i32
      %add3A_565 = arith.constant 1 : i32
      %add3A_566 = arith.addi %mul3A_564, %add3A_565 : i32
      %dma_start3A_567 = arith.constant 1 : i32
      %dma_start3A_568 = arith.constant 0 : i32
      %dma_start3A_569 = arith.constant 0 : i32
      %dma_start3A_570 = tpu.memref_slice %arg10[%dma_start3A_567, %dma_start3A_568, %dma_start3A_569] : memref<8x80x64xbf16, #tpu.memory_space<vmem>> -> memref<1x80x64xbf16, #tpu.memory_space<vmem>>
      %dma_start3A_571 = tpu.memref_squeeze %dma_start3A_570 : memref<1x80x64xbf16, #tpu.memory_space<vmem>> -> memref<80x64xbf16, #tpu.memory_space<vmem>>
      %dma_start3A_572 = arith.constant 0 : i32
      %dma_start3A_573 = tpu.memref_slice %arg9[%add3A_566, %dma_start3A_572] : memref<256x80xi32, #tpu.memory_space<vmem>> -> memref<1x80xi32, #tpu.memory_space<vmem>>
      %dma_start3A_574 = tpu.memref_squeeze %dma_start3A_573 : memref<1x80xi32, #tpu.memory_space<vmem>> -> memref<80xi32, #tpu.memory_space<vmem>>
      %dma_start3A_575 = arith.constant 0 : i32
      %dma_start3A_576 = arith.constant 0 : i32
      %dma_start3A_577 = tpu.memref_slice %arg7[%dma_start3A_575, %dma_start3A_576] : memref<10080x64xbf16, #tpu.memory_space<vmem_shared>> -> memref<10080x64xbf16, #tpu.memory_space<vmem_shared>>
      tpu.enqueue_indirect_dma source(%dma_start3A_571 : memref<80x64xbf16, #tpu.memory_space<vmem>>) target(%dma_start3A_577 : memref<10080x64xbf16, #tpu.memory_space<vmem_shared>>) offsets(%dma_start3A_574 : memref<80xi32, #tpu.memory_space<vmem>>) semaphore(%arg13 : memref<!tpu.dma_semaphore, #tpu.memory_space<semaphore_mem>>) {add = true}
      %mul3A_578 = arith.constant 4 : i32
      %mul3A_579 = arith.muli %mul3A_299, %mul3A_578 : i32
      %add3A_580 = arith.constant 2 : i32
      %add3A_581 = arith.addi %mul3A_579, %add3A_580 : i32
      %dma_start3A_582 = arith.constant 2 : i32
      %dma_start3A_583 = arith.constant 0 : i32
      %dma_start3A_584 = arith.constant 0 : i32
      %dma_start3A_585 = tpu.memref_slice %arg10[%dma_start3A_582, %dma_start3A_583, %dma_start3A_584] : memref<8x80x64xbf16, #tpu.memory_space<vmem>> -> memref<1x80x64xbf16, #tpu.memory_space<vmem>>
      %dma_start3A_586 = tpu.memref_squeeze %dma_start3A_585 : memref<1x80x64xbf16, #tpu.memory_space<vmem>> -> memref<80x64xbf16, #tpu.memory_space<vmem>>
      %dma_start3A_587 = arith.constant 0 : i32
      %dma_start3A_588 = tpu.memref_slice %arg9[%add3A_581, %dma_start3A_587] : memref<256x80xi32, #tpu.memory_space<vmem>> -> memref<1x80xi32, #tpu.memory_space<vmem>>
      %dma_start3A_589 = tpu.memref_squeeze %dma_start3A_588 : memref<1x80xi32, #tpu.memory_space<vmem>> -> memref<80xi32, #tpu.memory_space<vmem>>
      %dma_start3A_590 = arith.constant 0 : i32
      %dma_start3A_591 = arith.constant 0 : i32
      %dma_start3A_592 = tpu.memref_slice %arg7[%dma_start3A_590, %dma_start3A_591] : memref<10080x64xbf16, #tpu.memory_space<vmem_shared>> -> memref<10080x64xbf16, #tpu.memory_space<vmem_shared>>
      tpu.enqueue_indirect_dma source(%dma_start3A_586 : memref<80x64xbf16, #tpu.memory_space<vmem>>) target(%dma_start3A_592 : memref<10080x64xbf16, #tpu.memory_space<vmem_shared>>) offsets(%dma_start3A_589 : memref<80xi32, #tpu.memory_space<vmem>>) semaphore(%arg13 : memref<!tpu.dma_semaphore, #tpu.memory_space<semaphore_mem>>) {add = true}
      %mul3A_593 = arith.constant 4 : i32
      %mul3A_594 = arith.muli %mul3A_299, %mul3A_593 : i32
      %add3A_595 = arith.constant 3 : i32
      %add3A_596 = arith.addi %mul3A_594, %add3A_595 : i32
      %dma_start3A_597 = arith.constant 3 : i32
      %dma_start3A_598 = arith.constant 0 : i32
      %dma_start3A_599 = arith.constant 0 : i32
      %dma_start3A_600 = tpu.memref_slice %arg10[%dma_start3A_597, %dma_start3A_598, %dma_start3A_599] : memref<8x80x64xbf16, #tpu.memory_space<vmem>> -> memref<1x80x64xbf16, #tpu.memory_space<vmem>>
      %dma_start3A_601 = tpu.memref_squeeze %dma_start3A_600 : memref<1x80x64xbf16, #tpu.memory_space<vmem>> -> memref<80x64xbf16, #tpu.memory_space<vmem>>
      %dma_start3A_602 = arith.constant 0 : i32
      %dma_start3A_603 = tpu.memref_slice %arg9[%add3A_596, %dma_start3A_602] : memref<256x80xi32, #tpu.memory_space<vmem>> -> memref<1x80xi32, #tpu.memory_space<vmem>>
      %dma_start3A_604 = tpu.memref_squeeze %dma_start3A_603 : memref<1x80xi32, #tpu.memory_space<vmem>> -> memref<80xi32, #tpu.memory_space<vmem>>
      %dma_start3A_605 = arith.constant 0 : i32
      %dma_start3A_606 = arith.constant 0 : i32
      %dma_start3A_607 = tpu.memref_slice %arg7[%dma_start3A_605, %dma_start3A_606] : memref<10080x64xbf16, #tpu.memory_space<vmem_shared>> -> memref<10080x64xbf16, #tpu.memory_space<vmem_shared>>
      tpu.enqueue_indirect_dma source(%dma_start3A_601 : memref<80x64xbf16, #tpu.memory_space<vmem>>) target(%dma_start3A_607 : memref<10080x64xbf16, #tpu.memory_space<vmem_shared>>) offsets(%dma_start3A_604 : memref<80xi32, #tpu.memory_space<vmem>>) semaphore(%arg13 : memref<!tpu.dma_semaphore, #tpu.memory_space<semaphore_mem>>) {add = true}
      %dma_wait3A_608 = arith.constant 0 : i32
      %dma_wait3A_609 = arith.constant 0 : i32
      %dma_wait3A_610 = arith.constant 0 : i32
      %dma_wait3A_611 = tpu.memref_slice %arg10[%dma_wait3A_608, %dma_wait3A_609, %dma_wait3A_610] : memref<8x80x64xbf16, #tpu.memory_space<vmem>> -> memref<1x80x64xbf16, #tpu.memory_space<vmem>>
      %dma_wait3A_612 = tpu.memref_squeeze %dma_wait3A_611 : memref<1x80x64xbf16, #tpu.memory_space<vmem>> -> memref<80x64xbf16, #tpu.memory_space<vmem>>
      %dma_wait3A_613 = arith.constant 0 : i32
      %dma_wait3A_614 = arith.constant 0 : i32
      %dma_wait3A_615 = tpu.memref_slice %arg2[%arg0, %dma_wait3A_613, %dma_wait3A_614] : memref<2x10000x64xbf16, #tpu.memory_space<hbm>> -> memref<1x10000x64xbf16, #tpu.memory_space<hbm>>
      %dma_wait3A_616 = tpu.memref_squeeze %dma_wait3A_615 : memref<1x10000x64xbf16, #tpu.memory_space<hbm>> -> memref<10000x64xbf16, #tpu.memory_space<hbm>>
      %dma_wait3A_617 = arith.constant 0 : i32
      %dma_wait3A_618 = arith.constant 0 : i32
      %dma_wait3A_619 = tpu.memref_slice %dma_wait3A_616[%dma_wait3A_617, %dma_wait3A_618] : memref<10000x64xbf16, #tpu.memory_space<hbm>> -> memref<80x64xbf16, #tpu.memory_space<hbm>>
      %dma_wait3A_620 = arith.constant 0 : i32
      %dma_wait3A_621 = arith.constant 0 : i32
      %dma_wait3A_622 = tpu.memref_slice %arg10[%dma_wait3A_608, %dma_wait3A_620, %dma_wait3A_621] : memref<8x80x64xbf16, #tpu.memory_space<vmem>> -> memref<1x80x64xbf16, #tpu.memory_space<vmem>>
      %dma_wait3A_623 = tpu.memref_squeeze %dma_wait3A_622 : memref<1x80x64xbf16, #tpu.memory_space<vmem>> -> memref<80x64xbf16, #tpu.memory_space<vmem>>
      %dma_wait3A_624 = arith.constant 0 : i32
      %dma_wait3A_625 = arith.constant 0 : i32
      %dma_wait3A_626 = tpu.memref_slice %arg2[%arg0, %dma_wait3A_624, %dma_wait3A_625] : memref<2x10000x64xbf16, #tpu.memory_space<hbm>> -> memref<1x10000x64xbf16, #tpu.memory_space<hbm>>
      %dma_wait3A_627 = tpu.memref_squeeze %dma_wait3A_626 : memref<1x10000x64xbf16, #tpu.memory_space<hbm>> -> memref<10000x64xbf16, #tpu.memory_space<hbm>>
      %dma_wait3A_628 = arith.constant 0 : i32
      %dma_wait3A_629 = arith.constant 0 : i32
      %dma_wait3A_630 = tpu.memref_slice %dma_wait3A_627[%dma_wait3A_628, %dma_wait3A_629] : memref<10000x64xbf16, #tpu.memory_space<hbm>> -> memref<80x64xbf16, #tpu.memory_space<hbm>>
      tpu.wait_dma2 semaphore(%arg13 : memref<!tpu.dma_semaphore, #tpu.memory_space<semaphore_mem>>) src(%dma_wait3A_630 : memref<80x64xbf16, #tpu.memory_space<hbm>>) dst(%dma_wait3A_623 : memref<80x64xbf16, #tpu.memory_space<vmem>>)
      %dma_wait3A_631 = arith.constant 0 : i32
      %dma_wait3A_632 = arith.constant 0 : i32
      %dma_wait3A_633 = arith.constant 0 : i32
      %dma_wait3A_634 = tpu.memref_slice %arg10[%dma_wait3A_631, %dma_wait3A_632, %dma_wait3A_633] : memref<8x80x64xbf16, #tpu.memory_space<vmem>> -> memref<1x80x64xbf16, #tpu.memory_space<vmem>>
      %dma_wait3A_635 = tpu.memref_squeeze %dma_wait3A_634 : memref<1x80x64xbf16, #tpu.memory_space<vmem>> -> memref<80x64xbf16, #tpu.memory_space<vmem>>
      %dma_wait3A_636 = arith.constant 0 : i32
      %dma_wait3A_637 = arith.constant 0 : i32
      %dma_wait3A_638 = tpu.memref_slice %arg2[%arg0, %dma_wait3A_636, %dma_wait3A_637] : memref<2x10000x64xbf16, #tpu.memory_space<hbm>> -> memref<1x10000x64xbf16, #tpu.memory_space<hbm>>
      %dma_wait3A_639 = tpu.memref_squeeze %dma_wait3A_638 : memref<1x10000x64xbf16, #tpu.memory_space<hbm>> -> memref<10000x64xbf16, #tpu.memory_space<hbm>>
      %dma_wait3A_640 = arith.constant 0 : i32
      %dma_wait3A_641 = arith.constant 0 : i32
      %dma_wait3A_642 = tpu.memref_slice %dma_wait3A_639[%dma_wait3A_640, %dma_wait3A_641] : memref<10000x64xbf16, #tpu.memory_space<hbm>> -> memref<80x64xbf16, #tpu.memory_space<hbm>>
      %dma_wait3A_643 = arith.constant 0 : i32
      %dma_wait3A_644 = arith.constant 0 : i32
      %dma_wait3A_645 = tpu.memref_slice %arg10[%dma_wait3A_631, %dma_wait3A_643, %dma_wait3A_644] : memref<8x80x64xbf16, #tpu.memory_space<vmem>> -> memref<1x80x64xbf16, #tpu.memory_space<vmem>>
      %dma_wait3A_646 = tpu.memref_squeeze %dma_wait3A_645 : memref<1x80x64xbf16, #tpu.memory_space<vmem>> -> memref<80x64xbf16, #tpu.memory_space<vmem>>
      %dma_wait3A_647 = arith.constant 0 : i32
      %dma_wait3A_648 = arith.constant 0 : i32
      %dma_wait3A_649 = tpu.memref_slice %arg2[%arg0, %dma_wait3A_647, %dma_wait3A_648] : memref<2x10000x64xbf16, #tpu.memory_space<hbm>> -> memref<1x10000x64xbf16, #tpu.memory_space<hbm>>
      %dma_wait3A_650 = tpu.memref_squeeze %dma_wait3A_649 : memref<1x10000x64xbf16, #tpu.memory_space<hbm>> -> memref<10000x64xbf16, #tpu.memory_space<hbm>>
      %dma_wait3A_651 = arith.constant 0 : i32
      %dma_wait3A_652 = arith.constant 0 : i32
      %dma_wait3A_653 = tpu.memref_slice %dma_wait3A_650[%dma_wait3A_651, %dma_wait3A_652] : memref<10000x64xbf16, #tpu.memory_space<hbm>> -> memref<80x64xbf16, #tpu.memory_space<hbm>>
      tpu.wait_dma2 semaphore(%arg13 : memref<!tpu.dma_semaphore, #tpu.memory_space<semaphore_mem>>) src(%dma_wait3A_653 : memref<80x64xbf16, #tpu.memory_space<hbm>>) dst(%dma_wait3A_646 : memref<80x64xbf16, #tpu.memory_space<vmem>>)
      %dma_wait3A_654 = arith.constant 0 : i32
      %dma_wait3A_655 = arith.constant 0 : i32
      %dma_wait3A_656 = arith.constant 0 : i32
      %dma_wait3A_657 = tpu.memref_slice %arg10[%dma_wait3A_654, %dma_wait3A_655, %dma_wait3A_656] : memref<8x80x64xbf16, #tpu.memory_space<vmem>> -> memref<1x80x64xbf16, #tpu.memory_space<vmem>>
      %dma_wait3A_658 = tpu.memref_squeeze %dma_wait3A_657 : memref<1x80x64xbf16, #tpu.memory_space<vmem>> -> memref<80x64xbf16, #tpu.memory_space<vmem>>
      %dma_wait3A_659 = arith.constant 0 : i32
      %dma_wait3A_660 = arith.constant 0 : i32
      %dma_wait3A_661 = tpu.memref_slice %arg2[%arg0, %dma_wait3A_659, %dma_wait3A_660] : memref<2x10000x64xbf16, #tpu.memory_space<hbm>> -> memref<1x10000x64xbf16, #tpu.memory_space<hbm>>
      %dma_wait3A_662 = tpu.memref_squeeze %dma_wait3A_661 : memref<1x10000x64xbf16, #tpu.memory_space<hbm>> -> memref<10000x64xbf16, #tpu.memory_space<hbm>>
      %dma_wait3A_663 = arith.constant 0 : i32
      %dma_wait3A_664 = arith.constant 0 : i32
      %dma_wait3A_665 = tpu.memref_slice %dma_wait3A_662[%dma_wait3A_663, %dma_wait3A_664] : memref<10000x64xbf16, #tpu.memory_space<hbm>> -> memref<80x64xbf16, #tpu.memory_space<hbm>>
      %dma_wait3A_666 = arith.constant 0 : i32
      %dma_wait3A_667 = arith.constant 0 : i32
      %dma_wait3A_668 = tpu.memref_slice %arg10[%dma_wait3A_654, %dma_wait3A_666, %dma_wait3A_667] : memref<8x80x64xbf16, #tpu.memory_space<vmem>> -> memref<1x80x64xbf16, #tpu.memory_space<vmem>>
      %dma_wait3A_669 = tpu.memref_squeeze %dma_wait3A_668 : memref<1x80x64xbf16, #tpu.memory_space<vmem>> -> memref<80x64xbf16, #tpu.memory_space<vmem>>
      %dma_wait3A_670 = arith.constant 0 : i32
      %dma_wait3A_671 = arith.constant 0 : i32
      %dma_wait3A_672 = tpu.memref_slice %arg2[%arg0, %dma_wait3A_670, %dma_wait3A_671] : memref<2x10000x64xbf16, #tpu.memory_space<hbm>> -> memref<1x10000x64xbf16, #tpu.memory_space<hbm>>
      %dma_wait3A_673 = tpu.memref_squeeze %dma_wait3A_672 : memref<1x10000x64xbf16, #tpu.memory_space<hbm>> -> memref<10000x64xbf16, #tpu.memory_space<hbm>>
      %dma_wait3A_674 = arith.constant 0 : i32
      %dma_wait3A_675 = arith.constant 0 : i32
      %dma_wait3A_676 = tpu.memref_slice %dma_wait3A_673[%dma_wait3A_674, %dma_wait3A_675] : memref<10000x64xbf16, #tpu.memory_space<hbm>> -> memref<80x64xbf16, #tpu.memory_space<hbm>>
      tpu.wait_dma2 semaphore(%arg13 : memref<!tpu.dma_semaphore, #tpu.memory_space<semaphore_mem>>) src(%dma_wait3A_676 : memref<80x64xbf16, #tpu.memory_space<hbm>>) dst(%dma_wait3A_669 : memref<80x64xbf16, #tpu.memory_space<vmem>>)
      %dma_wait3A_677 = arith.constant 0 : i32
      %dma_wait3A_678 = arith.constant 0 : i32
      %dma_wait3A_679 = arith.constant 0 : i32
      %dma_wait3A_680 = tpu.memref_slice %arg10[%dma_wait3A_677, %dma_wait3A_678, %dma_wait3A_679] : memref<8x80x64xbf16, #tpu.memory_space<vmem>> -> memref<1x80x64xbf16, #tpu.memory_space<vmem>>
      %dma_wait3A_681 = tpu.memref_squeeze %dma_wait3A_680 : memref<1x80x64xbf16, #tpu.memory_space<vmem>> -> memref<80x64xbf16, #tpu.memory_space<vmem>>
      %dma_wait3A_682 = arith.constant 0 : i32
      %dma_wait3A_683 = arith.constant 0 : i32
      %dma_wait3A_684 = tpu.memref_slice %arg2[%arg0, %dma_wait3A_682, %dma_wait3A_683] : memref<2x10000x64xbf16, #tpu.memory_space<hbm>> -> memref<1x10000x64xbf16, #tpu.memory_space<hbm>>
      %dma_wait3A_685 = tpu.memref_squeeze %dma_wait3A_684 : memref<1x10000x64xbf16, #tpu.memory_space<hbm>> -> memref<10000x64xbf16, #tpu.memory_space<hbm>>
      %dma_wait3A_686 = arith.constant 0 : i32
      %dma_wait3A_687 = arith.constant 0 : i32
      %dma_wait3A_688 = tpu.memref_slice %dma_wait3A_685[%dma_wait3A_686, %dma_wait3A_687] : memref<10000x64xbf16, #tpu.memory_space<hbm>> -> memref<80x64xbf16, #tpu.memory_space<hbm>>
      %dma_wait3A_689 = arith.constant 0 : i32
      %dma_wait3A_690 = arith.constant 0 : i32
      %dma_wait3A_691 = tpu.memref_slice %arg10[%dma_wait3A_677, %dma_wait3A_689, %dma_wait3A_690] : memref<8x80x64xbf16, #tpu.memory_space<vmem>> -> memref<1x80x64xbf16, #tpu.memory_space<vmem>>
      %dma_wait3A_692 = tpu.memref_squeeze %dma_wait3A_691 : memref<1x80x64xbf16, #tpu.memory_space<vmem>> -> memref<80x64xbf16, #tpu.memory_space<vmem>>
      %dma_wait3A_693 = arith.constant 0 : i32
      %dma_wait3A_694 = arith.constant 0 : i32
      %dma_wait3A_695 = tpu.memref_slice %arg2[%arg0, %dma_wait3A_693, %dma_wait3A_694] : memref<2x10000x64xbf16, #tpu.memory_space<hbm>> -> memref<1x10000x64xbf16, #tpu.memory_space<hbm>>
      %dma_wait3A_696 = tpu.memref_squeeze %dma_wait3A_695 : memref<1x10000x64xbf16, #tpu.memory_space<hbm>> -> memref<10000x64xbf16, #tpu.memory_space<hbm>>
      %dma_wait3A_697 = arith.constant 0 : i32
      %dma_wait3A_698 = arith.constant 0 : i32
      %dma_wait3A_699 = tpu.memref_slice %dma_wait3A_696[%dma_wait3A_697, %dma_wait3A_698] : memref<10000x64xbf16, #tpu.memory_space<hbm>> -> memref<80x64xbf16, #tpu.memory_space<hbm>>
      tpu.wait_dma2 semaphore(%arg13 : memref<!tpu.dma_semaphore, #tpu.memory_space<semaphore_mem>>) src(%dma_wait3A_699 : memref<80x64xbf16, #tpu.memory_space<hbm>>) dst(%dma_wait3A_692 : memref<80x64xbf16, #tpu.memory_space<vmem>>)
      %mul3A_700 = arith.constant 4 : i32
      %mul3A_701 = arith.muli %rem3A_303, %mul3A_700 : i32
      %add3A_702 = arith.constant 0 : i32
      %add3A_703 = arith.addi %mul3A_701, %add3A_702 : i32
      %dma_start3A_704 = arith.constant 0 : i32
      %dma_start3A_705 = arith.constant 0 : i32
      %dma_start3A_706 = arith.constant 0 : i32
      %dma_start3A_707 = tpu.memref_slice %arg10[%dma_start3A_704, %dma_start3A_705, %dma_start3A_706] : memref<8x80x64xbf16, #tpu.memory_space<vmem>> -> memref<1x80x64xbf16, #tpu.memory_space<vmem>>
      %dma_start3A_708 = tpu.memref_squeeze %dma_start3A_707 : memref<1x80x64xbf16, #tpu.memory_space<vmem>> -> memref<80x64xbf16, #tpu.memory_space<vmem>>
      %dma_start3A_709 = arith.constant 0 : i32
      %dma_start3A_710 = tpu.memref_slice %arg8[%add3A_703, %dma_start3A_709] : memref<256x80xi32, #tpu.memory_space<vmem>> -> memref<1x80xi32, #tpu.memory_space<vmem>>
      %dma_start3A_711 = tpu.memref_squeeze %dma_start3A_710 : memref<1x80xi32, #tpu.memory_space<vmem>> -> memref<80xi32, #tpu.memory_space<vmem>>
      %dma_start3A_712 = arith.constant 0 : i32
      %dma_start3A_713 = arith.constant 0 : i32
      %dma_start3A_714 = tpu.memref_slice %arg6[%dma_start3A_712, %dma_start3A_713] : memref<10000x64xbf16, #tpu.memory_space<vmem_shared>> -> memref<10000x64xbf16, #tpu.memory_space<vmem_shared>>
      tpu.enqueue_indirect_dma source(%dma_start3A_714 : memref<10000x64xbf16, #tpu.memory_space<vmem_shared>>) target(%dma_start3A_708 : memref<80x64xbf16, #tpu.memory_space<vmem>>) offsets(%dma_start3A_711 : memref<80xi32, #tpu.memory_space<vmem>>) semaphore(%arg11 : memref<!tpu.dma_semaphore, #tpu.memory_space<semaphore_mem>>)
      %mul3A_715 = arith.constant 4 : i32
      %mul3A_716 = arith.muli %rem3A_303, %mul3A_715 : i32
      %add3A_717 = arith.constant 1 : i32
      %add3A_718 = arith.addi %mul3A_716, %add3A_717 : i32
      %dma_start3A_719 = arith.constant 1 : i32
      %dma_start3A_720 = arith.constant 0 : i32
      %dma_start3A_721 = arith.constant 0 : i32
      %dma_start3A_722 = tpu.memref_slice %arg10[%dma_start3A_719, %dma_start3A_720, %dma_start3A_721] : memref<8x80x64xbf16, #tpu.memory_space<vmem>> -> memref<1x80x64xbf16, #tpu.memory_space<vmem>>
      %dma_start3A_723 = tpu.memref_squeeze %dma_start3A_722 : memref<1x80x64xbf16, #tpu.memory_space<vmem>> -> memref<80x64xbf16, #tpu.memory_space<vmem>>
      %dma_start3A_724 = arith.constant 0 : i32
      %dma_start3A_725 = tpu.memref_slice %arg8[%add3A_718, %dma_start3A_724] : memref<256x80xi32, #tpu.memory_space<vmem>> -> memref<1x80xi32, #tpu.memory_space<vmem>>
      %dma_start3A_726 = tpu.memref_squeeze %dma_start3A_725 : memref<1x80xi32, #tpu.memory_space<vmem>> -> memref<80xi32, #tpu.memory_space<vmem>>
      %dma_start3A_727 = arith.constant 0 : i32
      %dma_start3A_728 = arith.constant 0 : i32
      %dma_start3A_729 = tpu.memref_slice %arg6[%dma_start3A_727, %dma_start3A_728] : memref<10000x64xbf16, #tpu.memory_space<vmem_shared>> -> memref<10000x64xbf16, #tpu.memory_space<vmem_shared>>
      tpu.enqueue_indirect_dma source(%dma_start3A_729 : memref<10000x64xbf16, #tpu.memory_space<vmem_shared>>) target(%dma_start3A_723 : memref<80x64xbf16, #tpu.memory_space<vmem>>) offsets(%dma_start3A_726 : memref<80xi32, #tpu.memory_space<vmem>>) semaphore(%arg11 : memref<!tpu.dma_semaphore, #tpu.memory_space<semaphore_mem>>)
      %mul3A_730 = arith.constant 4 : i32
      %mul3A_731 = arith.muli %rem3A_303, %mul3A_730 : i32
      %add3A_732 = arith.constant 2 : i32
      %add3A_733 = arith.addi %mul3A_731, %add3A_732 : i32
      %dma_start3A_734 = arith.constant 2 : i32
      %dma_start3A_735 = arith.constant 0 : i32
      %dma_start3A_736 = arith.constant 0 : i32
      %dma_start3A_737 = tpu.memref_slice %arg10[%dma_start3A_734, %dma_start3A_735, %dma_start3A_736] : memref<8x80x64xbf16, #tpu.memory_space<vmem>> -> memref<1x80x64xbf16, #tpu.memory_space<vmem>>
      %dma_start3A_738 = tpu.memref_squeeze %dma_start3A_737 : memref<1x80x64xbf16, #tpu.memory_space<vmem>> -> memref<80x64xbf16, #tpu.memory_space<vmem>>
      %dma_start3A_739 = arith.constant 0 : i32
      %dma_start3A_740 = tpu.memref_slice %arg8[%add3A_733, %dma_start3A_739] : memref<256x80xi32, #tpu.memory_space<vmem>> -> memref<1x80xi32, #tpu.memory_space<vmem>>
      %dma_start3A_741 = tpu.memref_squeeze %dma_start3A_740 : memref<1x80xi32, #tpu.memory_space<vmem>> -> memref<80xi32, #tpu.memory_space<vmem>>
      %dma_start3A_742 = arith.constant 0 : i32
      %dma_start3A_743 = arith.constant 0 : i32
      %dma_start3A_744 = tpu.memref_slice %arg6[%dma_start3A_742, %dma_start3A_743] : memref<10000x64xbf16, #tpu.memory_space<vmem_shared>> -> memref<10000x64xbf16, #tpu.memory_space<vmem_shared>>
      tpu.enqueue_indirect_dma source(%dma_start3A_744 : memref<10000x64xbf16, #tpu.memory_space<vmem_shared>>) target(%dma_start3A_738 : memref<80x64xbf16, #tpu.memory_space<vmem>>) offsets(%dma_start3A_741 : memref<80xi32, #tpu.memory_space<vmem>>) semaphore(%arg11 : memref<!tpu.dma_semaphore, #tpu.memory_space<semaphore_mem>>)
      %mul3A_745 = arith.constant 4 : i32
      %mul3A_746 = arith.muli %rem3A_303, %mul3A_745 : i32
      %add3A_747 = arith.constant 3 : i32
      %add3A_748 = arith.addi %mul3A_746, %add3A_747 : i32
      %dma_start3A_749 = arith.constant 3 : i32
      %dma_start3A_750 = arith.constant 0 : i32
      %dma_start3A_751 = arith.constant 0 : i32
      %dma_start3A_752 = tpu.memref_slice %arg10[%dma_start3A_749, %dma_start3A_750, %dma_start3A_751] : memref<8x80x64xbf16, #tpu.memory_space<vmem>> -> memref<1x80x64xbf16, #tpu.memory_space<vmem>>
      %dma_start3A_753 = tpu.memref_squeeze %dma_start3A_752 : memref<1x80x64xbf16, #tpu.memory_space<vmem>> -> memref<80x64xbf16, #tpu.memory_space<vmem>>
      %dma_start3A_754 = arith.constant 0 : i32
      %dma_start3A_755 = tpu.memref_slice %arg8[%add3A_748, %dma_start3A_754] : memref<256x80xi32, #tpu.memory_space<vmem>> -> memref<1x80xi32, #tpu.memory_space<vmem>>
      %dma_start3A_756 = tpu.memref_squeeze %dma_start3A_755 : memref<1x80xi32, #tpu.memory_space<vmem>> -> memref<80xi32, #tpu.memory_space<vmem>>
      %dma_start3A_757 = arith.constant 0 : i32
      %dma_start3A_758 = arith.constant 0 : i32
      %dma_start3A_759 = tpu.memref_slice %arg6[%dma_start3A_757, %dma_start3A_758] : memref<10000x64xbf16, #tpu.memory_space<vmem_shared>> -> memref<10000x64xbf16, #tpu.memory_space<vmem_shared>>
      tpu.enqueue_indirect_dma source(%dma_start3A_759 : memref<10000x64xbf16, #tpu.memory_space<vmem_shared>>) target(%dma_start3A_753 : memref<80x64xbf16, #tpu.memory_space<vmem>>) offsets(%dma_start3A_756 : memref<80xi32, #tpu.memory_space<vmem>>) semaphore(%arg11 : memref<!tpu.dma_semaphore, #tpu.memory_space<semaphore_mem>>)
      %dma_wait3A_760 = arith.constant 0 : i32
      %dma_wait3A_761 = arith.constant 0 : i32
      %dma_wait3A_762 = arith.constant 0 : i32
      %dma_wait3A_763 = tpu.memref_slice %arg10[%dma_wait3A_760, %dma_wait3A_761, %dma_wait3A_762] : memref<8x80x64xbf16, #tpu.memory_space<vmem>> -> memref<1x80x64xbf16, #tpu.memory_space<vmem>>
      %dma_wait3A_764 = tpu.memref_squeeze %dma_wait3A_763 : memref<1x80x64xbf16, #tpu.memory_space<vmem>> -> memref<80x64xbf16, #tpu.memory_space<vmem>>
      %dma_wait3A_765 = arith.constant 0 : i32
      %dma_wait3A_766 = arith.constant 0 : i32
      %dma_wait3A_767 = tpu.memref_slice %arg2[%arg0, %dma_wait3A_765, %dma_wait3A_766] : memref<2x10000x64xbf16, #tpu.memory_space<hbm>> -> memref<1x10000x64xbf16, #tpu.memory_space<hbm>>
      %dma_wait3A_768 = tpu.memref_squeeze %dma_wait3A_767 : memref<1x10000x64xbf16, #tpu.memory_space<hbm>> -> memref<10000x64xbf16, #tpu.memory_space<hbm>>
      %dma_wait3A_769 = arith.constant 0 : i32
      %dma_wait3A_770 = arith.constant 0 : i32
      %dma_wait3A_771 = tpu.memref_slice %dma_wait3A_768[%dma_wait3A_769, %dma_wait3A_770] : memref<10000x64xbf16, #tpu.memory_space<hbm>> -> memref<80x64xbf16, #tpu.memory_space<hbm>>
      %dma_wait3A_772 = arith.constant 0 : i32
      %dma_wait3A_773 = arith.constant 0 : i32
      %dma_wait3A_774 = tpu.memref_slice %arg10[%dma_wait3A_760, %dma_wait3A_772, %dma_wait3A_773] : memref<8x80x64xbf16, #tpu.memory_space<vmem>> -> memref<1x80x64xbf16, #tpu.memory_space<vmem>>
      %dma_wait3A_775 = tpu.memref_squeeze %dma_wait3A_774 : memref<1x80x64xbf16, #tpu.memory_space<vmem>> -> memref<80x64xbf16, #tpu.memory_space<vmem>>
      %dma_wait3A_776 = arith.constant 0 : i32
      %dma_wait3A_777 = arith.constant 0 : i32
      %dma_wait3A_778 = tpu.memref_slice %arg2[%arg0, %dma_wait3A_776, %dma_wait3A_777] : memref<2x10000x64xbf16, #tpu.memory_space<hbm>> -> memref<1x10000x64xbf16, #tpu.memory_space<hbm>>
      %dma_wait3A_779 = tpu.memref_squeeze %dma_wait3A_778 : memref<1x10000x64xbf16, #tpu.memory_space<hbm>> -> memref<10000x64xbf16, #tpu.memory_space<hbm>>
      %dma_wait3A_780 = arith.constant 0 : i32
      %dma_wait3A_781 = arith.constant 0 : i32
      %dma_wait3A_782 = tpu.memref_slice %dma_wait3A_779[%dma_wait3A_780, %dma_wait3A_781] : memref<10000x64xbf16, #tpu.memory_space<hbm>> -> memref<80x64xbf16, #tpu.memory_space<hbm>>
      tpu.wait_dma2 semaphore(%arg12 : memref<!tpu.dma_semaphore, #tpu.memory_space<semaphore_mem>>) src(%dma_wait3A_782 : memref<80x64xbf16, #tpu.memory_space<hbm>>) dst(%dma_wait3A_775 : memref<80x64xbf16, #tpu.memory_space<vmem>>)
      %dma_wait3A_783 = arith.constant 0 : i32
      %dma_wait3A_784 = arith.constant 0 : i32
      %dma_wait3A_785 = arith.constant 0 : i32
      %dma_wait3A_786 = tpu.memref_slice %arg10[%dma_wait3A_783, %dma_wait3A_784, %dma_wait3A_785] : memref<8x80x64xbf16, #tpu.memory_space<vmem>> -> memref<1x80x64xbf16, #tpu.memory_space<vmem>>
      %dma_wait3A_787 = tpu.memref_squeeze %dma_wait3A_786 : memref<1x80x64xbf16, #tpu.memory_space<vmem>> -> memref<80x64xbf16, #tpu.memory_space<vmem>>
      %dma_wait3A_788 = arith.constant 0 : i32
      %dma_wait3A_789 = arith.constant 0 : i32
      %dma_wait3A_790 = tpu.memref_slice %arg2[%arg0, %dma_wait3A_788, %dma_wait3A_789] : memref<2x10000x64xbf16, #tpu.memory_space<hbm>> -> memref<1x10000x64xbf16, #tpu.memory_space<hbm>>
      %dma_wait3A_791 = tpu.memref_squeeze %dma_wait3A_790 : memref<1x10000x64xbf16, #tpu.memory_space<hbm>> -> memref<10000x64xbf16, #tpu.memory_space<hbm>>
      %dma_wait3A_792 = arith.constant 0 : i32
      %dma_wait3A_793 = arith.constant 0 : i32
      %dma_wait3A_794 = tpu.memref_slice %dma_wait3A_791[%dma_wait3A_792, %dma_wait3A_793] : memref<10000x64xbf16, #tpu.memory_space<hbm>> -> memref<80x64xbf16, #tpu.memory_space<hbm>>
      %dma_wait3A_795 = arith.constant 0 : i32
      %dma_wait3A_796 = arith.constant 0 : i32
      %dma_wait3A_797 = tpu.memref_slice %arg10[%dma_wait3A_783, %dma_wait3A_795, %dma_wait3A_796] : memref<8x80x64xbf16, #tpu.memory_space<vmem>> -> memref<1x80x64xbf16, #tpu.memory_space<vmem>>
      %dma_wait3A_798 = tpu.memref_squeeze %dma_wait3A_797 : memref<1x80x64xbf16, #tpu.memory_space<vmem>> -> memref<80x64xbf16, #tpu.memory_space<vmem>>
      %dma_wait3A_799 = arith.constant 0 : i32
      %dma_wait3A_800 = arith.constant 0 : i32
      %dma_wait3A_801 = tpu.memref_slice %arg2[%arg0, %dma_wait3A_799, %dma_wait3A_800] : memref<2x10000x64xbf16, #tpu.memory_space<hbm>> -> memref<1x10000x64xbf16, #tpu.memory_space<hbm>>
      %dma_wait3A_802 = tpu.memref_squeeze %dma_wait3A_801 : memref<1x10000x64xbf16, #tpu.memory_space<hbm>> -> memref<10000x64xbf16, #tpu.memory_space<hbm>>
      %dma_wait3A_803 = arith.constant 0 : i32
      %dma_wait3A_804 = arith.constant 0 : i32
      %dma_wait3A_805 = tpu.memref_slice %dma_wait3A_802[%dma_wait3A_803, %dma_wait3A_804] : memref<10000x64xbf16, #tpu.memory_space<hbm>> -> memref<80x64xbf16, #tpu.memory_space<hbm>>
      tpu.wait_dma2 semaphore(%arg12 : memref<!tpu.dma_semaphore, #tpu.memory_space<semaphore_mem>>) src(%dma_wait3A_805 : memref<80x64xbf16, #tpu.memory_space<hbm>>) dst(%dma_wait3A_798 : memref<80x64xbf16, #tpu.memory_space<vmem>>)
      %dma_wait3A_806 = arith.constant 0 : i32
      %dma_wait3A_807 = arith.constant 0 : i32
      %dma_wait3A_808 = arith.constant 0 : i32
      %dma_wait3A_809 = tpu.memref_slice %arg10[%dma_wait3A_806, %dma_wait3A_807, %dma_wait3A_808] : memref<8x80x64xbf16, #tpu.memory_space<vmem>> -> memref<1x80x64xbf16, #tpu.memory_space<vmem>>
      %dma_wait3A_810 = tpu.memref_squeeze %dma_wait3A_809 : memref<1x80x64xbf16, #tpu.memory_space<vmem>> -> memref<80x64xbf16, #tpu.memory_space<vmem>>
      %dma_wait3A_811 = arith.constant 0 : i32
      %dma_wait3A_812 = arith.constant 0 : i32
      %dma_wait3A_813 = tpu.memref_slice %arg2[%arg0, %dma_wait3A_811, %dma_wait3A_812] : memref<2x10000x64xbf16, #tpu.memory_space<hbm>> -> memref<1x10000x64xbf16, #tpu.memory_space<hbm>>
      %dma_wait3A_814 = tpu.memref_squeeze %dma_wait3A_813 : memref<1x10000x64xbf16, #tpu.memory_space<hbm>> -> memref<10000x64xbf16, #tpu.memory_space<hbm>>
      %dma_wait3A_815 = arith.constant 0 : i32
      %dma_wait3A_816 = arith.constant 0 : i32
      %dma_wait3A_817 = tpu.memref_slice %dma_wait3A_814[%dma_wait3A_815, %dma_wait3A_816] : memref<10000x64xbf16, #tpu.memory_space<hbm>> -> memref<80x64xbf16, #tpu.memory_space<hbm>>
      %dma_wait3A_818 = arith.constant 0 : i32
      %dma_wait3A_819 = arith.constant 0 : i32
      %dma_wait3A_820 = tpu.memref_slice %arg10[%dma_wait3A_806, %dma_wait3A_818, %dma_wait3A_819] : memref<8x80x64xbf16, #tpu.memory_space<vmem>> -> memref<1x80x64xbf16, #tpu.memory_space<vmem>>
      %dma_wait3A_821 = tpu.memref_squeeze %dma_wait3A_820 : memref<1x80x64xbf16, #tpu.memory_space<vmem>> -> memref<80x64xbf16, #tpu.memory_space<vmem>>
      %dma_wait3A_822 = arith.constant 0 : i32
      %dma_wait3A_823 = arith.constant 0 : i32
      %dma_wait3A_824 = tpu.memref_slice %arg2[%arg0, %dma_wait3A_822, %dma_wait3A_823] : memref<2x10000x64xbf16, #tpu.memory_space<hbm>> -> memref<1x10000x64xbf16, #tpu.memory_space<hbm>>
      %dma_wait3A_825 = tpu.memref_squeeze %dma_wait3A_824 : memref<1x10000x64xbf16, #tpu.memory_space<hbm>> -> memref<10000x64xbf16, #tpu.memory_space<hbm>>
      %dma_wait3A_826 = arith.constant 0 : i32
      %dma_wait3A_827 = arith.constant 0 : i32
      %dma_wait3A_828 = tpu.memref_slice %dma_wait3A_825[%dma_wait3A_826, %dma_wait3A_827] : memref<10000x64xbf16, #tpu.memory_space<hbm>> -> memref<80x64xbf16, #tpu.memory_space<hbm>>
      tpu.wait_dma2 semaphore(%arg12 : memref<!tpu.dma_semaphore, #tpu.memory_space<semaphore_mem>>) src(%dma_wait3A_828 : memref<80x64xbf16, #tpu.memory_space<hbm>>) dst(%dma_wait3A_821 : memref<80x64xbf16, #tpu.memory_space<vmem>>)
      %dma_wait3A_829 = arith.constant 0 : i32
      %dma_wait3A_830 = arith.constant 0 : i32
      %dma_wait3A_831 = arith.constant 0 : i32
      %dma_wait3A_832 = tpu.memref_slice %arg10[%dma_wait3A_829, %dma_wait3A_830, %dma_wait3A_831] : memref<8x80x64xbf16, #tpu.memory_space<vmem>> -> memref<1x80x64xbf16, #tpu.memory_space<vmem>>
      %dma_wait3A_833 = tpu.memref_squeeze %dma_wait3A_832 : memref<1x80x64xbf16, #tpu.memory_space<vmem>> -> memref<80x64xbf16, #tpu.memory_space<vmem>>
      %dma_wait3A_834 = arith.constant 0 : i32
      %dma_wait3A_835 = arith.constant 0 : i32
      %dma_wait3A_836 = tpu.memref_slice %arg2[%arg0, %dma_wait3A_834, %dma_wait3A_835] : memref<2x10000x64xbf16, #tpu.memory_space<hbm>> -> memref<1x10000x64xbf16, #tpu.memory_space<hbm>>
      %dma_wait3A_837 = tpu.memref_squeeze %dma_wait3A_836 : memref<1x10000x64xbf16, #tpu.memory_space<hbm>> -> memref<10000x64xbf16, #tpu.memory_space<hbm>>
      %dma_wait3A_838 = arith.constant 0 : i32
      %dma_wait3A_839 = arith.constant 0 : i32
      %dma_wait3A_840 = tpu.memref_slice %dma_wait3A_837[%dma_wait3A_838, %dma_wait3A_839] : memref<10000x64xbf16, #tpu.memory_space<hbm>> -> memref<80x64xbf16, #tpu.memory_space<hbm>>
      %dma_wait3A_841 = arith.constant 0 : i32
      %dma_wait3A_842 = arith.constant 0 : i32
      %dma_wait3A_843 = tpu.memref_slice %arg10[%dma_wait3A_829, %dma_wait3A_841, %dma_wait3A_842] : memref<8x80x64xbf16, #tpu.memory_space<vmem>> -> memref<1x80x64xbf16, #tpu.memory_space<vmem>>
      %dma_wait3A_844 = tpu.memref_squeeze %dma_wait3A_843 : memref<1x80x64xbf16, #tpu.memory_space<vmem>> -> memref<80x64xbf16, #tpu.memory_space<vmem>>
      %dma_wait3A_845 = arith.constant 0 : i32
      %dma_wait3A_846 = arith.constant 0 : i32
      %dma_wait3A_847 = tpu.memref_slice %arg2[%arg0, %dma_wait3A_845, %dma_wait3A_846] : memref<2x10000x64xbf16, #tpu.memory_space<hbm>> -> memref<1x10000x64xbf16, #tpu.memory_space<hbm>>
      %dma_wait3A_848 = tpu.memref_squeeze %dma_wait3A_847 : memref<1x10000x64xbf16, #tpu.memory_space<hbm>> -> memref<10000x64xbf16, #tpu.memory_space<hbm>>
      %dma_wait3A_849 = arith.constant 0 : i32
      %dma_wait3A_850 = arith.constant 0 : i32
      %dma_wait3A_851 = tpu.memref_slice %dma_wait3A_848[%dma_wait3A_849, %dma_wait3A_850] : memref<10000x64xbf16, #tpu.memory_space<hbm>> -> memref<80x64xbf16, #tpu.memory_space<hbm>>
      tpu.wait_dma2 semaphore(%arg12 : memref<!tpu.dma_semaphore, #tpu.memory_space<semaphore_mem>>) src(%dma_wait3A_851 : memref<80x64xbf16, #tpu.memory_space<hbm>>) dst(%dma_wait3A_844 : memref<80x64xbf16, #tpu.memory_space<vmem>>)
      %mul3A_852 = arith.constant 4 : i32
      %mul3A_853 = arith.muli %add3A_300, %mul3A_852 : i32
      %add3A_854 = arith.constant 0 : i32
      %add3A_855 = arith.addi %mul3A_853, %add3A_854 : i32
      %dma_start3A_856 = arith.constant 4 : i32
      %dma_start3A_857 = arith.constant 0 : i32
      %dma_start3A_858 = arith.constant 0 : i32
      %dma_start3A_859 = tpu.memref_slice %arg10[%dma_start3A_856, %dma_start3A_857, %dma_start3A_858] : memref<8x80x64xbf16, #tpu.memory_space<vmem>> -> memref<1x80x64xbf16, #tpu.memory_space<vmem>>
      %dma_start3A_860 = tpu.memref_squeeze %dma_start3A_859 : memref<1x80x64xbf16, #tpu.memory_space<vmem>> -> memref<80x64xbf16, #tpu.memory_space<vmem>>
      %dma_start3A_861 = arith.constant 0 : i32
      %dma_start3A_862 = tpu.memref_slice %arg9[%add3A_855, %dma_start3A_861] : memref<256x80xi32, #tpu.memory_space<vmem>> -> memref<1x80xi32, #tpu.memory_space<vmem>>
      %dma_start3A_863 = tpu.memref_squeeze %dma_start3A_862 : memref<1x80xi32, #tpu.memory_space<vmem>> -> memref<80xi32, #tpu.memory_space<vmem>>
      %dma_start3A_864 = arith.constant 0 : i32
      %dma_start3A_865 = arith.constant 0 : i32
      %dma_start3A_866 = tpu.memref_slice %arg7[%dma_start3A_864, %dma_start3A_865] : memref<10080x64xbf16, #tpu.memory_space<vmem_shared>> -> memref<10080x64xbf16, #tpu.memory_space<vmem_shared>>
      tpu.enqueue_indirect_dma source(%dma_start3A_860 : memref<80x64xbf16, #tpu.memory_space<vmem>>) target(%dma_start3A_866 : memref<10080x64xbf16, #tpu.memory_space<vmem_shared>>) offsets(%dma_start3A_863 : memref<80xi32, #tpu.memory_space<vmem>>) semaphore(%arg14 : memref<!tpu.dma_semaphore, #tpu.memory_space<semaphore_mem>>) {add = true}
      %mul3A_867 = arith.constant 4 : i32
      %mul3A_868 = arith.muli %add3A_300, %mul3A_867 : i32
      %add3A_869 = arith.constant 1 : i32
      %add3A_870 = arith.addi %mul3A_868, %add3A_869 : i32
      %dma_start3A_871 = arith.constant 5 : i32
      %dma_start3A_872 = arith.constant 0 : i32
      %dma_start3A_873 = arith.constant 0 : i32
      %dma_start3A_874 = tpu.memref_slice %arg10[%dma_start3A_871, %dma_start3A_872, %dma_start3A_873] : memref<8x80x64xbf16, #tpu.memory_space<vmem>> -> memref<1x80x64xbf16, #tpu.memory_space<vmem>>
      %dma_start3A_875 = tpu.memref_squeeze %dma_start3A_874 : memref<1x80x64xbf16, #tpu.memory_space<vmem>> -> memref<80x64xbf16, #tpu.memory_space<vmem>>
      %dma_start3A_876 = arith.constant 0 : i32
      %dma_start3A_877 = tpu.memref_slice %arg9[%add3A_870, %dma_start3A_876] : memref<256x80xi32, #tpu.memory_space<vmem>> -> memref<1x80xi32, #tpu.memory_space<vmem>>
      %dma_start3A_878 = tpu.memref_squeeze %dma_start3A_877 : memref<1x80xi32, #tpu.memory_space<vmem>> -> memref<80xi32, #tpu.memory_space<vmem>>
      %dma_start3A_879 = arith.constant 0 : i32
      %dma_start3A_880 = arith.constant 0 : i32
      %dma_start3A_881 = tpu.memref_slice %arg7[%dma_start3A_879, %dma_start3A_880] : memref<10080x64xbf16, #tpu.memory_space<vmem_shared>> -> memref<10080x64xbf16, #tpu.memory_space<vmem_shared>>
      tpu.enqueue_indirect_dma source(%dma_start3A_875 : memref<80x64xbf16, #tpu.memory_space<vmem>>) target(%dma_start3A_881 : memref<10080x64xbf16, #tpu.memory_space<vmem_shared>>) offsets(%dma_start3A_878 : memref<80xi32, #tpu.memory_space<vmem>>) semaphore(%arg14 : memref<!tpu.dma_semaphore, #tpu.memory_space<semaphore_mem>>) {add = true}
      %mul3A_882 = arith.constant 4 : i32
      %mul3A_883 = arith.muli %add3A_300, %mul3A_882 : i32
      %add3A_884 = arith.constant 2 : i32
      %add3A_885 = arith.addi %mul3A_883, %add3A_884 : i32
      %dma_start3A_886 = arith.constant 6 : i32
      %dma_start3A_887 = arith.constant 0 : i32
      %dma_start3A_888 = arith.constant 0 : i32
      %dma_start3A_889 = tpu.memref_slice %arg10[%dma_start3A_886, %dma_start3A_887, %dma_start3A_888] : memref<8x80x64xbf16, #tpu.memory_space<vmem>> -> memref<1x80x64xbf16, #tpu.memory_space<vmem>>
      %dma_start3A_890 = tpu.memref_squeeze %dma_start3A_889 : memref<1x80x64xbf16, #tpu.memory_space<vmem>> -> memref<80x64xbf16, #tpu.memory_space<vmem>>
      %dma_start3A_891 = arith.constant 0 : i32
      %dma_start3A_892 = tpu.memref_slice %arg9[%add3A_885, %dma_start3A_891] : memref<256x80xi32, #tpu.memory_space<vmem>> -> memref<1x80xi32, #tpu.memory_space<vmem>>
      %dma_start3A_893 = tpu.memref_squeeze %dma_start3A_892 : memref<1x80xi32, #tpu.memory_space<vmem>> -> memref<80xi32, #tpu.memory_space<vmem>>
      %dma_start3A_894 = arith.constant 0 : i32
      %dma_start3A_895 = arith.constant 0 : i32
      %dma_start3A_896 = tpu.memref_slice %arg7[%dma_start3A_894, %dma_start3A_895] : memref<10080x64xbf16, #tpu.memory_space<vmem_shared>> -> memref<10080x64xbf16, #tpu.memory_space<vmem_shared>>
      tpu.enqueue_indirect_dma source(%dma_start3A_890 : memref<80x64xbf16, #tpu.memory_space<vmem>>) target(%dma_start3A_896 : memref<10080x64xbf16, #tpu.memory_space<vmem_shared>>) offsets(%dma_start3A_893 : memref<80xi32, #tpu.memory_space<vmem>>) semaphore(%arg14 : memref<!tpu.dma_semaphore, #tpu.memory_space<semaphore_mem>>) {add = true}
      %mul3A_897 = arith.constant 4 : i32
      %mul3A_898 = arith.muli %add3A_300, %mul3A_897 : i32
      %add3A_899 = arith.constant 3 : i32
      %add3A_900 = arith.addi %mul3A_898, %add3A_899 : i32
      %dma_start3A_901 = arith.constant 7 : i32
      %dma_start3A_902 = arith.constant 0 : i32
      %dma_start3A_903 = arith.constant 0 : i32
      %dma_start3A_904 = tpu.memref_slice %arg10[%dma_start3A_901, %dma_start3A_902, %dma_start3A_903] : memref<8x80x64xbf16, #tpu.memory_space<vmem>> -> memref<1x80x64xbf16, #tpu.memory_space<vmem>>
      %dma_start3A_905 = tpu.memref_squeeze %dma_start3A_904 : memref<1x80x64xbf16, #tpu.memory_space<vmem>> -> memref<80x64xbf16, #tpu.memory_space<vmem>>
      %dma_start3A_906 = arith.constant 0 : i32
      %dma_start3A_907 = tpu.memref_slice %arg9[%add3A_900, %dma_start3A_906] : memref<256x80xi32, #tpu.memory_space<vmem>> -> memref<1x80xi32, #tpu.memory_space<vmem>>
      %dma_start3A_908 = tpu.memref_squeeze %dma_start3A_907 : memref<1x80xi32, #tpu.memory_space<vmem>> -> memref<80xi32, #tpu.memory_space<vmem>>
      %dma_start3A_909 = arith.constant 0 : i32
      %dma_start3A_910 = arith.constant 0 : i32
      %dma_start3A_911 = tpu.memref_slice %arg7[%dma_start3A_909, %dma_start3A_910] : memref<10080x64xbf16, #tpu.memory_space<vmem_shared>> -> memref<10080x64xbf16, #tpu.memory_space<vmem_shared>>
      tpu.enqueue_indirect_dma source(%dma_start3A_905 : memref<80x64xbf16, #tpu.memory_space<vmem>>) target(%dma_start3A_911 : memref<10080x64xbf16, #tpu.memory_space<vmem_shared>>) offsets(%dma_start3A_908 : memref<80xi32, #tpu.memory_space<vmem>>) semaphore(%arg14 : memref<!tpu.dma_semaphore, #tpu.memory_space<semaphore_mem>>) {add = true}
    }
    %scan3A_112 = arith.constant 32 : i32
    %dma_wait3A = arith.constant 0 : i32
    %dma_wait3A_113 = arith.constant 0 : i32
    %dma_wait3A_114 = arith.constant 0 : i32
    %dma_wait3A_115 = tpu.memref_slice %arg10[%dma_wait3A, %dma_wait3A_113, %dma_wait3A_114] : memref<8x80x64xbf16, #tpu.memory_space<vmem>> -> memref<1x80x64xbf16, #tpu.memory_space<vmem>>
    %dma_wait3A_116 = tpu.memref_squeeze %dma_wait3A_115 : memref<1x80x64xbf16, #tpu.memory_space<vmem>> -> memref<80x64xbf16, #tpu.memory_space<vmem>>
    %dma_wait3A_117 = arith.constant 0 : i32
    %dma_wait3A_118 = arith.constant 0 : i32
    %dma_wait3A_119 = tpu.memref_slice %arg2[%arg0, %dma_wait3A_117, %dma_wait3A_118] : memref<2x10000x64xbf16, #tpu.memory_space<hbm>> -> memref<1x10000x64xbf16, #tpu.memory_space<hbm>>
    %dma_wait3A_120 = tpu.memref_squeeze %dma_wait3A_119 : memref<1x10000x64xbf16, #tpu.memory_space<hbm>> -> memref<10000x64xbf16, #tpu.memory_space<hbm>>
    %dma_wait3A_121 = arith.constant 0 : i32
    %dma_wait3A_122 = arith.constant 0 : i32
    %dma_wait3A_123 = tpu.memref_slice %dma_wait3A_120[%dma_wait3A_121, %dma_wait3A_122] : memref<10000x64xbf16, #tpu.memory_space<hbm>> -> memref<80x64xbf16, #tpu.memory_space<hbm>>
    %dma_wait3A_124 = arith.constant 0 : i32
    %dma_wait3A_125 = arith.constant 0 : i32
    %dma_wait3A_126 = tpu.memref_slice %arg10[%dma_wait3A, %dma_wait3A_124, %dma_wait3A_125] : memref<8x80x64xbf16, #tpu.memory_space<vmem>> -> memref<1x80x64xbf16, #tpu.memory_space<vmem>>
    %dma_wait3A_127 = tpu.memref_squeeze %dma_wait3A_126 : memref<1x80x64xbf16, #tpu.memory_space<vmem>> -> memref<80x64xbf16, #tpu.memory_space<vmem>>
    %dma_wait3A_128 = arith.constant 0 : i32
    %dma_wait3A_129 = arith.constant 0 : i32
    %dma_wait3A_130 = tpu.memref_slice %arg2[%arg0, %dma_wait3A_128, %dma_wait3A_129] : memref<2x10000x64xbf16, #tpu.memory_space<hbm>> -> memref<1x10000x64xbf16, #tpu.memory_space<hbm>>
    %dma_wait3A_131 = tpu.memref_squeeze %dma_wait3A_130 : memref<1x10000x64xbf16, #tpu.memory_space<hbm>> -> memref<10000x64xbf16, #tpu.memory_space<hbm>>
    %dma_wait3A_132 = arith.constant 0 : i32
    %dma_wait3A_133 = arith.constant 0 : i32
    %dma_wait3A_134 = tpu.memref_slice %dma_wait3A_131[%dma_wait3A_132, %dma_wait3A_133] : memref<10000x64xbf16, #tpu.memory_space<hbm>> -> memref<80x64xbf16, #tpu.memory_space<hbm>>
    tpu.wait_dma2 semaphore(%arg14 : memref<!tpu.dma_semaphore, #tpu.memory_space<semaphore_mem>>) src(%dma_wait3A_134 : memref<80x64xbf16, #tpu.memory_space<hbm>>) dst(%dma_wait3A_127 : memref<80x64xbf16, #tpu.memory_space<vmem>>)
    %dma_wait3A_135 = arith.constant 0 : i32
    %dma_wait3A_136 = arith.constant 0 : i32
    %dma_wait3A_137 = arith.constant 0 : i32
    %dma_wait3A_138 = tpu.memref_slice %arg10[%dma_wait3A_135, %dma_wait3A_136, %dma_wait3A_137] : memref<8x80x64xbf16, #tpu.memory_space<vmem>> -> memref<1x80x64xbf16, #tpu.memory_space<vmem>>
    %dma_wait3A_139 = tpu.memref_squeeze %dma_wait3A_138 : memref<1x80x64xbf16, #tpu.memory_space<vmem>> -> memref<80x64xbf16, #tpu.memory_space<vmem>>
    %dma_wait3A_140 = arith.constant 0 : i32
    %dma_wait3A_141 = arith.constant 0 : i32
    %dma_wait3A_142 = tpu.memref_slice %arg2[%arg0, %dma_wait3A_140, %dma_wait3A_141] : memref<2x10000x64xbf16, #tpu.memory_space<hbm>> -> memref<1x10000x64xbf16, #tpu.memory_space<hbm>>
    %dma_wait3A_143 = tpu.memref_squeeze %dma_wait3A_142 : memref<1x10000x64xbf16, #tpu.memory_space<hbm>> -> memref<10000x64xbf16, #tpu.memory_space<hbm>>
    %dma_wait3A_144 = arith.constant 0 : i32
    %dma_wait3A_145 = arith.constant 0 : i32
    %dma_wait3A_146 = tpu.memref_slice %dma_wait3A_143[%dma_wait3A_144, %dma_wait3A_145] : memref<10000x64xbf16, #tpu.memory_space<hbm>> -> memref<80x64xbf16, #tpu.memory_space<hbm>>
    %dma_wait3A_147 = arith.constant 0 : i32
    %dma_wait3A_148 = arith.constant 0 : i32
    %dma_wait3A_149 = tpu.memref_slice %arg10[%dma_wait3A_135, %dma_wait3A_147, %dma_wait3A_148] : memref<8x80x64xbf16, #tpu.memory_space<vmem>> -> memref<1x80x64xbf16, #tpu.memory_space<vmem>>
    %dma_wait3A_150 = tpu.memref_squeeze %dma_wait3A_149 : memref<1x80x64xbf16, #tpu.memory_space<vmem>> -> memref<80x64xbf16, #tpu.memory_space<vmem>>
    %dma_wait3A_151 = arith.constant 0 : i32
    %dma_wait3A_152 = arith.constant 0 : i32
    %dma_wait3A_153 = tpu.memref_slice %arg2[%arg0, %dma_wait3A_151, %dma_wait3A_152] : memref<2x10000x64xbf16, #tpu.memory_space<hbm>> -> memref<1x10000x64xbf16, #tpu.memory_space<hbm>>
    %dma_wait3A_154 = tpu.memref_squeeze %dma_wait3A_153 : memref<1x10000x64xbf16, #tpu.memory_space<hbm>> -> memref<10000x64xbf16, #tpu.memory_space<hbm>>
    %dma_wait3A_155 = arith.constant 0 : i32
    %dma_wait3A_156 = arith.constant 0 : i32
    %dma_wait3A_157 = tpu.memref_slice %dma_wait3A_154[%dma_wait3A_155, %dma_wait3A_156] : memref<10000x64xbf16, #tpu.memory_space<hbm>> -> memref<80x64xbf16, #tpu.memory_space<hbm>>
    tpu.wait_dma2 semaphore(%arg14 : memref<!tpu.dma_semaphore, #tpu.memory_space<semaphore_mem>>) src(%dma_wait3A_157 : memref<80x64xbf16, #tpu.memory_space<hbm>>) dst(%dma_wait3A_150 : memref<80x64xbf16, #tpu.memory_space<vmem>>)
    %dma_wait3A_158 = arith.constant 0 : i32
    %dma_wait3A_159 = arith.constant 0 : i32
    %dma_wait3A_160 = arith.constant 0 : i32
    %dma_wait3A_161 = tpu.memref_slice %arg10[%dma_wait3A_158, %dma_wait3A_159, %dma_wait3A_160] : memref<8x80x64xbf16, #tpu.memory_space<vmem>> -> memref<1x80x64xbf16, #tpu.memory_space<vmem>>
    %dma_wait3A_162 = tpu.memref_squeeze %dma_wait3A_161 : memref<1x80x64xbf16, #tpu.memory_space<vmem>> -> memref<80x64xbf16, #tpu.memory_space<vmem>>
    %dma_wait3A_163 = arith.constant 0 : i32
    %dma_wait3A_164 = arith.constant 0 : i32
    %dma_wait3A_165 = tpu.memref_slice %arg2[%arg0, %dma_wait3A_163, %dma_wait3A_164] : memref<2x10000x64xbf16, #tpu.memory_space<hbm>> -> memref<1x10000x64xbf16, #tpu.memory_space<hbm>>
    %dma_wait3A_166 = tpu.memref_squeeze %dma_wait3A_165 : memref<1x10000x64xbf16, #tpu.memory_space<hbm>> -> memref<10000x64xbf16, #tpu.memory_space<hbm>>
    %dma_wait3A_167 = arith.constant 0 : i32
    %dma_wait3A_168 = arith.constant 0 : i32
    %dma_wait3A_169 = tpu.memref_slice %dma_wait3A_166[%dma_wait3A_167, %dma_wait3A_168] : memref<10000x64xbf16, #tpu.memory_space<hbm>> -> memref<80x64xbf16, #tpu.memory_space<hbm>>
    %dma_wait3A_170 = arith.constant 0 : i32
    %dma_wait3A_171 = arith.constant 0 : i32
    %dma_wait3A_172 = tpu.memref_slice %arg10[%dma_wait3A_158, %dma_wait3A_170, %dma_wait3A_171] : memref<8x80x64xbf16, #tpu.memory_space<vmem>> -> memref<1x80x64xbf16, #tpu.memory_space<vmem>>
    %dma_wait3A_173 = tpu.memref_squeeze %dma_wait3A_172 : memref<1x80x64xbf16, #tpu.memory_space<vmem>> -> memref<80x64xbf16, #tpu.memory_space<vmem>>
    %dma_wait3A_174 = arith.constant 0 : i32
    %dma_wait3A_175 = arith.constant 0 : i32
    %dma_wait3A_176 = tpu.memref_slice %arg2[%arg0, %dma_wait3A_174, %dma_wait3A_175] : memref<2x10000x64xbf16, #tpu.memory_space<hbm>> -> memref<1x10000x64xbf16, #tpu.memory_space<hbm>>
    %dma_wait3A_177 = tpu.memref_squeeze %dma_wait3A_176 : memref<1x10000x64xbf16, #tpu.memory_space<hbm>> -> memref<10000x64xbf16, #tpu.memory_space<hbm>>
    %dma_wait3A_178 = arith.constant 0 : i32
    %dma_wait3A_179 = arith.constant 0 : i32
    %dma_wait3A_180 = tpu.memref_slice %dma_wait3A_177[%dma_wait3A_178, %dma_wait3A_179] : memref<10000x64xbf16, #tpu.memory_space<hbm>> -> memref<80x64xbf16, #tpu.memory_space<hbm>>
    tpu.wait_dma2 semaphore(%arg14 : memref<!tpu.dma_semaphore, #tpu.memory_space<semaphore_mem>>) src(%dma_wait3A_180 : memref<80x64xbf16, #tpu.memory_space<hbm>>) dst(%dma_wait3A_173 : memref<80x64xbf16, #tpu.memory_space<vmem>>)
    %dma_wait3A_181 = arith.constant 0 : i32
    %dma_wait3A_182 = arith.constant 0 : i32
    %dma_wait3A_183 = arith.constant 0 : i32
    %dma_wait3A_184 = tpu.memref_slice %arg10[%dma_wait3A_181, %dma_wait3A_182, %dma_wait3A_183] : memref<8x80x64xbf16, #tpu.memory_space<vmem>> -> memref<1x80x64xbf16, #tpu.memory_space<vmem>>
    %dma_wait3A_185 = tpu.memref_squeeze %dma_wait3A_184 : memref<1x80x64xbf16, #tpu.memory_space<vmem>> -> memref<80x64xbf16, #tpu.memory_space<vmem>>
    %dma_wait3A_186 = arith.constant 0 : i32
    %dma_wait3A_187 = arith.constant 0 : i32
    %dma_wait3A_188 = tpu.memref_slice %arg2[%arg0, %dma_wait3A_186, %dma_wait3A_187] : memref<2x10000x64xbf16, #tpu.memory_space<hbm>> -> memref<1x10000x64xbf16, #tpu.memory_space<hbm>>
    %dma_wait3A_189 = tpu.memref_squeeze %dma_wait3A_188 : memref<1x10000x64xbf16, #tpu.memory_space<hbm>> -> memref<10000x64xbf16, #tpu.memory_space<hbm>>
    %dma_wait3A_190 = arith.constant 0 : i32
    %dma_wait3A_191 = arith.constant 0 : i32
    %dma_wait3A_192 = tpu.memref_slice %dma_wait3A_189[%dma_wait3A_190, %dma_wait3A_191] : memref<10000x64xbf16, #tpu.memory_space<hbm>> -> memref<80x64xbf16, #tpu.memory_space<hbm>>
    %dma_wait3A_193 = arith.constant 0 : i32
    %dma_wait3A_194 = arith.constant 0 : i32
    %dma_wait3A_195 = tpu.memref_slice %arg10[%dma_wait3A_181, %dma_wait3A_193, %dma_wait3A_194] : memref<8x80x64xbf16, #tpu.memory_space<vmem>> -> memref<1x80x64xbf16, #tpu.memory_space<vmem>>
    %dma_wait3A_196 = tpu.memref_squeeze %dma_wait3A_195 : memref<1x80x64xbf16, #tpu.memory_space<vmem>> -> memref<80x64xbf16, #tpu.memory_space<vmem>>
    %dma_wait3A_197 = arith.constant 0 : i32
    %dma_wait3A_198 = arith.constant 0 : i32
    %dma_wait3A_199 = tpu.memref_slice %arg2[%arg0, %dma_wait3A_197, %dma_wait3A_198] : memref<2x10000x64xbf16, #tpu.memory_space<hbm>> -> memref<1x10000x64xbf16, #tpu.memory_space<hbm>>
    %dma_wait3A_200 = tpu.memref_squeeze %dma_wait3A_199 : memref<1x10000x64xbf16, #tpu.memory_space<hbm>> -> memref<10000x64xbf16, #tpu.memory_space<hbm>>
    %dma_wait3A_201 = arith.constant 0 : i32
    %dma_wait3A_202 = arith.constant 0 : i32
    %dma_wait3A_203 = tpu.memref_slice %dma_wait3A_200[%dma_wait3A_201, %dma_wait3A_202] : memref<10000x64xbf16, #tpu.memory_space<hbm>> -> memref<80x64xbf16, #tpu.memory_space<hbm>>
    tpu.wait_dma2 semaphore(%arg14 : memref<!tpu.dma_semaphore, #tpu.memory_space<semaphore_mem>>) src(%dma_wait3A_203 : memref<80x64xbf16, #tpu.memory_space<hbm>>) dst(%dma_wait3A_196 : memref<80x64xbf16, #tpu.memory_space<vmem>>)
    %dma_wait3A_204 = arith.constant 0 : i32
    %dma_wait3A_205 = arith.constant 0 : i32
    %dma_wait3A_206 = arith.constant 0 : i32
    %dma_wait3A_207 = tpu.memref_slice %arg10[%dma_wait3A_204, %dma_wait3A_205, %dma_wait3A_206] : memref<8x80x64xbf16, #tpu.memory_space<vmem>> -> memref<1x80x64xbf16, #tpu.memory_space<vmem>>
    %dma_wait3A_208 = tpu.memref_squeeze %dma_wait3A_207 : memref<1x80x64xbf16, #tpu.memory_space<vmem>> -> memref<80x64xbf16, #tpu.memory_space<vmem>>
    %dma_wait3A_209 = arith.constant 0 : i32
    %dma_wait3A_210 = arith.constant 0 : i32
    %dma_wait3A_211 = tpu.memref_slice %arg2[%arg0, %dma_wait3A_209, %dma_wait3A_210] : memref<2x10000x64xbf16, #tpu.memory_space<hbm>> -> memref<1x10000x64xbf16, #tpu.memory_space<hbm>>
    %dma_wait3A_212 = tpu.memref_squeeze %dma_wait3A_211 : memref<1x10000x64xbf16, #tpu.memory_space<hbm>> -> memref<10000x64xbf16, #tpu.memory_space<hbm>>
    %dma_wait3A_213 = arith.constant 0 : i32
    %dma_wait3A_214 = arith.constant 0 : i32
    %dma_wait3A_215 = tpu.memref_slice %dma_wait3A_212[%dma_wait3A_213, %dma_wait3A_214] : memref<10000x64xbf16, #tpu.memory_space<hbm>> -> memref<80x64xbf16, #tpu.memory_space<hbm>>
    %dma_wait3A_216 = arith.constant 0 : i32
    %dma_wait3A_217 = arith.constant 0 : i32
    %dma_wait3A_218 = tpu.memref_slice %arg10[%dma_wait3A_204, %dma_wait3A_216, %dma_wait3A_217] : memref<8x80x64xbf16, #tpu.memory_space<vmem>> -> memref<1x80x64xbf16, #tpu.memory_space<vmem>>
    %dma_wait3A_219 = tpu.memref_squeeze %dma_wait3A_218 : memref<1x80x64xbf16, #tpu.memory_space<vmem>> -> memref<80x64xbf16, #tpu.memory_space<vmem>>
    %dma_wait3A_220 = arith.constant 0 : i32
    %dma_wait3A_221 = arith.constant 0 : i32
    %dma_wait3A_222 = tpu.memref_slice %arg2[%arg0, %dma_wait3A_220, %dma_wait3A_221] : memref<2x10000x64xbf16, #tpu.memory_space<hbm>> -> memref<1x10000x64xbf16, #tpu.memory_space<hbm>>
    %dma_wait3A_223 = tpu.memref_squeeze %dma_wait3A_222 : memref<1x10000x64xbf16, #tpu.memory_space<hbm>> -> memref<10000x64xbf16, #tpu.memory_space<hbm>>
    %dma_wait3A_224 = arith.constant 0 : i32
    %dma_wait3A_225 = arith.constant 0 : i32
    %dma_wait3A_226 = tpu.memref_slice %dma_wait3A_223[%dma_wait3A_224, %dma_wait3A_225] : memref<10000x64xbf16, #tpu.memory_space<hbm>> -> memref<80x64xbf16, #tpu.memory_space<hbm>>
    tpu.wait_dma2 semaphore(%arg11 : memref<!tpu.dma_semaphore, #tpu.memory_space<semaphore_mem>>) src(%dma_wait3A_226 : memref<80x64xbf16, #tpu.memory_space<hbm>>) dst(%dma_wait3A_219 : memref<80x64xbf16, #tpu.memory_space<vmem>>)
    %dma_wait3A_227 = arith.constant 0 : i32
    %dma_wait3A_228 = arith.constant 0 : i32
    %dma_wait3A_229 = arith.constant 0 : i32
    %dma_wait3A_230 = tpu.memref_slice %arg10[%dma_wait3A_227, %dma_wait3A_228, %dma_wait3A_229] : memref<8x80x64xbf16, #tpu.memory_space<vmem>> -> memref<1x80x64xbf16, #tpu.memory_space<vmem>>
    %dma_wait3A_231 = tpu.memref_squeeze %dma_wait3A_230 : memref<1x80x64xbf16, #tpu.memory_space<vmem>> -> memref<80x64xbf16, #tpu.memory_space<vmem>>
    %dma_wait3A_232 = arith.constant 0 : i32
    %dma_wait3A_233 = arith.constant 0 : i32
    %dma_wait3A_234 = tpu.memref_slice %arg2[%arg0, %dma_wait3A_232, %dma_wait3A_233] : memref<2x10000x64xbf16, #tpu.memory_space<hbm>> -> memref<1x10000x64xbf16, #tpu.memory_space<hbm>>
    %dma_wait3A_235 = tpu.memref_squeeze %dma_wait3A_234 : memref<1x10000x64xbf16, #tpu.memory_space<hbm>> -> memref<10000x64xbf16, #tpu.memory_space<hbm>>
    %dma_wait3A_236 = arith.constant 0 : i32
    %dma_wait3A_237 = arith.constant 0 : i32
    %dma_wait3A_238 = tpu.memref_slice %dma_wait3A_235[%dma_wait3A_236, %dma_wait3A_237] : memref<10000x64xbf16, #tpu.memory_space<hbm>> -> memref<80x64xbf16, #tpu.memory_space<hbm>>
    %dma_wait3A_239 = arith.constant 0 : i32
    %dma_wait3A_240 = arith.constant 0 : i32
    %dma_wait3A_241 = tpu.memref_slice %arg10[%dma_wait3A_227, %dma_wait3A_239, %dma_wait3A_240] : memref<8x80x64xbf16, #tpu.memory_space<vmem>> -> memref<1x80x64xbf16, #tpu.memory_space<vmem>>
    %dma_wait3A_242 = tpu.memref_squeeze %dma_wait3A_241 : memref<1x80x64xbf16, #tpu.memory_space<vmem>> -> memref<80x64xbf16, #tpu.memory_space<vmem>>
    %dma_wait3A_243 = arith.constant 0 : i32
    %dma_wait3A_244 = arith.constant 0 : i32
    %dma_wait3A_245 = tpu.memref_slice %arg2[%arg0, %dma_wait3A_243, %dma_wait3A_244] : memref<2x10000x64xbf16, #tpu.memory_space<hbm>> -> memref<1x10000x64xbf16, #tpu.memory_space<hbm>>
    %dma_wait3A_246 = tpu.memref_squeeze %dma_wait3A_245 : memref<1x10000x64xbf16, #tpu.memory_space<hbm>> -> memref<10000x64xbf16, #tpu.memory_space<hbm>>
    %dma_wait3A_247 = arith.constant 0 : i32
    %dma_wait3A_248 = arith.constant 0 : i32
    %dma_wait3A_249 = tpu.memref_slice %dma_wait3A_246[%dma_wait3A_247, %dma_wait3A_248] : memref<10000x64xbf16, #tpu.memory_space<hbm>> -> memref<80x64xbf16, #tpu.memory_space<hbm>>
    tpu.wait_dma2 semaphore(%arg11 : memref<!tpu.dma_semaphore, #tpu.memory_space<semaphore_mem>>) src(%dma_wait3A_249 : memref<80x64xbf16, #tpu.memory_space<hbm>>) dst(%dma_wait3A_242 : memref<80x64xbf16, #tpu.memory_space<vmem>>)
    %dma_wait3A_250 = arith.constant 0 : i32
    %dma_wait3A_251 = arith.constant 0 : i32
    %dma_wait3A_252 = arith.constant 0 : i32
    %dma_wait3A_253 = tpu.memref_slice %arg10[%dma_wait3A_250, %dma_wait3A_251, %dma_wait3A_252] : memref<8x80x64xbf16, #tpu.memory_space<vmem>> -> memref<1x80x64xbf16, #tpu.memory_space<vmem>>
    %dma_wait3A_254 = tpu.memref_squeeze %dma_wait3A_253 : memref<1x80x64xbf16, #tpu.memory_space<vmem>> -> memref<80x64xbf16, #tpu.memory_space<vmem>>
    %dma_wait3A_255 = arith.constant 0 : i32
    %dma_wait3A_256 = arith.constant 0 : i32
    %dma_wait3A_257 = tpu.memref_slice %arg2[%arg0, %dma_wait3A_255, %dma_wait3A_256] : memref<2x10000x64xbf16, #tpu.memory_space<hbm>> -> memref<1x10000x64xbf16, #tpu.memory_space<hbm>>
    %dma_wait3A_258 = tpu.memref_squeeze %dma_wait3A_257 : memref<1x10000x64xbf16, #tpu.memory_space<hbm>> -> memref<10000x64xbf16, #tpu.memory_space<hbm>>
    %dma_wait3A_259 = arith.constant 0 : i32
    %dma_wait3A_260 = arith.constant 0 : i32
    %dma_wait3A_261 = tpu.memref_slice %dma_wait3A_258[%dma_wait3A_259, %dma_wait3A_260] : memref<10000x64xbf16, #tpu.memory_space<hbm>> -> memref<80x64xbf16, #tpu.memory_space<hbm>>
    %dma_wait3A_262 = arith.constant 0 : i32
    %dma_wait3A_263 = arith.constant 0 : i32
    %dma_wait3A_264 = tpu.memref_slice %arg10[%dma_wait3A_250, %dma_wait3A_262, %dma_wait3A_263] : memref<8x80x64xbf16, #tpu.memory_space<vmem>> -> memref<1x80x64xbf16, #tpu.memory_space<vmem>>
    %dma_wait3A_265 = tpu.memref_squeeze %dma_wait3A_264 : memref<1x80x64xbf16, #tpu.memory_space<vmem>> -> memref<80x64xbf16, #tpu.memory_space<vmem>>
    %dma_wait3A_266 = arith.constant 0 : i32
    %dma_wait3A_267 = arith.constant 0 : i32
    %dma_wait3A_268 = tpu.memref_slice %arg2[%arg0, %dma_wait3A_266, %dma_wait3A_267] : memref<2x10000x64xbf16, #tpu.memory_space<hbm>> -> memref<1x10000x64xbf16, #tpu.memory_space<hbm>>
    %dma_wait3A_269 = tpu.memref_squeeze %dma_wait3A_268 : memref<1x10000x64xbf16, #tpu.memory_space<hbm>> -> memref<10000x64xbf16, #tpu.memory_space<hbm>>
    %dma_wait3A_270 = arith.constant 0 : i32
    %dma_wait3A_271 = arith.constant 0 : i32
    %dma_wait3A_272 = tpu.memref_slice %dma_wait3A_269[%dma_wait3A_270, %dma_wait3A_271] : memref<10000x64xbf16, #tpu.memory_space<hbm>> -> memref<80x64xbf16, #tpu.memory_space<hbm>>
    tpu.wait_dma2 semaphore(%arg11 : memref<!tpu.dma_semaphore, #tpu.memory_space<semaphore_mem>>) src(%dma_wait3A_272 : memref<80x64xbf16, #tpu.memory_space<hbm>>) dst(%dma_wait3A_265 : memref<80x64xbf16, #tpu.memory_space<vmem>>)
    %dma_wait3A_273 = arith.constant 0 : i32
    %dma_wait3A_274 = arith.constant 0 : i32
    %dma_wait3A_275 = arith.constant 0 : i32
    %dma_wait3A_276 = tpu.memref_slice %arg10[%dma_wait3A_273, %dma_wait3A_274, %dma_wait3A_275] : memref<8x80x64xbf16, #tpu.memory_space<vmem>> -> memref<1x80x64xbf16, #tpu.memory_space<vmem>>
    %dma_wait3A_277 = tpu.memref_squeeze %dma_wait3A_276 : memref<1x80x64xbf16, #tpu.memory_space<vmem>> -> memref<80x64xbf16, #tpu.memory_space<vmem>>
    %dma_wait3A_278 = arith.constant 0 : i32
    %dma_wait3A_279 = arith.constant 0 : i32
    %dma_wait3A_280 = tpu.memref_slice %arg2[%arg0, %dma_wait3A_278, %dma_wait3A_279] : memref<2x10000x64xbf16, #tpu.memory_space<hbm>> -> memref<1x10000x64xbf16, #tpu.memory_space<hbm>>
    %dma_wait3A_281 = tpu.memref_squeeze %dma_wait3A_280 : memref<1x10000x64xbf16, #tpu.memory_space<hbm>> -> memref<10000x64xbf16, #tpu.memory_space<hbm>>
    %dma_wait3A_282 = arith.constant 0 : i32
    %dma_wait3A_283 = arith.constant 0 : i32
    %dma_wait3A_284 = tpu.memref_slice %dma_wait3A_281[%dma_wait3A_282, %dma_wait3A_283] : memref<10000x64xbf16, #tpu.memory_space<hbm>> -> memref<80x64xbf16, #tpu.memory_space<hbm>>
    %dma_wait3A_285 = arith.constant 0 : i32
    %dma_wait3A_286 = arith.constant 0 : i32
    %dma_wait3A_287 = tpu.memref_slice %arg10[%dma_wait3A_273, %dma_wait3A_285, %dma_wait3A_286] : memref<8x80x64xbf16, #tpu.memory_space<vmem>> -> memref<1x80x64xbf16, #tpu.memory_space<vmem>>
    %dma_wait3A_288 = tpu.memref_squeeze %dma_wait3A_287 : memref<1x80x64xbf16, #tpu.memory_space<vmem>> -> memref<80x64xbf16, #tpu.memory_space<vmem>>
    %dma_wait3A_289 = arith.constant 0 : i32
    %dma_wait3A_290 = arith.constant 0 : i32
    %dma_wait3A_291 = tpu.memref_slice %arg2[%arg0, %dma_wait3A_289, %dma_wait3A_290] : memref<2x10000x64xbf16, #tpu.memory_space<hbm>> -> memref<1x10000x64xbf16, #tpu.memory_space<hbm>>
    %dma_wait3A_292 = tpu.memref_squeeze %dma_wait3A_291 : memref<1x10000x64xbf16, #tpu.memory_space<hbm>> -> memref<10000x64xbf16, #tpu.memory_space<hbm>>
    %dma_wait3A_293 = arith.constant 0 : i32
    %dma_wait3A_294 = arith.constant 0 : i32
    %dma_wait3A_295 = tpu.memref_slice %dma_wait3A_292[%dma_wait3A_293, %dma_wait3A_294] : memref<10000x64xbf16, #tpu.memory_space<hbm>> -> memref<80x64xbf16, #tpu.memory_space<hbm>>
    tpu.wait_dma2 semaphore(%arg11 : memref<!tpu.dma_semaphore, #tpu.memory_space<semaphore_mem>>) src(%dma_wait3A_295 : memref<80x64xbf16, #tpu.memory_space<hbm>>) dst(%dma_wait3A_288 : memref<80x64xbf16, #tpu.memory_space<vmem>>)
    %barrier3A_296 = arith.constant 0 : index
    tpu.barrier barrier_id(%barrier3A_296)
    "tpu.region"() ({
      %run_scoped3A = tpu.sem_alloc : memref<!tpu.dma_semaphore, #tpu.memory_space<semaphore_mem>>
      %dma_start3A_297 = arith.constant 0 : i32
      %dma_start3A_298 = arith.constant 0 : i32
      %dma_start3A_299 = tpu.memref_slice %arg5[%arg0, %dma_start3A_297, %dma_start3A_298] : memref<2x10000x64xbf16, #tpu.memory_space<hbm>> -> memref<1x10000x64xbf16, #tpu.memory_space<hbm>>
      %dma_start3A_300 = tpu.memref_squeeze %dma_start3A_299 : memref<1x10000x64xbf16, #tpu.memory_space<hbm>> -> memref<10000x64xbf16, #tpu.memory_space<hbm>>
      %dma_start3A_301 = arith.constant 0 : i32
      %dma_start3A_302 = tpu.memref_slice %dma_start3A_300[%mul3A_0, %dma_start3A_301] : memref<10000x64xbf16, #tpu.memory_space<hbm>> -> memref<625x64xbf16, #tpu.memory_space<hbm>>
      %dma_start3A_303 = arith.constant 0 : i32
      %dma_start3A_304 = tpu.memref_slice %arg7[%mul3A_0, %dma_start3A_303] : memref<10080x64xbf16, #tpu.memory_space<vmem_shared>> -> memref<625x64xbf16, #tpu.memory_space<vmem_shared>>
      tpu.enqueue_dma source(%dma_start3A_304 : memref<625x64xbf16, #tpu.memory_space<vmem_shared>>) target(%dma_start3A_302 : memref<625x64xbf16, #tpu.memory_space<hbm>>) target_semaphore(%run_scoped3A : memref<!tpu.dma_semaphore, #tpu.memory_space<semaphore_mem>>)
      %dma_wait3A_305 = arith.constant 0 : i32
      %dma_wait3A_306 = arith.constant 0 : i32
      %dma_wait3A_307 = tpu.memref_slice %arg5[%arg0, %dma_wait3A_305, %dma_wait3A_306] : memref<2x10000x64xbf16, #tpu.memory_space<hbm>> -> memref<1x10000x64xbf16, #tpu.memory_space<hbm>>
      %dma_wait3A_308 = tpu.memref_squeeze %dma_wait3A_307 : memref<1x10000x64xbf16, #tpu.memory_space<hbm>> -> memref<10000x64xbf16, #tpu.memory_space<hbm>>
      %dma_wait3A_309 = arith.constant 0 : i32
      %dma_wait3A_310 = tpu.memref_slice %dma_wait3A_308[%mul3A_0, %dma_wait3A_309] : memref<10000x64xbf16, #tpu.memory_space<hbm>> -> memref<625x64xbf16, #tpu.memory_space<hbm>>
      %dma_wait3A_311 = arith.constant 0 : i32
      %dma_wait3A_312 = tpu.memref_slice %arg7[%mul3A_0, %dma_wait3A_311] : memref<10080x64xbf16, #tpu.memory_space<vmem_shared>> -> memref<625x64xbf16, #tpu.memory_space<vmem_shared>>
      tpu.wait_dma2 semaphore(%run_scoped3A : memref<!tpu.dma_semaphore, #tpu.memory_space<semaphore_mem>>) src(%dma_wait3A_312 : memref<625x64xbf16, #tpu.memory_space<vmem_shared>>) dst(%dma_wait3A_310 : memref<625x64xbf16, #tpu.memory_space<hbm>>)
      tpu.yield
    }) : () -> ()
    return
  }
}

#map = affine_map<(d0, d1) -> (0, 0, 0)>
module attributes {stable_mosaic.version = 14 : i64} {
  func.func @_sc_body(%arg0: i32, %arg1: i32, %arg2: memref<2x10000x64xbf16, #tpu.memory_space<hbm>>, %arg3: memref<16x256x80xi32, #tpu.memory_space<hbm>>, %arg4: memref<16x256x80xi32, #tpu.memory_space<hbm>>, %arg5: memref<2x10000x64xbf16, #tpu.memory_space<hbm>>, %arg6: memref<10000x64xbf16, #tpu.memory_space<vmem_shared>>, %arg7: memref<10080x64xbf16, #tpu.memory_space<vmem_shared>>, %arg8: memref<256x80xi32, #tpu.memory_space<vmem>>, %arg9: memref<256x80xi32, #tpu.memory_space<vmem>>, %arg10: memref<8x80x64xbf16, #tpu.memory_space<vmem>>, %arg11: memref<!tpu.dma_semaphore, #tpu.memory_space<semaphore_mem>>, %arg12: memref<!tpu.dma_semaphore, #tpu.memory_space<semaphore_mem>>, %arg13: memref<!tpu.dma_semaphore, #tpu.memory_space<semaphore_mem>>, %arg14: memref<!tpu.dma_semaphore, #tpu.memory_space<semaphore_mem>>) attributes {dimension_semantics = [#tpu.dimension_semantics<core_parallel>, #tpu.dimension_semantics<subcore_parallel>], iteration_bounds = array<i64: 2, 16>, scalar_prefetch = 0 : i64, scratch_operands = 9 : i64, tpu.core_type = #tpu.core_type<sc_vector_subcore>, window_params = [{transform_indices = #map}, {transform_indices = #map}, {transform_indices = #map}, {transform_indices = #map}]} {
    "tpu.region"() ({
      %run_scoped3A = tpu.sem_alloc : memref<!tpu.dma_semaphore, #tpu.memory_space<semaphore_mem>>
      %dma_start3A_297 = arith.constant 0 : i32
      %dma_start3A_298 = arith.constant 0 : i32
      %dma_start3A_299 = tpu.memref_slice %arg3[%arg1, %dma_start3A_297, %dma_start3A_298] : memref<16x256x80xi32, #tpu.memory_space<hbm>> -> memref<1x256x80xi32, #tpu.memory_space<hbm>>
      %dma_start3A_300 = tpu.memref_squeeze %dma_start3A_299 : memref<1x256x80xi32, #tpu.memory_space<hbm>> -> memref<256x80xi32, #tpu.memory_space<hbm>>
      %dma_start3A_301 = arith.constant 0 : i32
      %dma_start3A_302 = arith.constant 0 : i32
      %dma_start3A_303 = tpu.memref_slice %arg3[%arg1, %dma_start3A_301, %dma_start3A_302] : memref<16x256x80xi32, #tpu.memory_space<hbm>> -> memref<1x256x80xi32, #tpu.memory_space<hbm>>
      %dma_start3A_304 = tpu.memref_squeeze %dma_start3A_303 : memref<1x256x80xi32, #tpu.memory_space<hbm>> -> memref<256x80xi32, #tpu.memory_space<hbm>>
      tpu.enqueue_dma source(%dma_start3A_304 : memref<256x80xi32, #tpu.memory_space<hbm>>) target(%arg8 : memref<256x80xi32, #tpu.memory_space<vmem>>) target_semaphore(%run_scoped3A : memref<!tpu.dma_semaphore, #tpu.memory_space<semaphore_mem>>)
      %dma_wait3A_305 = arith.constant 0 : i32
      %dma_wait3A_306 = arith.constant 0 : i32
      %dma_wait3A_307 = tpu.memref_slice %arg3[%arg1, %dma_wait3A_305, %dma_wait3A_306] : memref<16x256x80xi32, #tpu.memory_space<hbm>> -> memref<1x256x80xi32, #tpu.memory_space<hbm>>
      %dma_wait3A_308 = tpu.memref_squeeze %dma_wait3A_307 : memref<1x256x80xi32, #tpu.memory_space<hbm>> -> memref<256x80xi32, #tpu.memory_space<hbm>>
      %dma_wait3A_309 = arith.constant 0 : i32
      %dma_wait3A_310 = arith.constant 0 : i32
      %dma_wait3A_311 = tpu.memref_slice %arg3[%arg1, %dma_wait3A_309, %dma_wait3A_310] : memref<16x256x80xi32, #tpu.memory_space<hbm>> -> memref<1x256x80xi32, #tpu.memory_space<hbm>>
      %dma_wait3A_312 = tpu.memref_squeeze %dma_wait3A_311 : memref<1x256x80xi32, #tpu.memory_space<hbm>> -> memref<256x80xi32, #tpu.memory_space<hbm>>
      tpu.wait_dma2 semaphore(%run_scoped3A : memref<!tpu.dma_semaphore, #tpu.memory_space<semaphore_mem>>) src(%dma_wait3A_312 : memref<256x80xi32, #tpu.memory_space<hbm>>) dst(%arg8 : memref<256x80xi32, #tpu.memory_space<vmem>>)
      tpu.yield
    }) : () -> ()
    "tpu.region"() ({
      %run_scoped3A = tpu.sem_alloc : memref<!tpu.dma_semaphore, #tpu.memory_space<semaphore_mem>>
      %dma_start3A_297 = arith.constant 0 : i32
      %dma_start3A_298 = arith.constant 0 : i32
      %dma_start3A_299 = tpu.memref_slice %arg4[%arg1, %dma_start3A_297, %dma_start3A_298] : memref<16x256x80xi32, #tpu.memory_space<hbm>> -> memref<1x256x80xi32, #tpu.memory_space<hbm>>
      %dma_start3A_300 = tpu.memref_squeeze %dma_start3A_299 : memref<1x256x80xi32, #tpu.memory_space<hbm>> -> memref<256x80xi32, #tpu.memory_space<hbm>>
      %dma_start3A_301 = arith.constant 0 : i32
      %dma_start3A_302 = arith.constant 0 : i32
      %dma_start3A_303 = tpu.memref_slice %arg4[%arg1, %dma_start3A_301, %dma_start3A_302] : memref<16x256x80xi32, #tpu.memory_space<hbm>> -> memref<1x256x80xi32, #tpu.memory_space<hbm>>
      %dma_start3A_304 = tpu.memref_squeeze %dma_start3A_303 : memref<1x256x80xi32, #tpu.memory_space<hbm>> -> memref<256x80xi32, #tpu.memory_space<hbm>>
      tpu.enqueue_dma source(%dma_start3A_304 : memref<256x80xi32, #tpu.memory_space<hbm>>) target(%arg9 : memref<256x80xi32, #tpu.memory_space<vmem>>) target_semaphore(%run_scoped3A : memref<!tpu.dma_semaphore, #tpu.memory_space<semaphore_mem>>)
      %dma_wait3A_305 = arith.constant 0 : i32
      %dma_wait3A_306 = arith.constant 0 : i32
      %dma_wait3A_307 = tpu.memref_slice %arg4[%arg1, %dma_wait3A_305, %dma_wait3A_306] : memref<16x256x80xi32, #tpu.memory_space<hbm>> -> memref<1x256x80xi32, #tpu.memory_space<hbm>>
      %dma_wait3A_308 = tpu.memref_squeeze %dma_wait3A_307 : memref<1x256x80xi32, #tpu.memory_space<hbm>> -> memref<256x80xi32, #tpu.memory_space<hbm>>
      %dma_wait3A_309 = arith.constant 0 : i32
      %dma_wait3A_310 = arith.constant 0 : i32
      %dma_wait3A_311 = tpu.memref_slice %arg4[%arg1, %dma_wait3A_309, %dma_wait3A_310] : memref<16x256x80xi32, #tpu.memory_space<hbm>> -> memref<1x256x80xi32, #tpu.memory_space<hbm>>
      %dma_wait3A_312 = tpu.memref_squeeze %dma_wait3A_311 : memref<1x256x80xi32, #tpu.memory_space<hbm>> -> memref<256x80xi32, #tpu.memory_space<hbm>>
      tpu.wait_dma2 semaphore(%run_scoped3A : memref<!tpu.dma_semaphore, #tpu.memory_space<semaphore_mem>>) src(%dma_wait3A_312 : memref<256x80xi32, #tpu.memory_space<hbm>>) dst(%arg9 : memref<256x80xi32, #tpu.memory_space<vmem>>)
      tpu.yield
    }) : () -> ()
    %mul3A = arith.constant 625 : i32
    %mul3A_0 = arith.muli %arg1, %mul3A : i32
    "tpu.region"() ({
      %run_scoped3A = tpu.sem_alloc : memref<!tpu.dma_semaphore, #tpu.memory_space<semaphore_mem>>
      %dma_start3A_297 = arith.constant 0 : i32
      %dma_start3A_298 = tpu.memref_slice %arg6[%mul3A_0, %dma_start3A_297] : memref<10000x64xbf16, #tpu.memory_space<vmem_shared>> -> memref<625x64xbf16, #tpu.memory_space<vmem_shared>>
      %dma_start3A_299 = arith.constant 0 : i32
      %dma_start3A_300 = arith.constant 0 : i32
      %dma_start3A_301 = tpu.memref_slice %arg2[%arg0, %dma_start3A_299, %dma_start3A_300] : memref<2x10000x64xbf16, #tpu.memory_space<hbm>> -> memref<1x10000x64xbf16, #tpu.memory_space<hbm>>
      %dma_start3A_302 = tpu.memref_squeeze %dma_start3A_301 : memref<1x10000x64xbf16, #tpu.memory_space<hbm>> -> memref<10000x64xbf16, #tpu.memory_space<hbm>>
      %dma_start3A_303 = arith.constant 0 : i32
      %dma_start3A_304 = tpu.memref_slice %dma_start3A_302[%mul3A_0, %dma_start3A_303] : memref<10000x64xbf16, #tpu.memory_space<hbm>> -> memref<625x64xbf16, #tpu.memory_space<hbm>>
      tpu.enqueue_dma source(%dma_start3A_304 : memref<625x64xbf16, #tpu.memory_space<hbm>>) target(%dma_start3A_298 : memref<625x64xbf16, #tpu.memory_space<vmem_shared>>) target_semaphore(%run_scoped3A : memref<!tpu.dma_semaphore, #tpu.memory_space<semaphore_mem>>)
      %dma_wait3A_305 = arith.constant 0 : i32
      %dma_wait3A_306 = tpu.memref_slice %arg6[%mul3A_0, %dma_wait3A_305] : memref<10000x64xbf16, #tpu.memory_space<vmem_shared>> -> memref<625x64xbf16, #tpu.memory_space<vmem_shared>>
      %dma_wait3A_307 = arith.constant 0 : i32
      %dma_wait3A_308 = arith.constant 0 : i32
      %dma_wait3A_309 = tpu.memref_slice %arg2[%arg0, %dma_wait3A_307, %dma_wait3A_308] : memref<2x10000x64xbf16, #tpu.memory_space<hbm>> -> memref<1x10000x64xbf16, #tpu.memory_space<hbm>>
      %dma_wait3A_310 = tpu.memref_squeeze %dma_wait3A_309 : memref<1x10000x64xbf16, #tpu.memory_space<hbm>> -> memref<10000x64xbf16, #tpu.memory_space<hbm>>
      %dma_wait3A_311 = arith.constant 0 : i32
      %dma_wait3A_312 = tpu.memref_slice %dma_wait3A_310[%mul3A_0, %dma_wait3A_311] : memref<10000x64xbf16, #tpu.memory_space<hbm>> -> memref<625x64xbf16, #tpu.memory_space<hbm>>
      tpu.wait_dma2 semaphore(%run_scoped3A : memref<!tpu.dma_semaphore, #tpu.memory_space<semaphore_mem>>) src(%dma_wait3A_312 : memref<625x64xbf16, #tpu.memory_space<hbm>>) dst(%dma_wait3A_306 : memref<625x64xbf16, #tpu.memory_space<vmem_shared>>)
      tpu.yield
    }) : () -> ()
    "tpu.region"() ({
      %run_scoped3A = tpu.sem_alloc : memref<!tpu.dma_semaphore, #tpu.memory_space<semaphore_mem>>
      %dma_start3A_297 = arith.constant 0 : i32
      %dma_start3A_298 = tpu.memref_slice %arg7[%mul3A_0, %dma_start3A_297] : memref<10080x64xbf16, #tpu.memory_space<vmem_shared>> -> memref<625x64xbf16, #tpu.memory_space<vmem_shared>>
      %dma_start3A_299 = arith.constant 0 : i32
      %dma_start3A_300 = arith.constant 0 : i32
      %dma_start3A_301 = tpu.memref_slice %arg2[%arg0, %dma_start3A_299, %dma_start3A_300] : memref<2x10000x64xbf16, #tpu.memory_space<hbm>> -> memref<1x10000x64xbf16, #tpu.memory_space<hbm>>
      %dma_start3A_302 = tpu.memref_squeeze %dma_start3A_301 : memref<1x10000x64xbf16, #tpu.memory_space<hbm>> -> memref<10000x64xbf16, #tpu.memory_space<hbm>>
      %dma_start3A_303 = arith.constant 0 : i32
      %dma_start3A_304 = tpu.memref_slice %dma_start3A_302[%mul3A_0, %dma_start3A_303] : memref<10000x64xbf16, #tpu.memory_space<hbm>> -> memref<625x64xbf16, #tpu.memory_space<hbm>>
      tpu.enqueue_dma source(%dma_start3A_304 : memref<625x64xbf16, #tpu.memory_space<hbm>>) target(%dma_start3A_298 : memref<625x64xbf16, #tpu.memory_space<vmem_shared>>) target_semaphore(%run_scoped3A : memref<!tpu.dma_semaphore, #tpu.memory_space<semaphore_mem>>)
      %dma_wait3A_305 = arith.constant 0 : i32
      %dma_wait3A_306 = tpu.memref_slice %arg7[%mul3A_0, %dma_wait3A_305] : memref<10080x64xbf16, #tpu.memory_space<vmem_shared>> -> memref<625x64xbf16, #tpu.memory_space<vmem_shared>>
      %dma_wait3A_307 = arith.constant 0 : i32
      %dma_wait3A_308 = arith.constant 0 : i32
      %dma_wait3A_309 = tpu.memref_slice %arg2[%arg0, %dma_wait3A_307, %dma_wait3A_308] : memref<2x10000x64xbf16, #tpu.memory_space<hbm>> -> memref<1x10000x64xbf16, #tpu.memory_space<hbm>>
      %dma_wait3A_310 = tpu.memref_squeeze %dma_wait3A_309 : memref<1x10000x64xbf16, #tpu.memory_space<hbm>> -> memref<10000x64xbf16, #tpu.memory_space<hbm>>
      %dma_wait3A_311 = arith.constant 0 : i32
      %dma_wait3A_312 = tpu.memref_slice %dma_wait3A_310[%mul3A_0, %dma_wait3A_311] : memref<10000x64xbf16, #tpu.memory_space<hbm>> -> memref<625x64xbf16, #tpu.memory_space<hbm>>
      tpu.wait_dma2 semaphore(%run_scoped3A : memref<!tpu.dma_semaphore, #tpu.memory_space<semaphore_mem>>) src(%dma_wait3A_312 : memref<625x64xbf16, #tpu.memory_space<hbm>>) dst(%dma_wait3A_306 : memref<625x64xbf16, #tpu.memory_space<vmem_shared>>)
      tpu.yield
    }) : () -> ()
    %barrier3A = arith.constant 0 : index
    tpu.barrier barrier_id(%barrier3A)
    %dma_start3A = arith.constant 0 : i32
    %dma_start3A_1 = arith.constant 0 : i32
    %dma_start3A_2 = arith.constant 0 : i32
    %dma_start3A_3 = arith.constant 0 : i32
    %dma_start3A_4 = tpu.memref_slice %arg10[%dma_start3A_1, %dma_start3A_2, %dma_start3A_3] : memref<8x80x64xbf16, #tpu.memory_space<vmem>> -> memref<1x80x64xbf16, #tpu.memory_space<vmem>>
    %dma_start3A_5 = tpu.memref_squeeze %dma_start3A_4 : memref<1x80x64xbf16, #tpu.memory_space<vmem>> -> memref<80x64xbf16, #tpu.memory_space<vmem>>
    %dma_start3A_6 = arith.constant 0 : i32
    %dma_start3A_7 = tpu.memref_slice %arg8[%dma_start3A, %dma_start3A_6] : memref<256x80xi32, #tpu.memory_space<vmem>> -> memref<1x80xi32, #tpu.memory_space<vmem>>
    %dma_start3A_8 = tpu.memref_squeeze %dma_start3A_7 : memref<1x80xi32, #tpu.memory_space<vmem>> -> memref<80xi32, #tpu.memory_space<vmem>>
    %dma_start3A_9 = arith.constant 0 : i32
    %dma_start3A_10 = arith.constant 0 : i32
    %dma_start3A_11 = tpu.memref_slice %arg6[%dma_start3A_9, %dma_start3A_10] : memref<10000x64xbf16, #tpu.memory_space<vmem_shared>> -> memref<10000x64xbf16, #tpu.memory_space<vmem_shared>>
    tpu.enqueue_indirect_dma source(%dma_start3A_11 : memref<10000x64xbf16, #tpu.memory_space<vmem_shared>>) target(%dma_start3A_5 : memref<80x64xbf16, #tpu.memory_space<vmem>>) offsets(%dma_start3A_8 : memref<80xi32, #tpu.memory_space<vmem>>) semaphore(%arg11 : memref<!tpu.dma_semaphore, #tpu.memory_space<semaphore_mem>>)
    %dma_start3A_12 = arith.constant 1 : i32
    %dma_start3A_13 = arith.constant 1 : i32
    %dma_start3A_14 = arith.constant 0 : i32
    %dma_start3A_15 = arith.constant 0 : i32
    %dma_start3A_16 = tpu.memref_slice %arg10[%dma_start3A_13, %dma_start3A_14, %dma_start3A_15] : memref<8x80x64xbf16, #tpu.memory_space<vmem>> -> memref<1x80x64xbf16, #tpu.memory_space<vmem>>
    %dma_start3A_17 = tpu.memref_squeeze %dma_start3A_16 : memref<1x80x64xbf16, #tpu.memory_space<vmem>> -> memref<80x64xbf16, #tpu.memory_space<vmem>>
    %dma_start3A_18 = arith.constant 0 : i32
    %dma_start3A_19 = tpu.memref_slice %arg8[%dma_start3A_12, %dma_start3A_18] : memref<256x80xi32, #tpu.memory_space<vmem>> -> memref<1x80xi32, #tpu.memory_space<vmem>>
    %dma_start3A_20 = tpu.memref_squeeze %dma_start3A_19 : memref<1x80xi32, #tpu.memory_space<vmem>> -> memref<80xi32, #tpu.memory_space<vmem>>
    %dma_start3A_21 = arith.constant 0 : i32
    %dma_start3A_22 = arith.constant 0 : i32
    %dma_start3A_23 = tpu.memref_slice %arg6[%dma_start3A_21, %dma_start3A_22] : memref<10000x64xbf16, #tpu.memory_space<vmem_shared>> -> memref<10000x64xbf16, #tpu.memory_space<vmem_shared>>
    tpu.enqueue_indirect_dma source(%dma_start3A_23 : memref<10000x64xbf16, #tpu.memory_space<vmem_shared>>) target(%dma_start3A_17 : memref<80x64xbf16, #tpu.memory_space<vmem>>) offsets(%dma_start3A_20 : memref<80xi32, #tpu.memory_space<vmem>>) semaphore(%arg11 : memref<!tpu.dma_semaphore, #tpu.memory_space<semaphore_mem>>)
    %dma_start3A_24 = arith.constant 2 : i32
    %dma_start3A_25 = arith.constant 2 : i32
    %dma_start3A_26 = arith.constant 0 : i32
    %dma_start3A_27 = arith.constant 0 : i32
    %dma_start3A_28 = tpu.memref_slice %arg10[%dma_start3A_25, %dma_start3A_26, %dma_start3A_27] : memref<8x80x64xbf16, #tpu.memory_space<vmem>> -> memref<1x80x64xbf16, #tpu.memory_space<vmem>>
    %dma_start3A_29 = tpu.memref_squeeze %dma_start3A_28 : memref<1x80x64xbf16, #tpu.memory_space<vmem>> -> memref<80x64xbf16, #tpu.memory_space<vmem>>
    %dma_start3A_30 = arith.constant 0 : i32
    %dma_start3A_31 = tpu.memref_slice %arg8[%dma_start3A_24, %dma_start3A_30] : memref<256x80xi32, #tpu.memory_space<vmem>> -> memref<1x80xi32, #tpu.memory_space<vmem>>
    %dma_start3A_32 = tpu.memref_squeeze %dma_start3A_31 : memref<1x80xi32, #tpu.memory_space<vmem>> -> memref<80xi32, #tpu.memory_space<vmem>>
    %dma_start3A_33 = arith.constant 0 : i32
    %dma_start3A_34 = arith.constant 0 : i32
    %dma_start3A_35 = tpu.memref_slice %arg6[%dma_start3A_33, %dma_start3A_34] : memref<10000x64xbf16, #tpu.memory_space<vmem_shared>> -> memref<10000x64xbf16, #tpu.memory_space<vmem_shared>>
    tpu.enqueue_indirect_dma source(%dma_start3A_35 : memref<10000x64xbf16, #tpu.memory_space<vmem_shared>>) target(%dma_start3A_29 : memref<80x64xbf16, #tpu.memory_space<vmem>>) offsets(%dma_start3A_32 : memref<80xi32, #tpu.memory_space<vmem>>) semaphore(%arg11 : memref<!tpu.dma_semaphore, #tpu.memory_space<semaphore_mem>>)
    %dma_start3A_36 = arith.constant 3 : i32
    %dma_start3A_37 = arith.constant 3 : i32
    %dma_start3A_38 = arith.constant 0 : i32
    %dma_start3A_39 = arith.constant 0 : i32
    %dma_start3A_40 = tpu.memref_slice %arg10[%dma_start3A_37, %dma_start3A_38, %dma_start3A_39] : memref<8x80x64xbf16, #tpu.memory_space<vmem>> -> memref<1x80x64xbf16, #tpu.memory_space<vmem>>
    %dma_start3A_41 = tpu.memref_squeeze %dma_start3A_40 : memref<1x80x64xbf16, #tpu.memory_space<vmem>> -> memref<80x64xbf16, #tpu.memory_space<vmem>>
    %dma_start3A_42 = arith.constant 0 : i32
    %dma_start3A_43 = tpu.memref_slice %arg8[%dma_start3A_36, %dma_start3A_42] : memref<256x80xi32, #tpu.memory_space<vmem>> -> memref<1x80xi32, #tpu.memory_space<vmem>>
    %dma_start3A_44 = tpu.memref_squeeze %dma_start3A_43 : memref<1x80xi32, #tpu.memory_space<vmem>> -> memref<80xi32, #tpu.memory_space<vmem>>
    %dma_start3A_45 = arith.constant 0 : i32
    %dma_start3A_46 = arith.constant 0 : i32
    %dma_start3A_47 = tpu.memref_slice %arg6[%dma_start3A_45, %dma_start3A_46] : memref<10000x64xbf16, #tpu.memory_space<vmem_shared>> -> memref<10000x64xbf16, #tpu.memory_space<vmem_shared>>
    tpu.enqueue_indirect_dma source(%dma_start3A_47 : memref<10000x64xbf16, #tpu.memory_space<vmem_shared>>) target(%dma_start3A_41 : memref<80x64xbf16, #tpu.memory_space<vmem>>) offsets(%dma_start3A_44 : memref<80xi32, #tpu.memory_space<vmem>>) semaphore(%arg11 : memref<!tpu.dma_semaphore, #tpu.memory_space<semaphore_mem>>)
    %dma_start3A_48 = arith.constant 4 : i32
    %dma_start3A_49 = arith.constant 0 : i32
    %dma_start3A_50 = arith.constant 0 : i32
    %dma_start3A_51 = tpu.memref_slice %arg10[%dma_start3A_48, %dma_start3A_49, %dma_start3A_50] : memref<8x80x64xbf16, #tpu.memory_space<vmem>> -> memref<1x80x64xbf16, #tpu.memory_space<vmem>>
    %dma_start3A_52 = tpu.memref_squeeze %dma_start3A_51 : memref<1x80x64xbf16, #tpu.memory_space<vmem>> -> memref<80x64xbf16, #tpu.memory_space<vmem>>
    %dma_start3A_53 = arith.constant 10000 : i32
    %dma_start3A_54 = arith.constant 0 : i32
    %dma_start3A_55 = tpu.memref_slice %arg7[%dma_start3A_53, %dma_start3A_54] : memref<10080x64xbf16, #tpu.memory_space<vmem_shared>> -> memref<80x64xbf16, #tpu.memory_space<vmem_shared>>
    %dma_start3A_56 = arith.constant 10000 : i32
    %dma_start3A_57 = arith.constant 0 : i32
    %dma_start3A_58 = tpu.memref_slice %arg7[%dma_start3A_56, %dma_start3A_57] : memref<10080x64xbf16, #tpu.memory_space<vmem_shared>> -> memref<80x64xbf16, #tpu.memory_space<vmem_shared>>
    %dma_start3A_59 = arith.constant 0 : i32
    %dma_start3A_60 = arith.constant 0 : i32
    %dma_start3A_61 = tpu.memref_slice %arg10[%dma_start3A_48, %dma_start3A_59, %dma_start3A_60] : memref<8x80x64xbf16, #tpu.memory_space<vmem>> -> memref<1x80x64xbf16, #tpu.memory_space<vmem>>
    %dma_start3A_62 = tpu.memref_squeeze %dma_start3A_61 : memref<1x80x64xbf16, #tpu.memory_space<vmem>> -> memref<80x64xbf16, #tpu.memory_space<vmem>>
    tpu.enqueue_dma source(%dma_start3A_62 : memref<80x64xbf16, #tpu.memory_space<vmem>>) target(%dma_start3A_58 : memref<80x64xbf16, #tpu.memory_space<vmem_shared>>) target_semaphore(%arg14 : memref<!tpu.dma_semaphore, #tpu.memory_space<semaphore_mem>>)
    %dma_start3A_63 = arith.constant 5 : i32
    %dma_start3A_64 = arith.constant 0 : i32
    %dma_start3A_65 = arith.constant 0 : i32
    %dma_start3A_66 = tpu.memref_slice %arg10[%dma_start3A_63, %dma_start3A_64, %dma_start3A_65] : memref<8x80x64xbf16, #tpu.memory_space<vmem>> -> memref<1x80x64xbf16, #tpu.memory_space<vmem>>
    %dma_start3A_67 = tpu.memref_squeeze %dma_start3A_66 : memref<1x80x64xbf16, #tpu.memory_space<vmem>> -> memref<80x64xbf16, #tpu.memory_space<vmem>>
    %dma_start3A_68 = arith.constant 10000 : i32
    %dma_start3A_69 = arith.constant 0 : i32
    %dma_start3A_70 = tpu.memref_slice %arg7[%dma_start3A_68, %dma_start3A_69] : memref<10080x64xbf16, #tpu.memory_space<vmem_shared>> -> memref<80x64xbf16, #tpu.memory_space<vmem_shared>>
    %dma_start3A_71 = arith.constant 10000 : i32
    %dma_start3A_72 = arith.constant 0 : i32
    %dma_start3A_73 = tpu.memref_slice %arg7[%dma_start3A_71, %dma_start3A_72] : memref<10080x64xbf16, #tpu.memory_space<vmem_shared>> -> memref<80x64xbf16, #tpu.memory_space<vmem_shared>>
    %dma_start3A_74 = arith.constant 0 : i32
    %dma_start3A_75 = arith.constant 0 : i32
    %dma_start3A_76 = tpu.memref_slice %arg10[%dma_start3A_63, %dma_start3A_74, %dma_start3A_75] : memref<8x80x64xbf16, #tpu.memory_space<vmem>> -> memref<1x80x64xbf16, #tpu.memory_space<vmem>>
    %dma_start3A_77 = tpu.memref_squeeze %dma_start3A_76 : memref<1x80x64xbf16, #tpu.memory_space<vmem>> -> memref<80x64xbf16, #tpu.memory_space<vmem>>
    tpu.enqueue_dma source(%dma_start3A_77 : memref<80x64xbf16, #tpu.memory_space<vmem>>) target(%dma_start3A_73 : memref<80x64xbf16, #tpu.memory_space<vmem_shared>>) target_semaphore(%arg14 : memref<!tpu.dma_semaphore, #tpu.memory_space<semaphore_mem>>)
    %dma_start3A_78 = arith.constant 6 : i32
    %dma_start3A_79 = arith.constant 0 : i32
    %dma_start3A_80 = arith.constant 0 : i32
    %dma_start3A_81 = tpu.memref_slice %arg10[%dma_start3A_78, %dma_start3A_79, %dma_start3A_80] : memref<8x80x64xbf16, #tpu.memory_space<vmem>> -> memref<1x80x64xbf16, #tpu.memory_space<vmem>>
    %dma_start3A_82 = tpu.memref_squeeze %dma_start3A_81 : memref<1x80x64xbf16, #tpu.memory_space<vmem>> -> memref<80x64xbf16, #tpu.memory_space<vmem>>
    %dma_start3A_83 = arith.constant 10000 : i32
    %dma_start3A_84 = arith.constant 0 : i32
    %dma_start3A_85 = tpu.memref_slice %arg7[%dma_start3A_83, %dma_start3A_84] : memref<10080x64xbf16, #tpu.memory_space<vmem_shared>> -> memref<80x64xbf16, #tpu.memory_space<vmem_shared>>
    %dma_start3A_86 = arith.constant 10000 : i32
    %dma_start3A_87 = arith.constant 0 : i32
    %dma_start3A_88 = tpu.memref_slice %arg7[%dma_start3A_86, %dma_start3A_87] : memref<10080x64xbf16, #tpu.memory_space<vmem_shared>> -> memref<80x64xbf16, #tpu.memory_space<vmem_shared>>
    %dma_start3A_89 = arith.constant 0 : i32
    %dma_start3A_90 = arith.constant 0 : i32
    %dma_start3A_91 = tpu.memref_slice %arg10[%dma_start3A_78, %dma_start3A_89, %dma_start3A_90] : memref<8x80x64xbf16, #tpu.memory_space<vmem>> -> memref<1x80x64xbf16, #tpu.memory_space<vmem>>
    %dma_start3A_92 = tpu.memref_squeeze %dma_start3A_91 : memref<1x80x64xbf16, #tpu.memory_space<vmem>> -> memref<80x64xbf16, #tpu.memory_space<vmem>>
    tpu.enqueue_dma source(%dma_start3A_92 : memref<80x64xbf16, #tpu.memory_space<vmem>>) target(%dma_start3A_88 : memref<80x64xbf16, #tpu.memory_space<vmem_shared>>) target_semaphore(%arg14 : memref<!tpu.dma_semaphore, #tpu.memory_space<semaphore_mem>>)
    %dma_start3A_93 = arith.constant 7 : i32
    %dma_start3A_94 = arith.constant 0 : i32
    %dma_start3A_95 = arith.constant 0 : i32
    %dma_start3A_96 = tpu.memref_slice %arg10[%dma_start3A_93, %dma_start3A_94, %dma_start3A_95] : memref<8x80x64xbf16, #tpu.memory_space<vmem>> -> memref<1x80x64xbf16, #tpu.memory_space<vmem>>
    %dma_start3A_97 = tpu.memref_squeeze %dma_start3A_96 : memref<1x80x64xbf16, #tpu.memory_space<vmem>> -> memref<80x64xbf16, #tpu.memory_space<vmem>>
    %dma_start3A_98 = arith.constant 10000 : i32
    %dma_start3A_99 = arith.constant 0 : i32
    %dma_start3A_100 = tpu.memref_slice %arg7[%dma_start3A_98, %dma_start3A_99] : memref<10080x64xbf16, #tpu.memory_space<vmem_shared>> -> memref<80x64xbf16, #tpu.memory_space<vmem_shared>>
    %dma_start3A_101 = arith.constant 10000 : i32
    %dma_start3A_102 = arith.constant 0 : i32
    %dma_start3A_103 = tpu.memref_slice %arg7[%dma_start3A_101, %dma_start3A_102] : memref<10080x64xbf16, #tpu.memory_space<vmem_shared>> -> memref<80x64xbf16, #tpu.memory_space<vmem_shared>>
    %dma_start3A_104 = arith.constant 0 : i32
    %dma_start3A_105 = arith.constant 0 : i32
    %dma_start3A_106 = tpu.memref_slice %arg10[%dma_start3A_93, %dma_start3A_104, %dma_start3A_105] : memref<8x80x64xbf16, #tpu.memory_space<vmem>> -> memref<1x80x64xbf16, #tpu.memory_space<vmem>>
    %dma_start3A_107 = tpu.memref_squeeze %dma_start3A_106 : memref<1x80x64xbf16, #tpu.memory_space<vmem>> -> memref<80x64xbf16, #tpu.memory_space<vmem>>
    tpu.enqueue_dma source(%dma_start3A_107 : memref<80x64xbf16, #tpu.memory_space<vmem>>) target(%dma_start3A_103 : memref<80x64xbf16, #tpu.memory_space<vmem_shared>>) target_semaphore(%arg14 : memref<!tpu.dma_semaphore, #tpu.memory_space<semaphore_mem>>)
    %scan3A = arith.constant 0 : i32
    %scan3A_108 = arith.constant 0 : i32
    %scan3A_109 = arith.constant 32 : i32
    %scan3A_110 = arith.addi %scan3A_108, %scan3A_109 : i32
    %scan3A_111 = arith.constant 1 : i32
    scf.for %scan3A_297 = %scan3A_108 to %scan3A_110 step %scan3A_111  : i32 {
      %mul3A_298 = arith.constant 2 : i32
      %mul3A_299 = arith.muli %mul3A_298, %scan3A_297 : i32
      %add3A = arith.constant 1 : i32
      %add3A_300 = arith.addi %mul3A_299, %add3A : i32
      %add3A_301 = arith.constant 2 : i32
      %add3A_302 = arith.addi %mul3A_299, %add3A_301 : i32
      %rem3A = arith.constant 256 : i32
      %rem3A_303 = arith.remsi %add3A_302, %rem3A : i32
      %dma_wait3A_304 = arith.constant 0 : i32
      %dma_wait3A_305 = arith.constant 0 : i32
      %dma_wait3A_306 = arith.constant 0 : i32
      %dma_wait3A_307 = tpu.memref_slice %arg10[%dma_wait3A_304, %dma_wait3A_305, %dma_wait3A_306] : memref<8x80x64xbf16, #tpu.memory_space<vmem>> -> memref<1x80x64xbf16, #tpu.memory_space<vmem>>
      %dma_wait3A_308 = tpu.memref_squeeze %dma_wait3A_307 : memref<1x80x64xbf16, #tpu.memory_space<vmem>> -> memref<80x64xbf16, #tpu.memory_space<vmem>>
      %dma_wait3A_309 = arith.constant 0 : i32
      %dma_wait3A_310 = arith.constant 0 : i32
      %dma_wait3A_311 = tpu.memref_slice %arg2[%arg0, %dma_wait3A_309, %dma_wait3A_310] : memref<2x10000x64xbf16, #tpu.memory_space<hbm>> -> memref<1x10000x64xbf16, #tpu.memory_space<hbm>>
      %dma_wait3A_312 = tpu.memref_squeeze %dma_wait3A_311 : memref<1x10000x64xbf16, #tpu.memory_space<hbm>> -> memref<10000x64xbf16, #tpu.memory_space<hbm>>
      %dma_wait3A_313 = arith.constant 0 : i32
      %dma_wait3A_314 = arith.constant 0 : i32
      %dma_wait3A_315 = tpu.memref_slice %dma_wait3A_312[%dma_wait3A_313, %dma_wait3A_314] : memref<10000x64xbf16, #tpu.memory_space<hbm>> -> memref<80x64xbf16, #tpu.memory_space<hbm>>
      %dma_wait3A_316 = arith.constant 0 : i32
      %dma_wait3A_317 = arith.constant 0 : i32
      %dma_wait3A_318 = tpu.memref_slice %arg10[%dma_wait3A_304, %dma_wait3A_316, %dma_wait3A_317] : memref<8x80x64xbf16, #tpu.memory_space<vmem>> -> memref<1x80x64xbf16, #tpu.memory_space<vmem>>
      %dma_wait3A_319 = tpu.memref_squeeze %dma_wait3A_318 : memref<1x80x64xbf16, #tpu.memory_space<vmem>> -> memref<80x64xbf16, #tpu.memory_space<vmem>>
      %dma_wait3A_320 = arith.constant 0 : i32
      %dma_wait3A_321 = arith.constant 0 : i32
      %dma_wait3A_322 = tpu.memref_slice %arg2[%arg0, %dma_wait3A_320, %dma_wait3A_321] : memref<2x10000x64xbf16, #tpu.memory_space<hbm>> -> memref<1x10000x64xbf16, #tpu.memory_space<hbm>>
      %dma_wait3A_323 = tpu.memref_squeeze %dma_wait3A_322 : memref<1x10000x64xbf16, #tpu.memory_space<hbm>> -> memref<10000x64xbf16, #tpu.memory_space<hbm>>
      %dma_wait3A_324 = arith.constant 0 : i32
      %dma_wait3A_325 = arith.constant 0 : i32
      %dma_wait3A_326 = tpu.memref_slice %dma_wait3A_323[%dma_wait3A_324, %dma_wait3A_325] : memref<10000x64xbf16, #tpu.memory_space<hbm>> -> memref<80x64xbf16, #tpu.memory_space<hbm>>
      tpu.wait_dma2 semaphore(%arg14 : memref<!tpu.dma_semaphore, #tpu.memory_space<semaphore_mem>>) src(%dma_wait3A_326 : memref<80x64xbf16, #tpu.memory_space<hbm>>) dst(%dma_wait3A_319 : memref<80x64xbf16, #tpu.memory_space<vmem>>)
      %dma_wait3A_327 = arith.constant 0 : i32
      %dma_wait3A_328 = arith.constant 0 : i32
      %dma_wait3A_329 = arith.constant 0 : i32
      %dma_wait3A_330 = tpu.memref_slice %arg10[%dma_wait3A_327, %dma_wait3A_328, %dma_wait3A_329] : memref<8x80x64xbf16, #tpu.memory_space<vmem>> -> memref<1x80x64xbf16, #tpu.memory_space<vmem>>
      %dma_wait3A_331 = tpu.memref_squeeze %dma_wait3A_330 : memref<1x80x64xbf16, #tpu.memory_space<vmem>> -> memref<80x64xbf16, #tpu.memory_space<vmem>>
      %dma_wait3A_332 = arith.constant 0 : i32
      %dma_wait3A_333 = arith.constant 0 : i32
      %dma_wait3A_334 = tpu.memref_slice %arg2[%arg0, %dma_wait3A_332, %dma_wait3A_333] : memref<2x10000x64xbf16, #tpu.memory_space<hbm>> -> memref<1x10000x64xbf16, #tpu.memory_space<hbm>>
      %dma_wait3A_335 = tpu.memref_squeeze %dma_wait3A_334 : memref<1x10000x64xbf16, #tpu.memory_space<hbm>> -> memref<10000x64xbf16, #tpu.memory_space<hbm>>
      %dma_wait3A_336 = arith.constant 0 : i32
      %dma_wait3A_337 = arith.constant 0 : i32
      %dma_wait3A_338 = tpu.memref_slice %dma_wait3A_335[%dma_wait3A_336, %dma_wait3A_337] : memref<10000x64xbf16, #tpu.memory_space<hbm>> -> memref<80x64xbf16, #tpu.memory_space<hbm>>
      %dma_wait3A_339 = arith.constant 0 : i32
      %dma_wait3A_340 = arith.constant 0 : i32
      %dma_wait3A_341 = tpu.memref_slice %arg10[%dma_wait3A_327, %dma_wait3A_339, %dma_wait3A_340] : memref<8x80x64xbf16, #tpu.memory_space<vmem>> -> memref<1x80x64xbf16, #tpu.memory_space<vmem>>
      %dma_wait3A_342 = tpu.memref_squeeze %dma_wait3A_341 : memref<1x80x64xbf16, #tpu.memory_space<vmem>> -> memref<80x64xbf16, #tpu.memory_space<vmem>>
      %dma_wait3A_343 = arith.constant 0 : i32
      %dma_wait3A_344 = arith.constant 0 : i32
      %dma_wait3A_345 = tpu.memref_slice %arg2[%arg0, %dma_wait3A_343, %dma_wait3A_344] : memref<2x10000x64xbf16, #tpu.memory_space<hbm>> -> memref<1x10000x64xbf16, #tpu.memory_space<hbm>>
      %dma_wait3A_346 = tpu.memref_squeeze %dma_wait3A_345 : memref<1x10000x64xbf16, #tpu.memory_space<hbm>> -> memref<10000x64xbf16, #tpu.memory_space<hbm>>
      %dma_wait3A_347 = arith.constant 0 : i32
      %dma_wait3A_348 = arith.constant 0 : i32
      %dma_wait3A_349 = tpu.memref_slice %dma_wait3A_346[%dma_wait3A_347, %dma_wait3A_348] : memref<10000x64xbf16, #tpu.memory_space<hbm>> -> memref<80x64xbf16, #tpu.memory_space<hbm>>
      tpu.wait_dma2 semaphore(%arg14 : memref<!tpu.dma_semaphore, #tpu.memory_space<semaphore_mem>>) src(%dma_wait3A_349 : memref<80x64xbf16, #tpu.memory_space<hbm>>) dst(%dma_wait3A_342 : memref<80x64xbf16, #tpu.memory_space<vmem>>)
      %dma_wait3A_350 = arith.constant 0 : i32
      %dma_wait3A_351 = arith.constant 0 : i32
      %dma_wait3A_352 = arith.constant 0 : i32
      %dma_wait3A_353 = tpu.memref_slice %arg10[%dma_wait3A_350, %dma_wait3A_351, %dma_wait3A_352] : memref<8x80x64xbf16, #tpu.memory_space<vmem>> -> memref<1x80x64xbf16, #tpu.memory_space<vmem>>
      %dma_wait3A_354 = tpu.memref_squeeze %dma_wait3A_353 : memref<1x80x64xbf16, #tpu.memory_space<vmem>> -> memref<80x64xbf16, #tpu.memory_space<vmem>>
      %dma_wait3A_355 = arith.constant 0 : i32
      %dma_wait3A_356 = arith.constant 0 : i32
      %dma_wait3A_357 = tpu.memref_slice %arg2[%arg0, %dma_wait3A_355, %dma_wait3A_356] : memref<2x10000x64xbf16, #tpu.memory_space<hbm>> -> memref<1x10000x64xbf16, #tpu.memory_space<hbm>>
      %dma_wait3A_358 = tpu.memref_squeeze %dma_wait3A_357 : memref<1x10000x64xbf16, #tpu.memory_space<hbm>> -> memref<10000x64xbf16, #tpu.memory_space<hbm>>
      %dma_wait3A_359 = arith.constant 0 : i32
      %dma_wait3A_360 = arith.constant 0 : i32
      %dma_wait3A_361 = tpu.memref_slice %dma_wait3A_358[%dma_wait3A_359, %dma_wait3A_360] : memref<10000x64xbf16, #tpu.memory_space<hbm>> -> memref<80x64xbf16, #tpu.memory_space<hbm>>
      %dma_wait3A_362 = arith.constant 0 : i32
      %dma_wait3A_363 = arith.constant 0 : i32
      %dma_wait3A_364 = tpu.memref_slice %arg10[%dma_wait3A_350, %dma_wait3A_362, %dma_wait3A_363] : memref<8x80x64xbf16, #tpu.memory_space<vmem>> -> memref<1x80x64xbf16, #tpu.memory_space<vmem>>
      %dma_wait3A_365 = tpu.memref_squeeze %dma_wait3A_364 : memref<1x80x64xbf16, #tpu.memory_space<vmem>> -> memref<80x64xbf16, #tpu.memory_space<vmem>>
      %dma_wait3A_366 = arith.constant 0 : i32
      %dma_wait3A_367 = arith.constant 0 : i32
      %dma_wait3A_368 = tpu.memref_slice %arg2[%arg0, %dma_wait3A_366, %dma_wait3A_367] : memref<2x10000x64xbf16, #tpu.memory_space<hbm>> -> memref<1x10000x64xbf16, #tpu.memory_space<hbm>>
      %dma_wait3A_369 = tpu.memref_squeeze %dma_wait3A_368 : memref<1x10000x64xbf16, #tpu.memory_space<hbm>> -> memref<10000x64xbf16, #tpu.memory_space<hbm>>
      %dma_wait3A_370 = arith.constant 0 : i32
      %dma_wait3A_371 = arith.constant 0 : i32
      %dma_wait3A_372 = tpu.memref_slice %dma_wait3A_369[%dma_wait3A_370, %dma_wait3A_371] : memref<10000x64xbf16, #tpu.memory_space<hbm>> -> memref<80x64xbf16, #tpu.memory_space<hbm>>
      tpu.wait_dma2 semaphore(%arg14 : memref<!tpu.dma_semaphore, #tpu.memory_space<semaphore_mem>>) src(%dma_wait3A_372 : memref<80x64xbf16, #tpu.memory_space<hbm>>) dst(%dma_wait3A_365 : memref<80x64xbf16, #tpu.memory_space<vmem>>)
      %dma_wait3A_373 = arith.constant 0 : i32
      %dma_wait3A_374 = arith.constant 0 : i32
      %dma_wait3A_375 = arith.constant 0 : i32
      %dma_wait3A_376 = tpu.memref_slice %arg10[%dma_wait3A_373, %dma_wait3A_374, %dma_wait3A_375] : memref<8x80x64xbf16, #tpu.memory_space<vmem>> -> memref<1x80x64xbf16, #tpu.memory_space<vmem>>
      %dma_wait3A_377 = tpu.memref_squeeze %dma_wait3A_376 : memref<1x80x64xbf16, #tpu.memory_space<vmem>> -> memref<80x64xbf16, #tpu.memory_space<vmem>>
      %dma_wait3A_378 = arith.constant 0 : i32
      %dma_wait3A_379 = arith.constant 0 : i32
      %dma_wait3A_380 = tpu.memref_slice %arg2[%arg0, %dma_wait3A_378, %dma_wait3A_379] : memref<2x10000x64xbf16, #tpu.memory_space<hbm>> -> memref<1x10000x64xbf16, #tpu.memory_space<hbm>>
      %dma_wait3A_381 = tpu.memref_squeeze %dma_wait3A_380 : memref<1x10000x64xbf16, #tpu.memory_space<hbm>> -> memref<10000x64xbf16, #tpu.memory_space<hbm>>
      %dma_wait3A_382 = arith.constant 0 : i32
      %dma_wait3A_383 = arith.constant 0 : i32
      %dma_wait3A_384 = tpu.memref_slice %dma_wait3A_381[%dma_wait3A_382, %dma_wait3A_383] : memref<10000x64xbf16, #tpu.memory_space<hbm>> -> memref<80x64xbf16, #tpu.memory_space<hbm>>
      %dma_wait3A_385 = arith.constant 0 : i32
      %dma_wait3A_386 = arith.constant 0 : i32
      %dma_wait3A_387 = tpu.memref_slice %arg10[%dma_wait3A_373, %dma_wait3A_385, %dma_wait3A_386] : memref<8x80x64xbf16, #tpu.memory_space<vmem>> -> memref<1x80x64xbf16, #tpu.memory_space<vmem>>
      %dma_wait3A_388 = tpu.memref_squeeze %dma_wait3A_387 : memref<1x80x64xbf16, #tpu.memory_space<vmem>> -> memref<80x64xbf16, #tpu.memory_space<vmem>>
      %dma_wait3A_389 = arith.constant 0 : i32
      %dma_wait3A_390 = arith.constant 0 : i32
      %dma_wait3A_391 = tpu.memref_slice %arg2[%arg0, %dma_wait3A_389, %dma_wait3A_390] : memref<2x10000x64xbf16, #tpu.memory_space<hbm>> -> memref<1x10000x64xbf16, #tpu.memory_space<hbm>>
      %dma_wait3A_392 = tpu.memref_squeeze %dma_wait3A_391 : memref<1x10000x64xbf16, #tpu.memory_space<hbm>> -> memref<10000x64xbf16, #tpu.memory_space<hbm>>
      %dma_wait3A_393 = arith.constant 0 : i32
      %dma_wait3A_394 = arith.constant 0 : i32
      %dma_wait3A_395 = tpu.memref_slice %dma_wait3A_392[%dma_wait3A_393, %dma_wait3A_394] : memref<10000x64xbf16, #tpu.memory_space<hbm>> -> memref<80x64xbf16, #tpu.memory_space<hbm>>
      tpu.wait_dma2 semaphore(%arg14 : memref<!tpu.dma_semaphore, #tpu.memory_space<semaphore_mem>>) src(%dma_wait3A_395 : memref<80x64xbf16, #tpu.memory_space<hbm>>) dst(%dma_wait3A_388 : memref<80x64xbf16, #tpu.memory_space<vmem>>)
      %mul3A_396 = arith.constant 4 : i32
      %mul3A_397 = arith.muli %add3A_300, %mul3A_396 : i32
      %add3A_398 = arith.constant 0 : i32
      %add3A_399 = arith.addi %mul3A_397, %add3A_398 : i32
      %dma_start3A_400 = arith.constant 4 : i32
      %dma_start3A_401 = arith.constant 0 : i32
      %dma_start3A_402 = arith.constant 0 : i32
      %dma_start3A_403 = tpu.memref_slice %arg10[%dma_start3A_400, %dma_start3A_401, %dma_start3A_402] : memref<8x80x64xbf16, #tpu.memory_space<vmem>> -> memref<1x80x64xbf16, #tpu.memory_space<vmem>>
      %dma_start3A_404 = tpu.memref_squeeze %dma_start3A_403 : memref<1x80x64xbf16, #tpu.memory_space<vmem>> -> memref<80x64xbf16, #tpu.memory_space<vmem>>
      %dma_start3A_405 = arith.constant 0 : i32
      %dma_start3A_406 = tpu.memref_slice %arg8[%add3A_399, %dma_start3A_405] : memref<256x80xi32, #tpu.memory_space<vmem>> -> memref<1x80xi32, #tpu.memory_space<vmem>>
      %dma_start3A_407 = tpu.memref_squeeze %dma_start3A_406 : memref<1x80xi32, #tpu.memory_space<vmem>> -> memref<80xi32, #tpu.memory_space<vmem>>
      %dma_start3A_408 = arith.constant 0 : i32
      %dma_start3A_409 = arith.constant 0 : i32
      %dma_start3A_410 = tpu.memref_slice %arg6[%dma_start3A_408, %dma_start3A_409] : memref<10000x64xbf16, #tpu.memory_space<vmem_shared>> -> memref<10000x64xbf16, #tpu.memory_space<vmem_shared>>
      tpu.enqueue_indirect_dma source(%dma_start3A_410 : memref<10000x64xbf16, #tpu.memory_space<vmem_shared>>) target(%dma_start3A_404 : memref<80x64xbf16, #tpu.memory_space<vmem>>) offsets(%dma_start3A_407 : memref<80xi32, #tpu.memory_space<vmem>>) semaphore(%arg12 : memref<!tpu.dma_semaphore, #tpu.memory_space<semaphore_mem>>)
      %mul3A_411 = arith.constant 4 : i32
      %mul3A_412 = arith.muli %add3A_300, %mul3A_411 : i32
      %add3A_413 = arith.constant 1 : i32
      %add3A_414 = arith.addi %mul3A_412, %add3A_413 : i32
      %dma_start3A_415 = arith.constant 5 : i32
      %dma_start3A_416 = arith.constant 0 : i32
      %dma_start3A_417 = arith.constant 0 : i32
      %dma_start3A_418 = tpu.memref_slice %arg10[%dma_start3A_415, %dma_start3A_416, %dma_start3A_417] : memref<8x80x64xbf16, #tpu.memory_space<vmem>> -> memref<1x80x64xbf16, #tpu.memory_space<vmem>>
      %dma_start3A_419 = tpu.memref_squeeze %dma_start3A_418 : memref<1x80x64xbf16, #tpu.memory_space<vmem>> -> memref<80x64xbf16, #tpu.memory_space<vmem>>
      %dma_start3A_420 = arith.constant 0 : i32
      %dma_start3A_421 = tpu.memref_slice %arg8[%add3A_414, %dma_start3A_420] : memref<256x80xi32, #tpu.memory_space<vmem>> -> memref<1x80xi32, #tpu.memory_space<vmem>>
      %dma_start3A_422 = tpu.memref_squeeze %dma_start3A_421 : memref<1x80xi32, #tpu.memory_space<vmem>> -> memref<80xi32, #tpu.memory_space<vmem>>
      %dma_start3A_423 = arith.constant 0 : i32
      %dma_start3A_424 = arith.constant 0 : i32
      %dma_start3A_425 = tpu.memref_slice %arg6[%dma_start3A_423, %dma_start3A_424] : memref<10000x64xbf16, #tpu.memory_space<vmem_shared>> -> memref<10000x64xbf16, #tpu.memory_space<vmem_shared>>
      tpu.enqueue_indirect_dma source(%dma_start3A_425 : memref<10000x64xbf16, #tpu.memory_space<vmem_shared>>) target(%dma_start3A_419 : memref<80x64xbf16, #tpu.memory_space<vmem>>) offsets(%dma_start3A_422 : memref<80xi32, #tpu.memory_space<vmem>>) semaphore(%arg12 : memref<!tpu.dma_semaphore, #tpu.memory_space<semaphore_mem>>)
      %mul3A_426 = arith.constant 4 : i32
      %mul3A_427 = arith.muli %add3A_300, %mul3A_426 : i32
      %add3A_428 = arith.constant 2 : i32
      %add3A_429 = arith.addi %mul3A_427, %add3A_428 : i32
      %dma_start3A_430 = arith.constant 6 : i32
      %dma_start3A_431 = arith.constant 0 : i32
      %dma_start3A_432 = arith.constant 0 : i32
      %dma_start3A_433 = tpu.memref_slice %arg10[%dma_start3A_430, %dma_start3A_431, %dma_start3A_432] : memref<8x80x64xbf16, #tpu.memory_space<vmem>> -> memref<1x80x64xbf16, #tpu.memory_space<vmem>>
      %dma_start3A_434 = tpu.memref_squeeze %dma_start3A_433 : memref<1x80x64xbf16, #tpu.memory_space<vmem>> -> memref<80x64xbf16, #tpu.memory_space<vmem>>
      %dma_start3A_435 = arith.constant 0 : i32
      %dma_start3A_436 = tpu.memref_slice %arg8[%add3A_429, %dma_start3A_435] : memref<256x80xi32, #tpu.memory_space<vmem>> -> memref<1x80xi32, #tpu.memory_space<vmem>>
      %dma_start3A_437 = tpu.memref_squeeze %dma_start3A_436 : memref<1x80xi32, #tpu.memory_space<vmem>> -> memref<80xi32, #tpu.memory_space<vmem>>
      %dma_start3A_438 = arith.constant 0 : i32
      %dma_start3A_439 = arith.constant 0 : i32
      %dma_start3A_440 = tpu.memref_slice %arg6[%dma_start3A_438, %dma_start3A_439] : memref<10000x64xbf16, #tpu.memory_space<vmem_shared>> -> memref<10000x64xbf16, #tpu.memory_space<vmem_shared>>
      tpu.enqueue_indirect_dma source(%dma_start3A_440 : memref<10000x64xbf16, #tpu.memory_space<vmem_shared>>) target(%dma_start3A_434 : memref<80x64xbf16, #tpu.memory_space<vmem>>) offsets(%dma_start3A_437 : memref<80xi32, #tpu.memory_space<vmem>>) semaphore(%arg12 : memref<!tpu.dma_semaphore, #tpu.memory_space<semaphore_mem>>)
      %mul3A_441 = arith.constant 4 : i32
      %mul3A_442 = arith.muli %add3A_300, %mul3A_441 : i32
      %add3A_443 = arith.constant 3 : i32
      %add3A_444 = arith.addi %mul3A_442, %add3A_443 : i32
      %dma_start3A_445 = arith.constant 7 : i32
      %dma_start3A_446 = arith.constant 0 : i32
      %dma_start3A_447 = arith.constant 0 : i32
      %dma_start3A_448 = tpu.memref_slice %arg10[%dma_start3A_445, %dma_start3A_446, %dma_start3A_447] : memref<8x80x64xbf16, #tpu.memory_space<vmem>> -> memref<1x80x64xbf16, #tpu.memory_space<vmem>>
      %dma_start3A_449 = tpu.memref_squeeze %dma_start3A_448 : memref<1x80x64xbf16, #tpu.memory_space<vmem>> -> memref<80x64xbf16, #tpu.memory_space<vmem>>
      %dma_start3A_450 = arith.constant 0 : i32
      %dma_start3A_451 = tpu.memref_slice %arg8[%add3A_444, %dma_start3A_450] : memref<256x80xi32, #tpu.memory_space<vmem>> -> memref<1x80xi32, #tpu.memory_space<vmem>>
      %dma_start3A_452 = tpu.memref_squeeze %dma_start3A_451 : memref<1x80xi32, #tpu.memory_space<vmem>> -> memref<80xi32, #tpu.memory_space<vmem>>
      %dma_start3A_453 = arith.constant 0 : i32
      %dma_start3A_454 = arith.constant 0 : i32
      %dma_start3A_455 = tpu.memref_slice %arg6[%dma_start3A_453, %dma_start3A_454] : memref<10000x64xbf16, #tpu.memory_space<vmem_shared>> -> memref<10000x64xbf16, #tpu.memory_space<vmem_shared>>
      tpu.enqueue_indirect_dma source(%dma_start3A_455 : memref<10000x64xbf16, #tpu.memory_space<vmem_shared>>) target(%dma_start3A_449 : memref<80x64xbf16, #tpu.memory_space<vmem>>) offsets(%dma_start3A_452 : memref<80xi32, #tpu.memory_space<vmem>>) semaphore(%arg12 : memref<!tpu.dma_semaphore, #tpu.memory_space<semaphore_mem>>)
      %dma_wait3A_456 = arith.constant 0 : i32
      %dma_wait3A_457 = arith.constant 0 : i32
      %dma_wait3A_458 = arith.constant 0 : i32
      %dma_wait3A_459 = tpu.memref_slice %arg10[%dma_wait3A_456, %dma_wait3A_457, %dma_wait3A_458] : memref<8x80x64xbf16, #tpu.memory_space<vmem>> -> memref<1x80x64xbf16, #tpu.memory_space<vmem>>
      %dma_wait3A_460 = tpu.memref_squeeze %dma_wait3A_459 : memref<1x80x64xbf16, #tpu.memory_space<vmem>> -> memref<80x64xbf16, #tpu.memory_space<vmem>>
      %dma_wait3A_461 = arith.constant 0 : i32
      %dma_wait3A_462 = arith.constant 0 : i32
      %dma_wait3A_463 = tpu.memref_slice %arg2[%arg0, %dma_wait3A_461, %dma_wait3A_462] : memref<2x10000x64xbf16, #tpu.memory_space<hbm>> -> memref<1x10000x64xbf16, #tpu.memory_space<hbm>>
      %dma_wait3A_464 = tpu.memref_squeeze %dma_wait3A_463 : memref<1x10000x64xbf16, #tpu.memory_space<hbm>> -> memref<10000x64xbf16, #tpu.memory_space<hbm>>
      %dma_wait3A_465 = arith.constant 0 : i32
      %dma_wait3A_466 = arith.constant 0 : i32
      %dma_wait3A_467 = tpu.memref_slice %dma_wait3A_464[%dma_wait3A_465, %dma_wait3A_466] : memref<10000x64xbf16, #tpu.memory_space<hbm>> -> memref<80x64xbf16, #tpu.memory_space<hbm>>
      %dma_wait3A_468 = arith.constant 0 : i32
      %dma_wait3A_469 = arith.constant 0 : i32
      %dma_wait3A_470 = tpu.memref_slice %arg10[%dma_wait3A_456, %dma_wait3A_468, %dma_wait3A_469] : memref<8x80x64xbf16, #tpu.memory_space<vmem>> -> memref<1x80x64xbf16, #tpu.memory_space<vmem>>
      %dma_wait3A_471 = tpu.memref_squeeze %dma_wait3A_470 : memref<1x80x64xbf16, #tpu.memory_space<vmem>> -> memref<80x64xbf16, #tpu.memory_space<vmem>>
      %dma_wait3A_472 = arith.constant 0 : i32
      %dma_wait3A_473 = arith.constant 0 : i32
      %dma_wait3A_474 = tpu.memref_slice %arg2[%arg0, %dma_wait3A_472, %dma_wait3A_473] : memref<2x10000x64xbf16, #tpu.memory_space<hbm>> -> memref<1x10000x64xbf16, #tpu.memory_space<hbm>>
      %dma_wait3A_475 = tpu.memref_squeeze %dma_wait3A_474 : memref<1x10000x64xbf16, #tpu.memory_space<hbm>> -> memref<10000x64xbf16, #tpu.memory_space<hbm>>
      %dma_wait3A_476 = arith.constant 0 : i32
      %dma_wait3A_477 = arith.constant 0 : i32
      %dma_wait3A_478 = tpu.memref_slice %dma_wait3A_475[%dma_wait3A_476, %dma_wait3A_477] : memref<10000x64xbf16, #tpu.memory_space<hbm>> -> memref<80x64xbf16, #tpu.memory_space<hbm>>
      tpu.wait_dma2 semaphore(%arg11 : memref<!tpu.dma_semaphore, #tpu.memory_space<semaphore_mem>>) src(%dma_wait3A_478 : memref<80x64xbf16, #tpu.memory_space<hbm>>) dst(%dma_wait3A_471 : memref<80x64xbf16, #tpu.memory_space<vmem>>)
      %dma_wait3A_479 = arith.constant 0 : i32
      %dma_wait3A_480 = arith.constant 0 : i32
      %dma_wait3A_481 = arith.constant 0 : i32
      %dma_wait3A_482 = tpu.memref_slice %arg10[%dma_wait3A_479, %dma_wait3A_480, %dma_wait3A_481] : memref<8x80x64xbf16, #tpu.memory_space<vmem>> -> memref<1x80x64xbf16, #tpu.memory_space<vmem>>
      %dma_wait3A_483 = tpu.memref_squeeze %dma_wait3A_482 : memref<1x80x64xbf16, #tpu.memory_space<vmem>> -> memref<80x64xbf16, #tpu.memory_space<vmem>>
      %dma_wait3A_484 = arith.constant 0 : i32
      %dma_wait3A_485 = arith.constant 0 : i32
      %dma_wait3A_486 = tpu.memref_slice %arg2[%arg0, %dma_wait3A_484, %dma_wait3A_485] : memref<2x10000x64xbf16, #tpu.memory_space<hbm>> -> memref<1x10000x64xbf16, #tpu.memory_space<hbm>>
      %dma_wait3A_487 = tpu.memref_squeeze %dma_wait3A_486 : memref<1x10000x64xbf16, #tpu.memory_space<hbm>> -> memref<10000x64xbf16, #tpu.memory_space<hbm>>
      %dma_wait3A_488 = arith.constant 0 : i32
      %dma_wait3A_489 = arith.constant 0 : i32
      %dma_wait3A_490 = tpu.memref_slice %dma_wait3A_487[%dma_wait3A_488, %dma_wait3A_489] : memref<10000x64xbf16, #tpu.memory_space<hbm>> -> memref<80x64xbf16, #tpu.memory_space<hbm>>
      %dma_wait3A_491 = arith.constant 0 : i32
      %dma_wait3A_492 = arith.constant 0 : i32
      %dma_wait3A_493 = tpu.memref_slice %arg10[%dma_wait3A_479, %dma_wait3A_491, %dma_wait3A_492] : memref<8x80x64xbf16, #tpu.memory_space<vmem>> -> memref<1x80x64xbf16, #tpu.memory_space<vmem>>
      %dma_wait3A_494 = tpu.memref_squeeze %dma_wait3A_493 : memref<1x80x64xbf16, #tpu.memory_space<vmem>> -> memref<80x64xbf16, #tpu.memory_space<vmem>>
      %dma_wait3A_495 = arith.constant 0 : i32
      %dma_wait3A_496 = arith.constant 0 : i32
      %dma_wait3A_497 = tpu.memref_slice %arg2[%arg0, %dma_wait3A_495, %dma_wait3A_496] : memref<2x10000x64xbf16, #tpu.memory_space<hbm>> -> memref<1x10000x64xbf16, #tpu.memory_space<hbm>>
      %dma_wait3A_498 = tpu.memref_squeeze %dma_wait3A_497 : memref<1x10000x64xbf16, #tpu.memory_space<hbm>> -> memref<10000x64xbf16, #tpu.memory_space<hbm>>
      %dma_wait3A_499 = arith.constant 0 : i32
      %dma_wait3A_500 = arith.constant 0 : i32
      %dma_wait3A_501 = tpu.memref_slice %dma_wait3A_498[%dma_wait3A_499, %dma_wait3A_500] : memref<10000x64xbf16, #tpu.memory_space<hbm>> -> memref<80x64xbf16, #tpu.memory_space<hbm>>
      tpu.wait_dma2 semaphore(%arg11 : memref<!tpu.dma_semaphore, #tpu.memory_space<semaphore_mem>>) src(%dma_wait3A_501 : memref<80x64xbf16, #tpu.memory_space<hbm>>) dst(%dma_wait3A_494 : memref<80x64xbf16, #tpu.memory_space<vmem>>)
      %dma_wait3A_502 = arith.constant 0 : i32
      %dma_wait3A_503 = arith.constant 0 : i32
      %dma_wait3A_504 = arith.constant 0 : i32
      %dma_wait3A_505 = tpu.memref_slice %arg10[%dma_wait3A_502, %dma_wait3A_503, %dma_wait3A_504] : memref<8x80x64xbf16, #tpu.memory_space<vmem>> -> memref<1x80x64xbf16, #tpu.memory_space<vmem>>
      %dma_wait3A_506 = tpu.memref_squeeze %dma_wait3A_505 : memref<1x80x64xbf16, #tpu.memory_space<vmem>> -> memref<80x64xbf16, #tpu.memory_space<vmem>>
      %dma_wait3A_507 = arith.constant 0 : i32
      %dma_wait3A_508 = arith.constant 0 : i32
      %dma_wait3A_509 = tpu.memref_slice %arg2[%arg0, %dma_wait3A_507, %dma_wait3A_508] : memref<2x10000x64xbf16, #tpu.memory_space<hbm>> -> memref<1x10000x64xbf16, #tpu.memory_space<hbm>>
      %dma_wait3A_510 = tpu.memref_squeeze %dma_wait3A_509 : memref<1x10000x64xbf16, #tpu.memory_space<hbm>> -> memref<10000x64xbf16, #tpu.memory_space<hbm>>
      %dma_wait3A_511 = arith.constant 0 : i32
      %dma_wait3A_512 = arith.constant 0 : i32
      %dma_wait3A_513 = tpu.memref_slice %dma_wait3A_510[%dma_wait3A_511, %dma_wait3A_512] : memref<10000x64xbf16, #tpu.memory_space<hbm>> -> memref<80x64xbf16, #tpu.memory_space<hbm>>
      %dma_wait3A_514 = arith.constant 0 : i32
      %dma_wait3A_515 = arith.constant 0 : i32
      %dma_wait3A_516 = tpu.memref_slice %arg10[%dma_wait3A_502, %dma_wait3A_514, %dma_wait3A_515] : memref<8x80x64xbf16, #tpu.memory_space<vmem>> -> memref<1x80x64xbf16, #tpu.memory_space<vmem>>
      %dma_wait3A_517 = tpu.memref_squeeze %dma_wait3A_516 : memref<1x80x64xbf16, #tpu.memory_space<vmem>> -> memref<80x64xbf16, #tpu.memory_space<vmem>>
      %dma_wait3A_518 = arith.constant 0 : i32
      %dma_wait3A_519 = arith.constant 0 : i32
      %dma_wait3A_520 = tpu.memref_slice %arg2[%arg0, %dma_wait3A_518, %dma_wait3A_519] : memref<2x10000x64xbf16, #tpu.memory_space<hbm>> -> memref<1x10000x64xbf16, #tpu.memory_space<hbm>>
      %dma_wait3A_521 = tpu.memref_squeeze %dma_wait3A_520 : memref<1x10000x64xbf16, #tpu.memory_space<hbm>> -> memref<10000x64xbf16, #tpu.memory_space<hbm>>
      %dma_wait3A_522 = arith.constant 0 : i32
      %dma_wait3A_523 = arith.constant 0 : i32
      %dma_wait3A_524 = tpu.memref_slice %dma_wait3A_521[%dma_wait3A_522, %dma_wait3A_523] : memref<10000x64xbf16, #tpu.memory_space<hbm>> -> memref<80x64xbf16, #tpu.memory_space<hbm>>
      tpu.wait_dma2 semaphore(%arg11 : memref<!tpu.dma_semaphore, #tpu.memory_space<semaphore_mem>>) src(%dma_wait3A_524 : memref<80x64xbf16, #tpu.memory_space<hbm>>) dst(%dma_wait3A_517 : memref<80x64xbf16, #tpu.memory_space<vmem>>)
      %dma_wait3A_525 = arith.constant 0 : i32
      %dma_wait3A_526 = arith.constant 0 : i32
      %dma_wait3A_527 = arith.constant 0 : i32
      %dma_wait3A_528 = tpu.memref_slice %arg10[%dma_wait3A_525, %dma_wait3A_526, %dma_wait3A_527] : memref<8x80x64xbf16, #tpu.memory_space<vmem>> -> memref<1x80x64xbf16, #tpu.memory_space<vmem>>
      %dma_wait3A_529 = tpu.memref_squeeze %dma_wait3A_528 : memref<1x80x64xbf16, #tpu.memory_space<vmem>> -> memref<80x64xbf16, #tpu.memory_space<vmem>>
      %dma_wait3A_530 = arith.constant 0 : i32
      %dma_wait3A_531 = arith.constant 0 : i32
      %dma_wait3A_532 = tpu.memref_slice %arg2[%arg0, %dma_wait3A_530, %dma_wait3A_531] : memref<2x10000x64xbf16, #tpu.memory_space<hbm>> -> memref<1x10000x64xbf16, #tpu.memory_space<hbm>>
      %dma_wait3A_533 = tpu.memref_squeeze %dma_wait3A_532 : memref<1x10000x64xbf16, #tpu.memory_space<hbm>> -> memref<10000x64xbf16, #tpu.memory_space<hbm>>
      %dma_wait3A_534 = arith.constant 0 : i32
      %dma_wait3A_535 = arith.constant 0 : i32
      %dma_wait3A_536 = tpu.memref_slice %dma_wait3A_533[%dma_wait3A_534, %dma_wait3A_535] : memref<10000x64xbf16, #tpu.memory_space<hbm>> -> memref<80x64xbf16, #tpu.memory_space<hbm>>
      %dma_wait3A_537 = arith.constant 0 : i32
      %dma_wait3A_538 = arith.constant 0 : i32
      %dma_wait3A_539 = tpu.memref_slice %arg10[%dma_wait3A_525, %dma_wait3A_537, %dma_wait3A_538] : memref<8x80x64xbf16, #tpu.memory_space<vmem>> -> memref<1x80x64xbf16, #tpu.memory_space<vmem>>
      %dma_wait3A_540 = tpu.memref_squeeze %dma_wait3A_539 : memref<1x80x64xbf16, #tpu.memory_space<vmem>> -> memref<80x64xbf16, #tpu.memory_space<vmem>>
      %dma_wait3A_541 = arith.constant 0 : i32
      %dma_wait3A_542 = arith.constant 0 : i32
      %dma_wait3A_543 = tpu.memref_slice %arg2[%arg0, %dma_wait3A_541, %dma_wait3A_542] : memref<2x10000x64xbf16, #tpu.memory_space<hbm>> -> memref<1x10000x64xbf16, #tpu.memory_space<hbm>>
      %dma_wait3A_544 = tpu.memref_squeeze %dma_wait3A_543 : memref<1x10000x64xbf16, #tpu.memory_space<hbm>> -> memref<10000x64xbf16, #tpu.memory_space<hbm>>
      %dma_wait3A_545 = arith.constant 0 : i32
      %dma_wait3A_546 = arith.constant 0 : i32
      %dma_wait3A_547 = tpu.memref_slice %dma_wait3A_544[%dma_wait3A_545, %dma_wait3A_546] : memref<10000x64xbf16, #tpu.memory_space<hbm>> -> memref<80x64xbf16, #tpu.memory_space<hbm>>
      tpu.wait_dma2 semaphore(%arg11 : memref<!tpu.dma_semaphore, #tpu.memory_space<semaphore_mem>>) src(%dma_wait3A_547 : memref<80x64xbf16, #tpu.memory_space<hbm>>) dst(%dma_wait3A_540 : memref<80x64xbf16, #tpu.memory_space<vmem>>)
      %mul3A_548 = arith.constant 4 : i32
      %mul3A_549 = arith.muli %mul3A_299, %mul3A_548 : i32
      %add3A_550 = arith.constant 0 : i32
      %add3A_551 = arith.addi %mul3A_549, %add3A_550 : i32
      %dma_start3A_552 = arith.constant 0 : i32
      %dma_start3A_553 = arith.constant 0 : i32
      %dma_start3A_554 = arith.constant 0 : i32
      %dma_start3A_555 = tpu.memref_slice %arg10[%dma_start3A_552, %dma_start3A_553, %dma_start3A_554] : memref<8x80x64xbf16, #tpu.memory_space<vmem>> -> memref<1x80x64xbf16, #tpu.memory_space<vmem>>
      %dma_start3A_556 = tpu.memref_squeeze %dma_start3A_555 : memref<1x80x64xbf16, #tpu.memory_space<vmem>> -> memref<80x64xbf16, #tpu.memory_space<vmem>>
      %dma_start3A_557 = arith.constant 0 : i32
      %dma_start3A_558 = tpu.memref_slice %arg9[%add3A_551, %dma_start3A_557] : memref<256x80xi32, #tpu.memory_space<vmem>> -> memref<1x80xi32, #tpu.memory_space<vmem>>
      %dma_start3A_559 = tpu.memref_squeeze %dma_start3A_558 : memref<1x80xi32, #tpu.memory_space<vmem>> -> memref<80xi32, #tpu.memory_space<vmem>>
      %dma_start3A_560 = arith.constant 0 : i32
      %dma_start3A_561 = arith.constant 0 : i32
      %dma_start3A_562 = tpu.memref_slice %arg7[%dma_start3A_560, %dma_start3A_561] : memref<10080x64xbf16, #tpu.memory_space<vmem_shared>> -> memref<10080x64xbf16, #tpu.memory_space<vmem_shared>>
      tpu.enqueue_indirect_dma source(%dma_start3A_556 : memref<80x64xbf16, #tpu.memory_space<vmem>>) target(%dma_start3A_562 : memref<10080x64xbf16, #tpu.memory_space<vmem_shared>>) offsets(%dma_start3A_559 : memref<80xi32, #tpu.memory_space<vmem>>) semaphore(%arg13 : memref<!tpu.dma_semaphore, #tpu.memory_space<semaphore_mem>>) {add = true}
      %mul3A_563 = arith.constant 4 : i32
      %mul3A_564 = arith.muli %mul3A_299, %mul3A_563 : i32
      %add3A_565 = arith.constant 1 : i32
      %add3A_566 = arith.addi %mul3A_564, %add3A_565 : i32
      %dma_start3A_567 = arith.constant 1 : i32
      %dma_start3A_568 = arith.constant 0 : i32
      %dma_start3A_569 = arith.constant 0 : i32
      %dma_start3A_570 = tpu.memref_slice %arg10[%dma_start3A_567, %dma_start3A_568, %dma_start3A_569] : memref<8x80x64xbf16, #tpu.memory_space<vmem>> -> memref<1x80x64xbf16, #tpu.memory_space<vmem>>
      %dma_start3A_571 = tpu.memref_squeeze %dma_start3A_570 : memref<1x80x64xbf16, #tpu.memory_space<vmem>> -> memref<80x64xbf16, #tpu.memory_space<vmem>>
      %dma_start3A_572 = arith.constant 0 : i32
      %dma_start3A_573 = tpu.memref_slice %arg9[%add3A_566, %dma_start3A_572] : memref<256x80xi32, #tpu.memory_space<vmem>> -> memref<1x80xi32, #tpu.memory_space<vmem>>
      %dma_start3A_574 = tpu.memref_squeeze %dma_start3A_573 : memref<1x80xi32, #tpu.memory_space<vmem>> -> memref<80xi32, #tpu.memory_space<vmem>>
      %dma_start3A_575 = arith.constant 0 : i32
      %dma_start3A_576 = arith.constant 0 : i32
      %dma_start3A_577 = tpu.memref_slice %arg7[%dma_start3A_575, %dma_start3A_576] : memref<10080x64xbf16, #tpu.memory_space<vmem_shared>> -> memref<10080x64xbf16, #tpu.memory_space<vmem_shared>>
      tpu.enqueue_indirect_dma source(%dma_start3A_571 : memref<80x64xbf16, #tpu.memory_space<vmem>>) target(%dma_start3A_577 : memref<10080x64xbf16, #tpu.memory_space<vmem_shared>>) offsets(%dma_start3A_574 : memref<80xi32, #tpu.memory_space<vmem>>) semaphore(%arg13 : memref<!tpu.dma_semaphore, #tpu.memory_space<semaphore_mem>>) {add = true}
      %mul3A_578 = arith.constant 4 : i32
      %mul3A_579 = arith.muli %mul3A_299, %mul3A_578 : i32
      %add3A_580 = arith.constant 2 : i32
      %add3A_581 = arith.addi %mul3A_579, %add3A_580 : i32
      %dma_start3A_582 = arith.constant 2 : i32
      %dma_start3A_583 = arith.constant 0 : i32
      %dma_start3A_584 = arith.constant 0 : i32
      %dma_start3A_585 = tpu.memref_slice %arg10[%dma_start3A_582, %dma_start3A_583, %dma_start3A_584] : memref<8x80x64xbf16, #tpu.memory_space<vmem>> -> memref<1x80x64xbf16, #tpu.memory_space<vmem>>
      %dma_start3A_586 = tpu.memref_squeeze %dma_start3A_585 : memref<1x80x64xbf16, #tpu.memory_space<vmem>> -> memref<80x64xbf16, #tpu.memory_space<vmem>>
      %dma_start3A_587 = arith.constant 0 : i32
      %dma_start3A_588 = tpu.memref_slice %arg9[%add3A_581, %dma_start3A_587] : memref<256x80xi32, #tpu.memory_space<vmem>> -> memref<1x80xi32, #tpu.memory_space<vmem>>
      %dma_start3A_589 = tpu.memref_squeeze %dma_start3A_588 : memref<1x80xi32, #tpu.memory_space<vmem>> -> memref<80xi32, #tpu.memory_space<vmem>>
      %dma_start3A_590 = arith.constant 0 : i32
      %dma_start3A_591 = arith.constant 0 : i32
      %dma_start3A_592 = tpu.memref_slice %arg7[%dma_start3A_590, %dma_start3A_591] : memref<10080x64xbf16, #tpu.memory_space<vmem_shared>> -> memref<10080x64xbf16, #tpu.memory_space<vmem_shared>>
      tpu.enqueue_indirect_dma source(%dma_start3A_586 : memref<80x64xbf16, #tpu.memory_space<vmem>>) target(%dma_start3A_592 : memref<10080x64xbf16, #tpu.memory_space<vmem_shared>>) offsets(%dma_start3A_589 : memref<80xi32, #tpu.memory_space<vmem>>) semaphore(%arg13 : memref<!tpu.dma_semaphore, #tpu.memory_space<semaphore_mem>>) {add = true}
      %mul3A_593 = arith.constant 4 : i32
      %mul3A_594 = arith.muli %mul3A_299, %mul3A_593 : i32
      %add3A_595 = arith.constant 3 : i32
      %add3A_596 = arith.addi %mul3A_594, %add3A_595 : i32
      %dma_start3A_597 = arith.constant 3 : i32
      %dma_start3A_598 = arith.constant 0 : i32
      %dma_start3A_599 = arith.constant 0 : i32
      %dma_start3A_600 = tpu.memref_slice %arg10[%dma_start3A_597, %dma_start3A_598, %dma_start3A_599] : memref<8x80x64xbf16, #tpu.memory_space<vmem>> -> memref<1x80x64xbf16, #tpu.memory_space<vmem>>
      %dma_start3A_601 = tpu.memref_squeeze %dma_start3A_600 : memref<1x80x64xbf16, #tpu.memory_space<vmem>> -> memref<80x64xbf16, #tpu.memory_space<vmem>>
      %dma_start3A_602 = arith.constant 0 : i32
      %dma_start3A_603 = tpu.memref_slice %arg9[%add3A_596, %dma_start3A_602] : memref<256x80xi32, #tpu.memory_space<vmem>> -> memref<1x80xi32, #tpu.memory_space<vmem>>
      %dma_start3A_604 = tpu.memref_squeeze %dma_start3A_603 : memref<1x80xi32, #tpu.memory_space<vmem>> -> memref<80xi32, #tpu.memory_space<vmem>>
      %dma_start3A_605 = arith.constant 0 : i32
      %dma_start3A_606 = arith.constant 0 : i32
      %dma_start3A_607 = tpu.memref_slice %arg7[%dma_start3A_605, %dma_start3A_606] : memref<10080x64xbf16, #tpu.memory_space<vmem_shared>> -> memref<10080x64xbf16, #tpu.memory_space<vmem_shared>>
      tpu.enqueue_indirect_dma source(%dma_start3A_601 : memref<80x64xbf16, #tpu.memory_space<vmem>>) target(%dma_start3A_607 : memref<10080x64xbf16, #tpu.memory_space<vmem_shared>>) offsets(%dma_start3A_604 : memref<80xi32, #tpu.memory_space<vmem>>) semaphore(%arg13 : memref<!tpu.dma_semaphore, #tpu.memory_space<semaphore_mem>>) {add = true}
      %dma_wait3A_608 = arith.constant 0 : i32
      %dma_wait3A_609 = arith.constant 0 : i32
      %dma_wait3A_610 = arith.constant 0 : i32
      %dma_wait3A_611 = tpu.memref_slice %arg10[%dma_wait3A_608, %dma_wait3A_609, %dma_wait3A_610] : memref<8x80x64xbf16, #tpu.memory_space<vmem>> -> memref<1x80x64xbf16, #tpu.memory_space<vmem>>
      %dma_wait3A_612 = tpu.memref_squeeze %dma_wait3A_611 : memref<1x80x64xbf16, #tpu.memory_space<vmem>> -> memref<80x64xbf16, #tpu.memory_space<vmem>>
      %dma_wait3A_613 = arith.constant 0 : i32
      %dma_wait3A_614 = arith.constant 0 : i32
      %dma_wait3A_615 = tpu.memref_slice %arg2[%arg0, %dma_wait3A_613, %dma_wait3A_614] : memref<2x10000x64xbf16, #tpu.memory_space<hbm>> -> memref<1x10000x64xbf16, #tpu.memory_space<hbm>>
      %dma_wait3A_616 = tpu.memref_squeeze %dma_wait3A_615 : memref<1x10000x64xbf16, #tpu.memory_space<hbm>> -> memref<10000x64xbf16, #tpu.memory_space<hbm>>
      %dma_wait3A_617 = arith.constant 0 : i32
      %dma_wait3A_618 = arith.constant 0 : i32
      %dma_wait3A_619 = tpu.memref_slice %dma_wait3A_616[%dma_wait3A_617, %dma_wait3A_618] : memref<10000x64xbf16, #tpu.memory_space<hbm>> -> memref<80x64xbf16, #tpu.memory_space<hbm>>
      %dma_wait3A_620 = arith.constant 0 : i32
      %dma_wait3A_621 = arith.constant 0 : i32
      %dma_wait3A_622 = tpu.memref_slice %arg10[%dma_wait3A_608, %dma_wait3A_620, %dma_wait3A_621] : memref<8x80x64xbf16, #tpu.memory_space<vmem>> -> memref<1x80x64xbf16, #tpu.memory_space<vmem>>
      %dma_wait3A_623 = tpu.memref_squeeze %dma_wait3A_622 : memref<1x80x64xbf16, #tpu.memory_space<vmem>> -> memref<80x64xbf16, #tpu.memory_space<vmem>>
      %dma_wait3A_624 = arith.constant 0 : i32
      %dma_wait3A_625 = arith.constant 0 : i32
      %dma_wait3A_626 = tpu.memref_slice %arg2[%arg0, %dma_wait3A_624, %dma_wait3A_625] : memref<2x10000x64xbf16, #tpu.memory_space<hbm>> -> memref<1x10000x64xbf16, #tpu.memory_space<hbm>>
      %dma_wait3A_627 = tpu.memref_squeeze %dma_wait3A_626 : memref<1x10000x64xbf16, #tpu.memory_space<hbm>> -> memref<10000x64xbf16, #tpu.memory_space<hbm>>
      %dma_wait3A_628 = arith.constant 0 : i32
      %dma_wait3A_629 = arith.constant 0 : i32
      %dma_wait3A_630 = tpu.memref_slice %dma_wait3A_627[%dma_wait3A_628, %dma_wait3A_629] : memref<10000x64xbf16, #tpu.memory_space<hbm>> -> memref<80x64xbf16, #tpu.memory_space<hbm>>
      tpu.wait_dma2 semaphore(%arg13 : memref<!tpu.dma_semaphore, #tpu.memory_space<semaphore_mem>>) src(%dma_wait3A_630 : memref<80x64xbf16, #tpu.memory_space<hbm>>) dst(%dma_wait3A_623 : memref<80x64xbf16, #tpu.memory_space<vmem>>)
      %dma_wait3A_631 = arith.constant 0 : i32
      %dma_wait3A_632 = arith.constant 0 : i32
      %dma_wait3A_633 = arith.constant 0 : i32
      %dma_wait3A_634 = tpu.memref_slice %arg10[%dma_wait3A_631, %dma_wait3A_632, %dma_wait3A_633] : memref<8x80x64xbf16, #tpu.memory_space<vmem>> -> memref<1x80x64xbf16, #tpu.memory_space<vmem>>
      %dma_wait3A_635 = tpu.memref_squeeze %dma_wait3A_634 : memref<1x80x64xbf16, #tpu.memory_space<vmem>> -> memref<80x64xbf16, #tpu.memory_space<vmem>>
      %dma_wait3A_636 = arith.constant 0 : i32
      %dma_wait3A_637 = arith.constant 0 : i32
      %dma_wait3A_638 = tpu.memref_slice %arg2[%arg0, %dma_wait3A_636, %dma_wait3A_637] : memref<2x10000x64xbf16, #tpu.memory_space<hbm>> -> memref<1x10000x64xbf16, #tpu.memory_space<hbm>>
      %dma_wait3A_639 = tpu.memref_squeeze %dma_wait3A_638 : memref<1x10000x64xbf16, #tpu.memory_space<hbm>> -> memref<10000x64xbf16, #tpu.memory_space<hbm>>
      %dma_wait3A_640 = arith.constant 0 : i32
      %dma_wait3A_641 = arith.constant 0 : i32
      %dma_wait3A_642 = tpu.memref_slice %dma_wait3A_639[%dma_wait3A_640, %dma_wait3A_641] : memref<10000x64xbf16, #tpu.memory_space<hbm>> -> memref<80x64xbf16, #tpu.memory_space<hbm>>
      %dma_wait3A_643 = arith.constant 0 : i32
      %dma_wait3A_644 = arith.constant 0 : i32
      %dma_wait3A_645 = tpu.memref_slice %arg10[%dma_wait3A_631, %dma_wait3A_643, %dma_wait3A_644] : memref<8x80x64xbf16, #tpu.memory_space<vmem>> -> memref<1x80x64xbf16, #tpu.memory_space<vmem>>
      %dma_wait3A_646 = tpu.memref_squeeze %dma_wait3A_645 : memref<1x80x64xbf16, #tpu.memory_space<vmem>> -> memref<80x64xbf16, #tpu.memory_space<vmem>>
      %dma_wait3A_647 = arith.constant 0 : i32
      %dma_wait3A_648 = arith.constant 0 : i32
      %dma_wait3A_649 = tpu.memref_slice %arg2[%arg0, %dma_wait3A_647, %dma_wait3A_648] : memref<2x10000x64xbf16, #tpu.memory_space<hbm>> -> memref<1x10000x64xbf16, #tpu.memory_space<hbm>>
      %dma_wait3A_650 = tpu.memref_squeeze %dma_wait3A_649 : memref<1x10000x64xbf16, #tpu.memory_space<hbm>> -> memref<10000x64xbf16, #tpu.memory_space<hbm>>
      %dma_wait3A_651 = arith.constant 0 : i32
      %dma_wait3A_652 = arith.constant 0 : i32
      %dma_wait3A_653 = tpu.memref_slice %dma_wait3A_650[%dma_wait3A_651, %dma_wait3A_652] : memref<10000x64xbf16, #tpu.memory_space<hbm>> -> memref<80x64xbf16, #tpu.memory_space<hbm>>
      tpu.wait_dma2 semaphore(%arg13 : memref<!tpu.dma_semaphore, #tpu.memory_space<semaphore_mem>>) src(%dma_wait3A_653 : memref<80x64xbf16, #tpu.memory_space<hbm>>) dst(%dma_wait3A_646 : memref<80x64xbf16, #tpu.memory_space<vmem>>)
      %dma_wait3A_654 = arith.constant 0 : i32
      %dma_wait3A_655 = arith.constant 0 : i32
      %dma_wait3A_656 = arith.constant 0 : i32
      %dma_wait3A_657 = tpu.memref_slice %arg10[%dma_wait3A_654, %dma_wait3A_655, %dma_wait3A_656] : memref<8x80x64xbf16, #tpu.memory_space<vmem>> -> memref<1x80x64xbf16, #tpu.memory_space<vmem>>
      %dma_wait3A_658 = tpu.memref_squeeze %dma_wait3A_657 : memref<1x80x64xbf16, #tpu.memory_space<vmem>> -> memref<80x64xbf16, #tpu.memory_space<vmem>>
      %dma_wait3A_659 = arith.constant 0 : i32
      %dma_wait3A_660 = arith.constant 0 : i32
      %dma_wait3A_661 = tpu.memref_slice %arg2[%arg0, %dma_wait3A_659, %dma_wait3A_660] : memref<2x10000x64xbf16, #tpu.memory_space<hbm>> -> memref<1x10000x64xbf16, #tpu.memory_space<hbm>>
      %dma_wait3A_662 = tpu.memref_squeeze %dma_wait3A_661 : memref<1x10000x64xbf16, #tpu.memory_space<hbm>> -> memref<10000x64xbf16, #tpu.memory_space<hbm>>
      %dma_wait3A_663 = arith.constant 0 : i32
      %dma_wait3A_664 = arith.constant 0 : i32
      %dma_wait3A_665 = tpu.memref_slice %dma_wait3A_662[%dma_wait3A_663, %dma_wait3A_664] : memref<10000x64xbf16, #tpu.memory_space<hbm>> -> memref<80x64xbf16, #tpu.memory_space<hbm>>
      %dma_wait3A_666 = arith.constant 0 : i32
      %dma_wait3A_667 = arith.constant 0 : i32
      %dma_wait3A_668 = tpu.memref_slice %arg10[%dma_wait3A_654, %dma_wait3A_666, %dma_wait3A_667] : memref<8x80x64xbf16, #tpu.memory_space<vmem>> -> memref<1x80x64xbf16, #tpu.memory_space<vmem>>
      %dma_wait3A_669 = tpu.memref_squeeze %dma_wait3A_668 : memref<1x80x64xbf16, #tpu.memory_space<vmem>> -> memref<80x64xbf16, #tpu.memory_space<vmem>>
      %dma_wait3A_670 = arith.constant 0 : i32
      %dma_wait3A_671 = arith.constant 0 : i32
      %dma_wait3A_672 = tpu.memref_slice %arg2[%arg0, %dma_wait3A_670, %dma_wait3A_671] : memref<2x10000x64xbf16, #tpu.memory_space<hbm>> -> memref<1x10000x64xbf16, #tpu.memory_space<hbm>>
      %dma_wait3A_673 = tpu.memref_squeeze %dma_wait3A_672 : memref<1x10000x64xbf16, #tpu.memory_space<hbm>> -> memref<10000x64xbf16, #tpu.memory_space<hbm>>
      %dma_wait3A_674 = arith.constant 0 : i32
      %dma_wait3A_675 = arith.constant 0 : i32
      %dma_wait3A_676 = tpu.memref_slice %dma_wait3A_673[%dma_wait3A_674, %dma_wait3A_675] : memref<10000x64xbf16, #tpu.memory_space<hbm>> -> memref<80x64xbf16, #tpu.memory_space<hbm>>
      tpu.wait_dma2 semaphore(%arg13 : memref<!tpu.dma_semaphore, #tpu.memory_space<semaphore_mem>>) src(%dma_wait3A_676 : memref<80x64xbf16, #tpu.memory_space<hbm>>) dst(%dma_wait3A_669 : memref<80x64xbf16, #tpu.memory_space<vmem>>)
      %dma_wait3A_677 = arith.constant 0 : i32
      %dma_wait3A_678 = arith.constant 0 : i32
      %dma_wait3A_679 = arith.constant 0 : i32
      %dma_wait3A_680 = tpu.memref_slice %arg10[%dma_wait3A_677, %dma_wait3A_678, %dma_wait3A_679] : memref<8x80x64xbf16, #tpu.memory_space<vmem>> -> memref<1x80x64xbf16, #tpu.memory_space<vmem>>
      %dma_wait3A_681 = tpu.memref_squeeze %dma_wait3A_680 : memref<1x80x64xbf16, #tpu.memory_space<vmem>> -> memref<80x64xbf16, #tpu.memory_space<vmem>>
      %dma_wait3A_682 = arith.constant 0 : i32
      %dma_wait3A_683 = arith.constant 0 : i32
      %dma_wait3A_684 = tpu.memref_slice %arg2[%arg0, %dma_wait3A_682, %dma_wait3A_683] : memref<2x10000x64xbf16, #tpu.memory_space<hbm>> -> memref<1x10000x64xbf16, #tpu.memory_space<hbm>>
      %dma_wait3A_685 = tpu.memref_squeeze %dma_wait3A_684 : memref<1x10000x64xbf16, #tpu.memory_space<hbm>> -> memref<10000x64xbf16, #tpu.memory_space<hbm>>
      %dma_wait3A_686 = arith.constant 0 : i32
      %dma_wait3A_687 = arith.constant 0 : i32
      %dma_wait3A_688 = tpu.memref_slice %dma_wait3A_685[%dma_wait3A_686, %dma_wait3A_687] : memref<10000x64xbf16, #tpu.memory_space<hbm>> -> memref<80x64xbf16, #tpu.memory_space<hbm>>
      %dma_wait3A_689 = arith.constant 0 : i32
      %dma_wait3A_690 = arith.constant 0 : i32
      %dma_wait3A_691 = tpu.memref_slice %arg10[%dma_wait3A_677, %dma_wait3A_689, %dma_wait3A_690] : memref<8x80x64xbf16, #tpu.memory_space<vmem>> -> memref<1x80x64xbf16, #tpu.memory_space<vmem>>
      %dma_wait3A_692 = tpu.memref_squeeze %dma_wait3A_691 : memref<1x80x64xbf16, #tpu.memory_space<vmem>> -> memref<80x64xbf16, #tpu.memory_space<vmem>>
      %dma_wait3A_693 = arith.constant 0 : i32
      %dma_wait3A_694 = arith.constant 0 : i32
      %dma_wait3A_695 = tpu.memref_slice %arg2[%arg0, %dma_wait3A_693, %dma_wait3A_694] : memref<2x10000x64xbf16, #tpu.memory_space<hbm>> -> memref<1x10000x64xbf16, #tpu.memory_space<hbm>>
      %dma_wait3A_696 = tpu.memref_squeeze %dma_wait3A_695 : memref<1x10000x64xbf16, #tpu.memory_space<hbm>> -> memref<10000x64xbf16, #tpu.memory_space<hbm>>
      %dma_wait3A_697 = arith.constant 0 : i32
      %dma_wait3A_698 = arith.constant 0 : i32
      %dma_wait3A_699 = tpu.memref_slice %dma_wait3A_696[%dma_wait3A_697, %dma_wait3A_698] : memref<10000x64xbf16, #tpu.memory_space<hbm>> -> memref<80x64xbf16, #tpu.memory_space<hbm>>
      tpu.wait_dma2 semaphore(%arg13 : memref<!tpu.dma_semaphore, #tpu.memory_space<semaphore_mem>>) src(%dma_wait3A_699 : memref<80x64xbf16, #tpu.memory_space<hbm>>) dst(%dma_wait3A_692 : memref<80x64xbf16, #tpu.memory_space<vmem>>)
      %mul3A_700 = arith.constant 4 : i32
      %mul3A_701 = arith.muli %rem3A_303, %mul3A_700 : i32
      %add3A_702 = arith.constant 0 : i32
      %add3A_703 = arith.addi %mul3A_701, %add3A_702 : i32
      %dma_start3A_704 = arith.constant 0 : i32
      %dma_start3A_705 = arith.constant 0 : i32
      %dma_start3A_706 = arith.constant 0 : i32
      %dma_start3A_707 = tpu.memref_slice %arg10[%dma_start3A_704, %dma_start3A_705, %dma_start3A_706] : memref<8x80x64xbf16, #tpu.memory_space<vmem>> -> memref<1x80x64xbf16, #tpu.memory_space<vmem>>
      %dma_start3A_708 = tpu.memref_squeeze %dma_start3A_707 : memref<1x80x64xbf16, #tpu.memory_space<vmem>> -> memref<80x64xbf16, #tpu.memory_space<vmem>>
      %dma_start3A_709 = arith.constant 0 : i32
      %dma_start3A_710 = tpu.memref_slice %arg8[%add3A_703, %dma_start3A_709] : memref<256x80xi32, #tpu.memory_space<vmem>> -> memref<1x80xi32, #tpu.memory_space<vmem>>
      %dma_start3A_711 = tpu.memref_squeeze %dma_start3A_710 : memref<1x80xi32, #tpu.memory_space<vmem>> -> memref<80xi32, #tpu.memory_space<vmem>>
      %dma_start3A_712 = arith.constant 0 : i32
      %dma_start3A_713 = arith.constant 0 : i32
      %dma_start3A_714 = tpu.memref_slice %arg6[%dma_start3A_712, %dma_start3A_713] : memref<10000x64xbf16, #tpu.memory_space<vmem_shared>> -> memref<10000x64xbf16, #tpu.memory_space<vmem_shared>>
      tpu.enqueue_indirect_dma source(%dma_start3A_714 : memref<10000x64xbf16, #tpu.memory_space<vmem_shared>>) target(%dma_start3A_708 : memref<80x64xbf16, #tpu.memory_space<vmem>>) offsets(%dma_start3A_711 : memref<80xi32, #tpu.memory_space<vmem>>) semaphore(%arg11 : memref<!tpu.dma_semaphore, #tpu.memory_space<semaphore_mem>>)
      %mul3A_715 = arith.constant 4 : i32
      %mul3A_716 = arith.muli %rem3A_303, %mul3A_715 : i32
      %add3A_717 = arith.constant 1 : i32
      %add3A_718 = arith.addi %mul3A_716, %add3A_717 : i32
      %dma_start3A_719 = arith.constant 1 : i32
      %dma_start3A_720 = arith.constant 0 : i32
      %dma_start3A_721 = arith.constant 0 : i32
      %dma_start3A_722 = tpu.memref_slice %arg10[%dma_start3A_719, %dma_start3A_720, %dma_start3A_721] : memref<8x80x64xbf16, #tpu.memory_space<vmem>> -> memref<1x80x64xbf16, #tpu.memory_space<vmem>>
      %dma_start3A_723 = tpu.memref_squeeze %dma_start3A_722 : memref<1x80x64xbf16, #tpu.memory_space<vmem>> -> memref<80x64xbf16, #tpu.memory_space<vmem>>
      %dma_start3A_724 = arith.constant 0 : i32
      %dma_start3A_725 = tpu.memref_slice %arg8[%add3A_718, %dma_start3A_724] : memref<256x80xi32, #tpu.memory_space<vmem>> -> memref<1x80xi32, #tpu.memory_space<vmem>>
      %dma_start3A_726 = tpu.memref_squeeze %dma_start3A_725 : memref<1x80xi32, #tpu.memory_space<vmem>> -> memref<80xi32, #tpu.memory_space<vmem>>
      %dma_start3A_727 = arith.constant 0 : i32
      %dma_start3A_728 = arith.constant 0 : i32
      %dma_start3A_729 = tpu.memref_slice %arg6[%dma_start3A_727, %dma_start3A_728] : memref<10000x64xbf16, #tpu.memory_space<vmem_shared>> -> memref<10000x64xbf16, #tpu.memory_space<vmem_shared>>
      tpu.enqueue_indirect_dma source(%dma_start3A_729 : memref<10000x64xbf16, #tpu.memory_space<vmem_shared>>) target(%dma_start3A_723 : memref<80x64xbf16, #tpu.memory_space<vmem>>) offsets(%dma_start3A_726 : memref<80xi32, #tpu.memory_space<vmem>>) semaphore(%arg11 : memref<!tpu.dma_semaphore, #tpu.memory_space<semaphore_mem>>)
      %mul3A_730 = arith.constant 4 : i32
      %mul3A_731 = arith.muli %rem3A_303, %mul3A_730 : i32
      %add3A_732 = arith.constant 2 : i32
      %add3A_733 = arith.addi %mul3A_731, %add3A_732 : i32
      %dma_start3A_734 = arith.constant 2 : i32
      %dma_start3A_735 = arith.constant 0 : i32
      %dma_start3A_736 = arith.constant 0 : i32
      %dma_start3A_737 = tpu.memref_slice %arg10[%dma_start3A_734, %dma_start3A_735, %dma_start3A_736] : memref<8x80x64xbf16, #tpu.memory_space<vmem>> -> memref<1x80x64xbf16, #tpu.memory_space<vmem>>
      %dma_start3A_738 = tpu.memref_squeeze %dma_start3A_737 : memref<1x80x64xbf16, #tpu.memory_space<vmem>> -> memref<80x64xbf16, #tpu.memory_space<vmem>>
      %dma_start3A_739 = arith.constant 0 : i32
      %dma_start3A_740 = tpu.memref_slice %arg8[%add3A_733, %dma_start3A_739] : memref<256x80xi32, #tpu.memory_space<vmem>> -> memref<1x80xi32, #tpu.memory_space<vmem>>
      %dma_start3A_741 = tpu.memref_squeeze %dma_start3A_740 : memref<1x80xi32, #tpu.memory_space<vmem>> -> memref<80xi32, #tpu.memory_space<vmem>>
      %dma_start3A_742 = arith.constant 0 : i32
      %dma_start3A_743 = arith.constant 0 : i32
      %dma_start3A_744 = tpu.memref_slice %arg6[%dma_start3A_742, %dma_start3A_743] : memref<10000x64xbf16, #tpu.memory_space<vmem_shared>> -> memref<10000x64xbf16, #tpu.memory_space<vmem_shared>>
      tpu.enqueue_indirect_dma source(%dma_start3A_744 : memref<10000x64xbf16, #tpu.memory_space<vmem_shared>>) target(%dma_start3A_738 : memref<80x64xbf16, #tpu.memory_space<vmem>>) offsets(%dma_start3A_741 : memref<80xi32, #tpu.memory_space<vmem>>) semaphore(%arg11 : memref<!tpu.dma_semaphore, #tpu.memory_space<semaphore_mem>>)
      %mul3A_745 = arith.constant 4 : i32
      %mul3A_746 = arith.muli %rem3A_303, %mul3A_745 : i32
      %add3A_747 = arith.constant 3 : i32
      %add3A_748 = arith.addi %mul3A_746, %add3A_747 : i32
      %dma_start3A_749 = arith.constant 3 : i32
      %dma_start3A_750 = arith.constant 0 : i32
      %dma_start3A_751 = arith.constant 0 : i32
      %dma_start3A_752 = tpu.memref_slice %arg10[%dma_start3A_749, %dma_start3A_750, %dma_start3A_751] : memref<8x80x64xbf16, #tpu.memory_space<vmem>> -> memref<1x80x64xbf16, #tpu.memory_space<vmem>>
      %dma_start3A_753 = tpu.memref_squeeze %dma_start3A_752 : memref<1x80x64xbf16, #tpu.memory_space<vmem>> -> memref<80x64xbf16, #tpu.memory_space<vmem>>
      %dma_start3A_754 = arith.constant 0 : i32
      %dma_start3A_755 = tpu.memref_slice %arg8[%add3A_748, %dma_start3A_754] : memref<256x80xi32, #tpu.memory_space<vmem>> -> memref<1x80xi32, #tpu.memory_space<vmem>>
      %dma_start3A_756 = tpu.memref_squeeze %dma_start3A_755 : memref<1x80xi32, #tpu.memory_space<vmem>> -> memref<80xi32, #tpu.memory_space<vmem>>
      %dma_start3A_757 = arith.constant 0 : i32
      %dma_start3A_758 = arith.constant 0 : i32
      %dma_start3A_759 = tpu.memref_slice %arg6[%dma_start3A_757, %dma_start3A_758] : memref<10000x64xbf16, #tpu.memory_space<vmem_shared>> -> memref<10000x64xbf16, #tpu.memory_space<vmem_shared>>
      tpu.enqueue_indirect_dma source(%dma_start3A_759 : memref<10000x64xbf16, #tpu.memory_space<vmem_shared>>) target(%dma_start3A_753 : memref<80x64xbf16, #tpu.memory_space<vmem>>) offsets(%dma_start3A_756 : memref<80xi32, #tpu.memory_space<vmem>>) semaphore(%arg11 : memref<!tpu.dma_semaphore, #tpu.memory_space<semaphore_mem>>)
      %dma_wait3A_760 = arith.constant 0 : i32
      %dma_wait3A_761 = arith.constant 0 : i32
      %dma_wait3A_762 = arith.constant 0 : i32
      %dma_wait3A_763 = tpu.memref_slice %arg10[%dma_wait3A_760, %dma_wait3A_761, %dma_wait3A_762] : memref<8x80x64xbf16, #tpu.memory_space<vmem>> -> memref<1x80x64xbf16, #tpu.memory_space<vmem>>
      %dma_wait3A_764 = tpu.memref_squeeze %dma_wait3A_763 : memref<1x80x64xbf16, #tpu.memory_space<vmem>> -> memref<80x64xbf16, #tpu.memory_space<vmem>>
      %dma_wait3A_765 = arith.constant 0 : i32
      %dma_wait3A_766 = arith.constant 0 : i32
      %dma_wait3A_767 = tpu.memref_slice %arg2[%arg0, %dma_wait3A_765, %dma_wait3A_766] : memref<2x10000x64xbf16, #tpu.memory_space<hbm>> -> memref<1x10000x64xbf16, #tpu.memory_space<hbm>>
      %dma_wait3A_768 = tpu.memref_squeeze %dma_wait3A_767 : memref<1x10000x64xbf16, #tpu.memory_space<hbm>> -> memref<10000x64xbf16, #tpu.memory_space<hbm>>
      %dma_wait3A_769 = arith.constant 0 : i32
      %dma_wait3A_770 = arith.constant 0 : i32
      %dma_wait3A_771 = tpu.memref_slice %dma_wait3A_768[%dma_wait3A_769, %dma_wait3A_770] : memref<10000x64xbf16, #tpu.memory_space<hbm>> -> memref<80x64xbf16, #tpu.memory_space<hbm>>
      %dma_wait3A_772 = arith.constant 0 : i32
      %dma_wait3A_773 = arith.constant 0 : i32
      %dma_wait3A_774 = tpu.memref_slice %arg10[%dma_wait3A_760, %dma_wait3A_772, %dma_wait3A_773] : memref<8x80x64xbf16, #tpu.memory_space<vmem>> -> memref<1x80x64xbf16, #tpu.memory_space<vmem>>
      %dma_wait3A_775 = tpu.memref_squeeze %dma_wait3A_774 : memref<1x80x64xbf16, #tpu.memory_space<vmem>> -> memref<80x64xbf16, #tpu.memory_space<vmem>>
      %dma_wait3A_776 = arith.constant 0 : i32
      %dma_wait3A_777 = arith.constant 0 : i32
      %dma_wait3A_778 = tpu.memref_slice %arg2[%arg0, %dma_wait3A_776, %dma_wait3A_777] : memref<2x10000x64xbf16, #tpu.memory_space<hbm>> -> memref<1x10000x64xbf16, #tpu.memory_space<hbm>>
      %dma_wait3A_779 = tpu.memref_squeeze %dma_wait3A_778 : memref<1x10000x64xbf16, #tpu.memory_space<hbm>> -> memref<10000x64xbf16, #tpu.memory_space<hbm>>
      %dma_wait3A_780 = arith.constant 0 : i32
      %dma_wait3A_781 = arith.constant 0 : i32
      %dma_wait3A_782 = tpu.memref_slice %dma_wait3A_779[%dma_wait3A_780, %dma_wait3A_781] : memref<10000x64xbf16, #tpu.memory_space<hbm>> -> memref<80x64xbf16, #tpu.memory_space<hbm>>
      tpu.wait_dma2 semaphore(%arg12 : memref<!tpu.dma_semaphore, #tpu.memory_space<semaphore_mem>>) src(%dma_wait3A_782 : memref<80x64xbf16, #tpu.memory_space<hbm>>) dst(%dma_wait3A_775 : memref<80x64xbf16, #tpu.memory_space<vmem>>)
      %dma_wait3A_783 = arith.constant 0 : i32
      %dma_wait3A_784 = arith.constant 0 : i32
      %dma_wait3A_785 = arith.constant 0 : i32
      %dma_wait3A_786 = tpu.memref_slice %arg10[%dma_wait3A_783, %dma_wait3A_784, %dma_wait3A_785] : memref<8x80x64xbf16, #tpu.memory_space<vmem>> -> memref<1x80x64xbf16, #tpu.memory_space<vmem>>
      %dma_wait3A_787 = tpu.memref_squeeze %dma_wait3A_786 : memref<1x80x64xbf16, #tpu.memory_space<vmem>> -> memref<80x64xbf16, #tpu.memory_space<vmem>>
      %dma_wait3A_788 = arith.constant 0 : i32
      %dma_wait3A_789 = arith.constant 0 : i32
      %dma_wait3A_790 = tpu.memref_slice %arg2[%arg0, %dma_wait3A_788, %dma_wait3A_789] : memref<2x10000x64xbf16, #tpu.memory_space<hbm>> -> memref<1x10000x64xbf16, #tpu.memory_space<hbm>>
      %dma_wait3A_791 = tpu.memref_squeeze %dma_wait3A_790 : memref<1x10000x64xbf16, #tpu.memory_space<hbm>> -> memref<10000x64xbf16, #tpu.memory_space<hbm>>
      %dma_wait3A_792 = arith.constant 0 : i32
      %dma_wait3A_793 = arith.constant 0 : i32
      %dma_wait3A_794 = tpu.memref_slice %dma_wait3A_791[%dma_wait3A_792, %dma_wait3A_793] : memref<10000x64xbf16, #tpu.memory_space<hbm>> -> memref<80x64xbf16, #tpu.memory_space<hbm>>
      %dma_wait3A_795 = arith.constant 0 : i32
      %dma_wait3A_796 = arith.constant 0 : i32
      %dma_wait3A_797 = tpu.memref_slice %arg10[%dma_wait3A_783, %dma_wait3A_795, %dma_wait3A_796] : memref<8x80x64xbf16, #tpu.memory_space<vmem>> -> memref<1x80x64xbf16, #tpu.memory_space<vmem>>
      %dma_wait3A_798 = tpu.memref_squeeze %dma_wait3A_797 : memref<1x80x64xbf16, #tpu.memory_space<vmem>> -> memref<80x64xbf16, #tpu.memory_space<vmem>>
      %dma_wait3A_799 = arith.constant 0 : i32
      %dma_wait3A_800 = arith.constant 0 : i32
      %dma_wait3A_801 = tpu.memref_slice %arg2[%arg0, %dma_wait3A_799, %dma_wait3A_800] : memref<2x10000x64xbf16, #tpu.memory_space<hbm>> -> memref<1x10000x64xbf16, #tpu.memory_space<hbm>>
      %dma_wait3A_802 = tpu.memref_squeeze %dma_wait3A_801 : memref<1x10000x64xbf16, #tpu.memory_space<hbm>> -> memref<10000x64xbf16, #tpu.memory_space<hbm>>
      %dma_wait3A_803 = arith.constant 0 : i32
      %dma_wait3A_804 = arith.constant 0 : i32
      %dma_wait3A_805 = tpu.memref_slice %dma_wait3A_802[%dma_wait3A_803, %dma_wait3A_804] : memref<10000x64xbf16, #tpu.memory_space<hbm>> -> memref<80x64xbf16, #tpu.memory_space<hbm>>
      tpu.wait_dma2 semaphore(%arg12 : memref<!tpu.dma_semaphore, #tpu.memory_space<semaphore_mem>>) src(%dma_wait3A_805 : memref<80x64xbf16, #tpu.memory_space<hbm>>) dst(%dma_wait3A_798 : memref<80x64xbf16, #tpu.memory_space<vmem>>)
      %dma_wait3A_806 = arith.constant 0 : i32
      %dma_wait3A_807 = arith.constant 0 : i32
      %dma_wait3A_808 = arith.constant 0 : i32
      %dma_wait3A_809 = tpu.memref_slice %arg10[%dma_wait3A_806, %dma_wait3A_807, %dma_wait3A_808] : memref<8x80x64xbf16, #tpu.memory_space<vmem>> -> memref<1x80x64xbf16, #tpu.memory_space<vmem>>
      %dma_wait3A_810 = tpu.memref_squeeze %dma_wait3A_809 : memref<1x80x64xbf16, #tpu.memory_space<vmem>> -> memref<80x64xbf16, #tpu.memory_space<vmem>>
      %dma_wait3A_811 = arith.constant 0 : i32
      %dma_wait3A_812 = arith.constant 0 : i32
      %dma_wait3A_813 = tpu.memref_slice %arg2[%arg0, %dma_wait3A_811, %dma_wait3A_812] : memref<2x10000x64xbf16, #tpu.memory_space<hbm>> -> memref<1x10000x64xbf16, #tpu.memory_space<hbm>>
      %dma_wait3A_814 = tpu.memref_squeeze %dma_wait3A_813 : memref<1x10000x64xbf16, #tpu.memory_space<hbm>> -> memref<10000x64xbf16, #tpu.memory_space<hbm>>
      %dma_wait3A_815 = arith.constant 0 : i32
      %dma_wait3A_816 = arith.constant 0 : i32
      %dma_wait3A_817 = tpu.memref_slice %dma_wait3A_814[%dma_wait3A_815, %dma_wait3A_816] : memref<10000x64xbf16, #tpu.memory_space<hbm>> -> memref<80x64xbf16, #tpu.memory_space<hbm>>
      %dma_wait3A_818 = arith.constant 0 : i32
      %dma_wait3A_819 = arith.constant 0 : i32
      %dma_wait3A_820 = tpu.memref_slice %arg10[%dma_wait3A_806, %dma_wait3A_818, %dma_wait3A_819] : memref<8x80x64xbf16, #tpu.memory_space<vmem>> -> memref<1x80x64xbf16, #tpu.memory_space<vmem>>
      %dma_wait3A_821 = tpu.memref_squeeze %dma_wait3A_820 : memref<1x80x64xbf16, #tpu.memory_space<vmem>> -> memref<80x64xbf16, #tpu.memory_space<vmem>>
      %dma_wait3A_822 = arith.constant 0 : i32
      %dma_wait3A_823 = arith.constant 0 : i32
      %dma_wait3A_824 = tpu.memref_slice %arg2[%arg0, %dma_wait3A_822, %dma_wait3A_823] : memref<2x10000x64xbf16, #tpu.memory_space<hbm>> -> memref<1x10000x64xbf16, #tpu.memory_space<hbm>>
      %dma_wait3A_825 = tpu.memref_squeeze %dma_wait3A_824 : memref<1x10000x64xbf16, #tpu.memory_space<hbm>> -> memref<10000x64xbf16, #tpu.memory_space<hbm>>
      %dma_wait3A_826 = arith.constant 0 : i32
      %dma_wait3A_827 = arith.constant 0 : i32
      %dma_wait3A_828 = tpu.memref_slice %dma_wait3A_825[%dma_wait3A_826, %dma_wait3A_827] : memref<10000x64xbf16, #tpu.memory_space<hbm>> -> memref<80x64xbf16, #tpu.memory_space<hbm>>
      tpu.wait_dma2 semaphore(%arg12 : memref<!tpu.dma_semaphore, #tpu.memory_space<semaphore_mem>>) src(%dma_wait3A_828 : memref<80x64xbf16, #tpu.memory_space<hbm>>) dst(%dma_wait3A_821 : memref<80x64xbf16, #tpu.memory_space<vmem>>)
      %dma_wait3A_829 = arith.constant 0 : i32
      %dma_wait3A_830 = arith.constant 0 : i32
      %dma_wait3A_831 = arith.constant 0 : i32
      %dma_wait3A_832 = tpu.memref_slice %arg10[%dma_wait3A_829, %dma_wait3A_830, %dma_wait3A_831] : memref<8x80x64xbf16, #tpu.memory_space<vmem>> -> memref<1x80x64xbf16, #tpu.memory_space<vmem>>
      %dma_wait3A_833 = tpu.memref_squeeze %dma_wait3A_832 : memref<1x80x64xbf16, #tpu.memory_space<vmem>> -> memref<80x64xbf16, #tpu.memory_space<vmem>>
      %dma_wait3A_834 = arith.constant 0 : i32
      %dma_wait3A_835 = arith.constant 0 : i32
      %dma_wait3A_836 = tpu.memref_slice %arg2[%arg0, %dma_wait3A_834, %dma_wait3A_835] : memref<2x10000x64xbf16, #tpu.memory_space<hbm>> -> memref<1x10000x64xbf16, #tpu.memory_space<hbm>>
      %dma_wait3A_837 = tpu.memref_squeeze %dma_wait3A_836 : memref<1x10000x64xbf16, #tpu.memory_space<hbm>> -> memref<10000x64xbf16, #tpu.memory_space<hbm>>
      %dma_wait3A_838 = arith.constant 0 : i32
      %dma_wait3A_839 = arith.constant 0 : i32
      %dma_wait3A_840 = tpu.memref_slice %dma_wait3A_837[%dma_wait3A_838, %dma_wait3A_839] : memref<10000x64xbf16, #tpu.memory_space<hbm>> -> memref<80x64xbf16, #tpu.memory_space<hbm>>
      %dma_wait3A_841 = arith.constant 0 : i32
      %dma_wait3A_842 = arith.constant 0 : i32
      %dma_wait3A_843 = tpu.memref_slice %arg10[%dma_wait3A_829, %dma_wait3A_841, %dma_wait3A_842] : memref<8x80x64xbf16, #tpu.memory_space<vmem>> -> memref<1x80x64xbf16, #tpu.memory_space<vmem>>
      %dma_wait3A_844 = tpu.memref_squeeze %dma_wait3A_843 : memref<1x80x64xbf16, #tpu.memory_space<vmem>> -> memref<80x64xbf16, #tpu.memory_space<vmem>>
      %dma_wait3A_845 = arith.constant 0 : i32
      %dma_wait3A_846 = arith.constant 0 : i32
      %dma_wait3A_847 = tpu.memref_slice %arg2[%arg0, %dma_wait3A_845, %dma_wait3A_846] : memref<2x10000x64xbf16, #tpu.memory_space<hbm>> -> memref<1x10000x64xbf16, #tpu.memory_space<hbm>>
      %dma_wait3A_848 = tpu.memref_squeeze %dma_wait3A_847 : memref<1x10000x64xbf16, #tpu.memory_space<hbm>> -> memref<10000x64xbf16, #tpu.memory_space<hbm>>
      %dma_wait3A_849 = arith.constant 0 : i32
      %dma_wait3A_850 = arith.constant 0 : i32
      %dma_wait3A_851 = tpu.memref_slice %dma_wait3A_848[%dma_wait3A_849, %dma_wait3A_850] : memref<10000x64xbf16, #tpu.memory_space<hbm>> -> memref<80x64xbf16, #tpu.memory_space<hbm>>
      tpu.wait_dma2 semaphore(%arg12 : memref<!tpu.dma_semaphore, #tpu.memory_space<semaphore_mem>>) src(%dma_wait3A_851 : memref<80x64xbf16, #tpu.memory_space<hbm>>) dst(%dma_wait3A_844 : memref<80x64xbf16, #tpu.memory_space<vmem>>)
      %mul3A_852 = arith.constant 4 : i32
      %mul3A_853 = arith.muli %add3A_300, %mul3A_852 : i32
      %add3A_854 = arith.constant 0 : i32
      %add3A_855 = arith.addi %mul3A_853, %add3A_854 : i32
      %dma_start3A_856 = arith.constant 4 : i32
      %dma_start3A_857 = arith.constant 0 : i32
      %dma_start3A_858 = arith.constant 0 : i32
      %dma_start3A_859 = tpu.memref_slice %arg10[%dma_start3A_856, %dma_start3A_857, %dma_start3A_858] : memref<8x80x64xbf16, #tpu.memory_space<vmem>> -> memref<1x80x64xbf16, #tpu.memory_space<vmem>>
      %dma_start3A_860 = tpu.memref_squeeze %dma_start3A_859 : memref<1x80x64xbf16, #tpu.memory_space<vmem>> -> memref<80x64xbf16, #tpu.memory_space<vmem>>
      %dma_start3A_861 = arith.constant 0 : i32
      %dma_start3A_862 = tpu.memref_slice %arg9[%add3A_855, %dma_start3A_861] : memref<256x80xi32, #tpu.memory_space<vmem>> -> memref<1x80xi32, #tpu.memory_space<vmem>>
      %dma_start3A_863 = tpu.memref_squeeze %dma_start3A_862 : memref<1x80xi32, #tpu.memory_space<vmem>> -> memref<80xi32, #tpu.memory_space<vmem>>
      %dma_start3A_864 = arith.constant 0 : i32
      %dma_start3A_865 = arith.constant 0 : i32
      %dma_start3A_866 = tpu.memref_slice %arg7[%dma_start3A_864, %dma_start3A_865] : memref<10080x64xbf16, #tpu.memory_space<vmem_shared>> -> memref<10080x64xbf16, #tpu.memory_space<vmem_shared>>
      tpu.enqueue_indirect_dma source(%dma_start3A_860 : memref<80x64xbf16, #tpu.memory_space<vmem>>) target(%dma_start3A_866 : memref<10080x64xbf16, #tpu.memory_space<vmem_shared>>) offsets(%dma_start3A_863 : memref<80xi32, #tpu.memory_space<vmem>>) semaphore(%arg14 : memref<!tpu.dma_semaphore, #tpu.memory_space<semaphore_mem>>) {add = true}
      %mul3A_867 = arith.constant 4 : i32
      %mul3A_868 = arith.muli %add3A_300, %mul3A_867 : i32
      %add3A_869 = arith.constant 1 : i32
      %add3A_870 = arith.addi %mul3A_868, %add3A_869 : i32
      %dma_start3A_871 = arith.constant 5 : i32
      %dma_start3A_872 = arith.constant 0 : i32
      %dma_start3A_873 = arith.constant 0 : i32
      %dma_start3A_874 = tpu.memref_slice %arg10[%dma_start3A_871, %dma_start3A_872, %dma_start3A_873] : memref<8x80x64xbf16, #tpu.memory_space<vmem>> -> memref<1x80x64xbf16, #tpu.memory_space<vmem>>
      %dma_start3A_875 = tpu.memref_squeeze %dma_start3A_874 : memref<1x80x64xbf16, #tpu.memory_space<vmem>> -> memref<80x64xbf16, #tpu.memory_space<vmem>>
      %dma_start3A_876 = arith.constant 0 : i32
      %dma_start3A_877 = tpu.memref_slice %arg9[%add3A_870, %dma_start3A_876] : memref<256x80xi32, #tpu.memory_space<vmem>> -> memref<1x80xi32, #tpu.memory_space<vmem>>
      %dma_start3A_878 = tpu.memref_squeeze %dma_start3A_877 : memref<1x80xi32, #tpu.memory_space<vmem>> -> memref<80xi32, #tpu.memory_space<vmem>>
      %dma_start3A_879 = arith.constant 0 : i32
      %dma_start3A_880 = arith.constant 0 : i32
      %dma_start3A_881 = tpu.memref_slice %arg7[%dma_start3A_879, %dma_start3A_880] : memref<10080x64xbf16, #tpu.memory_space<vmem_shared>> -> memref<10080x64xbf16, #tpu.memory_space<vmem_shared>>
      tpu.enqueue_indirect_dma source(%dma_start3A_875 : memref<80x64xbf16, #tpu.memory_space<vmem>>) target(%dma_start3A_881 : memref<10080x64xbf16, #tpu.memory_space<vmem_shared>>) offsets(%dma_start3A_878 : memref<80xi32, #tpu.memory_space<vmem>>) semaphore(%arg14 : memref<!tpu.dma_semaphore, #tpu.memory_space<semaphore_mem>>) {add = true}
      %mul3A_882 = arith.constant 4 : i32
      %mul3A_883 = arith.muli %add3A_300, %mul3A_882 : i32
      %add3A_884 = arith.constant 2 : i32
      %add3A_885 = arith.addi %mul3A_883, %add3A_884 : i32
      %dma_start3A_886 = arith.constant 6 : i32
      %dma_start3A_887 = arith.constant 0 : i32
      %dma_start3A_888 = arith.constant 0 : i32
      %dma_start3A_889 = tpu.memref_slice %arg10[%dma_start3A_886, %dma_start3A_887, %dma_start3A_888] : memref<8x80x64xbf16, #tpu.memory_space<vmem>> -> memref<1x80x64xbf16, #tpu.memory_space<vmem>>
      %dma_start3A_890 = tpu.memref_squeeze %dma_start3A_889 : memref<1x80x64xbf16, #tpu.memory_space<vmem>> -> memref<80x64xbf16, #tpu.memory_space<vmem>>
      %dma_start3A_891 = arith.constant 0 : i32
      %dma_start3A_892 = tpu.memref_slice %arg9[%add3A_885, %dma_start3A_891] : memref<256x80xi32, #tpu.memory_space<vmem>> -> memref<1x80xi32, #tpu.memory_space<vmem>>
      %dma_start3A_893 = tpu.memref_squeeze %dma_start3A_892 : memref<1x80xi32, #tpu.memory_space<vmem>> -> memref<80xi32, #tpu.memory_space<vmem>>
      %dma_start3A_894 = arith.constant 0 : i32
      %dma_start3A_895 = arith.constant 0 : i32
      %dma_start3A_896 = tpu.memref_slice %arg7[%dma_start3A_894, %dma_start3A_895] : memref<10080x64xbf16, #tpu.memory_space<vmem_shared>> -> memref<10080x64xbf16, #tpu.memory_space<vmem_shared>>
      tpu.enqueue_indirect_dma source(%dma_start3A_890 : memref<80x64xbf16, #tpu.memory_space<vmem>>) target(%dma_start3A_896 : memref<10080x64xbf16, #tpu.memory_space<vmem_shared>>) offsets(%dma_start3A_893 : memref<80xi32, #tpu.memory_space<vmem>>) semaphore(%arg14 : memref<!tpu.dma_semaphore, #tpu.memory_space<semaphore_mem>>) {add = true}
      %mul3A_897 = arith.constant 4 : i32
      %mul3A_898 = arith.muli %add3A_300, %mul3A_897 : i32
      %add3A_899 = arith.constant 3 : i32
      %add3A_900 = arith.addi %mul3A_898, %add3A_899 : i32
      %dma_start3A_901 = arith.constant 7 : i32
      %dma_start3A_902 = arith.constant 0 : i32
      %dma_start3A_903 = arith.constant 0 : i32
      %dma_start3A_904 = tpu.memref_slice %arg10[%dma_start3A_901, %dma_start3A_902, %dma_start3A_903] : memref<8x80x64xbf16, #tpu.memory_space<vmem>> -> memref<1x80x64xbf16, #tpu.memory_space<vmem>>
      %dma_start3A_905 = tpu.memref_squeeze %dma_start3A_904 : memref<1x80x64xbf16, #tpu.memory_space<vmem>> -> memref<80x64xbf16, #tpu.memory_space<vmem>>
      %dma_start3A_906 = arith.constant 0 : i32
      %dma_start3A_907 = tpu.memref_slice %arg9[%add3A_900, %dma_start3A_906] : memref<256x80xi32, #tpu.memory_space<vmem>> -> memref<1x80xi32, #tpu.memory_space<vmem>>
      %dma_start3A_908 = tpu.memref_squeeze %dma_start3A_907 : memref<1x80xi32, #tpu.memory_space<vmem>> -> memref<80xi32, #tpu.memory_space<vmem>>
      %dma_start3A_909 = arith.constant 0 : i32
      %dma_start3A_910 = arith.constant 0 : i32
      %dma_start3A_911 = tpu.memref_slice %arg7[%dma_start3A_909, %dma_start3A_910] : memref<10080x64xbf16, #tpu.memory_space<vmem_shared>> -> memref<10080x64xbf16, #tpu.memory_space<vmem_shared>>
      tpu.enqueue_indirect_dma source(%dma_start3A_905 : memref<80x64xbf16, #tpu.memory_space<vmem>>) target(%dma_start3A_911 : memref<10080x64xbf16, #tpu.memory_space<vmem_shared>>) offsets(%dma_start3A_908 : memref<80xi32, #tpu.memory_space<vmem>>) semaphore(%arg14 : memref<!tpu.dma_semaphore, #tpu.memory_space<semaphore_mem>>) {add = true}
    }
    %scan3A_112 = arith.constant 32 : i32
    %dma_wait3A = arith.constant 0 : i32
    %dma_wait3A_113 = arith.constant 0 : i32
    %dma_wait3A_114 = arith.constant 0 : i32
    %dma_wait3A_115 = tpu.memref_slice %arg10[%dma_wait3A, %dma_wait3A_113, %dma_wait3A_114] : memref<8x80x64xbf16, #tpu.memory_space<vmem>> -> memref<1x80x64xbf16, #tpu.memory_space<vmem>>
    %dma_wait3A_116 = tpu.memref_squeeze %dma_wait3A_115 : memref<1x80x64xbf16, #tpu.memory_space<vmem>> -> memref<80x64xbf16, #tpu.memory_space<vmem>>
    %dma_wait3A_117 = arith.constant 0 : i32
    %dma_wait3A_118 = arith.constant 0 : i32
    %dma_wait3A_119 = tpu.memref_slice %arg2[%arg0, %dma_wait3A_117, %dma_wait3A_118] : memref<2x10000x64xbf16, #tpu.memory_space<hbm>> -> memref<1x10000x64xbf16, #tpu.memory_space<hbm>>
    %dma_wait3A_120 = tpu.memref_squeeze %dma_wait3A_119 : memref<1x10000x64xbf16, #tpu.memory_space<hbm>> -> memref<10000x64xbf16, #tpu.memory_space<hbm>>
    %dma_wait3A_121 = arith.constant 0 : i32
    %dma_wait3A_122 = arith.constant 0 : i32
    %dma_wait3A_123 = tpu.memref_slice %dma_wait3A_120[%dma_wait3A_121, %dma_wait3A_122] : memref<10000x64xbf16, #tpu.memory_space<hbm>> -> memref<80x64xbf16, #tpu.memory_space<hbm>>
    %dma_wait3A_124 = arith.constant 0 : i32
    %dma_wait3A_125 = arith.constant 0 : i32
    %dma_wait3A_126 = tpu.memref_slice %arg10[%dma_wait3A, %dma_wait3A_124, %dma_wait3A_125] : memref<8x80x64xbf16, #tpu.memory_space<vmem>> -> memref<1x80x64xbf16, #tpu.memory_space<vmem>>
    %dma_wait3A_127 = tpu.memref_squeeze %dma_wait3A_126 : memref<1x80x64xbf16, #tpu.memory_space<vmem>> -> memref<80x64xbf16, #tpu.memory_space<vmem>>
    %dma_wait3A_128 = arith.constant 0 : i32
    %dma_wait3A_129 = arith.constant 0 : i32
    %dma_wait3A_130 = tpu.memref_slice %arg2[%arg0, %dma_wait3A_128, %dma_wait3A_129] : memref<2x10000x64xbf16, #tpu.memory_space<hbm>> -> memref<1x10000x64xbf16, #tpu.memory_space<hbm>>
    %dma_wait3A_131 = tpu.memref_squeeze %dma_wait3A_130 : memref<1x10000x64xbf16, #tpu.memory_space<hbm>> -> memref<10000x64xbf16, #tpu.memory_space<hbm>>
    %dma_wait3A_132 = arith.constant 0 : i32
    %dma_wait3A_133 = arith.constant 0 : i32
    %dma_wait3A_134 = tpu.memref_slice %dma_wait3A_131[%dma_wait3A_132, %dma_wait3A_133] : memref<10000x64xbf16, #tpu.memory_space<hbm>> -> memref<80x64xbf16, #tpu.memory_space<hbm>>
    tpu.wait_dma2 semaphore(%arg14 : memref<!tpu.dma_semaphore, #tpu.memory_space<semaphore_mem>>) src(%dma_wait3A_134 : memref<80x64xbf16, #tpu.memory_space<hbm>>) dst(%dma_wait3A_127 : memref<80x64xbf16, #tpu.memory_space<vmem>>)
    %dma_wait3A_135 = arith.constant 0 : i32
    %dma_wait3A_136 = arith.constant 0 : i32
    %dma_wait3A_137 = arith.constant 0 : i32
    %dma_wait3A_138 = tpu.memref_slice %arg10[%dma_wait3A_135, %dma_wait3A_136, %dma_wait3A_137] : memref<8x80x64xbf16, #tpu.memory_space<vmem>> -> memref<1x80x64xbf16, #tpu.memory_space<vmem>>
    %dma_wait3A_139 = tpu.memref_squeeze %dma_wait3A_138 : memref<1x80x64xbf16, #tpu.memory_space<vmem>> -> memref<80x64xbf16, #tpu.memory_space<vmem>>
    %dma_wait3A_140 = arith.constant 0 : i32
    %dma_wait3A_141 = arith.constant 0 : i32
    %dma_wait3A_142 = tpu.memref_slice %arg2[%arg0, %dma_wait3A_140, %dma_wait3A_141] : memref<2x10000x64xbf16, #tpu.memory_space<hbm>> -> memref<1x10000x64xbf16, #tpu.memory_space<hbm>>
    %dma_wait3A_143 = tpu.memref_squeeze %dma_wait3A_142 : memref<1x10000x64xbf16, #tpu.memory_space<hbm>> -> memref<10000x64xbf16, #tpu.memory_space<hbm>>
    %dma_wait3A_144 = arith.constant 0 : i32
    %dma_wait3A_145 = arith.constant 0 : i32
    %dma_wait3A_146 = tpu.memref_slice %dma_wait3A_143[%dma_wait3A_144, %dma_wait3A_145] : memref<10000x64xbf16, #tpu.memory_space<hbm>> -> memref<80x64xbf16, #tpu.memory_space<hbm>>
    %dma_wait3A_147 = arith.constant 0 : i32
    %dma_wait3A_148 = arith.constant 0 : i32
    %dma_wait3A_149 = tpu.memref_slice %arg10[%dma_wait3A_135, %dma_wait3A_147, %dma_wait3A_148] : memref<8x80x64xbf16, #tpu.memory_space<vmem>> -> memref<1x80x64xbf16, #tpu.memory_space<vmem>>
    %dma_wait3A_150 = tpu.memref_squeeze %dma_wait3A_149 : memref<1x80x64xbf16, #tpu.memory_space<vmem>> -> memref<80x64xbf16, #tpu.memory_space<vmem>>
    %dma_wait3A_151 = arith.constant 0 : i32
    %dma_wait3A_152 = arith.constant 0 : i32
    %dma_wait3A_153 = tpu.memref_slice %arg2[%arg0, %dma_wait3A_151, %dma_wait3A_152] : memref<2x10000x64xbf16, #tpu.memory_space<hbm>> -> memref<1x10000x64xbf16, #tpu.memory_space<hbm>>
    %dma_wait3A_154 = tpu.memref_squeeze %dma_wait3A_153 : memref<1x10000x64xbf16, #tpu.memory_space<hbm>> -> memref<10000x64xbf16, #tpu.memory_space<hbm>>
    %dma_wait3A_155 = arith.constant 0 : i32
    %dma_wait3A_156 = arith.constant 0 : i32
    %dma_wait3A_157 = tpu.memref_slice %dma_wait3A_154[%dma_wait3A_155, %dma_wait3A_156] : memref<10000x64xbf16, #tpu.memory_space<hbm>> -> memref<80x64xbf16, #tpu.memory_space<hbm>>
    tpu.wait_dma2 semaphore(%arg14 : memref<!tpu.dma_semaphore, #tpu.memory_space<semaphore_mem>>) src(%dma_wait3A_157 : memref<80x64xbf16, #tpu.memory_space<hbm>>) dst(%dma_wait3A_150 : memref<80x64xbf16, #tpu.memory_space<vmem>>)
    %dma_wait3A_158 = arith.constant 0 : i32
    %dma_wait3A_159 = arith.constant 0 : i32
    %dma_wait3A_160 = arith.constant 0 : i32
    %dma_wait3A_161 = tpu.memref_slice %arg10[%dma_wait3A_158, %dma_wait3A_159, %dma_wait3A_160] : memref<8x80x64xbf16, #tpu.memory_space<vmem>> -> memref<1x80x64xbf16, #tpu.memory_space<vmem>>
    %dma_wait3A_162 = tpu.memref_squeeze %dma_wait3A_161 : memref<1x80x64xbf16, #tpu.memory_space<vmem>> -> memref<80x64xbf16, #tpu.memory_space<vmem>>
    %dma_wait3A_163 = arith.constant 0 : i32
    %dma_wait3A_164 = arith.constant 0 : i32
    %dma_wait3A_165 = tpu.memref_slice %arg2[%arg0, %dma_wait3A_163, %dma_wait3A_164] : memref<2x10000x64xbf16, #tpu.memory_space<hbm>> -> memref<1x10000x64xbf16, #tpu.memory_space<hbm>>
    %dma_wait3A_166 = tpu.memref_squeeze %dma_wait3A_165 : memref<1x10000x64xbf16, #tpu.memory_space<hbm>> -> memref<10000x64xbf16, #tpu.memory_space<hbm>>
    %dma_wait3A_167 = arith.constant 0 : i32
    %dma_wait3A_168 = arith.constant 0 : i32
    %dma_wait3A_169 = tpu.memref_slice %dma_wait3A_166[%dma_wait3A_167, %dma_wait3A_168] : memref<10000x64xbf16, #tpu.memory_space<hbm>> -> memref<80x64xbf16, #tpu.memory_space<hbm>>
    %dma_wait3A_170 = arith.constant 0 : i32
    %dma_wait3A_171 = arith.constant 0 : i32
    %dma_wait3A_172 = tpu.memref_slice %arg10[%dma_wait3A_158, %dma_wait3A_170, %dma_wait3A_171] : memref<8x80x64xbf16, #tpu.memory_space<vmem>> -> memref<1x80x64xbf16, #tpu.memory_space<vmem>>
    %dma_wait3A_173 = tpu.memref_squeeze %dma_wait3A_172 : memref<1x80x64xbf16, #tpu.memory_space<vmem>> -> memref<80x64xbf16, #tpu.memory_space<vmem>>
    %dma_wait3A_174 = arith.constant 0 : i32
    %dma_wait3A_175 = arith.constant 0 : i32
    %dma_wait3A_176 = tpu.memref_slice %arg2[%arg0, %dma_wait3A_174, %dma_wait3A_175] : memref<2x10000x64xbf16, #tpu.memory_space<hbm>> -> memref<1x10000x64xbf16, #tpu.memory_space<hbm>>
    %dma_wait3A_177 = tpu.memref_squeeze %dma_wait3A_176 : memref<1x10000x64xbf16, #tpu.memory_space<hbm>> -> memref<10000x64xbf16, #tpu.memory_space<hbm>>
    %dma_wait3A_178 = arith.constant 0 : i32
    %dma_wait3A_179 = arith.constant 0 : i32
    %dma_wait3A_180 = tpu.memref_slice %dma_wait3A_177[%dma_wait3A_178, %dma_wait3A_179] : memref<10000x64xbf16, #tpu.memory_space<hbm>> -> memref<80x64xbf16, #tpu.memory_space<hbm>>
    tpu.wait_dma2 semaphore(%arg14 : memref<!tpu.dma_semaphore, #tpu.memory_space<semaphore_mem>>) src(%dma_wait3A_180 : memref<80x64xbf16, #tpu.memory_space<hbm>>) dst(%dma_wait3A_173 : memref<80x64xbf16, #tpu.memory_space<vmem>>)
    %dma_wait3A_181 = arith.constant 0 : i32
    %dma_wait3A_182 = arith.constant 0 : i32
    %dma_wait3A_183 = arith.constant 0 : i32
    %dma_wait3A_184 = tpu.memref_slice %arg10[%dma_wait3A_181, %dma_wait3A_182, %dma_wait3A_183] : memref<8x80x64xbf16, #tpu.memory_space<vmem>> -> memref<1x80x64xbf16, #tpu.memory_space<vmem>>
    %dma_wait3A_185 = tpu.memref_squeeze %dma_wait3A_184 : memref<1x80x64xbf16, #tpu.memory_space<vmem>> -> memref<80x64xbf16, #tpu.memory_space<vmem>>
    %dma_wait3A_186 = arith.constant 0 : i32
    %dma_wait3A_187 = arith.constant 0 : i32
    %dma_wait3A_188 = tpu.memref_slice %arg2[%arg0, %dma_wait3A_186, %dma_wait3A_187] : memref<2x10000x64xbf16, #tpu.memory_space<hbm>> -> memref<1x10000x64xbf16, #tpu.memory_space<hbm>>
    %dma_wait3A_189 = tpu.memref_squeeze %dma_wait3A_188 : memref<1x10000x64xbf16, #tpu.memory_space<hbm>> -> memref<10000x64xbf16, #tpu.memory_space<hbm>>
    %dma_wait3A_190 = arith.constant 0 : i32
    %dma_wait3A_191 = arith.constant 0 : i32
    %dma_wait3A_192 = tpu.memref_slice %dma_wait3A_189[%dma_wait3A_190, %dma_wait3A_191] : memref<10000x64xbf16, #tpu.memory_space<hbm>> -> memref<80x64xbf16, #tpu.memory_space<hbm>>
    %dma_wait3A_193 = arith.constant 0 : i32
    %dma_wait3A_194 = arith.constant 0 : i32
    %dma_wait3A_195 = tpu.memref_slice %arg10[%dma_wait3A_181, %dma_wait3A_193, %dma_wait3A_194] : memref<8x80x64xbf16, #tpu.memory_space<vmem>> -> memref<1x80x64xbf16, #tpu.memory_space<vmem>>
    %dma_wait3A_196 = tpu.memref_squeeze %dma_wait3A_195 : memref<1x80x64xbf16, #tpu.memory_space<vmem>> -> memref<80x64xbf16, #tpu.memory_space<vmem>>
    %dma_wait3A_197 = arith.constant 0 : i32
    %dma_wait3A_198 = arith.constant 0 : i32
    %dma_wait3A_199 = tpu.memref_slice %arg2[%arg0, %dma_wait3A_197, %dma_wait3A_198] : memref<2x10000x64xbf16, #tpu.memory_space<hbm>> -> memref<1x10000x64xbf16, #tpu.memory_space<hbm>>
    %dma_wait3A_200 = tpu.memref_squeeze %dma_wait3A_199 : memref<1x10000x64xbf16, #tpu.memory_space<hbm>> -> memref<10000x64xbf16, #tpu.memory_space<hbm>>
    %dma_wait3A_201 = arith.constant 0 : i32
    %dma_wait3A_202 = arith.constant 0 : i32
    %dma_wait3A_203 = tpu.memref_slice %dma_wait3A_200[%dma_wait3A_201, %dma_wait3A_202] : memref<10000x64xbf16, #tpu.memory_space<hbm>> -> memref<80x64xbf16, #tpu.memory_space<hbm>>
    tpu.wait_dma2 semaphore(%arg14 : memref<!tpu.dma_semaphore, #tpu.memory_space<semaphore_mem>>) src(%dma_wait3A_203 : memref<80x64xbf16, #tpu.memory_space<hbm>>) dst(%dma_wait3A_196 : memref<80x64xbf16, #tpu.memory_space<vmem>>)
    %dma_wait3A_204 = arith.constant 0 : i32
    %dma_wait3A_205 = arith.constant 0 : i32
    %dma_wait3A_206 = arith.constant 0 : i32
    %dma_wait3A_207 = tpu.memref_slice %arg10[%dma_wait3A_204, %dma_wait3A_205, %dma_wait3A_206] : memref<8x80x64xbf16, #tpu.memory_space<vmem>> -> memref<1x80x64xbf16, #tpu.memory_space<vmem>>
    %dma_wait3A_208 = tpu.memref_squeeze %dma_wait3A_207 : memref<1x80x64xbf16, #tpu.memory_space<vmem>> -> memref<80x64xbf16, #tpu.memory_space<vmem>>
    %dma_wait3A_209 = arith.constant 0 : i32
    %dma_wait3A_210 = arith.constant 0 : i32
    %dma_wait3A_211 = tpu.memref_slice %arg2[%arg0, %dma_wait3A_209, %dma_wait3A_210] : memref<2x10000x64xbf16, #tpu.memory_space<hbm>> -> memref<1x10000x64xbf16, #tpu.memory_space<hbm>>
    %dma_wait3A_212 = tpu.memref_squeeze %dma_wait3A_211 : memref<1x10000x64xbf16, #tpu.memory_space<hbm>> -> memref<10000x64xbf16, #tpu.memory_space<hbm>>
    %dma_wait3A_213 = arith.constant 0 : i32
    %dma_wait3A_214 = arith.constant 0 : i32
    %dma_wait3A_215 = tpu.memref_slice %dma_wait3A_212[%dma_wait3A_213, %dma_wait3A_214] : memref<10000x64xbf16, #tpu.memory_space<hbm>> -> memref<80x64xbf16, #tpu.memory_space<hbm>>
    %dma_wait3A_216 = arith.constant 0 : i32
    %dma_wait3A_217 = arith.constant 0 : i32
    %dma_wait3A_218 = tpu.memref_slice %arg10[%dma_wait3A_204, %dma_wait3A_216, %dma_wait3A_217] : memref<8x80x64xbf16, #tpu.memory_space<vmem>> -> memref<1x80x64xbf16, #tpu.memory_space<vmem>>
    %dma_wait3A_219 = tpu.memref_squeeze %dma_wait3A_218 : memref<1x80x64xbf16, #tpu.memory_space<vmem>> -> memref<80x64xbf16, #tpu.memory_space<vmem>>
    %dma_wait3A_220 = arith.constant 0 : i32
    %dma_wait3A_221 = arith.constant 0 : i32
    %dma_wait3A_222 = tpu.memref_slice %arg2[%arg0, %dma_wait3A_220, %dma_wait3A_221] : memref<2x10000x64xbf16, #tpu.memory_space<hbm>> -> memref<1x10000x64xbf16, #tpu.memory_space<hbm>>
    %dma_wait3A_223 = tpu.memref_squeeze %dma_wait3A_222 : memref<1x10000x64xbf16, #tpu.memory_space<hbm>> -> memref<10000x64xbf16, #tpu.memory_space<hbm>>
    %dma_wait3A_224 = arith.constant 0 : i32
    %dma_wait3A_225 = arith.constant 0 : i32
    %dma_wait3A_226 = tpu.memref_slice %dma_wait3A_223[%dma_wait3A_224, %dma_wait3A_225] : memref<10000x64xbf16, #tpu.memory_space<hbm>> -> memref<80x64xbf16, #tpu.memory_space<hbm>>
    tpu.wait_dma2 semaphore(%arg11 : memref<!tpu.dma_semaphore, #tpu.memory_space<semaphore_mem>>) src(%dma_wait3A_226 : memref<80x64xbf16, #tpu.memory_space<hbm>>) dst(%dma_wait3A_219 : memref<80x64xbf16, #tpu.memory_space<vmem>>)
    %dma_wait3A_227 = arith.constant 0 : i32
    %dma_wait3A_228 = arith.constant 0 : i32
    %dma_wait3A_229 = arith.constant 0 : i32
    %dma_wait3A_230 = tpu.memref_slice %arg10[%dma_wait3A_227, %dma_wait3A_228, %dma_wait3A_229] : memref<8x80x64xbf16, #tpu.memory_space<vmem>> -> memref<1x80x64xbf16, #tpu.memory_space<vmem>>
    %dma_wait3A_231 = tpu.memref_squeeze %dma_wait3A_230 : memref<1x80x64xbf16, #tpu.memory_space<vmem>> -> memref<80x64xbf16, #tpu.memory_space<vmem>>
    %dma_wait3A_232 = arith.constant 0 : i32
    %dma_wait3A_233 = arith.constant 0 : i32
    %dma_wait3A_234 = tpu.memref_slice %arg2[%arg0, %dma_wait3A_232, %dma_wait3A_233] : memref<2x10000x64xbf16, #tpu.memory_space<hbm>> -> memref<1x10000x64xbf16, #tpu.memory_space<hbm>>
    %dma_wait3A_235 = tpu.memref_squeeze %dma_wait3A_234 : memref<1x10000x64xbf16, #tpu.memory_space<hbm>> -> memref<10000x64xbf16, #tpu.memory_space<hbm>>
    %dma_wait3A_236 = arith.constant 0 : i32
    %dma_wait3A_237 = arith.constant 0 : i32
    %dma_wait3A_238 = tpu.memref_slice %dma_wait3A_235[%dma_wait3A_236, %dma_wait3A_237] : memref<10000x64xbf16, #tpu.memory_space<hbm>> -> memref<80x64xbf16, #tpu.memory_space<hbm>>
    %dma_wait3A_239 = arith.constant 0 : i32
    %dma_wait3A_240 = arith.constant 0 : i32
    %dma_wait3A_241 = tpu.memref_slice %arg10[%dma_wait3A_227, %dma_wait3A_239, %dma_wait3A_240] : memref<8x80x64xbf16, #tpu.memory_space<vmem>> -> memref<1x80x64xbf16, #tpu.memory_space<vmem>>
    %dma_wait3A_242 = tpu.memref_squeeze %dma_wait3A_241 : memref<1x80x64xbf16, #tpu.memory_space<vmem>> -> memref<80x64xbf16, #tpu.memory_space<vmem>>
    %dma_wait3A_243 = arith.constant 0 : i32
    %dma_wait3A_244 = arith.constant 0 : i32
    %dma_wait3A_245 = tpu.memref_slice %arg2[%arg0, %dma_wait3A_243, %dma_wait3A_244] : memref<2x10000x64xbf16, #tpu.memory_space<hbm>> -> memref<1x10000x64xbf16, #tpu.memory_space<hbm>>
    %dma_wait3A_246 = tpu.memref_squeeze %dma_wait3A_245 : memref<1x10000x64xbf16, #tpu.memory_space<hbm>> -> memref<10000x64xbf16, #tpu.memory_space<hbm>>
    %dma_wait3A_247 = arith.constant 0 : i32
    %dma_wait3A_248 = arith.constant 0 : i32
    %dma_wait3A_249 = tpu.memref_slice %dma_wait3A_246[%dma_wait3A_247, %dma_wait3A_248] : memref<10000x64xbf16, #tpu.memory_space<hbm>> -> memref<80x64xbf16, #tpu.memory_space<hbm>>
    tpu.wait_dma2 semaphore(%arg11 : memref<!tpu.dma_semaphore, #tpu.memory_space<semaphore_mem>>) src(%dma_wait3A_249 : memref<80x64xbf16, #tpu.memory_space<hbm>>) dst(%dma_wait3A_242 : memref<80x64xbf16, #tpu.memory_space<vmem>>)
    %dma_wait3A_250 = arith.constant 0 : i32
    %dma_wait3A_251 = arith.constant 0 : i32
    %dma_wait3A_252 = arith.constant 0 : i32
    %dma_wait3A_253 = tpu.memref_slice %arg10[%dma_wait3A_250, %dma_wait3A_251, %dma_wait3A_252] : memref<8x80x64xbf16, #tpu.memory_space<vmem>> -> memref<1x80x64xbf16, #tpu.memory_space<vmem>>
    %dma_wait3A_254 = tpu.memref_squeeze %dma_wait3A_253 : memref<1x80x64xbf16, #tpu.memory_space<vmem>> -> memref<80x64xbf16, #tpu.memory_space<vmem>>
    %dma_wait3A_255 = arith.constant 0 : i32
    %dma_wait3A_256 = arith.constant 0 : i32
    %dma_wait3A_257 = tpu.memref_slice %arg2[%arg0, %dma_wait3A_255, %dma_wait3A_256] : memref<2x10000x64xbf16, #tpu.memory_space<hbm>> -> memref<1x10000x64xbf16, #tpu.memory_space<hbm>>
    %dma_wait3A_258 = tpu.memref_squeeze %dma_wait3A_257 : memref<1x10000x64xbf16, #tpu.memory_space<hbm>> -> memref<10000x64xbf16, #tpu.memory_space<hbm>>
    %dma_wait3A_259 = arith.constant 0 : i32
    %dma_wait3A_260 = arith.constant 0 : i32
    %dma_wait3A_261 = tpu.memref_slice %dma_wait3A_258[%dma_wait3A_259, %dma_wait3A_260] : memref<10000x64xbf16, #tpu.memory_space<hbm>> -> memref<80x64xbf16, #tpu.memory_space<hbm>>
    %dma_wait3A_262 = arith.constant 0 : i32
    %dma_wait3A_263 = arith.constant 0 : i32
    %dma_wait3A_264 = tpu.memref_slice %arg10[%dma_wait3A_250, %dma_wait3A_262, %dma_wait3A_263] : memref<8x80x64xbf16, #tpu.memory_space<vmem>> -> memref<1x80x64xbf16, #tpu.memory_space<vmem>>
    %dma_wait3A_265 = tpu.memref_squeeze %dma_wait3A_264 : memref<1x80x64xbf16, #tpu.memory_space<vmem>> -> memref<80x64xbf16, #tpu.memory_space<vmem>>
    %dma_wait3A_266 = arith.constant 0 : i32
    %dma_wait3A_267 = arith.constant 0 : i32
    %dma_wait3A_268 = tpu.memref_slice %arg2[%arg0, %dma_wait3A_266, %dma_wait3A_267] : memref<2x10000x64xbf16, #tpu.memory_space<hbm>> -> memref<1x10000x64xbf16, #tpu.memory_space<hbm>>
    %dma_wait3A_269 = tpu.memref_squeeze %dma_wait3A_268 : memref<1x10000x64xbf16, #tpu.memory_space<hbm>> -> memref<10000x64xbf16, #tpu.memory_space<hbm>>
    %dma_wait3A_270 = arith.constant 0 : i32
    %dma_wait3A_271 = arith.constant 0 : i32
    %dma_wait3A_272 = tpu.memref_slice %dma_wait3A_269[%dma_wait3A_270, %dma_wait3A_271] : memref<10000x64xbf16, #tpu.memory_space<hbm>> -> memref<80x64xbf16, #tpu.memory_space<hbm>>
    tpu.wait_dma2 semaphore(%arg11 : memref<!tpu.dma_semaphore, #tpu.memory_space<semaphore_mem>>) src(%dma_wait3A_272 : memref<80x64xbf16, #tpu.memory_space<hbm>>) dst(%dma_wait3A_265 : memref<80x64xbf16, #tpu.memory_space<vmem>>)
    %dma_wait3A_273 = arith.constant 0 : i32
    %dma_wait3A_274 = arith.constant 0 : i32
    %dma_wait3A_275 = arith.constant 0 : i32
    %dma_wait3A_276 = tpu.memref_slice %arg10[%dma_wait3A_273, %dma_wait3A_274, %dma_wait3A_275] : memref<8x80x64xbf16, #tpu.memory_space<vmem>> -> memref<1x80x64xbf16, #tpu.memory_space<vmem>>
    %dma_wait3A_277 = tpu.memref_squeeze %dma_wait3A_276 : memref<1x80x64xbf16, #tpu.memory_space<vmem>> -> memref<80x64xbf16, #tpu.memory_space<vmem>>
    %dma_wait3A_278 = arith.constant 0 : i32
    %dma_wait3A_279 = arith.constant 0 : i32
    %dma_wait3A_280 = tpu.memref_slice %arg2[%arg0, %dma_wait3A_278, %dma_wait3A_279] : memref<2x10000x64xbf16, #tpu.memory_space<hbm>> -> memref<1x10000x64xbf16, #tpu.memory_space<hbm>>
    %dma_wait3A_281 = tpu.memref_squeeze %dma_wait3A_280 : memref<1x10000x64xbf16, #tpu.memory_space<hbm>> -> memref<10000x64xbf16, #tpu.memory_space<hbm>>
    %dma_wait3A_282 = arith.constant 0 : i32
    %dma_wait3A_283 = arith.constant 0 : i32
    %dma_wait3A_284 = tpu.memref_slice %dma_wait3A_281[%dma_wait3A_282, %dma_wait3A_283] : memref<10000x64xbf16, #tpu.memory_space<hbm>> -> memref<80x64xbf16, #tpu.memory_space<hbm>>
    %dma_wait3A_285 = arith.constant 0 : i32
    %dma_wait3A_286 = arith.constant 0 : i32
    %dma_wait3A_287 = tpu.memref_slice %arg10[%dma_wait3A_273, %dma_wait3A_285, %dma_wait3A_286] : memref<8x80x64xbf16, #tpu.memory_space<vmem>> -> memref<1x80x64xbf16, #tpu.memory_space<vmem>>
    %dma_wait3A_288 = tpu.memref_squeeze %dma_wait3A_287 : memref<1x80x64xbf16, #tpu.memory_space<vmem>> -> memref<80x64xbf16, #tpu.memory_space<vmem>>
    %dma_wait3A_289 = arith.constant 0 : i32
    %dma_wait3A_290 = arith.constant 0 : i32
    %dma_wait3A_291 = tpu.memref_slice %arg2[%arg0, %dma_wait3A_289, %dma_wait3A_290] : memref<2x10000x64xbf16, #tpu.memory_space<hbm>> -> memref<1x10000x64xbf16, #tpu.memory_space<hbm>>
    %dma_wait3A_292 = tpu.memref_squeeze %dma_wait3A_291 : memref<1x10000x64xbf16, #tpu.memory_space<hbm>> -> memref<10000x64xbf16, #tpu.memory_space<hbm>>
    %dma_wait3A_293 = arith.constant 0 : i32
    %dma_wait3A_294 = arith.constant 0 : i32
    %dma_wait3A_295 = tpu.memref_slice %dma_wait3A_292[%dma_wait3A_293, %dma_wait3A_294] : memref<10000x64xbf16, #tpu.memory_space<hbm>> -> memref<80x64xbf16, #tpu.memory_space<hbm>>
    tpu.wait_dma2 semaphore(%arg11 : memref<!tpu.dma_semaphore, #tpu.memory_space<semaphore_mem>>) src(%dma_wait3A_295 : memref<80x64xbf16, #tpu.memory_space<hbm>>) dst(%dma_wait3A_288 : memref<80x64xbf16, #tpu.memory_space<vmem>>)
    %barrier3A_296 = arith.constant 0 : index
    tpu.barrier barrier_id(%barrier3A_296)
    "tpu.region"() ({
      %run_scoped3A = tpu.sem_alloc : memref<!tpu.dma_semaphore, #tpu.memory_space<semaphore_mem>>
      %dma_start3A_297 = arith.constant 0 : i32
      %dma_start3A_298 = arith.constant 0 : i32
      %dma_start3A_299 = tpu.memref_slice %arg5[%arg0, %dma_start3A_297, %dma_start3A_298] : memref<2x10000x64xbf16, #tpu.memory_space<hbm>> -> memref<1x10000x64xbf16, #tpu.memory_space<hbm>>
      %dma_start3A_300 = tpu.memref_squeeze %dma_start3A_299 : memref<1x10000x64xbf16, #tpu.memory_space<hbm>> -> memref<10000x64xbf16, #tpu.memory_space<hbm>>
      %dma_start3A_301 = arith.constant 0 : i32
      %dma_start3A_302 = tpu.memref_slice %dma_start3A_300[%mul3A_0, %dma_start3A_301] : memref<10000x64xbf16, #tpu.memory_space<hbm>> -> memref<625x64xbf16, #tpu.memory_space<hbm>>
      %dma_start3A_303 = arith.constant 0 : i32
      %dma_start3A_304 = tpu.memref_slice %arg7[%mul3A_0, %dma_start3A_303] : memref<10080x64xbf16, #tpu.memory_space<vmem_shared>> -> memref<625x64xbf16, #tpu.memory_space<vmem_shared>>
      tpu.enqueue_dma source(%dma_start3A_304 : memref<625x64xbf16, #tpu.memory_space<vmem_shared>>) target(%dma_start3A_302 : memref<625x64xbf16, #tpu.memory_space<hbm>>) target_semaphore(%run_scoped3A : memref<!tpu.dma_semaphore, #tpu.memory_space<semaphore_mem>>)
      %dma_wait3A_305 = arith.constant 0 : i32
      %dma_wait3A_306 = arith.constant 0 : i32
      %dma_wait3A_307 = tpu.memref_slice %arg5[%arg0, %dma_wait3A_305, %dma_wait3A_306] : memref<2x10000x64xbf16, #tpu.memory_space<hbm>> -> memref<1x10000x64xbf16, #tpu.memory_space<hbm>>
      %dma_wait3A_308 = tpu.memref_squeeze %dma_wait3A_307 : memref<1x10000x64xbf16, #tpu.memory_space<hbm>> -> memref<10000x64xbf16, #tpu.memory_space<hbm>>
      %dma_wait3A_309 = arith.constant 0 : i32
      %dma_wait3A_310 = tpu.memref_slice %dma_wait3A_308[%mul3A_0, %dma_wait3A_309] : memref<10000x64xbf16, #tpu.memory_space<hbm>> -> memref<625x64xbf16, #tpu.memory_space<hbm>>
      %dma_wait3A_311 = arith.constant 0 : i32
      %dma_wait3A_312 = tpu.memref_slice %arg7[%mul3A_0, %dma_wait3A_311] : memref<10080x64xbf16, #tpu.memory_space<vmem_shared>> -> memref<625x64xbf16, #tpu.memory_space<vmem_shared>>
      tpu.wait_dma2 semaphore(%run_scoped3A : memref<!tpu.dma_semaphore, #tpu.memory_space<semaphore_mem>>) src(%dma_wait3A_312 : memref<625x64xbf16, #tpu.memory_space<vmem_shared>>) dst(%dma_wait3A_310 : memref<625x64xbf16, #tpu.memory_space<hbm>>)
      tpu.yield
    }) : () -> ()
    return
  }
}

module attributes {stable_mosaic.version = 14 : i64} {
  func.func @_tc_layer_body(%arg0: memref<2x10000x64xbf16, #tpu.memory_space<vmem>>, %arg1: memref<2x10000x64xf32, #tpu.memory_space<vmem>>, %arg2: memref<128x128xf32, #tpu.memory_space<vmem>>, %arg3: memref<1x128xf32, #tpu.memory_space<vmem>>, %arg4: memref<128x128xf32, #tpu.memory_space<vmem>>, %arg5: memref<1x128xf32, #tpu.memory_space<vmem>>, %arg6: memref<1x128xf32, #tpu.memory_space<vmem>>, %arg7: memref<1x128xf32, #tpu.memory_space<vmem>>, %arg8: memref<2x10000x64xf32, #tpu.memory_space<vmem>>, %arg9: memref<2x10000x64xbf16, #tpu.memory_space<vmem>>) attributes {dimension_semantics = [], scalar_prefetch = 0 : i64, scratch_operands = 0 : i64, tpu.core_type = #tpu.core_type<tc>} {
    %get3A = arith.constant 0 : index
    %get3A_0 = arith.constant 0 : index
    %get3A_1 = arith.constant 0 : index
    %get3A_2 = vector.load %arg1[%get3A, %get3A_0, %get3A_1] : memref<2x10000x64xf32, #tpu.memory_space<vmem>>, vector<1x10000x64xf32>
    %get3A_3 = vector.shape_cast %get3A_2 : vector<1x10000x64xf32> to vector<10000x64xf32>
    %get3A_4 = arith.constant 1 : index
    %get3A_5 = arith.constant 0 : index
    %get3A_6 = arith.constant 0 : index
    %get3A_7 = vector.load %arg1[%get3A_4, %get3A_5, %get3A_6] : memref<2x10000x64xf32, #tpu.memory_space<vmem>>, vector<1x10000x64xf32>
    %get3A_8 = vector.shape_cast %get3A_7 : vector<1x10000x64xf32> to vector<10000x64xf32>
    %concatenate3A = tpu.concatenate %get3A_3, %get3A_8 in 1 : vector<10000x64xf32>, vector<10000x64xf32> -> vector<10000x128xf32>
    %get3A_9 = arith.constant 0 : index
    %get3A_10 = arith.constant 0 : index
    %get3A_11 = arith.constant 0 : index
    %get3A_12 = vector.load %arg0[%get3A_9, %get3A_10, %get3A_11] : memref<2x10000x64xbf16, #tpu.memory_space<vmem>>, vector<1x10000x64xbf16>
    %get3A_13 = vector.shape_cast %get3A_12 : vector<1x10000x64xbf16> to vector<10000x64xbf16>
    %get3A_14 = arith.constant 1 : index
    %get3A_15 = arith.constant 0 : index
    %get3A_16 = arith.constant 0 : index
    %get3A_17 = vector.load %arg0[%get3A_14, %get3A_15, %get3A_16] : memref<2x10000x64xbf16, #tpu.memory_space<vmem>>, vector<1x10000x64xbf16>
    %get3A_18 = vector.shape_cast %get3A_17 : vector<1x10000x64xbf16> to vector<10000x64xbf16>
    %concatenate3A_19 = tpu.concatenate %get3A_13, %get3A_18 in 1 : vector<10000x64xbf16>, vector<10000x64xbf16> -> vector<10000x128xbf16>
    %convert_element_type3A = arith.extf %concatenate3A_19 : vector<10000x128xbf16> to vector<10000x128xf32>
    %convert_element_type3A_20 = arith.truncf %concatenate3A : vector<10000x128xf32> to vector<10000x128xbf16>
    %convert_element_type3A_21 = arith.extf %convert_element_type3A_20 : vector<10000x128xbf16> to vector<10000x128xf32>
    %sub3A = arith.subf %convert_element_type3A, %convert_element_type3A_21 : vector<10000x128xf32>
    %add3A = arith.addf %concatenate3A, %sub3A : vector<10000x128xf32>
    %get3A_22 = arith.constant 0 : index
    %get3A_23 = arith.constant 0 : index
    %get3A_24 = vector.load %arg2[%get3A_22, %get3A_23] : memref<128x128xf32, #tpu.memory_space<vmem>>, vector<128x128xf32>
    %dot_general3A = arith.constant dense<0.000000e+00> : vector<10000x128xf32>
    %dot_general3A_25 = tpu.matmul %add3A, %get3A_24, %dot_general3A {dimension_numbers = #tpu.dot_dimension_numbers<[1], [0], [0], [1], [0, 0, 1, 1], [], []>, transpose_lhs_hint = false} : vector<10000x128xf32>, vector<128x128xf32>, vector<10000x128xf32> -> vector<10000x128xf32>
    %get3A_26 = arith.constant 0 : index
    %get3A_27 = arith.constant 0 : index
    %get3A_28 = vector.load %arg3[%get3A_26, %get3A_27] : memref<1x128xf32, #tpu.memory_space<vmem>>, vector<1x128xf32>
    %add3A_29 = vector.broadcast %get3A_28 : vector<1x128xf32> to vector<10000x128xf32>
    %add3A_30 = arith.addf %dot_general3A_25, %add3A_29 : vector<10000x128xf32>
    %max3A = arith.constant 0.000000e+00 : f32
    %max3A_31 = vector.broadcast %max3A : f32 to vector<10000x128xf32>
    %max3A_32 = arith.maximumf %add3A_30, %max3A_31 : vector<10000x128xf32>
    %get3A_33 = arith.constant 0 : index
    %get3A_34 = arith.constant 0 : index
    %get3A_35 = vector.load %arg4[%get3A_33, %get3A_34] : memref<128x128xf32, #tpu.memory_space<vmem>>, vector<128x128xf32>
    %dot_general3A_36 = arith.constant dense<0.000000e+00> : vector<10000x128xf32>
    %dot_general3A_37 = tpu.matmul %max3A_32, %get3A_35, %dot_general3A_36 {dimension_numbers = #tpu.dot_dimension_numbers<[1], [0], [0], [1], [0, 0, 1, 1], [], []>, transpose_lhs_hint = false} : vector<10000x128xf32>, vector<128x128xf32>, vector<10000x128xf32> -> vector<10000x128xf32>
    %get3A_38 = arith.constant 0 : index
    %get3A_39 = arith.constant 0 : index
    %get3A_40 = vector.load %arg5[%get3A_38, %get3A_39] : memref<1x128xf32, #tpu.memory_space<vmem>>, vector<1x128xf32>
    %add3A_41 = vector.broadcast %get3A_40 : vector<1x128xf32> to vector<10000x128xf32>
    %add3A_42 = arith.addf %dot_general3A_37, %add3A_41 : vector<10000x128xf32>
    %reduce_sum3A = arith.constant dense<0.000000e+00> : vector<128xf32>
    %reduce_sum3A_43 = vector.multi_reduction <add>, %add3A_42, %reduce_sum3A [0] : vector<10000x128xf32> to vector<128xf32>
    %broadcast_in_dim3A = vector.shape_cast %reduce_sum3A_43 : vector<128xf32> to vector<1x128xf32>
    %div3A = arith.constant 1.000000e+04 : f32
    %div3A_44 = vector.broadcast %div3A : f32 to vector<1x128xf32>
    %div3A_45 = arith.divf %broadcast_in_dim3A, %div3A_44 : vector<1x128xf32>
    %sub3A_46 = vector.broadcast %div3A_45 : vector<1x128xf32> to vector<10000x128xf32>
    %sub3A_47 = arith.subf %add3A_42, %sub3A_46 : vector<10000x128xf32>
    %integer_pow3A = arith.mulf %sub3A_47, %sub3A_47 : vector<10000x128xf32>
    %reduce_sum3A_48 = arith.constant dense<0.000000e+00> : vector<128xf32>
    %reduce_sum3A_49 = vector.multi_reduction <add>, %integer_pow3A, %reduce_sum3A_48 [0] : vector<10000x128xf32> to vector<128xf32>
    %broadcast_in_dim3A_50 = vector.shape_cast %reduce_sum3A_49 : vector<128xf32> to vector<1x128xf32>
    %div3A_51 = arith.constant 1.000000e+04 : f32
    %div3A_52 = vector.broadcast %div3A_51 : f32 to vector<1x128xf32>
    %div3A_53 = arith.divf %broadcast_in_dim3A_50, %div3A_52 : vector<1x128xf32>
    %sub3A_54 = vector.broadcast %div3A_45 : vector<1x128xf32> to vector<10000x128xf32>
    %sub3A_55 = arith.subf %add3A_42, %sub3A_54 : vector<10000x128xf32>
    %add3A_56 = arith.constant 9.99999974E-6 : f32
    %add3A_57 = vector.broadcast %add3A_56 : f32 to vector<1x128xf32>
    %add3A_58 = arith.addf %div3A_53, %add3A_57 : vector<1x128xf32>
    %rsqrt3A = math.rsqrt %add3A_58 : vector<1x128xf32>
    %mul3A = vector.broadcast %rsqrt3A : vector<1x128xf32> to vector<10000x128xf32>
    %mul3A_59 = arith.mulf %sub3A_55, %mul3A : vector<10000x128xf32>
    %get3A_60 = arith.constant 0 : index
    %get3A_61 = arith.constant 0 : index
    %get3A_62 = vector.load %arg6[%get3A_60, %get3A_61] : memref<1x128xf32, #tpu.memory_space<vmem>>, vector<1x128xf32>
    %mul3A_63 = vector.broadcast %get3A_62 : vector<1x128xf32> to vector<10000x128xf32>
    %mul3A_64 = arith.mulf %mul3A_59, %mul3A_63 : vector<10000x128xf32>
    %get3A_65 = arith.constant 0 : index
    %get3A_66 = arith.constant 0 : index
    %get3A_67 = vector.load %arg7[%get3A_65, %get3A_66] : memref<1x128xf32, #tpu.memory_space<vmem>>, vector<1x128xf32>
    %add3A_68 = vector.broadcast %get3A_67 : vector<1x128xf32> to vector<10000x128xf32>
    %add3A_69 = arith.addf %mul3A_64, %add3A_68 : vector<10000x128xf32>
    %max3A_70 = arith.constant 0.000000e+00 : f32
    %max3A_71 = vector.broadcast %max3A_70 : f32 to vector<10000x128xf32>
    %max3A_72 = arith.maximumf %add3A_69, %max3A_71 : vector<10000x128xf32>
    %add3A_73 = arith.addf %concatenate3A, %max3A_72 : vector<10000x128xf32>
    %slice3A = vector.extract_strided_slice %add3A_73 {offsets = [0, 0], sizes = [10000, 64], strides = [1, 1]} : vector<10000x128xf32> to vector<10000x64xf32>
    %swap3A = arith.constant 0 : index
    %swap3A_74 = arith.constant 0 : index
    %swap3A_75 = arith.constant 0 : index
    %swap3A_76 = vector.load %arg8[%swap3A, %swap3A_74, %swap3A_75] : memref<2x10000x64xf32, #tpu.memory_space<vmem>>, vector<1x10000x64xf32>
    %swap3A_77 = vector.shape_cast %swap3A_76 : vector<1x10000x64xf32> to vector<10000x64xf32>
    %swap3A_78 = vector.shape_cast %slice3A : vector<10000x64xf32> to vector<1x10000x64xf32>
    tpu.vector_store %arg8[%swap3A, %swap3A_74, %swap3A_75], %swap3A_78 {strides = array<i32>} : memref<2x10000x64xf32, #tpu.memory_space<vmem>>, vector<1x10000x64xf32>,
    %slice3A_79 = vector.extract_strided_slice %add3A_73 {offsets = [0, 64], sizes = [10000, 64], strides = [1, 1]} : vector<10000x128xf32> to vector<10000x64xf32>
    %swap3A_80 = arith.constant 1 : index
    %swap3A_81 = arith.constant 0 : index
    %swap3A_82 = arith.constant 0 : index
    %swap3A_83 = vector.load %arg8[%swap3A_80, %swap3A_81, %swap3A_82] : memref<2x10000x64xf32, #tpu.memory_space<vmem>>, vector<1x10000x64xf32>
    %swap3A_84 = vector.shape_cast %swap3A_83 : vector<1x10000x64xf32> to vector<10000x64xf32>
    %swap3A_85 = vector.shape_cast %slice3A_79 : vector<10000x64xf32> to vector<1x10000x64xf32>
    tpu.vector_store %arg8[%swap3A_80, %swap3A_81, %swap3A_82], %swap3A_85 {strides = array<i32>} : memref<2x10000x64xf32, #tpu.memory_space<vmem>>, vector<1x10000x64xf32>,
    %convert_element_type3A_86 = arith.truncf %add3A_73 : vector<10000x128xf32> to vector<10000x128xbf16>
    %slice3A_87 = vector.extract_strided_slice %convert_element_type3A_86 {offsets = [0, 0], sizes = [10000, 64], strides = [1, 1]} : vector<10000x128xbf16> to vector<10000x64xbf16>
    %swap3A_88 = arith.constant 0 : index
    %swap3A_89 = arith.constant 0 : index
    %swap3A_90 = arith.constant 0 : index
    %swap3A_91 = vector.load %arg9[%swap3A_88, %swap3A_89, %swap3A_90] : memref<2x10000x64xbf16, #tpu.memory_space<vmem>>, vector<1x10000x64xbf16>
    %swap3A_92 = vector.shape_cast %swap3A_91 : vector<1x10000x64xbf16> to vector<10000x64xbf16>
    %swap3A_93 = vector.shape_cast %slice3A_87 : vector<10000x64xbf16> to vector<1x10000x64xbf16>
    tpu.vector_store %arg9[%swap3A_88, %swap3A_89, %swap3A_90], %swap3A_93 {strides = array<i32>} : memref<2x10000x64xbf16, #tpu.memory_space<vmem>>, vector<1x10000x64xbf16>,
    %slice3A_94 = vector.extract_strided_slice %convert_element_type3A_86 {offsets = [0, 64], sizes = [10000, 64], strides = [1, 1]} : vector<10000x128xbf16> to vector<10000x64xbf16>
    %swap3A_95 = arith.constant 1 : index
    %swap3A_96 = arith.constant 0 : index
    %swap3A_97 = arith.constant 0 : index
    %swap3A_98 = vector.load %arg9[%swap3A_95, %swap3A_96, %swap3A_97] : memref<2x10000x64xbf16, #tpu.memory_space<vmem>>, vector<1x10000x64xbf16>
    %swap3A_99 = vector.shape_cast %swap3A_98 : vector<1x10000x64xbf16> to vector<10000x64xbf16>
    %swap3A_100 = vector.shape_cast %slice3A_94 : vector<10000x64xbf16> to vector<1x10000x64xbf16>
    tpu.vector_store %arg9[%swap3A_95, %swap3A_96, %swap3A_97], %swap3A_100 {strides = array<i32>} : memref<2x10000x64xbf16, #tpu.memory_space<vmem>>, vector<1x10000x64xbf16>,
    return
  }
}

module attributes {stable_mosaic.version = 14 : i64} {
  func.func @_tc_last_body(%arg0: memref<2x10000x64xbf16, #tpu.memory_space<vmem>>, %arg1: memref<2x10000x64xf32, #tpu.memory_space<vmem>>, %arg2: memref<128x128xf32, #tpu.memory_space<vmem>>, %arg3: memref<1x128xf32, #tpu.memory_space<vmem>>, %arg4: memref<128x128xf32, #tpu.memory_space<vmem>>, %arg5: memref<1x128xf32, #tpu.memory_space<vmem>>, %arg6: memref<1x128xf32, #tpu.memory_space<vmem>>, %arg7: memref<1x128xf32, #tpu.memory_space<vmem>>, %arg8: memref<1x10000xi32, #tpu.memory_space<vmem>>, %arg9: memref<128x128xf32, #tpu.memory_space<vmem>>, %arg10: memref<1x128xf32, #tpu.memory_space<vmem>>, %arg11: memref<128x10xf32, #tpu.memory_space<vmem>>, %arg12: memref<1x10xf32, #tpu.memory_space<vmem>>, %arg13: memref<64x10xf32, #tpu.memory_space<vmem>>) attributes {dimension_semantics = [], scalar_prefetch = 0 : i64, scratch_operands = 0 : i64, tpu.core_type = #tpu.core_type<tc>} {
    %get3A = arith.constant 0 : index
    %get3A_0 = arith.constant 0 : index
    %get3A_1 = arith.constant 0 : index
    %get3A_2 = vector.load %arg1[%get3A, %get3A_0, %get3A_1] : memref<2x10000x64xf32, #tpu.memory_space<vmem>>, vector<1x10000x64xf32>
    %get3A_3 = vector.shape_cast %get3A_2 : vector<1x10000x64xf32> to vector<10000x64xf32>
    %get3A_4 = arith.constant 1 : index
    %get3A_5 = arith.constant 0 : index
    %get3A_6 = arith.constant 0 : index
    %get3A_7 = vector.load %arg1[%get3A_4, %get3A_5, %get3A_6] : memref<2x10000x64xf32, #tpu.memory_space<vmem>>, vector<1x10000x64xf32>
    %get3A_8 = vector.shape_cast %get3A_7 : vector<1x10000x64xf32> to vector<10000x64xf32>
    %concatenate3A = tpu.concatenate %get3A_3, %get3A_8 in 1 : vector<10000x64xf32>, vector<10000x64xf32> -> vector<10000x128xf32>
    %get3A_9 = arith.constant 0 : index
    %get3A_10 = arith.constant 0 : index
    %get3A_11 = arith.constant 0 : index
    %get3A_12 = vector.load %arg0[%get3A_9, %get3A_10, %get3A_11] : memref<2x10000x64xbf16, #tpu.memory_space<vmem>>, vector<1x10000x64xbf16>
    %get3A_13 = vector.shape_cast %get3A_12 : vector<1x10000x64xbf16> to vector<10000x64xbf16>
    %get3A_14 = arith.constant 1 : index
    %get3A_15 = arith.constant 0 : index
    %get3A_16 = arith.constant 0 : index
    %get3A_17 = vector.load %arg0[%get3A_14, %get3A_15, %get3A_16] : memref<2x10000x64xbf16, #tpu.memory_space<vmem>>, vector<1x10000x64xbf16>
    %get3A_18 = vector.shape_cast %get3A_17 : vector<1x10000x64xbf16> to vector<10000x64xbf16>
    %concatenate3A_19 = tpu.concatenate %get3A_13, %get3A_18 in 1 : vector<10000x64xbf16>, vector<10000x64xbf16> -> vector<10000x128xbf16>
    %convert_element_type3A = arith.extf %concatenate3A_19 : vector<10000x128xbf16> to vector<10000x128xf32>
    %convert_element_type3A_20 = arith.truncf %concatenate3A : vector<10000x128xf32> to vector<10000x128xbf16>
    %convert_element_type3A_21 = arith.extf %convert_element_type3A_20 : vector<10000x128xbf16> to vector<10000x128xf32>
    %sub3A = arith.subf %convert_element_type3A, %convert_element_type3A_21 : vector<10000x128xf32>
    %add3A = arith.addf %concatenate3A, %sub3A : vector<10000x128xf32>
    %get3A_22 = arith.constant 0 : index
    %get3A_23 = arith.constant 0 : index
    %get3A_24 = vector.load %arg2[%get3A_22, %get3A_23] : memref<128x128xf32, #tpu.memory_space<vmem>>, vector<128x128xf32>
    %dot_general3A = arith.constant dense<0.000000e+00> : vector<10000x128xf32>
    %dot_general3A_25 = tpu.matmul %add3A, %get3A_24, %dot_general3A {dimension_numbers = #tpu.dot_dimension_numbers<[1], [0], [0], [1], [0, 0, 1, 1], [], []>, transpose_lhs_hint = false} : vector<10000x128xf32>, vector<128x128xf32>, vector<10000x128xf32> -> vector<10000x128xf32>
    %get3A_26 = arith.constant 0 : index
    %get3A_27 = arith.constant 0 : index
    %get3A_28 = vector.load %arg3[%get3A_26, %get3A_27] : memref<1x128xf32, #tpu.memory_space<vmem>>, vector<1x128xf32>
    %add3A_29 = vector.broadcast %get3A_28 : vector<1x128xf32> to vector<10000x128xf32>
    %add3A_30 = arith.addf %dot_general3A_25, %add3A_29 : vector<10000x128xf32>
    %max3A = arith.constant 0.000000e+00 : f32
    %max3A_31 = vector.broadcast %max3A : f32 to vector<10000x128xf32>
    %max3A_32 = arith.maximumf %add3A_30, %max3A_31 : vector<10000x128xf32>
    %get3A_33 = arith.constant 0 : index
    %get3A_34 = arith.constant 0 : index
    %get3A_35 = vector.load %arg4[%get3A_33, %get3A_34] : memref<128x128xf32, #tpu.memory_space<vmem>>, vector<128x128xf32>
    %dot_general3A_36 = arith.constant dense<0.000000e+00> : vector<10000x128xf32>
    %dot_general3A_37 = tpu.matmul %max3A_32, %get3A_35, %dot_general3A_36 {dimension_numbers = #tpu.dot_dimension_numbers<[1], [0], [0], [1], [0, 0, 1, 1], [], []>, transpose_lhs_hint = false} : vector<10000x128xf32>, vector<128x128xf32>, vector<10000x128xf32> -> vector<10000x128xf32>
    %get3A_38 = arith.constant 0 : index
    %get3A_39 = arith.constant 0 : index
    %get3A_40 = vector.load %arg5[%get3A_38, %get3A_39] : memref<1x128xf32, #tpu.memory_space<vmem>>, vector<1x128xf32>
    %add3A_41 = vector.broadcast %get3A_40 : vector<1x128xf32> to vector<10000x128xf32>
    %add3A_42 = arith.addf %dot_general3A_37, %add3A_41 : vector<10000x128xf32>
    %reduce_sum3A = arith.constant dense<0.000000e+00> : vector<128xf32>
    %reduce_sum3A_43 = vector.multi_reduction <add>, %add3A_42, %reduce_sum3A [0] : vector<10000x128xf32> to vector<128xf32>
    %broadcast_in_dim3A = vector.shape_cast %reduce_sum3A_43 : vector<128xf32> to vector<1x128xf32>
    %div3A = arith.constant 1.000000e+04 : f32
    %div3A_44 = vector.broadcast %div3A : f32 to vector<1x128xf32>
    %div3A_45 = arith.divf %broadcast_in_dim3A, %div3A_44 : vector<1x128xf32>
    %sub3A_46 = vector.broadcast %div3A_45 : vector<1x128xf32> to vector<10000x128xf32>
    %sub3A_47 = arith.subf %add3A_42, %sub3A_46 : vector<10000x128xf32>
    %integer_pow3A = arith.mulf %sub3A_47, %sub3A_47 : vector<10000x128xf32>
    %reduce_sum3A_48 = arith.constant dense<0.000000e+00> : vector<128xf32>
    %reduce_sum3A_49 = vector.multi_reduction <add>, %integer_pow3A, %reduce_sum3A_48 [0] : vector<10000x128xf32> to vector<128xf32>
    %broadcast_in_dim3A_50 = vector.shape_cast %reduce_sum3A_49 : vector<128xf32> to vector<1x128xf32>
    %div3A_51 = arith.constant 1.000000e+04 : f32
    %div3A_52 = vector.broadcast %div3A_51 : f32 to vector<1x128xf32>
    %div3A_53 = arith.divf %broadcast_in_dim3A_50, %div3A_52 : vector<1x128xf32>
    %sub3A_54 = vector.broadcast %div3A_45 : vector<1x128xf32> to vector<10000x128xf32>
    %sub3A_55 = arith.subf %add3A_42, %sub3A_54 : vector<10000x128xf32>
    %add3A_56 = arith.constant 9.99999974E-6 : f32
    %add3A_57 = vector.broadcast %add3A_56 : f32 to vector<1x128xf32>
    %add3A_58 = arith.addf %div3A_53, %add3A_57 : vector<1x128xf32>
    %rsqrt3A = math.rsqrt %add3A_58 : vector<1x128xf32>
    %mul3A = vector.broadcast %rsqrt3A : vector<1x128xf32> to vector<10000x128xf32>
    %mul3A_59 = arith.mulf %sub3A_55, %mul3A : vector<10000x128xf32>
    %get3A_60 = arith.constant 0 : index
    %get3A_61 = arith.constant 0 : index
    %get3A_62 = vector.load %arg6[%get3A_60, %get3A_61] : memref<1x128xf32, #tpu.memory_space<vmem>>, vector<1x128xf32>
    %mul3A_63 = vector.broadcast %get3A_62 : vector<1x128xf32> to vector<10000x128xf32>
    %mul3A_64 = arith.mulf %mul3A_59, %mul3A_63 : vector<10000x128xf32>
    %get3A_65 = arith.constant 0 : index
    %get3A_66 = arith.constant 0 : index
    %get3A_67 = vector.load %arg7[%get3A_65, %get3A_66] : memref<1x128xf32, #tpu.memory_space<vmem>>, vector<1x128xf32>
    %add3A_68 = vector.broadcast %get3A_67 : vector<1x128xf32> to vector<10000x128xf32>
    %add3A_69 = arith.addf %mul3A_64, %add3A_68 : vector<10000x128xf32>
    %max3A_70 = arith.constant 0.000000e+00 : f32
    %max3A_71 = vector.broadcast %max3A_70 : f32 to vector<10000x128xf32>
    %max3A_72 = arith.maximumf %add3A_69, %max3A_71 : vector<10000x128xf32>
    %add3A_73 = arith.addf %concatenate3A, %max3A_72 : vector<10000x128xf32>
    %iota3A = tpu.iota {dimensions = array<i32: 0>} : vector<64x10000xi32>
    %get3A_74 = arith.constant 0 : index
    %get3A_75 = arith.constant 0 : index
    %get3A_76 = vector.load %arg8[%get3A_74, %get3A_75] : memref<1x10000xi32, #tpu.memory_space<vmem>>, vector<1x10000xi32>
    %eq3A = vector.broadcast %get3A_76 : vector<1x10000xi32> to vector<64x10000xi32>
    %eq3A_77 = arith.cmpi eq, %iota3A, %eq3A : vector<64x10000xi32>
    %convert_element_type3A_78 = arith.extui %eq3A_77 : vector<64x10000xi1> to vector<64x10000xi32>
    %convert_element_type3A_79 = arith.sitofp %convert_element_type3A_78 : vector<64x10000xi32> to vector<64x10000xf32>
    %dot_general3A_80 = arith.constant dense<0.000000e+00> : vector<64x128xf32>
    %dot_general3A_81 = tpu.matmul %convert_element_type3A_79, %add3A_73, %dot_general3A_80 {dimension_numbers = #tpu.dot_dimension_numbers<[1], [0], [0], [1], [0, 0, 1, 1], [], []>, transpose_lhs_hint = false} : vector<64x10000xf32>, vector<10000x128xf32>, vector<64x128xf32> -> vector<64x128xf32>
    %reduce_sum3A_82 = arith.constant dense<0.000000e+00> : vector<64xf32>
    %reduce_sum3A_83 = vector.multi_reduction <add>, %convert_element_type3A_79, %reduce_sum3A_82 [1] : vector<64x10000xf32> to vector<64xf32>
    %broadcast_in_dim3A_84 = vector.shape_cast %reduce_sum3A_83 : vector<64xf32> to vector<64x1xf32>
    %max3A_85 = arith.constant 1.000000e+00 : f32
    %max3A_86 = vector.broadcast %max3A_85 : f32 to vector<64x1xf32>
    %max3A_87 = arith.maximumf %broadcast_in_dim3A_84, %max3A_86 : vector<64x1xf32>
    %div3A_88 = vector.broadcast %max3A_87 : vector<64x1xf32> to vector<64x128xf32>
    %div3A_89 = arith.divf %dot_general3A_81, %div3A_88 : vector<64x128xf32>
    %get3A_90 = arith.constant 0 : index
    %get3A_91 = arith.constant 0 : index
    %get3A_92 = vector.load %arg9[%get3A_90, %get3A_91] : memref<128x128xf32, #tpu.memory_space<vmem>>, vector<128x128xf32>
    %dot_general3A_93 = arith.constant dense<0.000000e+00> : vector<64x128xf32>
    %dot_general3A_94 = tpu.matmul %div3A_89, %get3A_92, %dot_general3A_93 {dimension_numbers = #tpu.dot_dimension_numbers<[1], [0], [0], [1], [0, 0, 1, 1], [], []>, transpose_lhs_hint = false} : vector<64x128xf32>, vector<128x128xf32>, vector<64x128xf32> -> vector<64x128xf32>
    %get3A_95 = arith.constant 0 : index
    %get3A_96 = arith.constant 0 : index
    %get3A_97 = vector.load %arg10[%get3A_95, %get3A_96] : memref<1x128xf32, #tpu.memory_space<vmem>>, vector<1x128xf32>
    %add3A_98 = vector.broadcast %get3A_97 : vector<1x128xf32> to vector<64x128xf32>
    %add3A_99 = arith.addf %dot_general3A_94, %add3A_98 : vector<64x128xf32>
    %max3A_100 = arith.constant 0.000000e+00 : f32
    %max3A_101 = vector.broadcast %max3A_100 : f32 to vector<64x128xf32>
    %max3A_102 = arith.maximumf %add3A_99, %max3A_101 : vector<64x128xf32>
    %get3A_103 = arith.constant 0 : index
    %get3A_104 = arith.constant 0 : index
    %get3A_105 = vector.load %arg11[%get3A_103, %get3A_104] : memref<128x10xf32, #tpu.memory_space<vmem>>, vector<128x10xf32>
    %dot_general3A_106 = arith.constant dense<0.000000e+00> : vector<64x10xf32>
    %dot_general3A_107 = tpu.matmul %max3A_102, %get3A_105, %dot_general3A_106 {dimension_numbers = #tpu.dot_dimension_numbers<[1], [0], [0], [1], [0, 0, 1, 1], [], []>, transpose_lhs_hint = false} : vector<64x128xf32>, vector<128x10xf32>, vector<64x10xf32> -> vector<64x10xf32>
    %get3A_108 = arith.constant 0 : index
    %get3A_109 = arith.constant 0 : index
    %get3A_110 = vector.load %arg12[%get3A_108, %get3A_109] : memref<1x10xf32, #tpu.memory_space<vmem>>, vector<1x10xf32>
    %add3A_111 = vector.broadcast %get3A_110 : vector<1x10xf32> to vector<64x10xf32>
    %add3A_112 = arith.addf %dot_general3A_107, %add3A_111 : vector<64x10xf32>
    %swap3A = arith.constant 0 : index
    %swap3A_113 = arith.constant 0 : index
    %swap3A_114 = vector.load %arg13[%swap3A, %swap3A_113] : memref<64x10xf32, #tpu.memory_space<vmem>>, vector<64x10xf32>
    tpu.vector_store %arg13[%swap3A, %swap3A_113], %add3A_112 {strides = array<i32>} : memref<64x10xf32, #tpu.memory_space<vmem>>, vector<64x10xf32>,
    return
  }
}

</mosaic_0001>

<sc_bundles>
// kernel: kernel.11.cloned.1.call-start
scs
__scs_entry_jumppad:
0x0: {  	(pc) =	sbr.rel $0x88, $3  }
0x1: {  	(tag) =	ssettag $0x0;
	lr =	simm.s32 $0x1  }
0x2: {  	[smem:$0x3F88] =	sst lr;
	_ =	strace $0xD0000000  }
0x3: {  	_ = 	snop  }
0x4: {  	_ = 	snop  }
0x5: {  	_ = 	snop  }
0x6: {  	_ = 	snop  }
0x7: {  	_ = 	snop  }
__scs_overlays_trampoline_lowered:
0x8: {  	[smem:$0x3F97] =	sst s0  }
0x9: {  	[smem:$0x3F98] =	sst s1  }
0xa: {  	[smem:$0x3F99] =	sst s2  }
0xb: {  	[smem:$0x3F9A] =	sst s3  }
0xc: {  	[smem:$0x3F9B] =	sst s4  }
0xd: {  	[smem:$0x3F9C] =	sst s5  }
0xe: {  	[smem:$0x3F9D] =	sst s6  }
0xf: {  	[smem:$0x3F9E] =	sst s7  }
0x10: {  	[smem:$0x3F9F] =	sst s8  }
0x11: {  	[smem:$0x3FA0] =	sst s9;
	s0 =	simm.s32 @!p0 $0x0  }
0x12: {  	s1 =	sld [smem:$0x3F86];
	s0 =	simm.s32 @p0 $0x1  }
0x13: {  	[smem:$0x3FA1] =	sst s0;
	s0 =	simm.s32 @!p1 $0x0  }
0x14: {  	s2 =	sld [smem:$0x3F85];
	s0 =	simm.s32 @p1 $0x1  }
0x15: {  	[smem:$0x3FA2] =	sst s0;
	s0 =	simm.s32 @!p2 $0x0  }
0x16: {  	s3 =	sld [smem:$0x3FDB];
	s0 =	simm.s32 @p2 $0x1  }
0x17: {  	s4 =	simm.s32 $0x1BF5;
	[smem:$0x3FA4] =	sst s0  }
0x18: {  	s0 =	sld [smem:$0x3F87];
	_ =	swait.ge [sflag:s4], $0x0  }
0x19: {  	s7 =	sld [smem:$0x3F88]  }
0x1a: {  	s8 =	sadd.s32 $0xFFFFE003, lr  }
0x1b: {  	s9 =	sadd.s32 $0xFFFFFEF7, lr;
	s5 =	simm.s32 $0xFFFFFFFF;
	p2 =	slt.u32 s8, $0xFFFFF086  }
0x1c: {  	p1 =	slt.u32 s9, $0xF7A;
	s5 =	simm.s32 @!p2 $0x0  }
0x1d: {  	s5 =	simm.s32 @p1 $0x1;
	p0 =	seq.s32 s7, s2  }
0x1e: {  	s7 =	smul.u32 @!p0 $0xF7A, s2;
	p2 =	seq.s32 @!p0 s5, $0x0  }
0x1f: {  	s9 =	smul.u32 $0xF7A, s1;
	s8 =	simm.s32 @!p0 $0x1BF5;
	p2 =	por !p2, p0  }
0x20: {  	[sflag:s8] =	ssyncset.s32 @!p0 $0xFFFFF086;
	s6 =	sadd.s32 @!p0 s3, s7;
	s7 =	simm.s32 @!p0 $0x108  }
0x21: {  	s3 =	sadd.s32 s3, s9;
	s6 =	sadd.s32 @!p0 $0x88, s6;
	s7 =	simm.s32 @p2 $0x1082  }
0x22: {  	[simem:s7], [sflag:s8] =	dma.local @!p0 [hbm:s6], $0xF7A  }
0x23: {  	s9 =	sor.u32 $0xD0000000, s2;
	s6 =	simm.s32 $0x108;
	_ =	swait.ge @!p0 [sflag:s8], $0x0  }
0x24: {  	s3 =	sadd.s32 $0x88, s3;
	s6 =	simm.s32 @!p1 $0x1082;
	[sflag:s4] =	ssyncset.s32 $0xFFFFF086  }
0x25: {  	[simem:s6], [sflag:s4] =	dma.local [hbm:s3], $0xF7A  }
0x26: {  	[smem:$0x3F88] =	sst s1;
	(tag) =	ssettag s2;
	_ =	strace s9  }
0x27: {  	s1 =	sld [smem:$0x3F98]  }
0x28: {  	s2 =	sld [smem:$0x3F99]  }
0x29: {  	s4 =	sld [smem:$0x3F9B]  }
0x2a: {  	p0 =	seq.s32 s5, $0x0;
	s5 =	sld [smem:$0x3F9C]  }
0x2b: {  	s6 =	sld [smem:$0x3F9D]  }
0x2c: {  	s7 =	sld [smem:$0x3F9E]  }
0x2d: {  	s3 =	simm.s32 $0x108;
	s8 =	sld [smem:$0x3F9F]  }
0x2e: {  	s3 =	simm.s32 @!p0 $0x1082;
	s9 =	sld [smem:$0x3FA0]  }
0x2f: {  	lr =	sadd.s32 s0, s3;
	s0 =	sld [smem:$0x3F97]  }
0x30: {  	s3 =	sld [smem:$0x3F9A]  }
0x31: {  	[smem:$0x3FA3] =	sst s10  }
0x32: {  	s10 =	sld [smem:$0x3FA1];
	_ =	sdelay $0x3  }
0x33: {  	p0 =	seq.s32 s10, $0x1;
	s10 =	sld [smem:$0x3FA3];
	_ =	sdelay $0x3  }
0x34: {  	[smem:$0x3FA3] =	sst s10  }
0x35: {  	s10 =	sld [smem:$0x3FA2];
	_ =	sdelay $0x3  }
0x36: {  	p1 =	seq.s32 s10, $0x1;
	s10 =	sld [smem:$0x3FA3];
	_ =	sdelay $0x3  }
0x37: {  	[smem:$0x3FA3] =	sst s10  }
0x38: {  	s10 =	sld [smem:$0x3FA4]  }
0x39: {  	_ = 	snop;
	(pc) =	sbr.ind lr, $3  }
0x3a: {  	_ = 	snop  }
0x3b: {  	_ = 	snop  }
0x3c: {  	p2 =	seq.s32 s10, $0x1;
	s10 =	sld [smem:$0x3FA3]  }
0x3d: {  	_ =	shalt  }
0x3e: {  	_ =	shalt  }
0x3f: {  	_ =	shalt  }
0x40: {  	_ =	shalt  }
0x41: {  	_ =	shalt  }
0x42: {  	_ =	shalt  }
0x43: {  	_ =	shalt  }
0x44: {  	_ =	shalt  }
0x45: {  	_ =	shalt  }
0x46: {  	_ =	shalt  }
0x47: {  	_ =	shalt  }
0x48: {  	_ =	shalt  }
0x49: {  	_ =	shalt  }
0x4a: {  	_ =	shalt  }
0x4b: {  	_ =	shalt  }
0x4c: {  	_ =	shalt  }
0x4d: {  	_ =	shalt  }
0x4e: {  	_ =	shalt  }
0x4f: {  	_ =	shalt  }
0x50: {  	_ =	shalt  }
0x51: {  	_ =	shalt  }
0x52: {  	_ =	shalt  }
0x53: {  	_ =	shalt  }
0x54: {  	_ =	shalt  }
0x55: {  	_ =	shalt  }
0x56: {  	_ =	shalt  }
0x57: {  	_ =	shalt  }
0x58: {  	_ =	shalt  }
0x59: {  	_ =	shalt  }
0x5a: {  	_ =	shalt  }
0x5b: {  	_ =	shalt  }
0x5c: {  	_ =	shalt  }
0x5d: {  	_ =	shalt  }
0x5e: {  	_ =	shalt  }
0x5f: {  	_ =	shalt  }
0x60: {  	_ =	shalt  }
0x61: {  	_ =	shalt  }
0x62: {  	_ =	shalt  }
0x63: {  	_ =	shalt  }
0x64: {  	_ =	shalt  }
0x65: {  	_ =	shalt  }
0x66: {  	_ =	shalt  }
0x67: {  	_ =	shalt  }
0x68: {  	_ =	shalt  }
0x69: {  	_ =	shalt  }
0x6a: {  	_ =	shalt  }
0x6b: {  	_ =	shalt  }
0x6c: {  	_ =	shalt  }
0x6d: {  	_ =	shalt  }
0x6e: {  	_ =	shalt  }
0x6f: {  	_ =	shalt  }
0x70: {  	_ =	shalt  }
0x71: {  	_ =	shalt  }
0x72: {  	_ =	shalt  }
0x73: {  	_ =	shalt  }
0x74: {  	_ =	shalt  }
0x75: {  	_ =	shalt  }
0x76: {  	_ =	shalt  }
0x77: {  	_ =	shalt  }
0x78: {  	_ =	shalt  }
0x79: {  	_ =	shalt  }
0x7a: {  	_ =	shalt  }
0x7b: {  	_ =	shalt  }
0x7c: {  	_ =	shalt  }
0x7d: {  	_ =	shalt  }
0x7e: {  	_ =	shalt  }
0x7f: {  	_ =	shalt  }
0x80: {  	_ =	shalt  }
0x81: {  	_ =	shalt  }
0x82: {  	_ =	shalt  }
0x83: {  	_ =	shalt  }
0x84: {  	_ =	shalt  }
0x85: {  	_ =	shalt  }
0x86: {  	_ =	shalt  }
0x87: {  	_ =	shalt  }
.Lfunc_end0:
.L_simem_size_0:
called_computation.1_lowered:
.L_overlay_start_0:
0x88: {  	s2 =	sld [smem:$0x3FD9]  }
0x89: {  	s3 =	sld [smem:$0x3FFE];
	_ =	sdelay $0x1  }
0x8a: {  	s1 =	srdreg.scid  }
0x8b: {  	s0 =	sand.u32 $0x1, s1  }
0x8c: {  	s16 =	sshll.u32 s0, $0xA;
	s2 =	sadd.s32 s3, s2  }
0x8d: {  	s2 =	sadd.s32 s2, s16  }
0x8e: {  	[smem:$0x3FAF] =	sst s2  }
0x8f: {  	_ = 	snop  }
0x90: {  	(tm) =	ssettm $0x1  }
0x91: {  	s17 =	sld [smem:$0x3FFB];
	_ =	sdelay $0x3  }
0x92: {  	_ =	strace s17  }
0x93: {  	s2 =	sld [smem:$0x3FFC];
	_ =	sdelay $0x3  }
0x94: {  	_ =	strace s2  }
0x95: {  	s2 =	sld [smem:$0x3FFD];
	_ =	sdelay $0x3  }
0x96: {  	_ =	strace s2  }
0x97: {  	_ =	strace $0x8FFFFFFF  }
0x98: {  	s18 =	sld [smem:$0x3FDB];
	_ =	sdelay $0x1  }
0x99: {  	s19 =	simm.s32 $_scs_section_size  }
0x9a: {  	s4 =	simm.s32 $_size__tile_overlayer_lowered;
	s5 =	simm.s32 $_tile_overlayer_lowered  }
0x9b: {  	s22 =	simm.s32 $0x1BFF;
	s21 =	sshll.u32 s5, $0x1;
	s2 =	sadd.s32 s19, s18  }
0x9c: {  	s6 =	simm.s32 $0x0;
	s20 =	sshll.u32 s4, $0x1;
	s4 =	sadd.s32 s21, s2  }
0x9d: {  	[timem:s6], [sflag:s22] =	dma.local [hbm:s4], s20  }
0x9e: {  	_ =	swait.ge [sflag:s22], s20  }
0x9f: {  	s3 =	ssub.s32 $0x0, s20;
	[sflag:s22] =	ssyncset.done $0x0  }
0xa0: {  	[sflag:s22] =	ssyncadd.s32 s3;
	_ =	sdelay $0x1  }
0xa1: {  	s23 =	simm.s32 $0x1B8B  }
0xa2: {  	_ =	swait.ge [sflag:s23], $0x1  }
0xa3: {  	[sflag:s23] =	ssyncset.done $0x0  }
0xa4: {  	s25 =	simm.s32 $0x1B8E;
	s24 =	sld [smem:$0x3FFE];
	[sflag:s23] =	ssyncadd.s32 $0xFFFFFFFF  }
0xa5: {  	s26 =	simm.s32 $execute0_lowered;
	[smem:$0x3FD2] =	sst s25  }
0xa6: {  	s4 =	sshll.u32 s26, $0x1;
	_ =	strace $0x80000049;
	[dreg:$0x1] =	wrdreg $0xFFFFFFFF  }
0xa7: {  	s28 =	simm.s32 $_size_execute0_lowered;
	s2 =	sadd.s32 s2, s4;
	[dreg:$0x0] =	wrdreg $0x0  }
0xa8: {  	s4 =	sshll.u32 s28, $0x1;
	[dreg:$0x2] =	wrdreg s2  }
0xa9: {  	[dreg:$0x3] =	wrdreg s4  }
0xaa: {  	[dreg:$0x4] =	wrdreg $0xC0  }
0xab: {  	_ =	task [dreg:s6], $0x5FFFF  }
0xac: {  	[dreg:$0x1] =	wrdreg $0xFFFFFFFF  }
0xad: {  	[dreg:$0x0] =	wrdreg $0x60  }
0xae: {  	[dreg:$0x2] =	wrdreg s24  }
0xaf: {  	[dreg:$0x3] =	wrdreg $0x0  }
0xb0: {  	[dreg:$0x4] =	wrdreg $0x4E200  }
0xb1: {  	[dreg:$0x5] =	wrdreg $0x9  }
0xb2: {  	_ =	task.clear_ibuf [dreg:s6], $0x6FFFF;
	_ =	strace $0x90000049  }
0xb3: {  	s29 =	simm.s32 $0x9;
	_ =	strace $0x8000004B  }
0xb4: {  	_ =	swait.ge [sflag:s29], $0x1  }
0xb5: {  	[sflag:s29] =	ssyncadd.s32 $0xFFFFFFFF  }
0xb6: {  	_ =	strace $0x9000004B  }
0xb7: {  	_ =	sfence  }
0xb8: {  	s30 =	sld [smem:$0x0];
	_ =	sdelay $0x2  }
0xb9: {  	s31 =	sshll.u32 s1, $0xD;
	s1 =	sshrl.u32 s1, $0x2  }
0xba: {  	s3 =	sand.u32 $0x4000, s31;
	s1 =	sadd.s32 s1, s30  }
0xbb: {  	s0 =	sor.u32 s3, s0;
	s1 =	sshll.u32 s1, $0x11  }
0xbc: {  	s0 =	sor.u32 s1, s0  }
0xbd: {  	s0 =	sadd.s32 $0x8F2B, s0  }
0xbe: {  	[sflag:s0] =	ssyncadd.remote.s32 $0x1  }
0xbf: {  	_ =	sfence.sel $0xFFFF  }
0xc0: {  	[dreg:$0x0] =	wrdreg $0xFFFFFFFF;
	(pc) =	sbr.abs _section_cstart, $3  }
0xc1: {  	[dreg:$0x1] =	wrdreg $0xFFFFFFFF  }
0xc2: {  	_ =	task.clear_ibuf [dreg:s6], $0x2FFFF;
	_ =	strace $0x9FFFFFFF  }
0xc3: {  	(tm) =	ssettm $0x7FFFFFFF  }
tec
execute0_lowered:
.L_overlay_start_1:
0x0: {  	(tag) =	ssettag $0x1  }
0x1: {  	s0 =	rddreg [dreg:$0x0]  }
0x2: {  	s2 =	rddreg [dreg:$0x1]  }
0x3: {  	s3 =	rddreg [dreg:$0x2];
	s13 =	stileid.u32  }
0x4: {  	s1 =	srdreg.scid;
	s4 =	simm.s32 $0x0;
	s10 =	simm.s32 $0x5  }
0x5: {  	s16 =	simm.s32 $0x50;
	s17 =	simm.s32 $0x13CE0;
	s19 =	simm.s32 $0x146E0  }
0x6: {  	s21 =	simm.s32 $0x150E0;
	s23 =	simm.s32 $0x15AE0;
	s28 =	simm.s32 $0x178E0  }
0x7: {  	s29 =	simm.s32 $0x182E0;
	s30 =	simm.s32 $0x4;
	s5 =	smul.u32 $0xA00, s13  }
0x8: {  	s31 =	simm.s32 $0x1;
	s1 =	sand.u32 $0x1, s1;
	s8 =	smul.u32 $0x9C40, s13  }
0x9: {  	[smem:$0x7FF] =	sst s4;
	s26 =	sshll.u32 s13, $0x6;
	s6 =	smul.u32 $0x9C40, s1  }
0xa: {  	s1 =	ssub.s32 $0x2, s1;
	_ =	strace $0x8000004A;
	s13 =	sor.u32 $0x1C05, s26  }
0xb: {  	s26 =	simm.s32 $0x16EE0;
	s7 =	sshrl.u32 s1, $0x1;
	s9 =	sadd.s32 s5, s0  }
0xc: {  	s25 =	sshrl.u32 s8, $0x1;
	s18 =	sshrl.u32 s8, $0x4;
	s0 =	sadd.s32 s6, s0  }
0xd: {  	s1 =	ssub.s32 s1, s7;
	s5 =	sadd.s32 $0xE200, s9;
	s6 =	sadd.s32 $0x4200, s9  }
0xe: {  	s11 =	sadd.s32 s25, s2;
	s15 =	sadd.s32 s25, s3;
	s7 =	sadd.s32 $0x4E200, s3  }
0xf: {  	s9 =	simm.s32 $0x9CE0;
	s25 =	simm.s32 $0x164E0;
	s12 =	sadd.s32 $0x66400, s0  }
0x10: {  	s0 =	sadd.s32 $0x79E00, s0;
	s8 =	smax.u32 s1, $0x1;
	s14 =	sshrl.u32 s11, $0x3  }
0x11: {  	s15 =	sshrl.u32 s15, $0x3;
	s1 =	simm.s32 $0x2;
	s11 =	simm.s32 $0x0  }
0x12: {  	s12 =	sadd.s32 s18, s12;
	s24 =	sadd.s32 s18, s0;
	s0 =	simm.s32 $0x3  }
.LBB2_1:
0x13: {  	[tilespmem:s9], [sflag:$0x5] =	stream.linear.gather [hbm4b:s5+s4], $0x5000, $0x38;
	[tilespmem:$0x18CE0] =	vst v63  }
0x14: {  	_ =	swait.ge [sflag:s10], $0x5000  }
0x15: {  	[sflag:s10] =	ssyncset.done $0x0  }
0x16: {  	s18 =	simm.s32 $0xECE0;
	[sflag:s10] =	ssyncadd.s32 $0xFFFFB000  }
0x17: {  	[tilespmem:s18], [sflag:$0x5] =	stream.linear.gather [hbm4b:s6+s4], $0x5000, $0x38;
	[tilespmem:$0x18CE0] =	vst v63  }
0x18: {  	_ =	swait.ge [sflag:s10], $0x5000  }
0x19: {  	[sflag:s10] =	ssyncset.done $0x0  }
0x1a: {  	[sflag:s10] =	ssyncadd.s32 $0xFFFFB000  }
0x1b: {  	[spmem:s14], [sflag:s13] =	dma.local [hbm:s12], $0x9C4  }
0x1c: {  	_ =	swait.ge [sflag:s10], $0x9C4  }
0x1d: {  	[sflag:s10] =	ssyncset.done $0x0  }
0x1e: {  	[sflag:s10] =	ssyncadd.s32 $0xFFFFF63C  }
0x1f: {  	[spmem:s15], [sflag:s13] =	dma.local [hbm:s12], $0x9C4  }
0x20: {  	_ =	swait.ge [sflag:s10], $0x9C4  }
0x21: {  	[sflag:s10] =	ssyncset.done $0x0  }
0x22: {  	[sflag:s10] =	ssyncadd.s32 $0xFFFFF63C  }
0x23: {  	[bflag:$0x0] =	sbarrier.arrive $0xFFFF  }
0x24: {  	[tilespmem:s17], [sflag:$0x1] =	stream.indirect.gather [spmem:s2], $0x20, s9, s16, $0xb8;
	[tilespmem:$0x18CE0] =	vst v63  }
0x25: {  	s20 =	simm.s32 $0x9D30  }
0x26: {  	[tilespmem:s19], [sflag:$0x1] =	stream.indirect.gather [spmem:s2], $0x20, s20, s16, $0xb8;
	[tilespmem:$0x18CE0] =	vst v63  }
0x27: {  	s22 =	simm.s32 $0x9D80  }
0x28: {  	[tilespmem:s21], [sflag:$0x1] =	stream.indirect.gather [spmem:s2], $0x20, s22, s16, $0xb8;
	[tilespmem:$0x18CE0] =	vst v63  }
0x29: {  	s20 =	simm.s32 $0x9DD0  }
0x2a: {  	[tilespmem:s23], [sflag:$0x1] =	stream.indirect.gather [spmem:s2], $0x20, s20, s16, $0xb8;
	[tilespmem:$0x18CE0] =	vst v63  }
0x2b: {  	_ = 	snop  }
0x2c: {  	[spmem:s7] =	stream.linear.scatter [tilespmem:s25], [sflag:$0x4], $0xA00, $0x38;
	[tilespmem:$0x18CE0] =	vst v63  }
0x2d: {  	_ = 	snop  }
0x2e: {  	[spmem:s7] =	stream.linear.scatter [tilespmem:s26], [sflag:$0x4], $0xA00, $0x38;
	[tilespmem:$0x18CE0] =	vst v63  }
0x2f: {  	_ = 	snop  }
0x30: {  	[spmem:s7] =	stream.linear.scatter [tilespmem:s28], [sflag:$0x4], $0xA00, $0x38;
	[tilespmem:$0x18CE0] =	vst v63  }
0x31: {  	_ = 	snop  }
0x32: {  	[spmem:s7] =	stream.linear.scatter [tilespmem:s29], [sflag:$0x4], $0xA00, $0x38;
	[tilespmem:$0x18CE0] =	vst v63  }
0x33: {  	_ =	swait.ge [sflag:s30], $0xA00  }
0x34: {  	[sflag:s30] =	ssyncset.done $0x0  }
0x35: {  	[sflag:s30] =	ssyncadd.s32 $0xFFFFF600  }
0x36: {  	_ =	swait.ge [sflag:s30], $0xA00  }
0x37: {  	[sflag:s30] =	ssyncset.done $0x0  }
0x38: {  	[sflag:s30] =	ssyncadd.s32 $0xFFFFF600  }
0x39: {  	_ =	swait.ge [sflag:s30], $0xA00  }
0x3a: {  	[sflag:s30] =	ssyncset.done $0x0  }
0x3b: {  	[sflag:s30] =	ssyncadd.s32 $0xFFFFF600  }
0x3c: {  	_ =	swait.ge [sflag:s30], $0xA00  }
0x3d: {  	[sflag:s30] =	ssyncset.done $0x0  }
0x3e: {  	s22 =	simm.s32 $0x9E20;
	[sflag:s30] =	ssyncadd.s32 $0xFFFFF600  }
0x3f: {  	[tilespmem:s25], [sflag:$0x2] =	stream.indirect.gather [spmem:s2], $0x20, s22, s16, $0xb8;
	[tilespmem:$0x18CE0] =	vst v63  }
0x40: {  	s20 =	simm.s32 $0x9E70  }
0x41: {  	[tilespmem:s26], [sflag:$0x2] =	stream.indirect.gather [spmem:s2], $0x20, s20, s16, $0xb8;
	[tilespmem:$0x18CE0] =	vst v63  }
0x42: {  	s22 =	simm.s32 $0x9EC0  }
0x43: {  	[tilespmem:s28], [sflag:$0x2] =	stream.indirect.gather [spmem:s2], $0x20, s22, s16, $0xb8;
	[tilespmem:$0x18CE0] =	vst v63  }
0x44: {  	s20 =	simm.s32 $0x9F10  }
0x45: {  	[tilespmem:s29], [sflag:$0x2] =	stream.indirect.gather [spmem:s2], $0x20, s20, s16, $0xb8;
	[tilespmem:$0x18CE0] =	vst v63  }
0x46: {  	_ =	swait.ge [sflag:s31], $0xA00  }
0x47: {  	[sflag:s31] =	ssyncset.done $0x0  }
0x48: {  	[sflag:s31] =	ssyncadd.s32 $0xFFFFF600  }
0x49: {  	_ =	swait.ge [sflag:s31], $0xA00  }
0x4a: {  	[sflag:s31] =	ssyncset.done $0x0  }
0x4b: {  	[sflag:s31] =	ssyncadd.s32 $0xFFFFF600  }
0x4c: {  	_ =	swait.ge [sflag:s31], $0xA00  }
0x4d: {  	[sflag:s31] =	ssyncset.done $0x0  }
0x4e: {  	[sflag:s31] =	ssyncadd.s32 $0xFFFFF600  }
0x4f: {  	_ =	swait.ge [sflag:s31], $0xA00  }
0x50: {  	[sflag:s31] =	ssyncset.done $0x0  }
0x51: {  	s22 =	simm.s32 $0xECE0;
	[sflag:s31] =	ssyncadd.s32 $0xFFFFF600  }
0x52: {  	[spmem:s3] =	stream.indirect.scatter.add.bf16 [tilespmem:s17], [sflag:$0x3], $0x20, s22, s16, $0xb8;
	[tilespmem:$0x18CE0] =	vst v63  }
0x53: {  	s20 =	simm.s32 $0xED30  }
0x54: {  	[spmem:s3] =	stream.indirect.scatter.add.bf16 [tilespmem:s19], [sflag:$0x3], $0x20, s20, s16, $0xb8;
	[tilespmem:$0x18CE0] =	vst v63  }
0x55: {  	s22 =	simm.s32 $0xED80  }
0x56: {  	[spmem:s3] =	stream.indirect.scatter.add.bf16 [tilespmem:s21], [sflag:$0x3], $0x20, s22, s16, $0xb8;
	[tilespmem:$0x18CE0] =	vst v63  }
0x57: {  	s20 =	simm.s32 $0xEDD0  }
0x58: {  	[spmem:s3] =	stream.indirect.scatter.add.bf16 [tilespmem:s23], [sflag:$0x3], $0x20, s20, s16, $0xb8;
	[tilespmem:$0x18CE0] =	vst v63  }
0x59: {  	_ =	swait.ge [sflag:s0], $0xA00  }
0x5a: {  	[sflag:s0] =	ssyncset.done $0x0  }
0x5b: {  	[sflag:s0] =	ssyncadd.s32 $0xFFFFF600  }
0x5c: {  	_ =	swait.ge [sflag:s0], $0xA00  }
0x5d: {  	[sflag:s0] =	ssyncset.done $0x0  }
0x5e: {  	[sflag:s0] =	ssyncadd.s32 $0xFFFFF600  }
0x5f: {  	_ =	swait.ge [sflag:s0], $0xA00  }
0x60: {  	[sflag:s0] =	ssyncset.done $0x0  }
0x61: {  	[sflag:s0] =	ssyncadd.s32 $0xFFFFF600  }
0x62: {  	_ =	swait.ge [sflag:s0], $0xA00  }
0x63: {  	[sflag:s0] =	ssyncset.done $0x0  }
0x64: {  	s22 =	simm.s32 $0x9F60;
	[sflag:s0] =	ssyncadd.s32 $0xFFFFF600  }
0x65: {  	[tilespmem:s17], [sflag:$0x1] =	stream.indirect.gather [spmem:s2], $0x20, s22, s16, $0xb8;
	[tilespmem:$0x18CE0] =	vst v63  }
0x66: {  	s20 =	simm.s32 $0x9FB0  }
0x67: {  	[tilespmem:s19], [sflag:$0x1] =	stream.indirect.gather [spmem:s2], $0x20, s20, s16, $0xb8;
	[tilespmem:$0x18CE0] =	vst v63  }
0x68: {  	s22 =	simm.s32 $0xA000  }
0x69: {  	[tilespmem:s21], [sflag:$0x1] =	stream.indirect.gather [spmem:s2], $0x20, s22, s16, $0xb8;
	[tilespmem:$0x18CE0] =	vst v63  }
0x6a: {  	s20 =	simm.s32 $0xA050  }
0x6b: {  	[tilespmem:s23], [sflag:$0x1] =	stream.indirect.gather [spmem:s2], $0x20, s20, s16, $0xb8;
	[tilespmem:$0x18CE0] =	vst v63  }
0x6c: {  	_ =	swait.ge [sflag:s1], $0xA00  }
0x6d: {  	[sflag:s1] =	ssyncset.done $0x0  }
0x6e: {  	[sflag:s1] =	ssyncadd.s32 $0xFFFFF600  }
0x6f: {  	_ =	swait.ge [sflag:s1], $0xA00  }
0x70: {  	[sflag:s1] =	ssyncset.done $0x0  }
0x71: {  	[sflag:s1] =	ssyncadd.s32 $0xFFFFF600  }
0x72: {  	_ =	swait.ge [sflag:s1], $0xA00  }
0x73: {  	[sflag:s1] =	ssyncset.done $0x0  }
0x74: {  	[sflag:s1] =	ssyncadd.s32 $0xFFFFF600  }
0x75: {  	_ =	swait.ge [sflag:s1], $0xA00  }
0x76: {  	[sflag:s1] =	ssyncset.done $0x0  }
0x77: {  	s22 =	simm.s32 $0xEE20;
	[sflag:s1] =	ssyncadd.s32 $0xFFFFF600  }
0x78: {  	[spmem:s3] =	stream.indirect.scatter.add.bf16 [tilespmem:s25], [sflag:$0x4], $0x20, s22, s16, $0xb8;
	[tilespmem:$0x18CE0] =	vst v63  }
0x79: {  	s20 =	simm.s32 $0xEE70  }
0x7a: {  	[spmem:s3] =	stream.indirect.scatter.add.bf16 [tilespmem:s26], [sflag:$0x4], $0x20, s20, s16, $0xb8;
	[tilespmem:$0x18CE0] =	vst v63  }
0x7b: {  	s18 =	simm.s32 $0xA00;
	s22 =	simm.s32 $0xEEC0;
	s20 =	simm.s32 $0xEF10  }
0x7c: {  	[spmem:s3] =	stream.indirect.scatter.add.bf16 [tilespmem:s28], [sflag:$0x4], $0x20, s22, s16, $0xb8;
	[tilespmem:$0x18CE0] =	vst v63  }
.LBB2_2:
0x7d: {  	[spmem:s3] =	stream.indirect.scatter.add.bf16 [tilespmem:s29], [sflag:$0x4], $0x20, s20, s16, $0xb8;
	[tilespmem:$0x18CE0] =	vst v63  }
0x7e: {  	s20 =	smov.u32 s18  }
0x7f: {  	p0 =	sne.s32 s18, $0x13600;
	s18 =	sadd.s32 $0xA00, s18;
	_ =	swait.ge [sflag:s30], $0xA00  }
0x80: {  	[sflag:s30] =	ssyncset.done $0x0  }
0x81: {  	[sflag:s30] =	ssyncadd.s32 $0xFFFFF600  }
0x82: {  	_ =	swait.ge [sflag:s30], $0xA00  }
0x83: {  	[sflag:s30] =	ssyncset.done $0x0  }
0x84: {  	[sflag:s30] =	ssyncadd.s32 $0xFFFFF600  }
0x85: {  	_ =	swait.ge [sflag:s30], $0xA00  }
0x86: {  	[sflag:s30] =	ssyncset.done $0x0  }
0x87: {  	[sflag:s30] =	ssyncadd.s32 $0xFFFFF600  }
0x88: {  	_ =	swait.ge [sflag:s30], $0xA00  }
0x89: {  	s20 =	sshra.s32 s20, $0x2;
	[sflag:s30] =	ssyncset.done $0x0  }
0x8a: {  	s22 =	sadd.s32 $0x9E20, s20;
	[sflag:s30] =	ssyncadd.s32 $0xFFFFF600  }
0x8b: {  	[tilespmem:s25], [sflag:$0x2] =	stream.indirect.gather [spmem:s2], $0x20, s22, s16, $0xb8;
	[tilespmem:$0x18CE0] =	vst v63  }
0x8c: {  	s22 =	sadd.s32 $0x9E70, s20  }
0x8d: {  	[tilespmem:s26], [sflag:$0x2] =	stream.indirect.gather [spmem:s2], $0x20, s22, s16, $0xb8;
	[tilespmem:$0x18CE0] =	vst v63  }
0x8e: {  	s22 =	sadd.s32 $0x9EC0, s20  }
0x8f: {  	[tilespmem:s28], [sflag:$0x2] =	stream.indirect.gather [spmem:s2], $0x20, s22, s16, $0xb8;
	[tilespmem:$0x18CE0] =	vst v63  }
0x90: {  	s22 =	sadd.s32 $0x9F10, s20  }
0x91: {  	[tilespmem:s29], [sflag:$0x2] =	stream.indirect.gather [spmem:s2], $0x20, s22, s16, $0xb8;
	[tilespmem:$0x18CE0] =	vst v63  }
0x92: {  	_ =	swait.ge [sflag:s31], $0xA00  }
0x93: {  	[sflag:s31] =	ssyncset.done $0x0  }
0x94: {  	[sflag:s31] =	ssyncadd.s32 $0xFFFFF600  }
0x95: {  	_ =	swait.ge [sflag:s31], $0xA00  }
0x96: {  	[sflag:s31] =	ssyncset.done $0x0  }
0x97: {  	[sflag:s31] =	ssyncadd.s32 $0xFFFFF600  }
0x98: {  	_ =	swait.ge [sflag:s31], $0xA00  }
0x99: {  	[sflag:s31] =	ssyncset.done $0x0  }
0x9a: {  	[sflag:s31] =	ssyncadd.s32 $0xFFFFF600  }
0x9b: {  	_ =	swait.ge [sflag:s31], $0xA00  }
0x9c: {  	[sflag:s31] =	ssyncset.done $0x0  }
0x9d: {  	s22 =	sadd.s32 $0xECE0, s20;
	[sflag:s31] =	ssyncadd.s32 $0xFFFFF600  }
0x9e: {  	[spmem:s3] =	stream.indirect.scatter.add.bf16 [tilespmem:s17], [sflag:$0x3], $0x20, s22, s16, $0xb8;
	[tilespmem:$0x18CE0] =	vst v63  }
0x9f: {  	s22 =	sadd.s32 $0xED30, s20  }
0xa0: {  	[spmem:s3] =	stream.indirect.scatter.add.bf16 [tilespmem:s19], [sflag:$0x3], $0x20, s22, s16, $0xb8;
	[tilespmem:$0x18CE0] =	vst v63  }
0xa1: {  	s22 =	sadd.s32 $0xED80, s20  }
0xa2: {  	[spmem:s3] =	stream.indirect.scatter.add.bf16 [tilespmem:s21], [sflag:$0x3], $0x20, s22, s16, $0xb8;
	[tilespmem:$0x18CE0] =	vst v63  }
0xa3: {  	s22 =	sadd.s32 $0xEDD0, s20  }
0xa4: {  	[spmem:s3] =	stream.indirect.scatter.add.bf16 [tilespmem:s23], [sflag:$0x3], $0x20, s22, s16, $0xb8;
	[tilespmem:$0x18CE0] =	vst v63  }
0xa5: {  	_ =	swait.ge [sflag:s0], $0xA00  }
0xa6: {  	[sflag:s0] =	ssyncset.done $0x0  }
0xa7: {  	[sflag:s0] =	ssyncadd.s32 $0xFFFFF600  }
0xa8: {  	_ =	swait.ge [sflag:s0], $0xA00  }
0xa9: {  	[sflag:s0] =	ssyncset.done $0x0  }
0xaa: {  	[sflag:s0] =	ssyncadd.s32 $0xFFFFF600  }
0xab: {  	_ =	swait.ge [sflag:s0], $0xA00  }
0xac: {  	[sflag:s0] =	ssyncset.done $0x0  }
0xad: {  	[sflag:s0] =	ssyncadd.s32 $0xFFFFF600  }
0xae: {  	_ =	swait.ge [sflag:s0], $0xA00  }
0xaf: {  	[sflag:s0] =	ssyncset.done $0x0  }
0xb0: {  	s22 =	sadd.s32 $0x9F60, s20;
	[sflag:s0] =	ssyncadd.s32 $0xFFFFF600  }
0xb1: {  	[tilespmem:s17], [sflag:$0x1] =	stream.indirect.gather [spmem:s2], $0x20, s22, s16, $0xb8;
	[tilespmem:$0x18CE0] =	vst v63  }
0xb2: {  	s22 =	sadd.s32 $0x9FB0, s20  }
0xb3: {  	[tilespmem:s19], [sflag:$0x1] =	stream.indirect.gather [spmem:s2], $0x20, s22, s16, $0xb8;
	[tilespmem:$0x18CE0] =	vst v63  }
0xb4: {  	s22 =	sadd.s32 $0xA000, s20  }
0xb5: {  	[tilespmem:s21], [sflag:$0x1] =	stream.indirect.gather [spmem:s2], $0x20, s22, s16, $0xb8;
	[tilespmem:$0x18CE0] =	vst v63  }
0xb6: {  	s22 =	sadd.s32 $0xA050, s20  }
0xb7: {  	[tilespmem:s23], [sflag:$0x1] =	stream.indirect.gather [spmem:s2], $0x20, s22, s16, $0xb8;
	[tilespmem:$0x18CE0] =	vst v63  }
0xb8: {  	_ =	swait.ge [sflag:s1], $0xA00  }
0xb9: {  	[sflag:s1] =	ssyncset.done $0x0  }
0xba: {  	[sflag:s1] =	ssyncadd.s32 $0xFFFFF600  }
0xbb: {  	_ =	swait.ge [sflag:s1], $0xA00  }
0xbc: {  	[sflag:s1] =	ssyncset.done $0x0  }
0xbd: {  	[sflag:s1] =	ssyncadd.s32 $0xFFFFF600  }
0xbe: {  	_ =	swait.ge [sflag:s1], $0xA00  }
0xbf: {  	[sflag:s1] =	ssyncset.done $0x0  }
0xc0: {  	[sflag:s1] =	ssyncadd.s32 $0xFFFFF600  }
0xc1: {  	_ =	swait.ge [sflag:s1], $0xA00  }
0xc2: {  	[sflag:s1] =	ssyncset.done $0x0  }
0xc3: {  	s22 =	sadd.s32 $0xEE20, s20;
	[sflag:s1] =	ssyncadd.s32 $0xFFFFF600  }
0xc4: {  	[spmem:s3] =	stream.indirect.scatter.add.bf16 [tilespmem:s25], [sflag:$0x4], $0x20, s22, s16, $0xb8;
	[tilespmem:$0x18CE0] =	vst v63  }
.Ltmp0:
0xc5: {  	s22 =	sadd.s32 $0xEE70, s20;
	(pc) =	sbr.rel @p0 .LBB2_2-.Ltmp0, $4  }
0xc6: {  	[spmem:s3] =	stream.indirect.scatter.add.bf16 [tilespmem:s26], [sflag:$0x4], $0x20, s22, s16, $0xb8;
	[tilespmem:$0x18CE0] =	vst v63  }
0xc7: {  	s22 =	sadd.s32 $0xEEC0, s20  }
0xc8: {  	[spmem:s3] =	stream.indirect.scatter.add.bf16 [tilespmem:s28], [sflag:$0x4], $0x20, s22, s16, $0xb8;
	[tilespmem:$0x18CE0] =	vst v63  }
0xc9: {  	s20 =	sadd.s32 $0xEF10, s20  }
0xca: {  	[spmem:s3] =	stream.indirect.scatter.add.bf16 [tilespmem:s29], [sflag:$0x4], $0x20, s20, s16, $0xb8;
	[tilespmem:$0x18CE0] =	vst v63  }
0xcb: {  	_ =	swait.ge [sflag:s30], $0xA00  }
0xcc: {  	[sflag:s30] =	ssyncset.done $0x0  }
0xcd: {  	[sflag:s30] =	ssyncadd.s32 $0xFFFFF600  }
0xce: {  	_ =	swait.ge [sflag:s30], $0xA00  }
0xcf: {  	[sflag:s30] =	ssyncset.done $0x0  }
0xd0: {  	[sflag:s30] =	ssyncadd.s32 $0xFFFFF600  }
0xd1: {  	_ =	swait.ge [sflag:s30], $0xA00  }
0xd2: {  	[sflag:s30] =	ssyncset.done $0x0  }
0xd3: {  	[sflag:s30] =	ssyncadd.s32 $0xFFFFF600  }
0xd4: {  	_ =	swait.ge [sflag:s30], $0xA00  }
0xd5: {  	[sflag:s30] =	ssyncset.done $0x0  }
0xd6: {  	[sflag:s30] =	ssyncadd.s32 $0xFFFFF600  }
0xd7: {  	_ =	swait.ge [sflag:s31], $0xA00  }
0xd8: {  	[sflag:s31] =	ssyncset.done $0x0  }
0xd9: {  	[sflag:s31] =	ssyncadd.s32 $0xFFFFF600  }
0xda: {  	_ =	swait.ge [sflag:s31], $0xA00  }
0xdb: {  	[sflag:s31] =	ssyncset.done $0x0  }
0xdc: {  	[sflag:s31] =	ssyncadd.s32 $0xFFFFF600  }
0xdd: {  	_ =	swait.ge [sflag:s31], $0xA00  }
0xde: {  	[sflag:s31] =	ssyncset.done $0x0  }
0xdf: {  	[sflag:s31] =	ssyncadd.s32 $0xFFFFF600  }
0xe0: {  	_ =	swait.ge [sflag:s31], $0xA00  }
0xe1: {  	s11 =	sadd.s32 $0x1, s11;
	[sflag:s31] =	ssyncset.done $0x0  }
0xe2: {  	p0 =	sne.s32 s11, s8;
	[sflag:s31] =	ssyncadd.s32 $0xFFFFF600  }
.Ltmp1:
0xe3: {  	[bflag:$0x0] =	sbarrier.arrive $0xFFFF;
	(pc) =	sbr.rel @p0 .LBB2_1-.Ltmp1, $4  }
0xe4: {  	[hbm:s24], [sflag:s13] =	dma.local [spmem:s15], $0x9C4  }
0xe5: {  	_ =	swait.ge [sflag:s10], $0x9C4  }
0xe6: {  	[sflag:s10] =	ssyncset.done $0x0  }
0xe7: {  	[sflag:s10] =	ssyncadd.s32 $0xFFFFF63C  }
0xe8: {  	_ =	sfence.sel $0x180000  }
0xe9: {  	[bflag:$0x0] =	sbarrier.arrive $0xFFFF  }
0xea: {  	_ =	strace $0x9000004A  }
0xeb: {  	s0 =	stileid.u32;
	[bflag:$0x2] =	sbarrier.arrive $0xFFFF  }
0xec: {  	p0 =	sne.s32 s0, $0x0;
	s0 =	rddreg [dreg:$0x3]  }
0xed: {  	s0 =	sadd.s32 @!p0 $0x100000, s0  }
0xee: {  	[sflag:s0] =	ssyncadd.tile.s32 @!p0 $0x1;
	_ =	shalt  }
.Lfunc_end2:
_tile_overlayer_lowered:
.L_overlay_start_2:
0xef: {  	(tag) =	ssettag $0x2  }
0xf0: {  	s0 =	rddreg [dreg:$0x0];
	s2 =	stileid.u32  }
0xf1: {  	s1 =	rddreg [dreg:$0x1];
	p0 =	sne.s32 s2, $0x0  }
0xf2: {  	s3 =	rddreg [dreg:$0x2];
	[bflag:$0x3] =	sbarrier.arrive $0xFFFF;
	s2 =	simm.s32 @!p0 $0x1C05  }
0xf3: {  	[timem:s3], [sflag:s2] =	dma.local @!p0 [hbm:s0], s1  }
0xf4: {  	s0 =	simm.s32 @!p0 $0x5  }
0xf5: {  	_ =	swait.ge @!p0 [sflag:s0], s1  }
0xf6: {  	s1 =	ssub.s32 @!p0 $0x0, s1;
	[sflag:s0] =	ssyncset.done @!p0 $0x0  }
0xf7: {  	[sflag:s0] =	ssyncadd.s32 @!p0 s1  }
0xf8: {  	[bflag:$0x3] =	sbarrier.arrive $0xFFFF  }
0xf9: {  	_ =	shalt  }

// kernel: kernel.14.cloned.1.call-start
scs
__scs_entry_jumppad:
0x0: {  	(pc) =	sbr.rel $0x88, $3  }
0x1: {  	(tag) =	ssettag $0x0;
	lr =	simm.s32 $0x1  }
0x2: {  	[smem:$0x3F88] =	sst lr;
	_ =	strace $0xD0000000  }
0x3: {  	_ = 	snop  }
0x4: {  	_ = 	snop  }
0x5: {  	_ = 	snop  }
0x6: {  	_ = 	snop  }
0x7: {  	_ = 	snop  }
__scs_overlays_trampoline_lowered:
0x8: {  	[smem:$0x3F97] =	sst s0  }
0x9: {  	[smem:$0x3F98] =	sst s1  }
0xa: {  	[smem:$0x3F99] =	sst s2  }
0xb: {  	[smem:$0x3F9A] =	sst s3  }
0xc: {  	[smem:$0x3F9B] =	sst s4  }
0xd: {  	[smem:$0x3F9C] =	sst s5  }
0xe: {  	[smem:$0x3F9D] =	sst s6  }
0xf: {  	[smem:$0x3F9E] =	sst s7  }
0x10: {  	[smem:$0x3F9F] =	sst s8  }
0x11: {  	[smem:$0x3FA0] =	sst s9;
	s0 =	simm.s32 @!p0 $0x0  }
0x12: {  	s1 =	sld [smem:$0x3F86];
	s0 =	simm.s32 @p0 $0x1  }
0x13: {  	[smem:$0x3FA1] =	sst s0;
	s0 =	simm.s32 @!p1 $0x0  }
0x14: {  	s2 =	sld [smem:$0x3F85];
	s0 =	simm.s32 @p1 $0x1  }
0x15: {  	[smem:$0x3FA2] =	sst s0;
	s0 =	simm.s32 @!p2 $0x0  }
0x16: {  	s3 =	sld [smem:$0x3FDB];
	s0 =	simm.s32 @p2 $0x1  }
0x17: {  	s4 =	simm.s32 $0x1BF5;
	[smem:$0x3FA4] =	sst s0  }
0x18: {  	s0 =	sld [smem:$0x3F87];
	_ =	swait.ge [sflag:s4], $0x0  }
0x19: {  	s7 =	sld [smem:$0x3F88]  }
0x1a: {  	s8 =	sadd.s32 $0xFFFFE003, lr  }
0x1b: {  	s9 =	sadd.s32 $0xFFFFFEF7, lr;
	s5 =	simm.s32 $0xFFFFFFFF;
	p2 =	slt.u32 s8, $0xFFFFF086  }
0x1c: {  	p1 =	slt.u32 s9, $0xF7A;
	s5 =	simm.s32 @!p2 $0x0  }
0x1d: {  	s5 =	simm.s32 @p1 $0x1;
	p0 =	seq.s32 s7, s2  }
0x1e: {  	s7 =	smul.u32 @!p0 $0xF7A, s2;
	p2 =	seq.s32 @!p0 s5, $0x0  }
0x1f: {  	s9 =	smul.u32 $0xF7A, s1;
	s8 =	simm.s32 @!p0 $0x1BF5;
	p2 =	por !p2, p0  }
0x20: {  	[sflag:s8] =	ssyncset.s32 @!p0 $0xFFFFF086;
	s6 =	sadd.s32 @!p0 s3, s7;
	s7 =	simm.s32 @!p0 $0x108  }
0x21: {  	s3 =	sadd.s32 s3, s9;
	s6 =	sadd.s32 @!p0 $0x88, s6;
	s7 =	simm.s32 @p2 $0x1082  }
0x22: {  	[simem:s7], [sflag:s8] =	dma.local @!p0 [hbm:s6], $0xF7A  }
0x23: {  	s9 =	sor.u32 $0xD0000000, s2;
	s6 =	simm.s32 $0x108;
	_ =	swait.ge @!p0 [sflag:s8], $0x0  }
0x24: {  	s3 =	sadd.s32 $0x88, s3;
	s6 =	simm.s32 @!p1 $0x1082;
	[sflag:s4] =	ssyncset.s32 $0xFFFFF086  }
0x25: {  	[simem:s6], [sflag:s4] =	dma.local [hbm:s3], $0xF7A  }
0x26: {  	[smem:$0x3F88] =	sst s1;
	(tag) =	ssettag s2;
	_ =	strace s9  }
0x27: {  	s1 =	sld [smem:$0x3F98]  }
0x28: {  	s2 =	sld [smem:$0x3F99]  }
0x29: {  	s4 =	sld [smem:$0x3F9B]  }
0x2a: {  	p0 =	seq.s32 s5, $0x0;
	s5 =	sld [smem:$0x3F9C]  }
0x2b: {  	s6 =	sld [smem:$0x3F9D]  }
0x2c: {  	s7 =	sld [smem:$0x3F9E]  }
0x2d: {  	s3 =	simm.s32 $0x108;
	s8 =	sld [smem:$0x3F9F]  }
0x2e: {  	s3 =	simm.s32 @!p0 $0x1082;
	s9 =	sld [smem:$0x3FA0]  }
0x2f: {  	lr =	sadd.s32 s0, s3;
	s0 =	sld [smem:$0x3F97]  }
0x30: {  	s3 =	sld [smem:$0x3F9A]  }
0x31: {  	[smem:$0x3FA3] =	sst s10  }
0x32: {  	s10 =	sld [smem:$0x3FA1];
	_ =	sdelay $0x3  }
0x33: {  	p0 =	seq.s32 s10, $0x1;
	s10 =	sld [smem:$0x3FA3];
	_ =	sdelay $0x3  }
0x34: {  	[smem:$0x3FA3] =	sst s10  }
0x35: {  	s10 =	sld [smem:$0x3FA2];
	_ =	sdelay $0x3  }
0x36: {  	p1 =	seq.s32 s10, $0x1;
	s10 =	sld [smem:$0x3FA3];
	_ =	sdelay $0x3  }
0x37: {  	[smem:$0x3FA3] =	sst s10  }
0x38: {  	s10 =	sld [smem:$0x3FA4]  }
0x39: {  	_ = 	snop;
	(pc) =	sbr.ind lr, $3  }
0x3a: {  	_ = 	snop  }
0x3b: {  	_ = 	snop  }
0x3c: {  	p2 =	seq.s32 s10, $0x1;
	s10 =	sld [smem:$0x3FA3]  }
0x3d: {  	_ =	shalt  }
0x3e: {  	_ =	shalt  }
0x3f: {  	_ =	shalt  }
0x40: {  	_ =	shalt  }
0x41: {  	_ =	shalt  }
0x42: {  	_ =	shalt  }
0x43: {  	_ =	shalt  }
0x44: {  	_ =	shalt  }
0x45: {  	_ =	shalt  }
0x46: {  	_ =	shalt  }
0x47: {  	_ =	shalt  }
0x48: {  	_ =	shalt  }
0x49: {  	_ =	shalt  }
0x4a: {  	_ =	shalt  }
0x4b: {  	_ =	shalt  }
0x4c: {  	_ =	shalt  }
0x4d: {  	_ =	shalt  }
0x4e: {  	_ =	shalt  }
0x4f: {  	_ =	shalt  }
0x50: {  	_ =	shalt  }
0x51: {  	_ =	shalt  }
0x52: {  	_ =	shalt  }
0x53: {  	_ =	shalt  }
0x54: {  	_ =	shalt  }
0x55: {  	_ =	shalt  }
0x56: {  	_ =	shalt  }
0x57: {  	_ =	shalt  }
0x58: {  	_ =	shalt  }
0x59: {  	_ =	shalt  }
0x5a: {  	_ =	shalt  }
0x5b: {  	_ =	shalt  }
0x5c: {  	_ =	shalt  }
0x5d: {  	_ =	shalt  }
0x5e: {  	_ =	shalt  }
0x5f: {  	_ =	shalt  }
0x60: {  	_ =	shalt  }
0x61: {  	_ =	shalt  }
0x62: {  	_ =	shalt  }
0x63: {  	_ =	shalt  }
0x64: {  	_ =	shalt  }
0x65: {  	_ =	shalt  }
0x66: {  	_ =	shalt  }
0x67: {  	_ =	shalt  }
0x68: {  	_ =	shalt  }
0x69: {  	_ =	shalt  }
0x6a: {  	_ =	shalt  }
0x6b: {  	_ =	shalt  }
0x6c: {  	_ =	shalt  }
0x6d: {  	_ =	shalt  }
0x6e: {  	_ =	shalt  }
0x6f: {  	_ =	shalt  }
0x70: {  	_ =	shalt  }
0x71: {  	_ =	shalt  }
0x72: {  	_ =	shalt  }
0x73: {  	_ =	shalt  }
0x74: {  	_ =	shalt  }
0x75: {  	_ =	shalt  }
0x76: {  	_ =	shalt  }
0x77: {  	_ =	shalt  }
0x78: {  	_ =	shalt  }
0x79: {  	_ =	shalt  }
0x7a: {  	_ =	shalt  }
0x7b: {  	_ =	shalt  }
0x7c: {  	_ =	shalt  }
0x7d: {  	_ =	shalt  }
0x7e: {  	_ =	shalt  }
0x7f: {  	_ =	shalt  }
0x80: {  	_ =	shalt  }
0x81: {  	_ =	shalt  }
0x82: {  	_ =	shalt  }
0x83: {  	_ =	shalt  }
0x84: {  	_ =	shalt  }
0x85: {  	_ =	shalt  }
0x86: {  	_ =	shalt  }
0x87: {  	_ =	shalt  }
.Lfunc_end0:
.L_simem_size_0:
called_computation.2_lowered:
.L_overlay_start_0:
0x88: {  	s2 =	sld [smem:$0x3FD9]  }
0x89: {  	s3 =	sld [smem:$0x3FFE];
	_ =	sdelay $0x1  }
0x8a: {  	s1 =	srdreg.scid  }
0x8b: {  	s0 =	sand.u32 $0x1, s1  }
0x8c: {  	s16 =	sshll.u32 s0, $0xA;
	s2 =	sadd.s32 s3, s2  }
0x8d: {  	s2 =	sadd.s32 s2, s16  }
0x8e: {  	[smem:$0x3FAF] =	sst s2  }
0x8f: {  	_ = 	snop  }
0x90: {  	(tm) =	ssettm $0x1  }
0x91: {  	s17 =	sld [smem:$0x3FFB];
	_ =	sdelay $0x3  }
0x92: {  	_ =	strace s17  }
0x93: {  	s2 =	sld [smem:$0x3FFC];
	_ =	sdelay $0x3  }
0x94: {  	_ =	strace s2  }
0x95: {  	s2 =	sld [smem:$0x3FFD];
	_ =	sdelay $0x3  }
0x96: {  	_ =	strace s2  }
0x97: {  	_ =	strace $0x8FFFFFFF  }
0x98: {  	s18 =	sld [smem:$0x3FDB];
	_ =	sdelay $0x1  }
0x99: {  	s19 =	simm.s32 $_scs_section_size  }
0x9a: {  	s4 =	simm.s32 $_size__tile_overlayer_lowered;
	s5 =	simm.s32 $_tile_overlayer_lowered  }
0x9b: {  	s22 =	simm.s32 $0x1BFF;
	s21 =	sshll.u32 s5, $0x1;
	s2 =	sadd.s32 s19, s18  }
0x9c: {  	s6 =	simm.s32 $0x0;
	s20 =	sshll.u32 s4, $0x1;
	s4 =	sadd.s32 s21, s2  }
0x9d: {  	[timem:s6], [sflag:s22] =	dma.local [hbm:s4], s20  }
0x9e: {  	_ =	swait.ge [sflag:s22], s20  }
0x9f: {  	s3 =	ssub.s32 $0x0, s20;
	[sflag:s22] =	ssyncset.done $0x0  }
0xa0: {  	[sflag:s22] =	ssyncadd.s32 s3;
	_ =	sdelay $0x1  }
0xa1: {  	s23 =	simm.s32 $0x1B8B  }
0xa2: {  	_ =	swait.ge [sflag:s23], $0x1  }
0xa3: {  	[sflag:s23] =	ssyncset.done $0x0  }
0xa4: {  	s25 =	simm.s32 $0x1B8E;
	s24 =	sld [smem:$0x3FFE];
	[sflag:s23] =	ssyncadd.s32 $0xFFFFFFFF  }
0xa5: {  	s26 =	simm.s32 $execute0_lowered;
	[smem:$0x3FD2] =	sst s25  }
0xa6: {  	s4 =	sshll.u32 s26, $0x1;
	_ =	strace $0x8000004C;
	[dreg:$0x1] =	wrdreg $0xFFFFFFFF  }
0xa7: {  	s28 =	simm.s32 $_size_execute0_lowered;
	s2 =	sadd.s32 s2, s4;
	[dreg:$0x0] =	wrdreg $0x0  }
0xa8: {  	s4 =	sshll.u32 s28, $0x1;
	[dreg:$0x2] =	wrdreg s2  }
0xa9: {  	[dreg:$0x3] =	wrdreg s4  }
0xaa: {  	[dreg:$0x4] =	wrdreg $0xC0  }
0xab: {  	_ =	task [dreg:s6], $0x5FFFF  }
0xac: {  	[dreg:$0x1] =	wrdreg $0xFFFFFFFF  }
0xad: {  	[dreg:$0x0] =	wrdreg $0x60  }
0xae: {  	[dreg:$0x2] =	wrdreg s24  }
0xaf: {  	[dreg:$0x3] =	wrdreg $0x0  }
0xb0: {  	[dreg:$0x4] =	wrdreg $0x4E200  }
0xb1: {  	[dreg:$0x5] =	wrdreg $0x9  }
0xb2: {  	_ =	task.clear_ibuf [dreg:s6], $0x6FFFF;
	_ =	strace $0x9000004C  }
0xb3: {  	s29 =	simm.s32 $0x9;
	_ =	strace $0x8000004E  }
0xb4: {  	_ =	swait.ge [sflag:s29], $0x1  }
0xb5: {  	[sflag:s29] =	ssyncadd.s32 $0xFFFFFFFF  }
0xb6: {  	_ =	strace $0x9000004E  }
0xb7: {  	_ =	sfence  }
0xb8: {  	s30 =	sld [smem:$0x0];
	_ =	sdelay $0x2  }
0xb9: {  	s31 =	sshll.u32 s1, $0xD;
	s1 =	sshrl.u32 s1, $0x2  }
0xba: {  	s3 =	sand.u32 $0x4000, s31;
	s1 =	sadd.s32 s1, s30  }
0xbb: {  	s0 =	sor.u32 s3, s0;
	s1 =	sshll.u32 s1, $0x11  }
0xbc: {  	s0 =	sor.u32 s1, s0  }
0xbd: {  	s0 =	sadd.s32 $0x8F2B, s0  }
0xbe: {  	[sflag:s0] =	ssyncadd.remote.s32 $0x1  }
0xbf: {  	_ =	sfence.sel $0xFFFF  }
0xc0: {  	[dreg:$0x0] =	wrdreg $0xFFFFFFFF;
	(pc) =	sbr.abs _section_cstart, $3  }
0xc1: {  	[dreg:$0x1] =	wrdreg $0xFFFFFFFF  }
0xc2: {  	_ =	task.clear_ibuf [dreg:s6], $0x2FFFF;
	_ =	strace $0x9FFFFFFF  }
0xc3: {  	(tm) =	ssettm $0x7FFFFFFF  }
tec
execute0_lowered:
.L_overlay_start_1:
0x0: {  	(tag) =	ssettag $0x1  }
0x1: {  	s0 =	rddreg [dreg:$0x0]  }
0x2: {  	s2 =	rddreg [dreg:$0x1]  }
0x3: {  	s3 =	rddreg [dreg:$0x2];
	s13 =	stileid.u32  }
0x4: {  	s1 =	srdreg.scid;
	s4 =	simm.s32 $0x0;
	s10 =	simm.s32 $0x5  }
0x5: {  	s16 =	simm.s32 $0x50;
	s17 =	simm.s32 $0x13CE0;
	s19 =	simm.s32 $0x146E0  }
0x6: {  	s21 =	simm.s32 $0x150E0;
	s23 =	simm.s32 $0x15AE0;
	s28 =	simm.s32 $0x178E0  }
0x7: {  	s29 =	simm.s32 $0x182E0;
	s30 =	simm.s32 $0x4;
	s5 =	smul.u32 $0xA00, s13  }
0x8: {  	s31 =	simm.s32 $0x1;
	s1 =	sand.u32 $0x1, s1;
	s8 =	smul.u32 $0x9C40, s13  }
0x9: {  	[smem:$0x7FF] =	sst s4;
	s26 =	sshll.u32 s13, $0x6;
	s6 =	smul.u32 $0x9C40, s1  }
0xa: {  	s1 =	ssub.s32 $0x2, s1;
	_ =	strace $0x8000004D;
	s13 =	sor.u32 $0x1C05, s26  }
0xb: {  	s26 =	simm.s32 $0x16EE0;
	s7 =	sshrl.u32 s1, $0x1;
	s9 =	sadd.s32 s5, s0  }
0xc: {  	s25 =	sshrl.u32 s8, $0x1;
	s18 =	sshrl.u32 s8, $0x4;
	s0 =	sadd.s32 s6, s0  }
0xd: {  	s1 =	ssub.s32 s1, s7;
	s5 =	sadd.s32 $0xE200, s9;
	s6 =	sadd.s32 $0x4200, s9  }
0xe: {  	s11 =	sadd.s32 s25, s2;
	s15 =	sadd.s32 s25, s3;
	s7 =	sadd.s32 $0x4E200, s3  }
0xf: {  	s9 =	simm.s32 $0x9CE0;
	s25 =	simm.s32 $0x164E0;
	s12 =	sadd.s32 $0x18200, s0  }
0x10: {  	s0 =	sadd.s32 $0x2BC00, s0;
	s8 =	smax.u32 s1, $0x1;
	s14 =	sshrl.u32 s11, $0x3  }
0x11: {  	s15 =	sshrl.u32 s15, $0x3;
	s1 =	simm.s32 $0x2;
	s11 =	simm.s32 $0x0  }
0x12: {  	s12 =	sadd.s32 s18, s12;
	s24 =	sadd.s32 s18, s0;
	s0 =	simm.s32 $0x3  }
.LBB2_1:
0x13: {  	[tilespmem:s9], [sflag:$0x5] =	stream.linear.gather [hbm4b:s5+s4], $0x5000, $0x38;
	[tilespmem:$0x18CE0] =	vst v63  }
0x14: {  	_ =	swait.ge [sflag:s10], $0x5000  }
0x15: {  	[sflag:s10] =	ssyncset.done $0x0  }
0x16: {  	s18 =	simm.s32 $0xECE0;
	[sflag:s10] =	ssyncadd.s32 $0xFFFFB000  }
0x17: {  	[tilespmem:s18], [sflag:$0x5] =	stream.linear.gather [hbm4b:s6+s4], $0x5000, $0x38;
	[tilespmem:$0x18CE0] =	vst v63  }
0x18: {  	_ =	swait.ge [sflag:s10], $0x5000  }
0x19: {  	[sflag:s10] =	ssyncset.done $0x0  }
0x1a: {  	[sflag:s10] =	ssyncadd.s32 $0xFFFFB000  }
0x1b: {  	[spmem:s14], [sflag:s13] =	dma.local [hbm:s12], $0x9C4  }
0x1c: {  	_ =	swait.ge [sflag:s10], $0x9C4  }
0x1d: {  	[sflag:s10] =	ssyncset.done $0x0  }
0x1e: {  	[sflag:s10] =	ssyncadd.s32 $0xFFFFF63C  }
0x1f: {  	[spmem:s15], [sflag:s13] =	dma.local [hbm:s12], $0x9C4  }
0x20: {  	_ =	swait.ge [sflag:s10], $0x9C4  }
0x21: {  	[sflag:s10] =	ssyncset.done $0x0  }
0x22: {  	[sflag:s10] =	ssyncadd.s32 $0xFFFFF63C  }
0x23: {  	[bflag:$0x0] =	sbarrier.arrive $0xFFFF  }
0x24: {  	[tilespmem:s17], [sflag:$0x1] =	stream.indirect.gather [spmem:s2], $0x20, s9, s16, $0xb8;
	[tilespmem:$0x18CE0] =	vst v63  }
0x25: {  	s20 =	simm.s32 $0x9D30  }
0x26: {  	[tilespmem:s19], [sflag:$0x1] =	stream.indirect.gather [spmem:s2], $0x20, s20, s16, $0xb8;
	[tilespmem:$0x18CE0] =	vst v63  }
0x27: {  	s22 =	simm.s32 $0x9D80  }
0x28: {  	[tilespmem:s21], [sflag:$0x1] =	stream.indirect.gather [spmem:s2], $0x20, s22, s16, $0xb8;
	[tilespmem:$0x18CE0] =	vst v63  }
0x29: {  	s20 =	simm.s32 $0x9DD0  }
0x2a: {  	[tilespmem:s23], [sflag:$0x1] =	stream.indirect.gather [spmem:s2], $0x20, s20, s16, $0xb8;
	[tilespmem:$0x18CE0] =	vst v63  }
0x2b: {  	_ = 	snop  }
0x2c: {  	[spmem:s7] =	stream.linear.scatter [tilespmem:s25], [sflag:$0x4], $0xA00, $0x38;
	[tilespmem:$0x18CE0] =	vst v63  }
0x2d: {  	_ = 	snop  }
0x2e: {  	[spmem:s7] =	stream.linear.scatter [tilespmem:s26], [sflag:$0x4], $0xA00, $0x38;
	[tilespmem:$0x18CE0] =	vst v63  }
0x2f: {  	_ = 	snop  }
0x30: {  	[spmem:s7] =	stream.linear.scatter [tilespmem:s28], [sflag:$0x4], $0xA00, $0x38;
	[tilespmem:$0x18CE0] =	vst v63  }
0x31: {  	_ = 	snop  }
0x32: {  	[spmem:s7] =	stream.linear.scatter [tilespmem:s29], [sflag:$0x4], $0xA00, $0x38;
	[tilespmem:$0x18CE0] =	vst v63  }
0x33: {  	_ =	swait.ge [sflag:s30], $0xA00  }
0x34: {  	[sflag:s30] =	ssyncset.done $0x0  }
0x35: {  	[sflag:s30] =	ssyncadd.s32 $0xFFFFF600  }
0x36: {  	_ =	swait.ge [sflag:s30], $0xA00  }
0x37: {  	[sflag:s30] =	ssyncset.done $0x0  }
0x38: {  	[sflag:s30] =	ssyncadd.s32 $0xFFFFF600  }
0x39: {  	_ =	swait.ge [sflag:s30], $0xA00  }
0x3a: {  	[sflag:s30] =	ssyncset.done $0x0  }
0x3b: {  	[sflag:s30] =	ssyncadd.s32 $0xFFFFF600  }
0x3c: {  	_ =	swait.ge [sflag:s30], $0xA00  }
0x3d: {  	[sflag:s30] =	ssyncset.done $0x0  }
0x3e: {  	s22 =	simm.s32 $0x9E20;
	[sflag:s30] =	ssyncadd.s32 $0xFFFFF600  }
0x3f: {  	[tilespmem:s25], [sflag:$0x2] =	stream.indirect.gather [spmem:s2], $0x20, s22, s16, $0xb8;
	[tilespmem:$0x18CE0] =	vst v63  }
0x40: {  	s20 =	simm.s32 $0x9E70  }
0x41: {  	[tilespmem:s26], [sflag:$0x2] =	stream.indirect.gather [spmem:s2], $0x20, s20, s16, $0xb8;
	[tilespmem:$0x18CE0] =	vst v63  }
0x42: {  	s22 =	simm.s32 $0x9EC0  }
0x43: {  	[tilespmem:s28], [sflag:$0x2] =	stream.indirect.gather [spmem:s2], $0x20, s22, s16, $0xb8;
	[tilespmem:$0x18CE0] =	vst v63  }
0x44: {  	s20 =	simm.s32 $0x9F10  }
0x45: {  	[tilespmem:s29], [sflag:$0x2] =	stream.indirect.gather [spmem:s2], $0x20, s20, s16, $0xb8;
	[tilespmem:$0x18CE0] =	vst v63  }
0x46: {  	_ =	swait.ge [sflag:s31], $0xA00  }
0x47: {  	[sflag:s31] =	ssyncset.done $0x0  }
0x48: {  	[sflag:s31] =	ssyncadd.s32 $0xFFFFF600  }
0x49: {  	_ =	swait.ge [sflag:s31], $0xA00  }
0x4a: {  	[sflag:s31] =	ssyncset.done $0x0  }
0x4b: {  	[sflag:s31] =	ssyncadd.s32 $0xFFFFF600  }
0x4c: {  	_ =	swait.ge [sflag:s31], $0xA00  }
0x4d: {  	[sflag:s31] =	ssyncset.done $0x0  }
0x4e: {  	[sflag:s31] =	ssyncadd.s32 $0xFFFFF600  }
0x4f: {  	_ =	swait.ge [sflag:s31], $0xA00  }
0x50: {  	[sflag:s31] =	ssyncset.done $0x0  }
0x51: {  	s22 =	simm.s32 $0xECE0;
	[sflag:s31] =	ssyncadd.s32 $0xFFFFF600  }
0x52: {  	[spmem:s3] =	stream.indirect.scatter.add.bf16 [tilespmem:s17], [sflag:$0x3], $0x20, s22, s16, $0xb8;
	[tilespmem:$0x18CE0] =	vst v63  }
0x53: {  	s20 =	simm.s32 $0xED30  }
0x54: {  	[spmem:s3] =	stream.indirect.scatter.add.bf16 [tilespmem:s19], [sflag:$0x3], $0x20, s20, s16, $0xb8;
	[tilespmem:$0x18CE0] =	vst v63  }
0x55: {  	s22 =	simm.s32 $0xED80  }
0x56: {  	[spmem:s3] =	stream.indirect.scatter.add.bf16 [tilespmem:s21], [sflag:$0x3], $0x20, s22, s16, $0xb8;
	[tilespmem:$0x18CE0] =	vst v63  }
0x57: {  	s20 =	simm.s32 $0xEDD0  }
0x58: {  	[spmem:s3] =	stream.indirect.scatter.add.bf16 [tilespmem:s23], [sflag:$0x3], $0x20, s20, s16, $0xb8;
	[tilespmem:$0x18CE0] =	vst v63  }
0x59: {  	_ =	swait.ge [sflag:s0], $0xA00  }
0x5a: {  	[sflag:s0] =	ssyncset.done $0x0  }
0x5b: {  	[sflag:s0] =	ssyncadd.s32 $0xFFFFF600  }
0x5c: {  	_ =	swait.ge [sflag:s0], $0xA00  }
0x5d: {  	[sflag:s0] =	ssyncset.done $0x0  }
0x5e: {  	[sflag:s0] =	ssyncadd.s32 $0xFFFFF600  }
0x5f: {  	_ =	swait.ge [sflag:s0], $0xA00  }
0x60: {  	[sflag:s0] =	ssyncset.done $0x0  }
0x61: {  	[sflag:s0] =	ssyncadd.s32 $0xFFFFF600  }
0x62: {  	_ =	swait.ge [sflag:s0], $0xA00  }
0x63: {  	[sflag:s0] =	ssyncset.done $0x0  }
0x64: {  	s22 =	simm.s32 $0x9F60;
	[sflag:s0] =	ssyncadd.s32 $0xFFFFF600  }
0x65: {  	[tilespmem:s17], [sflag:$0x1] =	stream.indirect.gather [spmem:s2], $0x20, s22, s16, $0xb8;
	[tilespmem:$0x18CE0] =	vst v63  }
0x66: {  	s20 =	simm.s32 $0x9FB0  }
0x67: {  	[tilespmem:s19], [sflag:$0x1] =	stream.indirect.gather [spmem:s2], $0x20, s20, s16, $0xb8;
	[tilespmem:$0x18CE0] =	vst v63  }
0x68: {  	s22 =	simm.s32 $0xA000  }
0x69: {  	[tilespmem:s21], [sflag:$0x1] =	stream.indirect.gather [spmem:s2], $0x20, s22, s16, $0xb8;
	[tilespmem:$0x18CE0] =	vst v63  }
0x6a: {  	s20 =	simm.s32 $0xA050  }
0x6b: {  	[tilespmem:s23], [sflag:$0x1] =	stream.indirect.gather [spmem:s2], $0x20, s20, s16, $0xb8;
	[tilespmem:$0x18CE0] =	vst v63  }
0x6c: {  	_ =	swait.ge [sflag:s1], $0xA00  }
0x6d: {  	[sflag:s1] =	ssyncset.done $0x0  }
0x6e: {  	[sflag:s1] =	ssyncadd.s32 $0xFFFFF600  }
0x6f: {  	_ =	swait.ge [sflag:s1], $0xA00  }
0x70: {  	[sflag:s1] =	ssyncset.done $0x0  }
0x71: {  	[sflag:s1] =	ssyncadd.s32 $0xFFFFF600  }
0x72: {  	_ =	swait.ge [sflag:s1], $0xA00  }
0x73: {  	[sflag:s1] =	ssyncset.done $0x0  }
0x74: {  	[sflag:s1] =	ssyncadd.s32 $0xFFFFF600  }
0x75: {  	_ =	swait.ge [sflag:s1], $0xA00  }
0x76: {  	[sflag:s1] =	ssyncset.done $0x0  }
0x77: {  	s22 =	simm.s32 $0xEE20;
	[sflag:s1] =	ssyncadd.s32 $0xFFFFF600  }
0x78: {  	[spmem:s3] =	stream.indirect.scatter.add.bf16 [tilespmem:s25], [sflag:$0x4], $0x20, s22, s16, $0xb8;
	[tilespmem:$0x18CE0] =	vst v63  }
0x79: {  	s20 =	simm.s32 $0xEE70  }
0x7a: {  	[spmem:s3] =	stream.indirect.scatter.add.bf16 [tilespmem:s26], [sflag:$0x4], $0x20, s20, s16, $0xb8;
	[tilespmem:$0x18CE0] =	vst v63  }
0x7b: {  	s18 =	simm.s32 $0xA00;
	s22 =	simm.s32 $0xEEC0;
	s20 =	simm.s32 $0xEF10  }
0x7c: {  	[spmem:s3] =	stream.indirect.scatter.add.bf16 [tilespmem:s28], [sflag:$0x4], $0x20, s22, s16, $0xb8;
	[tilespmem:$0x18CE0] =	vst v63  }
.LBB2_2:
0x7d: {  	[spmem:s3] =	stream.indirect.scatter.add.bf16 [tilespmem:s29], [sflag:$0x4], $0x20, s20, s16, $0xb8;
	[tilespmem:$0x18CE0] =	vst v63  }
0x7e: {  	s20 =	smov.u32 s18  }
0x7f: {  	p0 =	sne.s32 s18, $0x13600;
	s18 =	sadd.s32 $0xA00, s18;
	_ =	swait.ge [sflag:s30], $0xA00  }
0x80: {  	[sflag:s30] =	ssyncset.done $0x0  }
0x81: {  	[sflag:s30] =	ssyncadd.s32 $0xFFFFF600  }
0x82: {  	_ =	swait.ge [sflag:s30], $0xA00  }
0x83: {  	[sflag:s30] =	ssyncset.done $0x0  }
0x84: {  	[sflag:s30] =	ssyncadd.s32 $0xFFFFF600  }
0x85: {  	_ =	swait.ge [sflag:s30], $0xA00  }
0x86: {  	[sflag:s30] =	ssyncset.done $0x0  }
0x87: {  	[sflag:s30] =	ssyncadd.s32 $0xFFFFF600  }
0x88: {  	_ =	swait.ge [sflag:s30], $0xA00  }
0x89: {  	s20 =	sshra.s32 s20, $0x2;
	[sflag:s30] =	ssyncset.done $0x0  }
0x8a: {  	s22 =	sadd.s32 $0x9E20, s20;
	[sflag:s30] =	ssyncadd.s32 $0xFFFFF600  }
0x8b: {  	[tilespmem:s25], [sflag:$0x2] =	stream.indirect.gather [spmem:s2], $0x20, s22, s16, $0xb8;
	[tilespmem:$0x18CE0] =	vst v63  }
0x8c: {  	s22 =	sadd.s32 $0x9E70, s20  }
0x8d: {  	[tilespmem:s26], [sflag:$0x2] =	stream.indirect.gather [spmem:s2], $0x20, s22, s16, $0xb8;
	[tilespmem:$0x18CE0] =	vst v63  }
0x8e: {  	s22 =	sadd.s32 $0x9EC0, s20  }
0x8f: {  	[tilespmem:s28], [sflag:$0x2] =	stream.indirect.gather [spmem:s2], $0x20, s22, s16, $0xb8;
	[tilespmem:$0x18CE0] =	vst v63  }
0x90: {  	s22 =	sadd.s32 $0x9F10, s20  }
0x91: {  	[tilespmem:s29], [sflag:$0x2] =	stream.indirect.gather [spmem:s2], $0x20, s22, s16, $0xb8;
	[tilespmem:$0x18CE0] =	vst v63  }
0x92: {  	_ =	swait.ge [sflag:s31], $0xA00  }
0x93: {  	[sflag:s31] =	ssyncset.done $0x0  }
0x94: {  	[sflag:s31] =	ssyncadd.s32 $0xFFFFF600  }
0x95: {  	_ =	swait.ge [sflag:s31], $0xA00  }
0x96: {  	[sflag:s31] =	ssyncset.done $0x0  }
0x97: {  	[sflag:s31] =	ssyncadd.s32 $0xFFFFF600  }
0x98: {  	_ =	swait.ge [sflag:s31], $0xA00  }
0x99: {  	[sflag:s31] =	ssyncset.done $0x0  }
0x9a: {  	[sflag:s31] =	ssyncadd.s32 $0xFFFFF600  }
0x9b: {  	_ =	swait.ge [sflag:s31], $0xA00  }
0x9c: {  	[sflag:s31] =	ssyncset.done $0x0  }
0x9d: {  	s22 =	sadd.s32 $0xECE0, s20;
	[sflag:s31] =	ssyncadd.s32 $0xFFFFF600  }
0x9e: {  	[spmem:s3] =	stream.indirect.scatter.add.bf16 [tilespmem:s17], [sflag:$0x3], $0x20, s22, s16, $0xb8;
	[tilespmem:$0x18CE0] =	vst v63  }
0x9f: {  	s22 =	sadd.s32 $0xED30, s20  }
0xa0: {  	[spmem:s3] =	stream.indirect.scatter.add.bf16 [tilespmem:s19], [sflag:$0x3], $0x20, s22, s16, $0xb8;
	[tilespmem:$0x18CE0] =	vst v63  }
0xa1: {  	s22 =	sadd.s32 $0xED80, s20  }
0xa2: {  	[spmem:s3] =	stream.indirect.scatter.add.bf16 [tilespmem:s21], [sflag:$0x3], $0x20, s22, s16, $0xb8;
	[tilespmem:$0x18CE0] =	vst v63  }
0xa3: {  	s22 =	sadd.s32 $0xEDD0, s20  }
0xa4: {  	[spmem:s3] =	stream.indirect.scatter.add.bf16 [tilespmem:s23], [sflag:$0x3], $0x20, s22, s16, $0xb8;
	[tilespmem:$0x18CE0] =	vst v63  }
0xa5: {  	_ =	swait.ge [sflag:s0], $0xA00  }
0xa6: {  	[sflag:s0] =	ssyncset.done $0x0  }
0xa7: {  	[sflag:s0] =	ssyncadd.s32 $0xFFFFF600  }
0xa8: {  	_ =	swait.ge [sflag:s0], $0xA00  }
0xa9: {  	[sflag:s0] =	ssyncset.done $0x0  }
0xaa: {  	[sflag:s0] =	ssyncadd.s32 $0xFFFFF600  }
0xab: {  	_ =	swait.ge [sflag:s0], $0xA00  }
0xac: {  	[sflag:s0] =	ssyncset.done $0x0  }
0xad: {  	[sflag:s0] =	ssyncadd.s32 $0xFFFFF600  }
0xae: {  	_ =	swait.ge [sflag:s0], $0xA00  }
0xaf: {  	[sflag:s0] =	ssyncset.done $0x0  }
0xb0: {  	s22 =	sadd.s32 $0x9F60, s20;
	[sflag:s0] =	ssyncadd.s32 $0xFFFFF600  }
0xb1: {  	[tilespmem:s17], [sflag:$0x1] =	stream.indirect.gather [spmem:s2], $0x20, s22, s16, $0xb8;
	[tilespmem:$0x18CE0] =	vst v63  }
0xb2: {  	s22 =	sadd.s32 $0x9FB0, s20  }
0xb3: {  	[tilespmem:s19], [sflag:$0x1] =	stream.indirect.gather [spmem:s2], $0x20, s22, s16, $0xb8;
	[tilespmem:$0x18CE0] =	vst v63  }
0xb4: {  	s22 =	sadd.s32 $0xA000, s20  }
0xb5: {  	[tilespmem:s21], [sflag:$0x1] =	stream.indirect.gather [spmem:s2], $0x20, s22, s16, $0xb8;
	[tilespmem:$0x18CE0] =	vst v63  }
0xb6: {  	s22 =	sadd.s32 $0xA050, s20  }
0xb7: {  	[tilespmem:s23], [sflag:$0x1] =	stream.indirect.gather [spmem:s2], $0x20, s22, s16, $0xb8;
	[tilespmem:$0x18CE0] =	vst v63  }
0xb8: {  	_ =	swait.ge [sflag:s1], $0xA00  }
0xb9: {  	[sflag:s1] =	ssyncset.done $0x0  }
0xba: {  	[sflag:s1] =	ssyncadd.s32 $0xFFFFF600  }
0xbb: {  	_ =	swait.ge [sflag:s1], $0xA00  }
0xbc: {  	[sflag:s1] =	ssyncset.done $0x0  }
0xbd: {  	[sflag:s1] =	ssyncadd.s32 $0xFFFFF600  }
0xbe: {  	_ =	swait.ge [sflag:s1], $0xA00  }
0xbf: {  	[sflag:s1] =	ssyncset.done $0x0  }
0xc0: {  	[sflag:s1] =	ssyncadd.s32 $0xFFFFF600  }
0xc1: {  	_ =	swait.ge [sflag:s1], $0xA00  }
0xc2: {  	[sflag:s1] =	ssyncset.done $0x0  }
0xc3: {  	s22 =	sadd.s32 $0xEE20, s20;
	[sflag:s1] =	ssyncadd.s32 $0xFFFFF600  }
0xc4: {  	[spmem:s3] =	stream.indirect.scatter.add.bf16 [tilespmem:s25], [sflag:$0x4], $0x20, s22, s16, $0xb8;
	[tilespmem:$0x18CE0] =	vst v63  }
.Ltmp0:
0xc5: {  	s22 =	sadd.s32 $0xEE70, s20;
	(pc) =	sbr.rel @p0 .LBB2_2-.Ltmp0, $4  }
0xc6: {  	[spmem:s3] =	stream.indirect.scatter.add.bf16 [tilespmem:s26], [sflag:$0x4], $0x20, s22, s16, $0xb8;
	[tilespmem:$0x18CE0] =	vst v63  }
0xc7: {  	s22 =	sadd.s32 $0xEEC0, s20  }
0xc8: {  	[spmem:s3] =	stream.indirect.scatter.add.bf16 [tilespmem:s28], [sflag:$0x4], $0x20, s22, s16, $0xb8;
	[tilespmem:$0x18CE0] =	vst v63  }
0xc9: {  	s20 =	sadd.s32 $0xEF10, s20  }
0xca: {  	[spmem:s3] =	stream.indirect.scatter.add.bf16 [tilespmem:s29], [sflag:$0x4], $0x20, s20, s16, $0xb8;
	[tilespmem:$0x18CE0] =	vst v63  }
0xcb: {  	_ =	swait.ge [sflag:s30], $0xA00  }
0xcc: {  	[sflag:s30] =	ssyncset.done $0x0  }
0xcd: {  	[sflag:s30] =	ssyncadd.s32 $0xFFFFF600  }
0xce: {  	_ =	swait.ge [sflag:s30], $0xA00  }
0xcf: {  	[sflag:s30] =	ssyncset.done $0x0  }
0xd0: {  	[sflag:s30] =	ssyncadd.s32 $0xFFFFF600  }
0xd1: {  	_ =	swait.ge [sflag:s30], $0xA00  }
0xd2: {  	[sflag:s30] =	ssyncset.done $0x0  }
0xd3: {  	[sflag:s30] =	ssyncadd.s32 $0xFFFFF600  }
0xd4: {  	_ =	swait.ge [sflag:s30], $0xA00  }
0xd5: {  	[sflag:s30] =	ssyncset.done $0x0  }
0xd6: {  	[sflag:s30] =	ssyncadd.s32 $0xFFFFF600  }
0xd7: {  	_ =	swait.ge [sflag:s31], $0xA00  }
0xd8: {  	[sflag:s31] =	ssyncset.done $0x0  }
0xd9: {  	[sflag:s31] =	ssyncadd.s32 $0xFFFFF600  }
0xda: {  	_ =	swait.ge [sflag:s31], $0xA00  }
0xdb: {  	[sflag:s31] =	ssyncset.done $0x0  }
0xdc: {  	[sflag:s31] =	ssyncadd.s32 $0xFFFFF600  }
0xdd: {  	_ =	swait.ge [sflag:s31], $0xA00  }
0xde: {  	[sflag:s31] =	ssyncset.done $0x0  }
0xdf: {  	[sflag:s31] =	ssyncadd.s32 $0xFFFFF600  }
0xe0: {  	_ =	swait.ge [sflag:s31], $0xA00  }
0xe1: {  	s11 =	sadd.s32 $0x1, s11;
	[sflag:s31] =	ssyncset.done $0x0  }
0xe2: {  	p0 =	sne.s32 s11, s8;
	[sflag:s31] =	ssyncadd.s32 $0xFFFFF600  }
.Ltmp1:
0xe3: {  	[bflag:$0x0] =	sbarrier.arrive $0xFFFF;
	(pc) =	sbr.rel @p0 .LBB2_1-.Ltmp1, $4  }
0xe4: {  	[hbm:s24], [sflag:s13] =	dma.local [spmem:s15], $0x9C4  }
0xe5: {  	_ =	swait.ge [sflag:s10], $0x9C4  }
0xe6: {  	[sflag:s10] =	ssyncset.done $0x0  }
0xe7: {  	[sflag:s10] =	ssyncadd.s32 $0xFFFFF63C  }
0xe8: {  	_ =	sfence.sel $0x180000  }
0xe9: {  	[bflag:$0x0] =	sbarrier.arrive $0xFFFF  }
0xea: {  	_ =	strace $0x9000004D  }
0xeb: {  	s0 =	stileid.u32;
	[bflag:$0x2] =	sbarrier.arrive $0xFFFF  }
0xec: {  	p0 =	sne.s32 s0, $0x0;
	s0 =	rddreg [dreg:$0x3]  }
0xed: {  	s0 =	sadd.s32 @!p0 $0x100000, s0  }
0xee: {  	[sflag:s0] =	ssyncadd.tile.s32 @!p0 $0x1;
	_ =	shalt  }
.Lfunc_end2:
_tile_overlayer_lowered:
.L_overlay_start_2:
0xef: {  	(tag) =	ssettag $0x2  }
0xf0: {  	s0 =	rddreg [dreg:$0x0];
	s2 =	stileid.u32  }
0xf1: {  	s1 =	rddreg [dreg:$0x1];
	p0 =	sne.s32 s2, $0x0  }
0xf2: {  	s3 =	rddreg [dreg:$0x2];
	[bflag:$0x3] =	sbarrier.arrive $0xFFFF;
	s2 =	simm.s32 @!p0 $0x1C05  }
0xf3: {  	[timem:s3], [sflag:s2] =	dma.local @!p0 [hbm:s0], s1  }
0xf4: {  	s0 =	simm.s32 @!p0 $0x5  }
0xf5: {  	_ =	swait.ge @!p0 [sflag:s0], s1  }
0xf6: {  	s1 =	ssub.s32 @!p0 $0x0, s1;
	[sflag:s0] =	ssyncset.done @!p0 $0x0  }
0xf7: {  	[sflag:s0] =	ssyncadd.s32 @!p0 s1  }
0xf8: {  	[bflag:$0x3] =	sbarrier.arrive $0xFFFF  }
0xf9: {  	_ =	shalt  }

// kernel: kernel.8.cloned.1.call-start
scs
__scs_entry_jumppad:
0x0: {  	(pc) =	sbr.rel $0x88, $3  }
0x1: {  	(tag) =	ssettag $0x0;
	lr =	simm.s32 $0x1  }
0x2: {  	[smem:$0x3F88] =	sst lr;
	_ =	strace $0xD0000000  }
0x3: {  	_ = 	snop  }
0x4: {  	_ = 	snop  }
0x5: {  	_ = 	snop  }
0x6: {  	_ = 	snop  }
0x7: {  	_ = 	snop  }
__scs_overlays_trampoline_lowered:
0x8: {  	[smem:$0x3F97] =	sst s0  }
0x9: {  	[smem:$0x3F98] =	sst s1  }
0xa: {  	[smem:$0x3F99] =	sst s2  }
0xb: {  	[smem:$0x3F9A] =	sst s3  }
0xc: {  	[smem:$0x3F9B] =	sst s4  }
0xd: {  	[smem:$0x3F9C] =	sst s5  }
0xe: {  	[smem:$0x3F9D] =	sst s6  }
0xf: {  	[smem:$0x3F9E] =	sst s7  }
0x10: {  	[smem:$0x3F9F] =	sst s8  }
0x11: {  	[smem:$0x3FA0] =	sst s9;
	s0 =	simm.s32 @!p0 $0x0  }
0x12: {  	s1 =	sld [smem:$0x3F86];
	s0 =	simm.s32 @p0 $0x1  }
0x13: {  	[smem:$0x3FA1] =	sst s0;
	s0 =	simm.s32 @!p1 $0x0  }
0x14: {  	s2 =	sld [smem:$0x3F85];
	s0 =	simm.s32 @p1 $0x1  }
0x15: {  	[smem:$0x3FA2] =	sst s0;
	s0 =	simm.s32 @!p2 $0x0  }
0x16: {  	s3 =	sld [smem:$0x3FDB];
	s0 =	simm.s32 @p2 $0x1  }
0x17: {  	s4 =	simm.s32 $0x1BF5;
	[smem:$0x3FA4] =	sst s0  }
0x18: {  	s0 =	sld [smem:$0x3F87];
	_ =	swait.ge [sflag:s4], $0x0  }
0x19: {  	s7 =	sld [smem:$0x3F88]  }
0x1a: {  	s8 =	sadd.s32 $0xFFFFE003, lr  }
0x1b: {  	s9 =	sadd.s32 $0xFFFFFEF7, lr;
	s5 =	simm.s32 $0xFFFFFFFF;
	p2 =	slt.u32 s8, $0xFFFFF086  }
0x1c: {  	p1 =	slt.u32 s9, $0xF7A;
	s5 =	simm.s32 @!p2 $0x0  }
0x1d: {  	s5 =	simm.s32 @p1 $0x1;
	p0 =	seq.s32 s7, s2  }
0x1e: {  	s7 =	smul.u32 @!p0 $0xF7A, s2;
	p2 =	seq.s32 @!p0 s5, $0x0  }
0x1f: {  	s9 =	smul.u32 $0xF7A, s1;
	s8 =	simm.s32 @!p0 $0x1BF5;
	p2 =	por !p2, p0  }
0x20: {  	[sflag:s8] =	ssyncset.s32 @!p0 $0xFFFFF086;
	s6 =	sadd.s32 @!p0 s3, s7;
	s7 =	simm.s32 @!p0 $0x108  }
0x21: {  	s3 =	sadd.s32 s3, s9;
	s6 =	sadd.s32 @!p0 $0x88, s6;
	s7 =	simm.s32 @p2 $0x1082  }
0x22: {  	[simem:s7], [sflag:s8] =	dma.local @!p0 [hbm:s6], $0xF7A  }
0x23: {  	s9 =	sor.u32 $0xD0000000, s2;
	s6 =	simm.s32 $0x108;
	_ =	swait.ge @!p0 [sflag:s8], $0x0  }
0x24: {  	s3 =	sadd.s32 $0x88, s3;
	s6 =	simm.s32 @!p1 $0x1082;
	[sflag:s4] =	ssyncset.s32 $0xFFFFF086  }
0x25: {  	[simem:s6], [sflag:s4] =	dma.local [hbm:s3], $0xF7A  }
0x26: {  	[smem:$0x3F88] =	sst s1;
	(tag) =	ssettag s2;
	_ =	strace s9  }
0x27: {  	s1 =	sld [smem:$0x3F98]  }
0x28: {  	s2 =	sld [smem:$0x3F99]  }
0x29: {  	s4 =	sld [smem:$0x3F9B]  }
0x2a: {  	p0 =	seq.s32 s5, $0x0;
	s5 =	sld [smem:$0x3F9C]  }
0x2b: {  	s6 =	sld [smem:$0x3F9D]  }
0x2c: {  	s7 =	sld [smem:$0x3F9E]  }
0x2d: {  	s3 =	simm.s32 $0x108;
	s8 =	sld [smem:$0x3F9F]  }
0x2e: {  	s3 =	simm.s32 @!p0 $0x1082;
	s9 =	sld [smem:$0x3FA0]  }
0x2f: {  	lr =	sadd.s32 s0, s3;
	s0 =	sld [smem:$0x3F97]  }
0x30: {  	s3 =	sld [smem:$0x3F9A]  }
0x31: {  	[smem:$0x3FA3] =	sst s10  }
0x32: {  	s10 =	sld [smem:$0x3FA1];
	_ =	sdelay $0x3  }
0x33: {  	p0 =	seq.s32 s10, $0x1;
	s10 =	sld [smem:$0x3FA3];
	_ =	sdelay $0x3  }
0x34: {  	[smem:$0x3FA3] =	sst s10  }
0x35: {  	s10 =	sld [smem:$0x3FA2];
	_ =	sdelay $0x3  }
0x36: {  	p1 =	seq.s32 s10, $0x1;
	s10 =	sld [smem:$0x3FA3];
	_ =	sdelay $0x3  }
0x37: {  	[smem:$0x3FA3] =	sst s10  }
0x38: {  	s10 =	sld [smem:$0x3FA4]  }
0x39: {  	_ = 	snop;
	(pc) =	sbr.ind lr, $3  }
0x3a: {  	_ = 	snop  }
0x3b: {  	_ = 	snop  }
0x3c: {  	p2 =	seq.s32 s10, $0x1;
	s10 =	sld [smem:$0x3FA3]  }
0x3d: {  	_ =	shalt  }
0x3e: {  	_ =	shalt  }
0x3f: {  	_ =	shalt  }
0x40: {  	_ =	shalt  }
0x41: {  	_ =	shalt  }
0x42: {  	_ =	shalt  }
0x43: {  	_ =	shalt  }
0x44: {  	_ =	shalt  }
0x45: {  	_ =	shalt  }
0x46: {  	_ =	shalt  }
0x47: {  	_ =	shalt  }
0x48: {  	_ =	shalt  }
0x49: {  	_ =	shalt  }
0x4a: {  	_ =	shalt  }
0x4b: {  	_ =	shalt  }
0x4c: {  	_ =	shalt  }
0x4d: {  	_ =	shalt  }
0x4e: {  	_ =	shalt  }
0x4f: {  	_ =	shalt  }
0x50: {  	_ =	shalt  }
0x51: {  	_ =	shalt  }
0x52: {  	_ =	shalt  }
0x53: {  	_ =	shalt  }
0x54: {  	_ =	shalt  }
0x55: {  	_ =	shalt  }
0x56: {  	_ =	shalt  }
0x57: {  	_ =	shalt  }
0x58: {  	_ =	shalt  }
0x59: {  	_ =	shalt  }
0x5a: {  	_ =	shalt  }
0x5b: {  	_ =	shalt  }
0x5c: {  	_ =	shalt  }
0x5d: {  	_ =	shalt  }
0x5e: {  	_ =	shalt  }
0x5f: {  	_ =	shalt  }
0x60: {  	_ =	shalt  }
0x61: {  	_ =	shalt  }
0x62: {  	_ =	shalt  }
0x63: {  	_ =	shalt  }
0x64: {  	_ =	shalt  }
0x65: {  	_ =	shalt  }
0x66: {  	_ =	shalt  }
0x67: {  	_ =	shalt  }
0x68: {  	_ =	shalt  }
0x69: {  	_ =	shalt  }
0x6a: {  	_ =	shalt  }
0x6b: {  	_ =	shalt  }
0x6c: {  	_ =	shalt  }
0x6d: {  	_ =	shalt  }
0x6e: {  	_ =	shalt  }
0x6f: {  	_ =	shalt  }
0x70: {  	_ =	shalt  }
0x71: {  	_ =	shalt  }
0x72: {  	_ =	shalt  }
0x73: {  	_ =	shalt  }
0x74: {  	_ =	shalt  }
0x75: {  	_ =	shalt  }
0x76: {  	_ =	shalt  }
0x77: {  	_ =	shalt  }
0x78: {  	_ =	shalt  }
0x79: {  	_ =	shalt  }
0x7a: {  	_ =	shalt  }
0x7b: {  	_ =	shalt  }
0x7c: {  	_ =	shalt  }
0x7d: {  	_ =	shalt  }
0x7e: {  	_ =	shalt  }
0x7f: {  	_ =	shalt  }
0x80: {  	_ =	shalt  }
0x81: {  	_ =	shalt  }
0x82: {  	_ =	shalt  }
0x83: {  	_ =	shalt  }
0x84: {  	_ =	shalt  }
0x85: {  	_ =	shalt  }
0x86: {  	_ =	shalt  }
0x87: {  	_ =	shalt  }
.Lfunc_end0:
.L_simem_size_0:
called_computation_lowered:
.L_overlay_start_0:
0x88: {  	s2 =	sld [smem:$0x3FD9]  }
0x89: {  	s3 =	sld [smem:$0x3FFE];
	_ =	sdelay $0x1  }
0x8a: {  	s1 =	srdreg.scid  }
0x8b: {  	s0 =	sand.u32 $0x1, s1  }
0x8c: {  	s16 =	sshll.u32 s0, $0xA;
	s2 =	sadd.s32 s3, s2  }
0x8d: {  	s2 =	sadd.s32 s2, s16  }
0x8e: {  	[smem:$0x3FAF] =	sst s2  }
0x8f: {  	_ = 	snop  }
0x90: {  	(tm) =	ssettm $0x1  }
0x91: {  	s17 =	sld [smem:$0x3FFB];
	_ =	sdelay $0x3  }
0x92: {  	_ =	strace s17  }
0x93: {  	s2 =	sld [smem:$0x3FFC];
	_ =	sdelay $0x3  }
0x94: {  	_ =	strace s2  }
0x95: {  	s2 =	sld [smem:$0x3FFD];
	_ =	sdelay $0x3  }
0x96: {  	_ =	strace s2  }
0x97: {  	_ =	strace $0x8FFFFFFF  }
0x98: {  	s18 =	sld [smem:$0x3FDB];
	_ =	sdelay $0x1  }
0x99: {  	s19 =	simm.s32 $_scs_section_size  }
0x9a: {  	s4 =	simm.s32 $_size__tile_overlayer_lowered;
	s5 =	simm.s32 $_tile_overlayer_lowered  }
0x9b: {  	s22 =	simm.s32 $0x1BFF;
	s21 =	sshll.u32 s5, $0x1;
	s2 =	sadd.s32 s19, s18  }
0x9c: {  	s6 =	simm.s32 $0x0;
	s20 =	sshll.u32 s4, $0x1;
	s4 =	sadd.s32 s21, s2  }
0x9d: {  	[timem:s6], [sflag:s22] =	dma.local [hbm:s4], s20  }
0x9e: {  	_ =	swait.ge [sflag:s22], s20  }
0x9f: {  	s3 =	ssub.s32 $0x0, s20;
	[sflag:s22] =	ssyncset.done $0x0  }
0xa0: {  	[sflag:s22] =	ssyncadd.s32 s3;
	_ =	sdelay $0x1  }
0xa1: {  	s23 =	simm.s32 $0x1B8B  }
0xa2: {  	_ =	swait.ge [sflag:s23], $0x1  }
0xa3: {  	[sflag:s23] =	ssyncset.done $0x0  }
0xa4: {  	s25 =	simm.s32 $0x1B8E;
	s24 =	sld [smem:$0x3FFE];
	[sflag:s23] =	ssyncadd.s32 $0xFFFFFFFF  }
0xa5: {  	s26 =	simm.s32 $execute0_lowered;
	[smem:$0x3FD2] =	sst s25  }
0xa6: {  	s4 =	sshll.u32 s26, $0x1;
	_ =	strace $0x80000046;
	[dreg:$0x1] =	wrdreg $0xFFFFFFFF  }
0xa7: {  	s28 =	simm.s32 $_size_execute0_lowered;
	s2 =	sadd.s32 s2, s4;
	[dreg:$0x0] =	wrdreg $0x0  }
0xa8: {  	s4 =	sshll.u32 s28, $0x1;
	[dreg:$0x2] =	wrdreg s2  }
0xa9: {  	[dreg:$0x3] =	wrdreg s4  }
0xaa: {  	[dreg:$0x4] =	wrdreg $0xC0  }
0xab: {  	_ =	task [dreg:s6], $0x5FFFF  }
0xac: {  	[dreg:$0x1] =	wrdreg $0xFFFFFFFF  }
0xad: {  	[dreg:$0x0] =	wrdreg $0x60  }
0xae: {  	[dreg:$0x2] =	wrdreg s24  }
0xaf: {  	[dreg:$0x3] =	wrdreg $0x0  }
0xb0: {  	[dreg:$0x4] =	wrdreg $0x4E200  }
0xb1: {  	[dreg:$0x5] =	wrdreg $0x9  }
0xb2: {  	_ =	task.clear_ibuf [dreg:s6], $0x6FFFF;
	_ =	strace $0x90000046  }
0xb3: {  	s29 =	simm.s32 $0x9;
	_ =	strace $0x80000048  }
0xb4: {  	_ =	swait.ge [sflag:s29], $0x1  }
0xb5: {  	[sflag:s29] =	ssyncadd.s32 $0xFFFFFFFF  }
0xb6: {  	_ =	strace $0x90000048  }
0xb7: {  	_ =	sfence  }
0xb8: {  	s30 =	sld [smem:$0x0];
	_ =	sdelay $0x2  }
0xb9: {  	s31 =	sshll.u32 s1, $0xD;
	s1 =	sshrl.u32 s1, $0x2  }
0xba: {  	s3 =	sand.u32 $0x4000, s31;
	s1 =	sadd.s32 s1, s30  }
0xbb: {  	s0 =	sor.u32 s3, s0;
	s1 =	sshll.u32 s1, $0x11  }
0xbc: {  	s0 =	sor.u32 s1, s0  }
0xbd: {  	s0 =	sadd.s32 $0x8F2B, s0  }
0xbe: {  	[sflag:s0] =	ssyncadd.remote.s32 $0x1  }
0xbf: {  	_ =	sfence.sel $0xFFFF  }
0xc0: {  	[dreg:$0x0] =	wrdreg $0xFFFFFFFF;
	(pc) =	sbr.abs _section_cstart, $3  }
0xc1: {  	[dreg:$0x1] =	wrdreg $0xFFFFFFFF  }
0xc2: {  	_ =	task.clear_ibuf [dreg:s6], $0x2FFFF;
	_ =	strace $0x9FFFFFFF  }
0xc3: {  	(tm) =	ssettm $0x7FFFFFFF  }
tec
execute0_lowered:
.L_overlay_start_1:
0x0: {  	(tag) =	ssettag $0x1  }
0x1: {  	s0 =	rddreg [dreg:$0x0]  }
0x2: {  	s2 =	rddreg [dreg:$0x1]  }
0x3: {  	s3 =	rddreg [dreg:$0x2];
	s13 =	stileid.u32  }
0x4: {  	s1 =	srdreg.scid;
	s4 =	simm.s32 $0x0;
	s10 =	simm.s32 $0x5  }
0x5: {  	s16 =	simm.s32 $0x50;
	s17 =	simm.s32 $0x13CE0;
	s19 =	simm.s32 $0x146E0  }
0x6: {  	s21 =	simm.s32 $0x150E0;
	s23 =	simm.s32 $0x15AE0;
	s28 =	simm.s32 $0x178E0  }
0x7: {  	s29 =	simm.s32 $0x182E0;
	s30 =	simm.s32 $0x4;
	s5 =	smul.u32 $0xA00, s13  }
0x8: {  	s31 =	simm.s32 $0x1;
	s1 =	sand.u32 $0x1, s1;
	s8 =	smul.u32 $0x9C40, s13  }
0x9: {  	[smem:$0x7FF] =	sst s4;
	s26 =	sshll.u32 s13, $0x6;
	s6 =	smul.u32 $0x9C40, s1  }
0xa: {  	s1 =	ssub.s32 $0x2, s1;
	_ =	strace $0x80000047;
	s13 =	sor.u32 $0x1C05, s26  }
0xb: {  	s26 =	simm.s32 $0x16EE0;
	s7 =	sshrl.u32 s1, $0x1;
	s9 =	sadd.s32 s5, s0  }
0xc: {  	s25 =	sshrl.u32 s8, $0x1;
	s18 =	sshrl.u32 s8, $0x4;
	s0 =	sadd.s32 s6, s0  }
0xd: {  	s1 =	ssub.s32 s1, s7;
	s5 =	sadd.s32 $0xE200, s9;
	s6 =	sadd.s32 $0x4200, s9  }
0xe: {  	s11 =	sadd.s32 s25, s2;
	s15 =	sadd.s32 s25, s3;
	s7 =	sadd.s32 $0x4E200, s3  }
0xf: {  	s9 =	simm.s32 $0x9CE0;
	s25 =	simm.s32 $0x164E0;
	s12 =	sadd.s32 $0x66400, s0  }
0x10: {  	s0 =	sadd.s32 $0x79E00, s0;
	s8 =	smax.u32 s1, $0x1;
	s14 =	sshrl.u32 s11, $0x3  }
0x11: {  	s15 =	sshrl.u32 s15, $0x3;
	s1 =	simm.s32 $0x2;
	s11 =	simm.s32 $0x0  }
0x12: {  	s12 =	sadd.s32 s18, s12;
	s24 =	sadd.s32 s18, s0;
	s0 =	simm.s32 $0x3  }
.LBB2_1:
0x13: {  	[tilespmem:s9], [sflag:$0x5] =	stream.linear.gather [hbm4b:s5+s4], $0x5000, $0x38;
	[tilespmem:$0x18CE0] =	vst v63  }
0x14: {  	_ =	swait.ge [sflag:s10], $0x5000  }
0x15: {  	[sflag:s10] =	ssyncset.done $0x0  }
0x16: {  	s18 =	simm.s32 $0xECE0;
	[sflag:s10] =	ssyncadd.s32 $0xFFFFB000  }
0x17: {  	[tilespmem:s18], [sflag:$0x5] =	stream.linear.gather [hbm4b:s6+s4], $0x5000, $0x38;
	[tilespmem:$0x18CE0] =	vst v63  }
0x18: {  	_ =	swait.ge [sflag:s10], $0x5000  }
0x19: {  	[sflag:s10] =	ssyncset.done $0x0  }
0x1a: {  	[sflag:s10] =	ssyncadd.s32 $0xFFFFB000  }
0x1b: {  	[spmem:s14], [sflag:s13] =	dma.local [hbm:s12], $0x9C4  }
0x1c: {  	_ =	swait.ge [sflag:s10], $0x9C4  }
0x1d: {  	[sflag:s10] =	ssyncset.done $0x0  }
0x1e: {  	[sflag:s10] =	ssyncadd.s32 $0xFFFFF63C  }
0x1f: {  	[spmem:s15], [sflag:s13] =	dma.local [hbm:s12], $0x9C4  }
0x20: {  	_ =	swait.ge [sflag:s10], $0x9C4  }
0x21: {  	[sflag:s10] =	ssyncset.done $0x0  }
0x22: {  	[sflag:s10] =	ssyncadd.s32 $0xFFFFF63C  }
0x23: {  	[bflag:$0x0] =	sbarrier.arrive $0xFFFF  }
0x24: {  	[tilespmem:s17], [sflag:$0x1] =	stream.indirect.gather [spmem:s2], $0x20, s9, s16, $0xb8;
	[tilespmem:$0x18CE0] =	vst v63  }
0x25: {  	s20 =	simm.s32 $0x9D30  }
0x26: {  	[tilespmem:s19], [sflag:$0x1] =	stream.indirect.gather [spmem:s2], $0x20, s20, s16, $0xb8;
	[tilespmem:$0x18CE0] =	vst v63  }
0x27: {  	s22 =	simm.s32 $0x9D80  }
0x28: {  	[tilespmem:s21], [sflag:$0x1] =	stream.indirect.gather [spmem:s2], $0x20, s22, s16, $0xb8;
	[tilespmem:$0x18CE0] =	vst v63  }
0x29: {  	s20 =	simm.s32 $0x9DD0  }
0x2a: {  	[tilespmem:s23], [sflag:$0x1] =	stream.indirect.gather [spmem:s2], $0x20, s20, s16, $0xb8;
	[tilespmem:$0x18CE0] =	vst v63  }
0x2b: {  	_ = 	snop  }
0x2c: {  	[spmem:s7] =	stream.linear.scatter [tilespmem:s25], [sflag:$0x4], $0xA00, $0x38;
	[tilespmem:$0x18CE0] =	vst v63  }
0x2d: {  	_ = 	snop  }
0x2e: {  	[spmem:s7] =	stream.linear.scatter [tilespmem:s26], [sflag:$0x4], $0xA00, $0x38;
	[tilespmem:$0x18CE0] =	vst v63  }
0x2f: {  	_ = 	snop  }
0x30: {  	[spmem:s7] =	stream.linear.scatter [tilespmem:s28], [sflag:$0x4], $0xA00, $0x38;
	[tilespmem:$0x18CE0] =	vst v63  }
0x31: {  	_ = 	snop  }
0x32: {  	[spmem:s7] =	stream.linear.scatter [tilespmem:s29], [sflag:$0x4], $0xA00, $0x38;
	[tilespmem:$0x18CE0] =	vst v63  }
0x33: {  	_ =	swait.ge [sflag:s30], $0xA00  }
0x34: {  	[sflag:s30] =	ssyncset.done $0x0  }
0x35: {  	[sflag:s30] =	ssyncadd.s32 $0xFFFFF600  }
0x36: {  	_ =	swait.ge [sflag:s30], $0xA00  }
0x37: {  	[sflag:s30] =	ssyncset.done $0x0  }
0x38: {  	[sflag:s30] =	ssyncadd.s32 $0xFFFFF600  }
0x39: {  	_ =	swait.ge [sflag:s30], $0xA00  }
0x3a: {  	[sflag:s30] =	ssyncset.done $0x0  }
0x3b: {  	[sflag:s30] =	ssyncadd.s32 $0xFFFFF600  }
0x3c: {  	_ =	swait.ge [sflag:s30], $0xA00  }
0x3d: {  	[sflag:s30] =	ssyncset.done $0x0  }
0x3e: {  	s22 =	simm.s32 $0x9E20;
	[sflag:s30] =	ssyncadd.s32 $0xFFFFF600  }
0x3f: {  	[tilespmem:s25], [sflag:$0x2] =	stream.indirect.gather [spmem:s2], $0x20, s22, s16, $0xb8;
	[tilespmem:$0x18CE0] =	vst v63  }
0x40: {  	s20 =	simm.s32 $0x9E70  }
0x41: {  	[tilespmem:s26], [sflag:$0x2] =	stream.indirect.gather [spmem:s2], $0x20, s20, s16, $0xb8;
	[tilespmem:$0x18CE0] =	vst v63  }
0x42: {  	s22 =	simm.s32 $0x9EC0  }
0x43: {  	[tilespmem:s28], [sflag:$0x2] =	stream.indirect.gather [spmem:s2], $0x20, s22, s16, $0xb8;
	[tilespmem:$0x18CE0] =	vst v63  }
0x44: {  	s20 =	simm.s32 $0x9F10  }
0x45: {  	[tilespmem:s29], [sflag:$0x2] =	stream.indirect.gather [spmem:s2], $0x20, s20, s16, $0xb8;
	[tilespmem:$0x18CE0] =	vst v63  }
0x46: {  	_ =	swait.ge [sflag:s31], $0xA00  }
0x47: {  	[sflag:s31] =	ssyncset.done $0x0  }
0x48: {  	[sflag:s31] =	ssyncadd.s32 $0xFFFFF600  }
0x49: {  	_ =	swait.ge [sflag:s31], $0xA00  }
0x4a: {  	[sflag:s31] =	ssyncset.done $0x0  }
0x4b: {  	[sflag:s31] =	ssyncadd.s32 $0xFFFFF600  }
0x4c: {  	_ =	swait.ge [sflag:s31], $0xA00  }
0x4d: {  	[sflag:s31] =	ssyncset.done $0x0  }
0x4e: {  	[sflag:s31] =	ssyncadd.s32 $0xFFFFF600  }
0x4f: {  	_ =	swait.ge [sflag:s31], $0xA00  }
0x50: {  	[sflag:s31] =	ssyncset.done $0x0  }
0x51: {  	s22 =	simm.s32 $0xECE0;
	[sflag:s31] =	ssyncadd.s32 $0xFFFFF600  }
0x52: {  	[spmem:s3] =	stream.indirect.scatter.add.bf16 [tilespmem:s17], [sflag:$0x3], $0x20, s22, s16, $0xb8;
	[tilespmem:$0x18CE0] =	vst v63  }
0x53: {  	s20 =	simm.s32 $0xED30  }
0x54: {  	[spmem:s3] =	stream.indirect.scatter.add.bf16 [tilespmem:s19], [sflag:$0x3], $0x20, s20, s16, $0xb8;
	[tilespmem:$0x18CE0] =	vst v63  }
0x55: {  	s22 =	simm.s32 $0xED80  }
0x56: {  	[spmem:s3] =	stream.indirect.scatter.add.bf16 [tilespmem:s21], [sflag:$0x3], $0x20, s22, s16, $0xb8;
	[tilespmem:$0x18CE0] =	vst v63  }
0x57: {  	s20 =	simm.s32 $0xEDD0  }
0x58: {  	[spmem:s3] =	stream.indirect.scatter.add.bf16 [tilespmem:s23], [sflag:$0x3], $0x20, s20, s16, $0xb8;
	[tilespmem:$0x18CE0] =	vst v63  }
0x59: {  	_ =	swait.ge [sflag:s0], $0xA00  }
0x5a: {  	[sflag:s0] =	ssyncset.done $0x0  }
0x5b: {  	[sflag:s0] =	ssyncadd.s32 $0xFFFFF600  }
0x5c: {  	_ =	swait.ge [sflag:s0], $0xA00  }
0x5d: {  	[sflag:s0] =	ssyncset.done $0x0  }
0x5e: {  	[sflag:s0] =	ssyncadd.s32 $0xFFFFF600  }
0x5f: {  	_ =	swait.ge [sflag:s0], $0xA00  }
0x60: {  	[sflag:s0] =	ssyncset.done $0x0  }
0x61: {  	[sflag:s0] =	ssyncadd.s32 $0xFFFFF600  }
0x62: {  	_ =	swait.ge [sflag:s0], $0xA00  }
0x63: {  	[sflag:s0] =	ssyncset.done $0x0  }
0x64: {  	s22 =	simm.s32 $0x9F60;
	[sflag:s0] =	ssyncadd.s32 $0xFFFFF600  }
0x65: {  	[tilespmem:s17], [sflag:$0x1] =	stream.indirect.gather [spmem:s2], $0x20, s22, s16, $0xb8;
	[tilespmem:$0x18CE0] =	vst v63  }
0x66: {  	s20 =	simm.s32 $0x9FB0  }
0x67: {  	[tilespmem:s19], [sflag:$0x1] =	stream.indirect.gather [spmem:s2], $0x20, s20, s16, $0xb8;
	[tilespmem:$0x18CE0] =	vst v63  }
0x68: {  	s22 =	simm.s32 $0xA000  }
0x69: {  	[tilespmem:s21], [sflag:$0x1] =	stream.indirect.gather [spmem:s2], $0x20, s22, s16, $0xb8;
	[tilespmem:$0x18CE0] =	vst v63  }
0x6a: {  	s20 =	simm.s32 $0xA050  }
0x6b: {  	[tilespmem:s23], [sflag:$0x1] =	stream.indirect.gather [spmem:s2], $0x20, s20, s16, $0xb8;
	[tilespmem:$0x18CE0] =	vst v63  }
0x6c: {  	_ =	swait.ge [sflag:s1], $0xA00  }
0x6d: {  	[sflag:s1] =	ssyncset.done $0x0  }
0x6e: {  	[sflag:s1] =	ssyncadd.s32 $0xFFFFF600  }
0x6f: {  	_ =	swait.ge [sflag:s1], $0xA00  }
0x70: {  	[sflag:s1] =	ssyncset.done $0x0  }
0x71: {  	[sflag:s1] =	ssyncadd.s32 $0xFFFFF600  }
0x72: {  	_ =	swait.ge [sflag:s1], $0xA00  }
0x73: {  	[sflag:s1] =	ssyncset.done $0x0  }
0x74: {  	[sflag:s1] =	ssyncadd.s32 $0xFFFFF600  }
0x75: {  	_ =	swait.ge [sflag:s1], $0xA00  }
0x76: {  	[sflag:s1] =	ssyncset.done $0x0  }
0x77: {  	s22 =	simm.s32 $0xEE20;
	[sflag:s1] =	ssyncadd.s32 $0xFFFFF600  }
0x78: {  	[spmem:s3] =	stream.indirect.scatter.add.bf16 [tilespmem:s25], [sflag:$0x4], $0x20, s22, s16, $0xb8;
	[tilespmem:$0x18CE0] =	vst v63  }
0x79: {  	s20 =	simm.s32 $0xEE70  }
0x7a: {  	[spmem:s3] =	stream.indirect.scatter.add.bf16 [tilespmem:s26], [sflag:$0x4], $0x20, s20, s16, $0xb8;
	[tilespmem:$0x18CE0] =	vst v63  }
0x7b: {  	s18 =	simm.s32 $0xA00;
	s22 =	simm.s32 $0xEEC0;
	s20 =	simm.s32 $0xEF10  }
0x7c: {  	[spmem:s3] =	stream.indirect.scatter.add.bf16 [tilespmem:s28], [sflag:$0x4], $0x20, s22, s16, $0xb8;
	[tilespmem:$0x18CE0] =	vst v63  }
.LBB2_2:
0x7d: {  	[spmem:s3] =	stream.indirect.scatter.add.bf16 [tilespmem:s29], [sflag:$0x4], $0x20, s20, s16, $0xb8;
	[tilespmem:$0x18CE0] =	vst v63  }
0x7e: {  	s20 =	smov.u32 s18  }
0x7f: {  	p0 =	sne.s32 s18, $0x13600;
	s18 =	sadd.s32 $0xA00, s18;
	_ =	swait.ge [sflag:s30], $0xA00  }
0x80: {  	[sflag:s30] =	ssyncset.done $0x0  }
0x81: {  	[sflag:s30] =	ssyncadd.s32 $0xFFFFF600  }
0x82: {  	_ =	swait.ge [sflag:s30], $0xA00  }
0x83: {  	[sflag:s30] =	ssyncset.done $0x0  }
0x84: {  	[sflag:s30] =	ssyncadd.s32 $0xFFFFF600  }
0x85: {  	_ =	swait.ge [sflag:s30], $0xA00  }
0x86: {  	[sflag:s30] =	ssyncset.done $0x0  }
0x87: {  	[sflag:s30] =	ssyncadd.s32 $0xFFFFF600  }
0x88: {  	_ =	swait.ge [sflag:s30], $0xA00  }
0x89: {  	s20 =	sshra.s32 s20, $0x2;
	[sflag:s30] =	ssyncset.done $0x0  }
0x8a: {  	s22 =	sadd.s32 $0x9E20, s20;
	[sflag:s30] =	ssyncadd.s32 $0xFFFFF600  }
0x8b: {  	[tilespmem:s25], [sflag:$0x2] =	stream.indirect.gather [spmem:s2], $0x20, s22, s16, $0xb8;
	[tilespmem:$0x18CE0] =	vst v63  }
0x8c: {  	s22 =	sadd.s32 $0x9E70, s20  }
0x8d: {  	[tilespmem:s26], [sflag:$0x2] =	stream.indirect.gather [spmem:s2], $0x20, s22, s16, $0xb8;
	[tilespmem:$0x18CE0] =	vst v63  }
0x8e: {  	s22 =	sadd.s32 $0x9EC0, s20  }
0x8f: {  	[tilespmem:s28], [sflag:$0x2] =	stream.indirect.gather [spmem:s2], $0x20, s22, s16, $0xb8;
	[tilespmem:$0x18CE0] =	vst v63  }
0x90: {  	s22 =	sadd.s32 $0x9F10, s20  }
0x91: {  	[tilespmem:s29], [sflag:$0x2] =	stream.indirect.gather [spmem:s2], $0x20, s22, s16, $0xb8;
	[tilespmem:$0x18CE0] =	vst v63  }
0x92: {  	_ =	swait.ge [sflag:s31], $0xA00  }
0x93: {  	[sflag:s31] =	ssyncset.done $0x0  }
0x94: {  	[sflag:s31] =	ssyncadd.s32 $0xFFFFF600  }
0x95: {  	_ =	swait.ge [sflag:s31], $0xA00  }
0x96: {  	[sflag:s31] =	ssyncset.done $0x0  }
0x97: {  	[sflag:s31] =	ssyncadd.s32 $0xFFFFF600  }
0x98: {  	_ =	swait.ge [sflag:s31], $0xA00  }
0x99: {  	[sflag:s31] =	ssyncset.done $0x0  }
0x9a: {  	[sflag:s31] =	ssyncadd.s32 $0xFFFFF600  }
0x9b: {  	_ =	swait.ge [sflag:s31], $0xA00  }
0x9c: {  	[sflag:s31] =	ssyncset.done $0x0  }
0x9d: {  	s22 =	sadd.s32 $0xECE0, s20;
	[sflag:s31] =	ssyncadd.s32 $0xFFFFF600  }
0x9e: {  	[spmem:s3] =	stream.indirect.scatter.add.bf16 [tilespmem:s17], [sflag:$0x3], $0x20, s22, s16, $0xb8;
	[tilespmem:$0x18CE0] =	vst v63  }
0x9f: {  	s22 =	sadd.s32 $0xED30, s20  }
0xa0: {  	[spmem:s3] =	stream.indirect.scatter.add.bf16 [tilespmem:s19], [sflag:$0x3], $0x20, s22, s16, $0xb8;
	[tilespmem:$0x18CE0] =	vst v63  }
0xa1: {  	s22 =	sadd.s32 $0xED80, s20  }
0xa2: {  	[spmem:s3] =	stream.indirect.scatter.add.bf16 [tilespmem:s21], [sflag:$0x3], $0x20, s22, s16, $0xb8;
	[tilespmem:$0x18CE0] =	vst v63  }
0xa3: {  	s22 =	sadd.s32 $0xEDD0, s20  }
0xa4: {  	[spmem:s3] =	stream.indirect.scatter.add.bf16 [tilespmem:s23], [sflag:$0x3], $0x20, s22, s16, $0xb8;
	[tilespmem:$0x18CE0] =	vst v63  }
0xa5: {  	_ =	swait.ge [sflag:s0], $0xA00  }
0xa6: {  	[sflag:s0] =	ssyncset.done $0x0  }
0xa7: {  	[sflag:s0] =	ssyncadd.s32 $0xFFFFF600  }
0xa8: {  	_ =	swait.ge [sflag:s0], $0xA00  }
0xa9: {  	[sflag:s0] =	ssyncset.done $0x0  }
0xaa: {  	[sflag:s0] =	ssyncadd.s32 $0xFFFFF600  }
0xab: {  	_ =	swait.ge [sflag:s0], $0xA00  }
0xac: {  	[sflag:s0] =	ssyncset.done $0x0  }
0xad: {  	[sflag:s0] =	ssyncadd.s32 $0xFFFFF600  }
0xae: {  	_ =	swait.ge [sflag:s0], $0xA00  }
0xaf: {  	[sflag:s0] =	ssyncset.done $0x0  }
0xb0: {  	s22 =	sadd.s32 $0x9F60, s20;
	[sflag:s0] =	ssyncadd.s32 $0xFFFFF600  }
0xb1: {  	[tilespmem:s17], [sflag:$0x1] =	stream.indirect.gather [spmem:s2], $0x20, s22, s16, $0xb8;
	[tilespmem:$0x18CE0] =	vst v63  }
0xb2: {  	s22 =	sadd.s32 $0x9FB0, s20  }
0xb3: {  	[tilespmem:s19], [sflag:$0x1] =	stream.indirect.gather [spmem:s2], $0x20, s22, s16, $0xb8;
	[tilespmem:$0x18CE0] =	vst v63  }
0xb4: {  	s22 =	sadd.s32 $0xA000, s20  }
0xb5: {  	[tilespmem:s21], [sflag:$0x1] =	stream.indirect.gather [spmem:s2], $0x20, s22, s16, $0xb8;
	[tilespmem:$0x18CE0] =	vst v63  }
0xb6: {  	s22 =	sadd.s32 $0xA050, s20  }
0xb7: {  	[tilespmem:s23], [sflag:$0x1] =	stream.indirect.gather [spmem:s2], $0x20, s22, s16, $0xb8;
	[tilespmem:$0x18CE0] =	vst v63  }
0xb8: {  	_ =	swait.ge [sflag:s1], $0xA00  }
0xb9: {  	[sflag:s1] =	ssyncset.done $0x0  }
0xba: {  	[sflag:s1] =	ssyncadd.s32 $0xFFFFF600  }
0xbb: {  	_ =	swait.ge [sflag:s1], $0xA00  }
0xbc: {  	[sflag:s1] =	ssyncset.done $0x0  }
0xbd: {  	[sflag:s1] =	ssyncadd.s32 $0xFFFFF600  }
0xbe: {  	_ =	swait.ge [sflag:s1], $0xA00  }
0xbf: {  	[sflag:s1] =	ssyncset.done $0x0  }
0xc0: {  	[sflag:s1] =	ssyncadd.s32 $0xFFFFF600  }
0xc1: {  	_ =	swait.ge [sflag:s1], $0xA00  }
0xc2: {  	[sflag:s1] =	ssyncset.done $0x0  }
0xc3: {  	s22 =	sadd.s32 $0xEE20, s20;
	[sflag:s1] =	ssyncadd.s32 $0xFFFFF600  }
0xc4: {  	[spmem:s3] =	stream.indirect.scatter.add.bf16 [tilespmem:s25], [sflag:$0x4], $0x20, s22, s16, $0xb8;
	[tilespmem:$0x18CE0] =	vst v63  }
.Ltmp0:
0xc5: {  	s22 =	sadd.s32 $0xEE70, s20;
	(pc) =	sbr.rel @p0 .LBB2_2-.Ltmp0, $4  }
0xc6: {  	[spmem:s3] =	stream.indirect.scatter.add.bf16 [tilespmem:s26], [sflag:$0x4], $0x20, s22, s16, $0xb8;
	[tilespmem:$0x18CE0] =	vst v63  }
0xc7: {  	s22 =	sadd.s32 $0xEEC0, s20  }
0xc8: {  	[spmem:s3] =	stream.indirect.scatter.add.bf16 [tilespmem:s28], [sflag:$0x4], $0x20, s22, s16, $0xb8;
	[tilespmem:$0x18CE0] =	vst v63  }
0xc9: {  	s20 =	sadd.s32 $0xEF10, s20  }
0xca: {  	[spmem:s3] =	stream.indirect.scatter.add.bf16 [tilespmem:s29], [sflag:$0x4], $0x20, s20, s16, $0xb8;
	[tilespmem:$0x18CE0] =	vst v63  }
0xcb: {  	_ =	swait.ge [sflag:s30], $0xA00  }
0xcc: {  	[sflag:s30] =	ssyncset.done $0x0  }
0xcd: {  	[sflag:s30] =	ssyncadd.s32 $0xFFFFF600  }
0xce: {  	_ =	swait.ge [sflag:s30], $0xA00  }
0xcf: {  	[sflag:s30] =	ssyncset.done $0x0  }
0xd0: {  	[sflag:s30] =	ssyncadd.s32 $0xFFFFF600  }
0xd1: {  	_ =	swait.ge [sflag:s30], $0xA00  }
0xd2: {  	[sflag:s30] =	ssyncset.done $0x0  }
0xd3: {  	[sflag:s30] =	ssyncadd.s32 $0xFFFFF600  }
0xd4: {  	_ =	swait.ge [sflag:s30], $0xA00  }
0xd5: {  	[sflag:s30] =	ssyncset.done $0x0  }
0xd6: {  	[sflag:s30] =	ssyncadd.s32 $0xFFFFF600  }
0xd7: {  	_ =	swait.ge [sflag:s31], $0xA00  }
0xd8: {  	[sflag:s31] =	ssyncset.done $0x0  }
0xd9: {  	[sflag:s31] =	ssyncadd.s32 $0xFFFFF600  }
0xda: {  	_ =	swait.ge [sflag:s31], $0xA00  }
0xdb: {  	[sflag:s31] =	ssyncset.done $0x0  }
0xdc: {  	[sflag:s31] =	ssyncadd.s32 $0xFFFFF600  }
0xdd: {  	_ =	swait.ge [sflag:s31], $0xA00  }
0xde: {  	[sflag:s31] =	ssyncset.done $0x0  }
0xdf: {  	[sflag:s31] =	ssyncadd.s32 $0xFFFFF600  }
0xe0: {  	_ =	swait.ge [sflag:s31], $0xA00  }
0xe1: {  	s11 =	sadd.s32 $0x1, s11;
	[sflag:s31] =	ssyncset.done $0x0  }
0xe2: {  	p0 =	sne.s32 s11, s8;
	[sflag:s31] =	ssyncadd.s32 $0xFFFFF600  }
.Ltmp1:
0xe3: {  	[bflag:$0x0] =	sbarrier.arrive $0xFFFF;
	(pc) =	sbr.rel @p0 .LBB2_1-.Ltmp1, $4  }
0xe4: {  	[hbm:s24], [sflag:s13] =	dma.local [spmem:s15], $0x9C4  }
0xe5: {  	_ =	swait.ge [sflag:s10], $0x9C4  }
0xe6: {  	[sflag:s10] =	ssyncset.done $0x0  }
0xe7: {  	[sflag:s10] =	ssyncadd.s32 $0xFFFFF63C  }
0xe8: {  	_ =	sfence.sel $0x180000  }
0xe9: {  	[bflag:$0x0] =	sbarrier.arrive $0xFFFF  }
0xea: {  	_ =	strace $0x90000047  }
0xeb: {  	s0 =	stileid.u32;
	[bflag:$0x2] =	sbarrier.arrive $0xFFFF  }
0xec: {  	p0 =	sne.s32 s0, $0x0;
	s0 =	rddreg [dreg:$0x3]  }
0xed: {  	s0 =	sadd.s32 @!p0 $0x100000, s0  }
0xee: {  	[sflag:s0] =	ssyncadd.tile.s32 @!p0 $0x1;
	_ =	shalt  }
.Lfunc_end2:
_tile_overlayer_lowered:
.L_overlay_start_2:
0xef: {  	(tag) =	ssettag $0x2  }
0xf0: {  	s0 =	rddreg [dreg:$0x0];
	s2 =	stileid.u32  }
0xf1: {  	s1 =	rddreg [dreg:$0x1];
	p0 =	sne.s32 s2, $0x0  }
0xf2: {  	s3 =	rddreg [dreg:$0x2];
	[bflag:$0x3] =	sbarrier.arrive $0xFFFF;
	s2 =	simm.s32 @!p0 $0x1C05  }
0xf3: {  	[timem:s3], [sflag:s2] =	dma.local @!p0 [hbm:s0], s1  }
0xf4: {  	s0 =	simm.s32 @!p0 $0x5  }
0xf5: {  	_ =	swait.ge @!p0 [sflag:s0], s1  }
0xf6: {  	s1 =	ssub.s32 @!p0 $0x0, s1;
	[sflag:s0] =	ssyncset.done @!p0 $0x0  }
0xf7: {  	[sflag:s0] =	ssyncadd.s32 @!p0 s1  }
0xf8: {  	[bflag:$0x3] =	sbarrier.arrive $0xFFFF  }
0xf9: {  	_ =	shalt  }

</sc_bundles>
